<compile_context>
chip_gen: v7x
topology: tpu7x:2x2x1
jax: 0.10.2.dev20260603
libtpu: 0.0.44.dev20260713+nightly
codegen_flags: <defaults>
</compile_context>

<pallas_src>
import dataclasses

import jax
import jax.numpy as jnp
from jax import lax
from jax.experimental import pallas as pl
from jax.experimental.pallas import tpu as pltpu
from jax.experimental.pallas import tpu_sc as plsc

_TOTAL_AMOUNT = 30000000.0
_MIN_AMOUNT = 1500.0
_MIN_RATIO = _MIN_AMOUNT / _TOTAL_AMOUNT
_P = 16
_N = 65536
_HALF = _N // 2
_RANK_A = _N // 2 - 1
_BIG = 0x7FFFFFFF
_L = 16
_NB = 256
_UNROLL = 8


def _sc_body(*refs):
    xs = refs[:_P]
    (o_hbm, data_v, cand_v, hist_v, comb_v, tmp_v, shared_v, minx_v,
     out_v) = refs[_P:]
    c = lax.axis_index("c")
    s = lax.axis_index("s")
    proj = c * 8 + (s // 2)
    half = s & 1

    iota = lax.iota(jnp.int32, _L)
    lane_off = iota * _NB
    ones = jnp.ones((_L,), jnp.int32)

    for k in range(_P):
        @pl.when(proj == k)
        def _(k=k):
            pltpu.sync_copy(xs[k].at[pl.ds(half * _HALF, _HALF)], data_v)

    def bits_at(off):
        return plsc.bitcast(data_v[pl.ds(off, _L)], jnp.int32)

    def zero_hist():
        @pl.loop(0, _NB * _L, step=_L)
        def _(i):
            hist_v[pl.ds(i, _L)] = jnp.zeros((_L,), jnp.int32)

    def combine_and_exchange():
        @pl.loop(0, _L)
        def _(si):
            acc = hist_v[pl.ds(si * _L, _L)]
            for ci in range(1, _L):
                acc = acc + hist_v[pl.ds(ci * _NB + si * _L, _L)]
            comb_v[pl.ds(si * _L, _L)] = acc
        pltpu.sync_copy(comb_v, shared_v.at[s])
        plsc.subcore_barrier()
        pltpu.sync_copy(shared_v.at[s ^ 1], tmp_v)
        @pl.loop(0, _L)
        def _(si):
            comb_v[pl.ds(si * _L, _L)] = (comb_v[pl.ds(si * _L, _L)]
                                          + tmp_v[pl.ds(si * _L, _L)])
        plsc.subcore_barrier()

    def select(target):
        g_tot = plsc.load_gather(comb_v, [iota * _L])
        for k in range(1, _L):
            g_tot = g_tot + plsc.load_gather(comb_v, [iota * _L + k])
        gp = jnp.cumsum(g_tot)
        gstar = jnp.min(jnp.where(gp >= target, iota, _L))
        base = jnp.sum(jnp.where(iota < gstar, g_tot, 0))
        h = plsc.load_gather(comb_v, [gstar * _L + iota])
        wp = jnp.cumsum(h) + base
        jstar = jnp.min(jnp.where(wp >= target, iota, _L))
        nb = base + jnp.sum(jnp.where(iota < jstar, h, 0))
        hj = jnp.sum(jnp.where(iota == jstar, h, 0))
        return gstar * _L + jstar, nb, hj

    zero_hist()

    def vbucket_at(off):
        return (data_v[pl.ds(off, _L)] * float(_NB)).astype(jnp.int32)

    @plsc.parallel_loop(0, _HALF, _L, unroll=_UNROLL)
    def _(c0):
        plsc.addupdate_scatter(hist_v, [lane_off + vbucket_at(c0)], ones)

    combine_and_exchange()

    target_a = jnp.int32(_RANK_A + 1)
    ba, nba, _ = select(target_a)
    bb, _, _ = select(_RANK_A + 2)
    target = target_a - nba

    @plsc.parallel_loop(0, _HALF, _L, unroll=_UNROLL, carry=jnp.int32(0))
    def compact(c0, off):
        b = vbucket_at(c0)
        m = (b == ba) | (b == bb)
        plsc.store_compressed(cand_v.at[pl.ds(off, _L)], bits_at(c0), mask=m)
        return off + jnp.max(plsc.all_reduce_population_count(m))

    cnt = compact
    cand_v[pl.ds(cnt, _L)] = jnp.full((_L,), 0x40000000, jnp.int32)
    n_slices = (cnt + _L - 1) >> 4

    prefix = jnp.int32(0)
    hj = jnp.int32(0)
    for sh, msh in ((22, None), (14, 22), (6, 14), (0, 6)):
        zero_hist()

        @pl.loop(0, n_slices)
        def _(i):
            v = cand_v[pl.ds(i * _L, _L)]
            vf = plsc.bitcast(v, jnp.float32)
            m = (vf * float(_NB)).astype(jnp.int32) == ba
            if msh is not None:
                m = m & ((v >> msh) == prefix)
            bucket = (v >> sh) & (0x3F if sh == 0 else 0xFF)
            plsc.addupdate_scatter(hist_v, [lane_off + bucket], ones, mask=m)

        combine_and_exchange()
        b, nb, hj = select(target)
        prefix = b if msh is None else ((prefix << (msh - sh)) | b)
        target = target - nb

    va = prefix
    cnt_le_a = (_RANK_A + 1 - target) + hj

    minx_v[...] = jnp.full((_L,), _BIG, jnp.int32)

    @pl.loop(0, n_slices)
    def _(i):
        v = cand_v[pl.ds(i * _L, _L)]
        minx_v[...] = jnp.minimum(minx_v[...], jnp.where(v > va, v, _BIG))

    pltpu.sync_copy(minx_v, shared_v.at[s, pl.ds(0, _L)])
    plsc.subcore_barrier()
    pltpu.sync_copy(shared_v.at[s ^ 1, pl.ds(0, _L)], tmp_v.at[pl.ds(0, _L)])
    both = jnp.minimum(minx_v[...], tmp_v[pl.ds(0, _L)])
    min_above = jnp.min(both)

    vb = jnp.where(cnt_le_a >= _RANK_A + 2, va, min_above)
    res = jnp.where(iota == 0, va, jnp.where(iota == 1, vb, 0))
    out_v[...] = plsc.bitcast(res, jnp.float32)

    @pl.when(half == 0)
    def _():
        pltpu.sync_copy(out_v, o_hbm.at[proj])


def _epilogue_body(r_ref, o_ref):
    ceil_v = r_ref[:, 0:1]
    floor_v = r_ref[:, 1:2]
    median = (ceil_v + floor_v) * 0.5
    scaled_min = ceil_v * _MIN_RATIO
    sms = jnp.sum(scaled_min)
    meets_min = (median >= sms).astype(jnp.float32)
    rescaled = _MIN_AMOUNT * (median / sms) * meets_min
    votes = jnp.full((_P, 1), float(_N), jnp.float32)
    elig = jnp.ones((_P, 1), jnp.float32)
    o_ref[...] = jnp.concatenate([votes, median, elig, rescaled], axis=1)


def kernel(x0, x1, x2, x3, x4, x5, x6, x7, x8, x9, x10, x11, x12, x13, x14, x15):
    cp = pltpu.CompilerParams()
    if "needs_layout_passes" in pltpu.CompilerParams.__dataclass_fields__:
        cp = dataclasses.replace(cp, needs_layout_passes=False)
    sc_fn = pl.kernel(
        _sc_body,
        out_type=jax.ShapeDtypeStruct((_P, _L), jnp.float32),
        mesh=plsc.VectorSubcoreMesh(core_axis_name="c", subcore_axis_name="s"),
        compiler_params=cp,
        scratch_types=[
            pltpu.VMEM((_HALF,), jnp.float32),
            pltpu.VMEM((_HALF + 2 * _L,), jnp.int32),
            pltpu.VMEM((_NB * _L,), jnp.int32),
            pltpu.VMEM((_NB,), jnp.int32),
            pltpu.VMEM((_NB,), jnp.int32),
            pltpu.VMEM_SHARED((_L, _NB), jnp.int32),
            pltpu.VMEM((_L,), jnp.int32),
            pltpu.VMEM((_L,), jnp.float32),
        ],
    )
    r = sc_fn(x0, x1, x2, x3, x4, x5, x6, x7, x8, x9, x10, x11, x12, x13,
              x14, x15)

    return pl.pallas_call(
        _epilogue_body,
        out_shape=jax.ShapeDtypeStruct((_P, 4), jnp.float32),
        in_specs=[pl.BlockSpec(memory_space=pltpu.VMEM)],
        out_specs=pl.BlockSpec(memory_space=pltpu.VMEM),
    )(r)

# --- scband reference (transcript-rebuilt; emitter-appended) ---
"""Pipeline reference for scband-project-allocator-18038862643550 (READ-ONLY COPY).

The authoritative reference and input builder live on the scoring server;
editing this copy changes nothing except your own understanding.
"""

import jax, jax.numpy as jnp
import numpy as np

TOTAL_AMOUNT = 30000000.0
MIN_AMOUNT = 1500.0
QUORUM = 17.0
MIN_RATIO = MIN_AMOUNT / TOTAL_AMOUNT
P = 16
N = 65536


def setup_inputs(seed: int = 0) -> dict:
    key = jax.random.key(seed)
    inp = {}
    for i in range(P):
        inp['x%d' % i] = jax.random.uniform(jax.random.fold_in(key, i), (N,), dtype=jnp.float32)
    return inp


def _inner_loop(xs, mask=None):
    median_amounts = []
    scaled_min_amounts = []
    votes = []
    for t in xs:
        n = t.shape[0]
        k = n // 2 + 1
        ceil_v = jax.lax.top_k(t, k)[0][k - 1].reshape(1, 1)
        floor_v = (-jax.lax.top_k(-t, k)[0][k - 1]).reshape(1, 1)
        median = (ceil_v + floor_v) / 2.0
        median_amounts.append(median)
        scaled_min_amounts.append(ceil_v * MIN_RATIO)
        votes.append(jnp.array([[float(n)]], dtype=jnp.float32))
    votes = jnp.concatenate(votes, axis=0)
    is_eligible = (votes >= QUORUM).astype(jnp.float32)
    median_amounts = jnp.concatenate(median_amounts, axis=0)
    if mask is not None:
        median_amounts = median_amounts * mask
    scaled_min_amounts = jnp.concatenate(scaled_min_amounts, axis=0)
    if mask is not None:
        scaled_min_amounts = scaled_min_amounts * mask
    scaled_min_sum = jnp.sum(scaled_min_amounts)
    meets_min = (median_amounts >= scaled_min_sum).astype(jnp.float32)
    scaled_by_min_median = median_amounts / jnp.sum(scaled_min_amounts * is_eligible)
    rescaled_median_amounts = MIN_AMOUNT * scaled_by_min_median * meets_min * is_eligible
    project_allocation = jnp.concatenate([votes, median_amounts, is_eligible, rescaled_median_amounts], axis=1)
    return project_allocation, meets_min


def reference(x0, x1, x2, x3, x4, x5, x6, x7, x8, x9, x10, x11, x12, x13, x14, x15):
    xs = [x0, x1, x2, x3, x4, x5, x6, x7, x8, x9, x10, x11, x12, x13, x14, x15]
    project_allocation, meets_min = _inner_loop(xs)
    # num_iterations == 1 path of the original forward
    return project_allocation

if __name__ == "__main__":
    import jax
    _d = setup_inputs()
    print(jax.jit(kernel)(*tuple(_d.values())))

</pallas_src>

<mosaic_0001>
#map = affine_map<(d0, d1) -> (0)>
#map1 = affine_map<(d0, d1) -> (0, 0)>
module attributes {stable_mosaic.version = 14 : i64} {
  func.func @_sc_body(%arg0: i32, %arg1: i32, %arg2: memref<65536xf32, #tpu.memory_space<hbm>>, %arg3: memref<65536xf32, #tpu.memory_space<hbm>>, %arg4: memref<65536xf32, #tpu.memory_space<hbm>>, %arg5: memref<65536xf32, #tpu.memory_space<hbm>>, %arg6: memref<65536xf32, #tpu.memory_space<hbm>>, %arg7: memref<65536xf32, #tpu.memory_space<hbm>>, %arg8: memref<65536xf32, #tpu.memory_space<hbm>>, %arg9: memref<65536xf32, #tpu.memory_space<hbm>>, %arg10: memref<65536xf32, #tpu.memory_space<hbm>>, %arg11: memref<65536xf32, #tpu.memory_space<hbm>>, %arg12: memref<65536xf32, #tpu.memory_space<hbm>>, %arg13: memref<65536xf32, #tpu.memory_space<hbm>>, %arg14: memref<65536xf32, #tpu.memory_space<hbm>>, %arg15: memref<65536xf32, #tpu.memory_space<hbm>>, %arg16: memref<65536xf32, #tpu.memory_space<hbm>>, %arg17: memref<65536xf32, #tpu.memory_space<hbm>>, %arg18: memref<16x16xf32, #tpu.memory_space<hbm>>, %arg19: memref<32768xf32, #tpu.memory_space<vmem>>, %arg20: memref<32800xi32, #tpu.memory_space<vmem>>, %arg21: memref<4096xi32, #tpu.memory_space<vmem>>, %arg22: memref<256xi32, #tpu.memory_space<vmem>>, %arg23: memref<256xi32, #tpu.memory_space<vmem>>, %arg24: memref<16x256xi32, #tpu.memory_space<vmem_shared>>, %arg25: memref<16xi32, #tpu.memory_space<vmem>>, %arg26: memref<16xf32, #tpu.memory_space<vmem>>) attributes {dimension_semantics = [#tpu.dimension_semantics<core_parallel>, #tpu.dimension_semantics<subcore_parallel>], iteration_bounds = array<i64: 2, 16>, scalar_prefetch = 0 : i64, scratch_operands = 8 : i64, tpu.core_type = #tpu.core_type<sc_vector_subcore>, window_params = [{transform_indices = #map}, {transform_indices = #map}, {transform_indices = #map}, {transform_indices = #map}, {transform_indices = #map}, {transform_indices = #map}, {transform_indices = #map}, {transform_indices = #map}, {transform_indices = #map}, {transform_indices = #map}, {transform_indices = #map}, {transform_indices = #map}, {transform_indices = #map}, {transform_indices = #map}, {transform_indices = #map}, {transform_indices = #map}, {transform_indices = #map1}]} {
    %mul3A = arith.constant 8 : i32
    %mul3A_0 = arith.muli %arg0, %mul3A : i32
    %jit3A = arith.constant 2 : i32
    %div3A = arith.divsi %arg1, %jit3A : i32
    %sign3A = arith.constant 0 : i32
    %sign3A_1 = arith.cmpi sgt, %arg1, %sign3A : i32
    %sign3A_2 = arith.extui %sign3A_1 : i1 to i32
    %sign3A_3 = arith.constant 0 : i32
    %sign3A_4 = arith.cmpi slt, %arg1, %sign3A_3 : i32
    %sign3A_5 = arith.extui %sign3A_4 : i1 to i32
    %sign3A_6 = arith.subi %sign3A_2, %sign3A_5 : i32
    %sign3A_7 = arith.constant 0 : i32
    %sign3A_8 = arith.cmpi sgt, %jit3A, %sign3A_7 : i32
    %sign3A_9 = arith.extui %sign3A_8 : i1 to i32
    %sign3A_10 = arith.constant 0 : i32
    %sign3A_11 = arith.cmpi slt, %jit3A, %sign3A_10 : i32
    %sign3A_12 = arith.extui %sign3A_11 : i1 to i32
    %sign3A_13 = arith.subi %sign3A_9, %sign3A_12 : i32
    %ne3A = arith.cmpi ne, %sign3A_6, %sign3A_13 : i32
    %rem3A = arith.remsi %arg1, %jit3A : i32
    %ne3A_14 = arith.constant 0 : i32
    %ne3A_15 = arith.cmpi ne, %rem3A, %ne3A_14 : i32
    %and3A = arith.andi %ne3A, %ne3A_15 : i1
    %sub3A = arith.constant 1 : i32
    %sub3A_16 = arith.subi %div3A, %sub3A : i32
    %select_n3A = arith.select %and3A, %sub3A_16, %div3A : i32
    %add3A = arith.addi %mul3A_0, %select_n3A : i32
    %and3A_17 = arith.constant 1 : i32
    %and3A_18 = arith.andi %arg1, %and3A_17 : i32
    %iota3A = tpu.iota {dimensions = array<i32: 0>} : vector<16xi32>
    %mul3A_19 = arith.constant 256 : i32
    %mul3A_20 = vector.broadcast %mul3A_19 : i32 to vector<16xi32>
    %mul3A_21 = arith.muli %iota3A, %mul3A_20 : vector<16xi32>
    %broadcast_in_dim3A = arith.constant 1 : i32
    %broadcast_in_dim3A_22 = vector.broadcast %broadcast_in_dim3A : i32 to vector<16xi32>
    %eq3A = arith.constant 0 : i32
    %eq3A_23 = arith.cmpi eq, %add3A, %eq3A : i32
    %convert_element_type3A = arith.extui %eq3A_23 : i1 to i32
    %cond3A = arith.constant 0 : i32
    %cond3A_24 = arith.cmpi ne, %convert_element_type3A, %cond3A : i32
    scf.if %cond3A_24 {
      %mul3A_1519 = arith.constant 32768 : i32
      %mul3A_1520 = arith.muli %and3A_18, %mul3A_1519 : i32
      "tpu.region"() ({
        %run_scoped3A = tpu.sem_alloc : memref<!tpu.dma_semaphore, #tpu.memory_space<semaphore_mem>>
        %dma_start3A = tpu.memref_slice %arg2[%mul3A_1520] : memref<65536xf32, #tpu.memory_space<hbm>> -> memref<32768xf32, #tpu.memory_space<hbm>>
        %dma_start3A_1521 = tpu.memref_slice %arg2[%mul3A_1520] : memref<65536xf32, #tpu.memory_space<hbm>> -> memref<32768xf32, #tpu.memory_space<hbm>>
        tpu.enqueue_dma source(%dma_start3A_1521 : memref<32768xf32, #tpu.memory_space<hbm>>) target(%arg19 : memref<32768xf32, #tpu.memory_space<vmem>>) target_semaphore(%run_scoped3A : memref<!tpu.dma_semaphore, #tpu.memory_space<semaphore_mem>>)
        %dma_wait3A = tpu.memref_slice %arg2[%mul3A_1520] : memref<65536xf32, #tpu.memory_space<hbm>> -> memref<32768xf32, #tpu.memory_space<hbm>>
        %dma_wait3A_1522 = tpu.memref_slice %arg2[%mul3A_1520] : memref<65536xf32, #tpu.memory_space<hbm>> -> memref<32768xf32, #tpu.memory_space<hbm>>
        tpu.wait_dma2 semaphore(%run_scoped3A : memref<!tpu.dma_semaphore, #tpu.memory_space<semaphore_mem>>) src(%dma_wait3A_1522 : memref<32768xf32, #tpu.memory_space<hbm>>) dst(%arg19 : memref<32768xf32, #tpu.memory_space<vmem>>)
        tpu.yield
      }) : () -> ()
    } else {
    }
    %eq3A_25 = arith.constant 1 : i32
    %eq3A_26 = arith.cmpi eq, %add3A, %eq3A_25 : i32
    %convert_element_type3A_27 = arith.extui %eq3A_26 : i1 to i32
    %cond3A_28 = arith.constant 0 : i32
    %cond3A_29 = arith.cmpi ne, %convert_element_type3A_27, %cond3A_28 : i32
    scf.if %cond3A_29 {
      %mul3A_1519 = arith.constant 32768 : i32
      %mul3A_1520 = arith.muli %and3A_18, %mul3A_1519 : i32
      "tpu.region"() ({
        %run_scoped3A = tpu.sem_alloc : memref<!tpu.dma_semaphore, #tpu.memory_space<semaphore_mem>>
        %dma_start3A = tpu.memref_slice %arg3[%mul3A_1520] : memref<65536xf32, #tpu.memory_space<hbm>> -> memref<32768xf32, #tpu.memory_space<hbm>>
        %dma_start3A_1521 = tpu.memref_slice %arg3[%mul3A_1520] : memref<65536xf32, #tpu.memory_space<hbm>> -> memref<32768xf32, #tpu.memory_space<hbm>>
        tpu.enqueue_dma source(%dma_start3A_1521 : memref<32768xf32, #tpu.memory_space<hbm>>) target(%arg19 : memref<32768xf32, #tpu.memory_space<vmem>>) target_semaphore(%run_scoped3A : memref<!tpu.dma_semaphore, #tpu.memory_space<semaphore_mem>>)
        %dma_wait3A = tpu.memref_slice %arg3[%mul3A_1520] : memref<65536xf32, #tpu.memory_space<hbm>> -> memref<32768xf32, #tpu.memory_space<hbm>>
        %dma_wait3A_1522 = tpu.memref_slice %arg3[%mul3A_1520] : memref<65536xf32, #tpu.memory_space<hbm>> -> memref<32768xf32, #tpu.memory_space<hbm>>
        tpu.wait_dma2 semaphore(%run_scoped3A : memref<!tpu.dma_semaphore, #tpu.memory_space<semaphore_mem>>) src(%dma_wait3A_1522 : memref<32768xf32, #tpu.memory_space<hbm>>) dst(%arg19 : memref<32768xf32, #tpu.memory_space<vmem>>)
        tpu.yield
      }) : () -> ()
    } else {
    }
    %eq3A_30 = arith.constant 2 : i32
    %eq3A_31 = arith.cmpi eq, %add3A, %eq3A_30 : i32
    %convert_element_type3A_32 = arith.extui %eq3A_31 : i1 to i32
    %cond3A_33 = arith.constant 0 : i32
    %cond3A_34 = arith.cmpi ne, %convert_element_type3A_32, %cond3A_33 : i32
    scf.if %cond3A_34 {
      %mul3A_1519 = arith.constant 32768 : i32
      %mul3A_1520 = arith.muli %and3A_18, %mul3A_1519 : i32
      "tpu.region"() ({
        %run_scoped3A = tpu.sem_alloc : memref<!tpu.dma_semaphore, #tpu.memory_space<semaphore_mem>>
        %dma_start3A = tpu.memref_slice %arg4[%mul3A_1520] : memref<65536xf32, #tpu.memory_space<hbm>> -> memref<32768xf32, #tpu.memory_space<hbm>>
        %dma_start3A_1521 = tpu.memref_slice %arg4[%mul3A_1520] : memref<65536xf32, #tpu.memory_space<hbm>> -> memref<32768xf32, #tpu.memory_space<hbm>>
        tpu.enqueue_dma source(%dma_start3A_1521 : memref<32768xf32, #tpu.memory_space<hbm>>) target(%arg19 : memref<32768xf32, #tpu.memory_space<vmem>>) target_semaphore(%run_scoped3A : memref<!tpu.dma_semaphore, #tpu.memory_space<semaphore_mem>>)
        %dma_wait3A = tpu.memref_slice %arg4[%mul3A_1520] : memref<65536xf32, #tpu.memory_space<hbm>> -> memref<32768xf32, #tpu.memory_space<hbm>>
        %dma_wait3A_1522 = tpu.memref_slice %arg4[%mul3A_1520] : memref<65536xf32, #tpu.memory_space<hbm>> -> memref<32768xf32, #tpu.memory_space<hbm>>
        tpu.wait_dma2 semaphore(%run_scoped3A : memref<!tpu.dma_semaphore, #tpu.memory_space<semaphore_mem>>) src(%dma_wait3A_1522 : memref<32768xf32, #tpu.memory_space<hbm>>) dst(%arg19 : memref<32768xf32, #tpu.memory_space<vmem>>)
        tpu.yield
      }) : () -> ()
    } else {
    }
    %eq3A_35 = arith.constant 3 : i32
    %eq3A_36 = arith.cmpi eq, %add3A, %eq3A_35 : i32
    %convert_element_type3A_37 = arith.extui %eq3A_36 : i1 to i32
    %cond3A_38 = arith.constant 0 : i32
    %cond3A_39 = arith.cmpi ne, %convert_element_type3A_37, %cond3A_38 : i32
    scf.if %cond3A_39 {
      %mul3A_1519 = arith.constant 32768 : i32
      %mul3A_1520 = arith.muli %and3A_18, %mul3A_1519 : i32
      "tpu.region"() ({
        %run_scoped3A = tpu.sem_alloc : memref<!tpu.dma_semaphore, #tpu.memory_space<semaphore_mem>>
        %dma_start3A = tpu.memref_slice %arg5[%mul3A_1520] : memref<65536xf32, #tpu.memory_space<hbm>> -> memref<32768xf32, #tpu.memory_space<hbm>>
        %dma_start3A_1521 = tpu.memref_slice %arg5[%mul3A_1520] : memref<65536xf32, #tpu.memory_space<hbm>> -> memref<32768xf32, #tpu.memory_space<hbm>>
        tpu.enqueue_dma source(%dma_start3A_1521 : memref<32768xf32, #tpu.memory_space<hbm>>) target(%arg19 : memref<32768xf32, #tpu.memory_space<vmem>>) target_semaphore(%run_scoped3A : memref<!tpu.dma_semaphore, #tpu.memory_space<semaphore_mem>>)
        %dma_wait3A = tpu.memref_slice %arg5[%mul3A_1520] : memref<65536xf32, #tpu.memory_space<hbm>> -> memref<32768xf32, #tpu.memory_space<hbm>>
        %dma_wait3A_1522 = tpu.memref_slice %arg5[%mul3A_1520] : memref<65536xf32, #tpu.memory_space<hbm>> -> memref<32768xf32, #tpu.memory_space<hbm>>
        tpu.wait_dma2 semaphore(%run_scoped3A : memref<!tpu.dma_semaphore, #tpu.memory_space<semaphore_mem>>) src(%dma_wait3A_1522 : memref<32768xf32, #tpu.memory_space<hbm>>) dst(%arg19 : memref<32768xf32, #tpu.memory_space<vmem>>)
        tpu.yield
      }) : () -> ()
    } else {
    }
    %eq3A_40 = arith.constant 4 : i32
    %eq3A_41 = arith.cmpi eq, %add3A, %eq3A_40 : i32
    %convert_element_type3A_42 = arith.extui %eq3A_41 : i1 to i32
    %cond3A_43 = arith.constant 0 : i32
    %cond3A_44 = arith.cmpi ne, %convert_element_type3A_42, %cond3A_43 : i32
    scf.if %cond3A_44 {
      %mul3A_1519 = arith.constant 32768 : i32
      %mul3A_1520 = arith.muli %and3A_18, %mul3A_1519 : i32
      "tpu.region"() ({
        %run_scoped3A = tpu.sem_alloc : memref<!tpu.dma_semaphore, #tpu.memory_space<semaphore_mem>>
        %dma_start3A = tpu.memref_slice %arg6[%mul3A_1520] : memref<65536xf32, #tpu.memory_space<hbm>> -> memref<32768xf32, #tpu.memory_space<hbm>>
        %dma_start3A_1521 = tpu.memref_slice %arg6[%mul3A_1520] : memref<65536xf32, #tpu.memory_space<hbm>> -> memref<32768xf32, #tpu.memory_space<hbm>>
        tpu.enqueue_dma source(%dma_start3A_1521 : memref<32768xf32, #tpu.memory_space<hbm>>) target(%arg19 : memref<32768xf32, #tpu.memory_space<vmem>>) target_semaphore(%run_scoped3A : memref<!tpu.dma_semaphore, #tpu.memory_space<semaphore_mem>>)
        %dma_wait3A = tpu.memref_slice %arg6[%mul3A_1520] : memref<65536xf32, #tpu.memory_space<hbm>> -> memref<32768xf32, #tpu.memory_space<hbm>>
        %dma_wait3A_1522 = tpu.memref_slice %arg6[%mul3A_1520] : memref<65536xf32, #tpu.memory_space<hbm>> -> memref<32768xf32, #tpu.memory_space<hbm>>
        tpu.wait_dma2 semaphore(%run_scoped3A : memref<!tpu.dma_semaphore, #tpu.memory_space<semaphore_mem>>) src(%dma_wait3A_1522 : memref<32768xf32, #tpu.memory_space<hbm>>) dst(%arg19 : memref<32768xf32, #tpu.memory_space<vmem>>)
        tpu.yield
      }) : () -> ()
    } else {
    }
    %eq3A_45 = arith.constant 5 : i32
    %eq3A_46 = arith.cmpi eq, %add3A, %eq3A_45 : i32
    %convert_element_type3A_47 = arith.extui %eq3A_46 : i1 to i32
    %cond3A_48 = arith.constant 0 : i32
    %cond3A_49 = arith.cmpi ne, %convert_element_type3A_47, %cond3A_48 : i32
    scf.if %cond3A_49 {
      %mul3A_1519 = arith.constant 32768 : i32
      %mul3A_1520 = arith.muli %and3A_18, %mul3A_1519 : i32
      "tpu.region"() ({
        %run_scoped3A = tpu.sem_alloc : memref<!tpu.dma_semaphore, #tpu.memory_space<semaphore_mem>>
        %dma_start3A = tpu.memref_slice %arg7[%mul3A_1520] : memref<65536xf32, #tpu.memory_space<hbm>> -> memref<32768xf32, #tpu.memory_space<hbm>>
        %dma_start3A_1521 = tpu.memref_slice %arg7[%mul3A_1520] : memref<65536xf32, #tpu.memory_space<hbm>> -> memref<32768xf32, #tpu.memory_space<hbm>>
        tpu.enqueue_dma source(%dma_start3A_1521 : memref<32768xf32, #tpu.memory_space<hbm>>) target(%arg19 : memref<32768xf32, #tpu.memory_space<vmem>>) target_semaphore(%run_scoped3A : memref<!tpu.dma_semaphore, #tpu.memory_space<semaphore_mem>>)
        %dma_wait3A = tpu.memref_slice %arg7[%mul3A_1520] : memref<65536xf32, #tpu.memory_space<hbm>> -> memref<32768xf32, #tpu.memory_space<hbm>>
        %dma_wait3A_1522 = tpu.memref_slice %arg7[%mul3A_1520] : memref<65536xf32, #tpu.memory_space<hbm>> -> memref<32768xf32, #tpu.memory_space<hbm>>
        tpu.wait_dma2 semaphore(%run_scoped3A : memref<!tpu.dma_semaphore, #tpu.memory_space<semaphore_mem>>) src(%dma_wait3A_1522 : memref<32768xf32, #tpu.memory_space<hbm>>) dst(%arg19 : memref<32768xf32, #tpu.memory_space<vmem>>)
        tpu.yield
      }) : () -> ()
    } else {
    }
    %eq3A_50 = arith.constant 6 : i32
    %eq3A_51 = arith.cmpi eq, %add3A, %eq3A_50 : i32
    %convert_element_type3A_52 = arith.extui %eq3A_51 : i1 to i32
    %cond3A_53 = arith.constant 0 : i32
    %cond3A_54 = arith.cmpi ne, %convert_element_type3A_52, %cond3A_53 : i32
    scf.if %cond3A_54 {
      %mul3A_1519 = arith.constant 32768 : i32
      %mul3A_1520 = arith.muli %and3A_18, %mul3A_1519 : i32
      "tpu.region"() ({
        %run_scoped3A = tpu.sem_alloc : memref<!tpu.dma_semaphore, #tpu.memory_space<semaphore_mem>>
        %dma_start3A = tpu.memref_slice %arg8[%mul3A_1520] : memref<65536xf32, #tpu.memory_space<hbm>> -> memref<32768xf32, #tpu.memory_space<hbm>>
        %dma_start3A_1521 = tpu.memref_slice %arg8[%mul3A_1520] : memref<65536xf32, #tpu.memory_space<hbm>> -> memref<32768xf32, #tpu.memory_space<hbm>>
        tpu.enqueue_dma source(%dma_start3A_1521 : memref<32768xf32, #tpu.memory_space<hbm>>) target(%arg19 : memref<32768xf32, #tpu.memory_space<vmem>>) target_semaphore(%run_scoped3A : memref<!tpu.dma_semaphore, #tpu.memory_space<semaphore_mem>>)
        %dma_wait3A = tpu.memref_slice %arg8[%mul3A_1520] : memref<65536xf32, #tpu.memory_space<hbm>> -> memref<32768xf32, #tpu.memory_space<hbm>>
        %dma_wait3A_1522 = tpu.memref_slice %arg8[%mul3A_1520] : memref<65536xf32, #tpu.memory_space<hbm>> -> memref<32768xf32, #tpu.memory_space<hbm>>
        tpu.wait_dma2 semaphore(%run_scoped3A : memref<!tpu.dma_semaphore, #tpu.memory_space<semaphore_mem>>) src(%dma_wait3A_1522 : memref<32768xf32, #tpu.memory_space<hbm>>) dst(%arg19 : memref<32768xf32, #tpu.memory_space<vmem>>)
        tpu.yield
      }) : () -> ()
    } else {
    }
    %eq3A_55 = arith.constant 7 : i32
    %eq3A_56 = arith.cmpi eq, %add3A, %eq3A_55 : i32
    %convert_element_type3A_57 = arith.extui %eq3A_56 : i1 to i32
    %cond3A_58 = arith.constant 0 : i32
    %cond3A_59 = arith.cmpi ne, %convert_element_type3A_57, %cond3A_58 : i32
    scf.if %cond3A_59 {
      %mul3A_1519 = arith.constant 32768 : i32
      %mul3A_1520 = arith.muli %and3A_18, %mul3A_1519 : i32
      "tpu.region"() ({
        %run_scoped3A = tpu.sem_alloc : memref<!tpu.dma_semaphore, #tpu.memory_space<semaphore_mem>>
        %dma_start3A = tpu.memref_slice %arg9[%mul3A_1520] : memref<65536xf32, #tpu.memory_space<hbm>> -> memref<32768xf32, #tpu.memory_space<hbm>>
        %dma_start3A_1521 = tpu.memref_slice %arg9[%mul3A_1520] : memref<65536xf32, #tpu.memory_space<hbm>> -> memref<32768xf32, #tpu.memory_space<hbm>>
        tpu.enqueue_dma source(%dma_start3A_1521 : memref<32768xf32, #tpu.memory_space<hbm>>) target(%arg19 : memref<32768xf32, #tpu.memory_space<vmem>>) target_semaphore(%run_scoped3A : memref<!tpu.dma_semaphore, #tpu.memory_space<semaphore_mem>>)
        %dma_wait3A = tpu.memref_slice %arg9[%mul3A_1520] : memref<65536xf32, #tpu.memory_space<hbm>> -> memref<32768xf32, #tpu.memory_space<hbm>>
        %dma_wait3A_1522 = tpu.memref_slice %arg9[%mul3A_1520] : memref<65536xf32, #tpu.memory_space<hbm>> -> memref<32768xf32, #tpu.memory_space<hbm>>
        tpu.wait_dma2 semaphore(%run_scoped3A : memref<!tpu.dma_semaphore, #tpu.memory_space<semaphore_mem>>) src(%dma_wait3A_1522 : memref<32768xf32, #tpu.memory_space<hbm>>) dst(%arg19 : memref<32768xf32, #tpu.memory_space<vmem>>)
        tpu.yield
      }) : () -> ()
    } else {
    }
    %eq3A_60 = arith.constant 8 : i32
    %eq3A_61 = arith.cmpi eq, %add3A, %eq3A_60 : i32
    %convert_element_type3A_62 = arith.extui %eq3A_61 : i1 to i32
    %cond3A_63 = arith.constant 0 : i32
    %cond3A_64 = arith.cmpi ne, %convert_element_type3A_62, %cond3A_63 : i32
    scf.if %cond3A_64 {
      %mul3A_1519 = arith.constant 32768 : i32
      %mul3A_1520 = arith.muli %and3A_18, %mul3A_1519 : i32
      "tpu.region"() ({
        %run_scoped3A = tpu.sem_alloc : memref<!tpu.dma_semaphore, #tpu.memory_space<semaphore_mem>>
        %dma_start3A = tpu.memref_slice %arg10[%mul3A_1520] : memref<65536xf32, #tpu.memory_space<hbm>> -> memref<32768xf32, #tpu.memory_space<hbm>>
        %dma_start3A_1521 = tpu.memref_slice %arg10[%mul3A_1520] : memref<65536xf32, #tpu.memory_space<hbm>> -> memref<32768xf32, #tpu.memory_space<hbm>>
        tpu.enqueue_dma source(%dma_start3A_1521 : memref<32768xf32, #tpu.memory_space<hbm>>) target(%arg19 : memref<32768xf32, #tpu.memory_space<vmem>>) target_semaphore(%run_scoped3A : memref<!tpu.dma_semaphore, #tpu.memory_space<semaphore_mem>>)
        %dma_wait3A = tpu.memref_slice %arg10[%mul3A_1520] : memref<65536xf32, #tpu.memory_space<hbm>> -> memref<32768xf32, #tpu.memory_space<hbm>>
        %dma_wait3A_1522 = tpu.memref_slice %arg10[%mul3A_1520] : memref<65536xf32, #tpu.memory_space<hbm>> -> memref<32768xf32, #tpu.memory_space<hbm>>
        tpu.wait_dma2 semaphore(%run_scoped3A : memref<!tpu.dma_semaphore, #tpu.memory_space<semaphore_mem>>) src(%dma_wait3A_1522 : memref<32768xf32, #tpu.memory_space<hbm>>) dst(%arg19 : memref<32768xf32, #tpu.memory_space<vmem>>)
        tpu.yield
      }) : () -> ()
    } else {
    }
    %eq3A_65 = arith.constant 9 : i32
    %eq3A_66 = arith.cmpi eq, %add3A, %eq3A_65 : i32
    %convert_element_type3A_67 = arith.extui %eq3A_66 : i1 to i32
    %cond3A_68 = arith.constant 0 : i32
    %cond3A_69 = arith.cmpi ne, %convert_element_type3A_67, %cond3A_68 : i32
    scf.if %cond3A_69 {
      %mul3A_1519 = arith.constant 32768 : i32
      %mul3A_1520 = arith.muli %and3A_18, %mul3A_1519 : i32
      "tpu.region"() ({
        %run_scoped3A = tpu.sem_alloc : memref<!tpu.dma_semaphore, #tpu.memory_space<semaphore_mem>>
        %dma_start3A = tpu.memref_slice %arg11[%mul3A_1520] : memref<65536xf32, #tpu.memory_space<hbm>> -> memref<32768xf32, #tpu.memory_space<hbm>>
        %dma_start3A_1521 = tpu.memref_slice %arg11[%mul3A_1520] : memref<65536xf32, #tpu.memory_space<hbm>> -> memref<32768xf32, #tpu.memory_space<hbm>>
        tpu.enqueue_dma source(%dma_start3A_1521 : memref<32768xf32, #tpu.memory_space<hbm>>) target(%arg19 : memref<32768xf32, #tpu.memory_space<vmem>>) target_semaphore(%run_scoped3A : memref<!tpu.dma_semaphore, #tpu.memory_space<semaphore_mem>>)
        %dma_wait3A = tpu.memref_slice %arg11[%mul3A_1520] : memref<65536xf32, #tpu.memory_space<hbm>> -> memref<32768xf32, #tpu.memory_space<hbm>>
        %dma_wait3A_1522 = tpu.memref_slice %arg11[%mul3A_1520] : memref<65536xf32, #tpu.memory_space<hbm>> -> memref<32768xf32, #tpu.memory_space<hbm>>
        tpu.wait_dma2 semaphore(%run_scoped3A : memref<!tpu.dma_semaphore, #tpu.memory_space<semaphore_mem>>) src(%dma_wait3A_1522 : memref<32768xf32, #tpu.memory_space<hbm>>) dst(%arg19 : memref<32768xf32, #tpu.memory_space<vmem>>)
        tpu.yield
      }) : () -> ()
    } else {
    }
    %eq3A_70 = arith.constant 10 : i32
    %eq3A_71 = arith.cmpi eq, %add3A, %eq3A_70 : i32
    %convert_element_type3A_72 = arith.extui %eq3A_71 : i1 to i32
    %cond3A_73 = arith.constant 0 : i32
    %cond3A_74 = arith.cmpi ne, %convert_element_type3A_72, %cond3A_73 : i32
    scf.if %cond3A_74 {
      %mul3A_1519 = arith.constant 32768 : i32
      %mul3A_1520 = arith.muli %and3A_18, %mul3A_1519 : i32
      "tpu.region"() ({
        %run_scoped3A = tpu.sem_alloc : memref<!tpu.dma_semaphore, #tpu.memory_space<semaphore_mem>>
        %dma_start3A = tpu.memref_slice %arg12[%mul3A_1520] : memref<65536xf32, #tpu.memory_space<hbm>> -> memref<32768xf32, #tpu.memory_space<hbm>>
        %dma_start3A_1521 = tpu.memref_slice %arg12[%mul3A_1520] : memref<65536xf32, #tpu.memory_space<hbm>> -> memref<32768xf32, #tpu.memory_space<hbm>>
        tpu.enqueue_dma source(%dma_start3A_1521 : memref<32768xf32, #tpu.memory_space<hbm>>) target(%arg19 : memref<32768xf32, #tpu.memory_space<vmem>>) target_semaphore(%run_scoped3A : memref<!tpu.dma_semaphore, #tpu.memory_space<semaphore_mem>>)
        %dma_wait3A = tpu.memref_slice %arg12[%mul3A_1520] : memref<65536xf32, #tpu.memory_space<hbm>> -> memref<32768xf32, #tpu.memory_space<hbm>>
        %dma_wait3A_1522 = tpu.memref_slice %arg12[%mul3A_1520] : memref<65536xf32, #tpu.memory_space<hbm>> -> memref<32768xf32, #tpu.memory_space<hbm>>
        tpu.wait_dma2 semaphore(%run_scoped3A : memref<!tpu.dma_semaphore, #tpu.memory_space<semaphore_mem>>) src(%dma_wait3A_1522 : memref<32768xf32, #tpu.memory_space<hbm>>) dst(%arg19 : memref<32768xf32, #tpu.memory_space<vmem>>)
        tpu.yield
      }) : () -> ()
    } else {
    }
    %eq3A_75 = arith.constant 11 : i32
    %eq3A_76 = arith.cmpi eq, %add3A, %eq3A_75 : i32
    %convert_element_type3A_77 = arith.extui %eq3A_76 : i1 to i32
    %cond3A_78 = arith.constant 0 : i32
    %cond3A_79 = arith.cmpi ne, %convert_element_type3A_77, %cond3A_78 : i32
    scf.if %cond3A_79 {
      %mul3A_1519 = arith.constant 32768 : i32
      %mul3A_1520 = arith.muli %and3A_18, %mul3A_1519 : i32
      "tpu.region"() ({
        %run_scoped3A = tpu.sem_alloc : memref<!tpu.dma_semaphore, #tpu.memory_space<semaphore_mem>>
        %dma_start3A = tpu.memref_slice %arg13[%mul3A_1520] : memref<65536xf32, #tpu.memory_space<hbm>> -> memref<32768xf32, #tpu.memory_space<hbm>>
        %dma_start3A_1521 = tpu.memref_slice %arg13[%mul3A_1520] : memref<65536xf32, #tpu.memory_space<hbm>> -> memref<32768xf32, #tpu.memory_space<hbm>>
        tpu.enqueue_dma source(%dma_start3A_1521 : memref<32768xf32, #tpu.memory_space<hbm>>) target(%arg19 : memref<32768xf32, #tpu.memory_space<vmem>>) target_semaphore(%run_scoped3A : memref<!tpu.dma_semaphore, #tpu.memory_space<semaphore_mem>>)
        %dma_wait3A = tpu.memref_slice %arg13[%mul3A_1520] : memref<65536xf32, #tpu.memory_space<hbm>> -> memref<32768xf32, #tpu.memory_space<hbm>>
        %dma_wait3A_1522 = tpu.memref_slice %arg13[%mul3A_1520] : memref<65536xf32, #tpu.memory_space<hbm>> -> memref<32768xf32, #tpu.memory_space<hbm>>
        tpu.wait_dma2 semaphore(%run_scoped3A : memref<!tpu.dma_semaphore, #tpu.memory_space<semaphore_mem>>) src(%dma_wait3A_1522 : memref<32768xf32, #tpu.memory_space<hbm>>) dst(%arg19 : memref<32768xf32, #tpu.memory_space<vmem>>)
        tpu.yield
      }) : () -> ()
    } else {
    }
    %eq3A_80 = arith.constant 12 : i32
    %eq3A_81 = arith.cmpi eq, %add3A, %eq3A_80 : i32
    %convert_element_type3A_82 = arith.extui %eq3A_81 : i1 to i32
    %cond3A_83 = arith.constant 0 : i32
    %cond3A_84 = arith.cmpi ne, %convert_element_type3A_82, %cond3A_83 : i32
    scf.if %cond3A_84 {
      %mul3A_1519 = arith.constant 32768 : i32
      %mul3A_1520 = arith.muli %and3A_18, %mul3A_1519 : i32
      "tpu.region"() ({
        %run_scoped3A = tpu.sem_alloc : memref<!tpu.dma_semaphore, #tpu.memory_space<semaphore_mem>>
        %dma_start3A = tpu.memref_slice %arg14[%mul3A_1520] : memref<65536xf32, #tpu.memory_space<hbm>> -> memref<32768xf32, #tpu.memory_space<hbm>>
        %dma_start3A_1521 = tpu.memref_slice %arg14[%mul3A_1520] : memref<65536xf32, #tpu.memory_space<hbm>> -> memref<32768xf32, #tpu.memory_space<hbm>>
        tpu.enqueue_dma source(%dma_start3A_1521 : memref<32768xf32, #tpu.memory_space<hbm>>) target(%arg19 : memref<32768xf32, #tpu.memory_space<vmem>>) target_semaphore(%run_scoped3A : memref<!tpu.dma_semaphore, #tpu.memory_space<semaphore_mem>>)
        %dma_wait3A = tpu.memref_slice %arg14[%mul3A_1520] : memref<65536xf32, #tpu.memory_space<hbm>> -> memref<32768xf32, #tpu.memory_space<hbm>>
        %dma_wait3A_1522 = tpu.memref_slice %arg14[%mul3A_1520] : memref<65536xf32, #tpu.memory_space<hbm>> -> memref<32768xf32, #tpu.memory_space<hbm>>
        tpu.wait_dma2 semaphore(%run_scoped3A : memref<!tpu.dma_semaphore, #tpu.memory_space<semaphore_mem>>) src(%dma_wait3A_1522 : memref<32768xf32, #tpu.memory_space<hbm>>) dst(%arg19 : memref<32768xf32, #tpu.memory_space<vmem>>)
        tpu.yield
      }) : () -> ()
    } else {
    }
    %eq3A_85 = arith.constant 13 : i32
    %eq3A_86 = arith.cmpi eq, %add3A, %eq3A_85 : i32
    %convert_element_type3A_87 = arith.extui %eq3A_86 : i1 to i32
    %cond3A_88 = arith.constant 0 : i32
    %cond3A_89 = arith.cmpi ne, %convert_element_type3A_87, %cond3A_88 : i32
    scf.if %cond3A_89 {
      %mul3A_1519 = arith.constant 32768 : i32
      %mul3A_1520 = arith.muli %and3A_18, %mul3A_1519 : i32
      "tpu.region"() ({
        %run_scoped3A = tpu.sem_alloc : memref<!tpu.dma_semaphore, #tpu.memory_space<semaphore_mem>>
        %dma_start3A = tpu.memref_slice %arg15[%mul3A_1520] : memref<65536xf32, #tpu.memory_space<hbm>> -> memref<32768xf32, #tpu.memory_space<hbm>>
        %dma_start3A_1521 = tpu.memref_slice %arg15[%mul3A_1520] : memref<65536xf32, #tpu.memory_space<hbm>> -> memref<32768xf32, #tpu.memory_space<hbm>>
        tpu.enqueue_dma source(%dma_start3A_1521 : memref<32768xf32, #tpu.memory_space<hbm>>) target(%arg19 : memref<32768xf32, #tpu.memory_space<vmem>>) target_semaphore(%run_scoped3A : memref<!tpu.dma_semaphore, #tpu.memory_space<semaphore_mem>>)
        %dma_wait3A = tpu.memref_slice %arg15[%mul3A_1520] : memref<65536xf32, #tpu.memory_space<hbm>> -> memref<32768xf32, #tpu.memory_space<hbm>>
        %dma_wait3A_1522 = tpu.memref_slice %arg15[%mul3A_1520] : memref<65536xf32, #tpu.memory_space<hbm>> -> memref<32768xf32, #tpu.memory_space<hbm>>
        tpu.wait_dma2 semaphore(%run_scoped3A : memref<!tpu.dma_semaphore, #tpu.memory_space<semaphore_mem>>) src(%dma_wait3A_1522 : memref<32768xf32, #tpu.memory_space<hbm>>) dst(%arg19 : memref<32768xf32, #tpu.memory_space<vmem>>)
        tpu.yield
      }) : () -> ()
    } else {
    }
    %eq3A_90 = arith.constant 14 : i32
    %eq3A_91 = arith.cmpi eq, %add3A, %eq3A_90 : i32
    %convert_element_type3A_92 = arith.extui %eq3A_91 : i1 to i32
    %cond3A_93 = arith.constant 0 : i32
    %cond3A_94 = arith.cmpi ne, %convert_element_type3A_92, %cond3A_93 : i32
    scf.if %cond3A_94 {
      %mul3A_1519 = arith.constant 32768 : i32
      %mul3A_1520 = arith.muli %and3A_18, %mul3A_1519 : i32
      "tpu.region"() ({
        %run_scoped3A = tpu.sem_alloc : memref<!tpu.dma_semaphore, #tpu.memory_space<semaphore_mem>>
        %dma_start3A = tpu.memref_slice %arg16[%mul3A_1520] : memref<65536xf32, #tpu.memory_space<hbm>> -> memref<32768xf32, #tpu.memory_space<hbm>>
        %dma_start3A_1521 = tpu.memref_slice %arg16[%mul3A_1520] : memref<65536xf32, #tpu.memory_space<hbm>> -> memref<32768xf32, #tpu.memory_space<hbm>>
        tpu.enqueue_dma source(%dma_start3A_1521 : memref<32768xf32, #tpu.memory_space<hbm>>) target(%arg19 : memref<32768xf32, #tpu.memory_space<vmem>>) target_semaphore(%run_scoped3A : memref<!tpu.dma_semaphore, #tpu.memory_space<semaphore_mem>>)
        %dma_wait3A = tpu.memref_slice %arg16[%mul3A_1520] : memref<65536xf32, #tpu.memory_space<hbm>> -> memref<32768xf32, #tpu.memory_space<hbm>>
        %dma_wait3A_1522 = tpu.memref_slice %arg16[%mul3A_1520] : memref<65536xf32, #tpu.memory_space<hbm>> -> memref<32768xf32, #tpu.memory_space<hbm>>
        tpu.wait_dma2 semaphore(%run_scoped3A : memref<!tpu.dma_semaphore, #tpu.memory_space<semaphore_mem>>) src(%dma_wait3A_1522 : memref<32768xf32, #tpu.memory_space<hbm>>) dst(%arg19 : memref<32768xf32, #tpu.memory_space<vmem>>)
        tpu.yield
      }) : () -> ()
    } else {
    }
    %eq3A_95 = arith.constant 15 : i32
    %eq3A_96 = arith.cmpi eq, %add3A, %eq3A_95 : i32
    %convert_element_type3A_97 = arith.extui %eq3A_96 : i1 to i32
    %cond3A_98 = arith.constant 0 : i32
    %cond3A_99 = arith.cmpi ne, %convert_element_type3A_97, %cond3A_98 : i32
    scf.if %cond3A_99 {
      %mul3A_1519 = arith.constant 32768 : i32
      %mul3A_1520 = arith.muli %and3A_18, %mul3A_1519 : i32
      "tpu.region"() ({
        %run_scoped3A = tpu.sem_alloc : memref<!tpu.dma_semaphore, #tpu.memory_space<semaphore_mem>>
        %dma_start3A = tpu.memref_slice %arg17[%mul3A_1520] : memref<65536xf32, #tpu.memory_space<hbm>> -> memref<32768xf32, #tpu.memory_space<hbm>>
        %dma_start3A_1521 = tpu.memref_slice %arg17[%mul3A_1520] : memref<65536xf32, #tpu.memory_space<hbm>> -> memref<32768xf32, #tpu.memory_space<hbm>>
        tpu.enqueue_dma source(%dma_start3A_1521 : memref<32768xf32, #tpu.memory_space<hbm>>) target(%arg19 : memref<32768xf32, #tpu.memory_space<vmem>>) target_semaphore(%run_scoped3A : memref<!tpu.dma_semaphore, #tpu.memory_space<semaphore_mem>>)
        %dma_wait3A = tpu.memref_slice %arg17[%mul3A_1520] : memref<65536xf32, #tpu.memory_space<hbm>> -> memref<32768xf32, #tpu.memory_space<hbm>>
        %dma_wait3A_1522 = tpu.memref_slice %arg17[%mul3A_1520] : memref<65536xf32, #tpu.memory_space<hbm>> -> memref<32768xf32, #tpu.memory_space<hbm>>
        tpu.wait_dma2 semaphore(%run_scoped3A : memref<!tpu.dma_semaphore, #tpu.memory_space<semaphore_mem>>) src(%dma_wait3A_1522 : memref<32768xf32, #tpu.memory_space<hbm>>) dst(%arg19 : memref<32768xf32, #tpu.memory_space<vmem>>)
        tpu.yield
      }) : () -> ()
    } else {
    }
    %scan3A = arith.constant 0 : i32
    %scan3A_100 = arith.constant 256 : i32
    %scan3A_101 = arith.addi %scan3A, %scan3A_100 : i32
    %scan3A_102 = arith.constant 1 : i32
    scf.for %scan3A_1519 = %scan3A to %scan3A_101 step %scan3A_102  : i32 {
      %mul3A_1520 = arith.constant 16 : i32
      %mul3A_1521 = arith.muli %scan3A_1519, %mul3A_1520 : i32
      %add3A_1522 = arith.constant 0 : i32
      %add3A_1523 = arith.addi %add3A_1522, %mul3A_1521 : i32
      %broadcast_in_dim3A_1524 = arith.constant 0 : i32
      %broadcast_in_dim3A_1525 = vector.broadcast %broadcast_in_dim3A_1524 : i32 to vector<16xi32>
      %swap3A_1526 = arith.index_cast %add3A_1523 : i32 to index
      %swap3A_1527 = tpu.vector_load %arg21[%swap3A_1526] {strides = array<i32>} : memref<4096xi32, #tpu.memory_space<vmem>>, vector<16xi32>,
      tpu.vector_store %arg21[%swap3A_1526], %broadcast_in_dim3A_1525 {strides = array<i32>} : memref<4096xi32, #tpu.memory_space<vmem>>, vector<16xi32>,
    }
    %scan3A_103 = arith.constant 256 : i32
    %parallel_loop3A = arith.constant 0 : i32
    %parallel_loop3A_104 = arith.constant 32768 : i32
    %parallel_loop3A_105 = arith.constant 16 : i32
    scf.for %parallel_loop3A_1519 = %parallel_loop3A to %parallel_loop3A_104 step %parallel_loop3A_105  : i32 {
      %parallel_loop3A_1520 = arith.index_cast %parallel_loop3A_1519 : i32 to index
      %parallel_loop3A_1521 = tpu.vector_load %arg19[%parallel_loop3A_1520] {strides = array<i32>} : memref<32768xf32, #tpu.memory_space<vmem>>, vector<16xf32>,
      %parallel_loop3A_1522 = arith.constant 2.560000e+02 : f32
      %parallel_loop3A_1523 = vector.broadcast %parallel_loop3A_1522 : f32 to vector<16xf32>
      %parallel_loop3A_1524 = arith.mulf %parallel_loop3A_1521, %parallel_loop3A_1523 : vector<16xf32>
      %parallel_loop3A_1525 = arith.fptosi %parallel_loop3A_1524 : vector<16xf32> to vector<16xi32>
      %parallel_loop3A_1526 = arith.addi %mul3A_21, %parallel_loop3A_1525 : vector<16xi32>
      tpu.vector_store_idx %arg21[%parallel_loop3A_1526], %broadcast_in_dim3A_22 {add = true} : memref<4096xi32, #tpu.memory_space<vmem>>[vector<16xi32>], vector<16xi32>,
    } {sc.loop_unroll_factor = 8 : i64, sc.parallel_access}
    %scan3A_106 = arith.constant 0 : i32
    %scan3A_107 = arith.constant 16 : i32
    %scan3A_108 = arith.addi %scan3A_106, %scan3A_107 : i32
    %scan3A_109 = arith.constant 1 : i32
    scf.for %scan3A_1519 = %scan3A_106 to %scan3A_108 step %scan3A_109  : i32 {
      %mul3A_1520 = arith.constant 1 : i32
      %mul3A_1521 = arith.muli %scan3A_1519, %mul3A_1520 : i32
      %add3A_1522 = arith.constant 0 : i32
      %add3A_1523 = arith.addi %add3A_1522, %mul3A_1521 : i32
      %mul3A_1524 = arith.constant 16 : i32
      %mul3A_1525 = arith.muli %add3A_1523, %mul3A_1524 : i32
      %get3A_1526 = arith.index_cast %mul3A_1525 : i32 to index
      %get3A_1527 = tpu.vector_load %arg21[%get3A_1526] {strides = array<i32>} : memref<4096xi32, #tpu.memory_space<vmem>>, vector<16xi32>,
      %mul3A_1528 = arith.constant 16 : i32
      %mul3A_1529 = arith.muli %add3A_1523, %mul3A_1528 : i32
      %add3A_1530 = arith.constant 256 : i32
      %add3A_1531 = arith.addi %add3A_1530, %mul3A_1529 : i32
      %get3A_1532 = arith.index_cast %add3A_1531 : i32 to index
      %get3A_1533 = tpu.vector_load %arg21[%get3A_1532] {strides = array<i32>} : memref<4096xi32, #tpu.memory_space<vmem>>, vector<16xi32>,
      %add3A_1534 = arith.addi %get3A_1527, %get3A_1533 : vector<16xi32>
      %mul3A_1535 = arith.constant 16 : i32
      %mul3A_1536 = arith.muli %add3A_1523, %mul3A_1535 : i32
      %add3A_1537 = arith.constant 512 : i32
      %add3A_1538 = arith.addi %add3A_1537, %mul3A_1536 : i32
      %get3A_1539 = arith.index_cast %add3A_1538 : i32 to index
      %get3A_1540 = tpu.vector_load %arg21[%get3A_1539] {strides = array<i32>} : memref<4096xi32, #tpu.memory_space<vmem>>, vector<16xi32>,
      %add3A_1541 = arith.addi %add3A_1534, %get3A_1540 : vector<16xi32>
      %mul3A_1542 = arith.constant 16 : i32
      %mul3A_1543 = arith.muli %add3A_1523, %mul3A_1542 : i32
      %add3A_1544 = arith.constant 768 : i32
      %add3A_1545 = arith.addi %add3A_1544, %mul3A_1543 : i32
      %get3A_1546 = arith.index_cast %add3A_1545 : i32 to index
      %get3A_1547 = tpu.vector_load %arg21[%get3A_1546] {strides = array<i32>} : memref<4096xi32, #tpu.memory_space<vmem>>, vector<16xi32>,
      %add3A_1548 = arith.addi %add3A_1541, %get3A_1547 : vector<16xi32>
      %mul3A_1549 = arith.constant 16 : i32
      %mul3A_1550 = arith.muli %add3A_1523, %mul3A_1549 : i32
      %add3A_1551 = arith.constant 1024 : i32
      %add3A_1552 = arith.addi %add3A_1551, %mul3A_1550 : i32
      %get3A_1553 = arith.index_cast %add3A_1552 : i32 to index
      %get3A_1554 = tpu.vector_load %arg21[%get3A_1553] {strides = array<i32>} : memref<4096xi32, #tpu.memory_space<vmem>>, vector<16xi32>,
      %add3A_1555 = arith.addi %add3A_1548, %get3A_1554 : vector<16xi32>
      %mul3A_1556 = arith.constant 16 : i32
      %mul3A_1557 = arith.muli %add3A_1523, %mul3A_1556 : i32
      %add3A_1558 = arith.constant 1280 : i32
      %add3A_1559 = arith.addi %add3A_1558, %mul3A_1557 : i32
      %get3A_1560 = arith.index_cast %add3A_1559 : i32 to index
      %get3A_1561 = tpu.vector_load %arg21[%get3A_1560] {strides = array<i32>} : memref<4096xi32, #tpu.memory_space<vmem>>, vector<16xi32>,
      %add3A_1562 = arith.addi %add3A_1555, %get3A_1561 : vector<16xi32>
      %mul3A_1563 = arith.constant 16 : i32
      %mul3A_1564 = arith.muli %add3A_1523, %mul3A_1563 : i32
      %add3A_1565 = arith.constant 1536 : i32
      %add3A_1566 = arith.addi %add3A_1565, %mul3A_1564 : i32
      %get3A_1567 = arith.index_cast %add3A_1566 : i32 to index
      %get3A_1568 = tpu.vector_load %arg21[%get3A_1567] {strides = array<i32>} : memref<4096xi32, #tpu.memory_space<vmem>>, vector<16xi32>,
      %add3A_1569 = arith.addi %add3A_1562, %get3A_1568 : vector<16xi32>
      %mul3A_1570 = arith.constant 16 : i32
      %mul3A_1571 = arith.muli %add3A_1523, %mul3A_1570 : i32
      %add3A_1572 = arith.constant 1792 : i32
      %add3A_1573 = arith.addi %add3A_1572, %mul3A_1571 : i32
      %get3A_1574 = arith.index_cast %add3A_1573 : i32 to index
      %get3A_1575 = tpu.vector_load %arg21[%get3A_1574] {strides = array<i32>} : memref<4096xi32, #tpu.memory_space<vmem>>, vector<16xi32>,
      %add3A_1576 = arith.addi %add3A_1569, %get3A_1575 : vector<16xi32>
      %mul3A_1577 = arith.constant 16 : i32
      %mul3A_1578 = arith.muli %add3A_1523, %mul3A_1577 : i32
      %add3A_1579 = arith.constant 2048 : i32
      %add3A_1580 = arith.addi %add3A_1579, %mul3A_1578 : i32
      %get3A_1581 = arith.index_cast %add3A_1580 : i32 to index
      %get3A_1582 = tpu.vector_load %arg21[%get3A_1581] {strides = array<i32>} : memref<4096xi32, #tpu.memory_space<vmem>>, vector<16xi32>,
      %add3A_1583 = arith.addi %add3A_1576, %get3A_1582 : vector<16xi32>
      %mul3A_1584 = arith.constant 16 : i32
      %mul3A_1585 = arith.muli %add3A_1523, %mul3A_1584 : i32
      %add3A_1586 = arith.constant 2304 : i32
      %add3A_1587 = arith.addi %add3A_1586, %mul3A_1585 : i32
      %get3A_1588 = arith.index_cast %add3A_1587 : i32 to index
      %get3A_1589 = tpu.vector_load %arg21[%get3A_1588] {strides = array<i32>} : memref<4096xi32, #tpu.memory_space<vmem>>, vector<16xi32>,
      %add3A_1590 = arith.addi %add3A_1583, %get3A_1589 : vector<16xi32>
      %mul3A_1591 = arith.constant 16 : i32
      %mul3A_1592 = arith.muli %add3A_1523, %mul3A_1591 : i32
      %add3A_1593 = arith.constant 2560 : i32
      %add3A_1594 = arith.addi %add3A_1593, %mul3A_1592 : i32
      %get3A_1595 = arith.index_cast %add3A_1594 : i32 to index
      %get3A_1596 = tpu.vector_load %arg21[%get3A_1595] {strides = array<i32>} : memref<4096xi32, #tpu.memory_space<vmem>>, vector<16xi32>,
      %add3A_1597 = arith.addi %add3A_1590, %get3A_1596 : vector<16xi32>
      %mul3A_1598 = arith.constant 16 : i32
      %mul3A_1599 = arith.muli %add3A_1523, %mul3A_1598 : i32
      %add3A_1600 = arith.constant 2816 : i32
      %add3A_1601 = arith.addi %add3A_1600, %mul3A_1599 : i32
      %get3A_1602 = arith.index_cast %add3A_1601 : i32 to index
      %get3A_1603 = tpu.vector_load %arg21[%get3A_1602] {strides = array<i32>} : memref<4096xi32, #tpu.memory_space<vmem>>, vector<16xi32>,
      %add3A_1604 = arith.addi %add3A_1597, %get3A_1603 : vector<16xi32>
      %mul3A_1605 = arith.constant 16 : i32
      %mul3A_1606 = arith.muli %add3A_1523, %mul3A_1605 : i32
      %add3A_1607 = arith.constant 3072 : i32
      %add3A_1608 = arith.addi %add3A_1607, %mul3A_1606 : i32
      %get3A_1609 = arith.index_cast %add3A_1608 : i32 to index
      %get3A_1610 = tpu.vector_load %arg21[%get3A_1609] {strides = array<i32>} : memref<4096xi32, #tpu.memory_space<vmem>>, vector<16xi32>,
      %add3A_1611 = arith.addi %add3A_1604, %get3A_1610 : vector<16xi32>
      %mul3A_1612 = arith.constant 16 : i32
      %mul3A_1613 = arith.muli %add3A_1523, %mul3A_1612 : i32
      %add3A_1614 = arith.constant 3328 : i32
      %add3A_1615 = arith.addi %add3A_1614, %mul3A_1613 : i32
      %get3A_1616 = arith.index_cast %add3A_1615 : i32 to index
      %get3A_1617 = tpu.vector_load %arg21[%get3A_1616] {strides = array<i32>} : memref<4096xi32, #tpu.memory_space<vmem>>, vector<16xi32>,
      %add3A_1618 = arith.addi %add3A_1611, %get3A_1617 : vector<16xi32>
      %mul3A_1619 = arith.constant 16 : i32
      %mul3A_1620 = arith.muli %add3A_1523, %mul3A_1619 : i32
      %add3A_1621 = arith.constant 3584 : i32
      %add3A_1622 = arith.addi %add3A_1621, %mul3A_1620 : i32
      %get3A_1623 = arith.index_cast %add3A_1622 : i32 to index
      %get3A_1624 = tpu.vector_load %arg21[%get3A_1623] {strides = array<i32>} : memref<4096xi32, #tpu.memory_space<vmem>>, vector<16xi32>,
      %add3A_1625 = arith.addi %add3A_1618, %get3A_1624 : vector<16xi32>
      %mul3A_1626 = arith.constant 16 : i32
      %mul3A_1627 = arith.muli %add3A_1523, %mul3A_1626 : i32
      %add3A_1628 = arith.constant 3840 : i32
      %add3A_1629 = arith.addi %add3A_1628, %mul3A_1627 : i32
      %get3A_1630 = arith.index_cast %add3A_1629 : i32 to index
      %get3A_1631 = tpu.vector_load %arg21[%get3A_1630] {strides = array<i32>} : memref<4096xi32, #tpu.memory_space<vmem>>, vector<16xi32>,
      %add3A_1632 = arith.addi %add3A_1625, %get3A_1631 : vector<16xi32>
      %mul3A_1633 = arith.constant 16 : i32
      %mul3A_1634 = arith.muli %add3A_1523, %mul3A_1633 : i32
      %swap3A_1635 = arith.index_cast %mul3A_1634 : i32 to index
      %swap3A_1636 = tpu.vector_load %arg22[%swap3A_1635] {strides = array<i32>} : memref<256xi32, #tpu.memory_space<vmem>>, vector<16xi32>,
      tpu.vector_store %arg22[%swap3A_1635], %add3A_1632 {strides = array<i32>} : memref<256xi32, #tpu.memory_space<vmem>>, vector<16xi32>,
    }
    %scan3A_110 = arith.constant 16 : i32
    "tpu.region"() ({
      %run_scoped3A = tpu.sem_alloc : memref<!tpu.dma_semaphore, #tpu.memory_space<semaphore_mem>>
      %dma_start3A = arith.constant 0 : i32
      %dma_start3A_1519 = tpu.memref_slice %arg24[%arg1, %dma_start3A] : memref<16x256xi32, #tpu.memory_space<vmem_shared>> -> memref<1x256xi32, #tpu.memory_space<vmem_shared>>
      %dma_start3A_1520 = tpu.memref_squeeze %dma_start3A_1519 : memref<1x256xi32, #tpu.memory_space<vmem_shared>> -> memref<256xi32, #tpu.memory_space<vmem_shared>>
      %dma_start3A_1521 = arith.constant 0 : i32
      %dma_start3A_1522 = tpu.memref_slice %arg24[%arg1, %dma_start3A_1521] : memref<16x256xi32, #tpu.memory_space<vmem_shared>> -> memref<1x256xi32, #tpu.memory_space<vmem_shared>>
      %dma_start3A_1523 = tpu.memref_squeeze %dma_start3A_1522 : memref<1x256xi32, #tpu.memory_space<vmem_shared>> -> memref<256xi32, #tpu.memory_space<vmem_shared>>
      tpu.enqueue_dma source(%arg22 : memref<256xi32, #tpu.memory_space<vmem>>) target(%dma_start3A_1523 : memref<256xi32, #tpu.memory_space<vmem_shared>>) target_semaphore(%run_scoped3A : memref<!tpu.dma_semaphore, #tpu.memory_space<semaphore_mem>>)
      %dma_wait3A = arith.constant 0 : i32
      %dma_wait3A_1524 = tpu.memref_slice %arg24[%arg1, %dma_wait3A] : memref<16x256xi32, #tpu.memory_space<vmem_shared>> -> memref<1x256xi32, #tpu.memory_space<vmem_shared>>
      %dma_wait3A_1525 = tpu.memref_squeeze %dma_wait3A_1524 : memref<1x256xi32, #tpu.memory_space<vmem_shared>> -> memref<256xi32, #tpu.memory_space<vmem_shared>>
      %dma_wait3A_1526 = arith.constant 0 : i32
      %dma_wait3A_1527 = tpu.memref_slice %arg24[%arg1, %dma_wait3A_1526] : memref<16x256xi32, #tpu.memory_space<vmem_shared>> -> memref<1x256xi32, #tpu.memory_space<vmem_shared>>
      %dma_wait3A_1528 = tpu.memref_squeeze %dma_wait3A_1527 : memref<1x256xi32, #tpu.memory_space<vmem_shared>> -> memref<256xi32, #tpu.memory_space<vmem_shared>>
      tpu.wait_dma2 semaphore(%run_scoped3A : memref<!tpu.dma_semaphore, #tpu.memory_space<semaphore_mem>>) src(%arg22 : memref<256xi32, #tpu.memory_space<vmem>>) dst(%dma_wait3A_1528 : memref<256xi32, #tpu.memory_space<vmem_shared>>)
      tpu.yield
    }) : () -> ()
    %barrier3A = arith.constant 0 : index
    tpu.barrier barrier_id(%barrier3A)
    %xor3A = arith.constant 1 : i32
    %xor3A_111 = arith.xori %arg1, %xor3A : i32
    "tpu.region"() ({
      %run_scoped3A = tpu.sem_alloc : memref<!tpu.dma_semaphore, #tpu.memory_space<semaphore_mem>>
      %dma_start3A = arith.constant 0 : i32
      %dma_start3A_1519 = tpu.memref_slice %arg24[%xor3A_111, %dma_start3A] : memref<16x256xi32, #tpu.memory_space<vmem_shared>> -> memref<1x256xi32, #tpu.memory_space<vmem_shared>>
      %dma_start3A_1520 = tpu.memref_squeeze %dma_start3A_1519 : memref<1x256xi32, #tpu.memory_space<vmem_shared>> -> memref<256xi32, #tpu.memory_space<vmem_shared>>
      %dma_start3A_1521 = arith.constant 0 : i32
      %dma_start3A_1522 = tpu.memref_slice %arg24[%xor3A_111, %dma_start3A_1521] : memref<16x256xi32, #tpu.memory_space<vmem_shared>> -> memref<1x256xi32, #tpu.memory_space<vmem_shared>>
      %dma_start3A_1523 = tpu.memref_squeeze %dma_start3A_1522 : memref<1x256xi32, #tpu.memory_space<vmem_shared>> -> memref<256xi32, #tpu.memory_space<vmem_shared>>
      tpu.enqueue_dma source(%dma_start3A_1523 : memref<256xi32, #tpu.memory_space<vmem_shared>>) target(%arg23 : memref<256xi32, #tpu.memory_space<vmem>>) target_semaphore(%run_scoped3A : memref<!tpu.dma_semaphore, #tpu.memory_space<semaphore_mem>>)
      %dma_wait3A = arith.constant 0 : i32
      %dma_wait3A_1524 = tpu.memref_slice %arg24[%xor3A_111, %dma_wait3A] : memref<16x256xi32, #tpu.memory_space<vmem_shared>> -> memref<1x256xi32, #tpu.memory_space<vmem_shared>>
      %dma_wait3A_1525 = tpu.memref_squeeze %dma_wait3A_1524 : memref<1x256xi32, #tpu.memory_space<vmem_shared>> -> memref<256xi32, #tpu.memory_space<vmem_shared>>
      %dma_wait3A_1526 = arith.constant 0 : i32
      %dma_wait3A_1527 = tpu.memref_slice %arg24[%xor3A_111, %dma_wait3A_1526] : memref<16x256xi32, #tpu.memory_space<vmem_shared>> -> memref<1x256xi32, #tpu.memory_space<vmem_shared>>
      %dma_wait3A_1528 = tpu.memref_squeeze %dma_wait3A_1527 : memref<1x256xi32, #tpu.memory_space<vmem_shared>> -> memref<256xi32, #tpu.memory_space<vmem_shared>>
      tpu.wait_dma2 semaphore(%run_scoped3A : memref<!tpu.dma_semaphore, #tpu.memory_space<semaphore_mem>>) src(%dma_wait3A_1528 : memref<256xi32, #tpu.memory_space<vmem_shared>>) dst(%arg23 : memref<256xi32, #tpu.memory_space<vmem>>)
      tpu.yield
    }) : () -> ()
    %scan3A_112 = arith.constant 0 : i32
    %scan3A_113 = arith.constant 16 : i32
    %scan3A_114 = arith.addi %scan3A_112, %scan3A_113 : i32
    %scan3A_115 = arith.constant 1 : i32
    scf.for %scan3A_1519 = %scan3A_112 to %scan3A_114 step %scan3A_115  : i32 {
      %mul3A_1520 = arith.constant 1 : i32
      %mul3A_1521 = arith.muli %scan3A_1519, %mul3A_1520 : i32
      %add3A_1522 = arith.constant 0 : i32
      %add3A_1523 = arith.addi %add3A_1522, %mul3A_1521 : i32
      %mul3A_1524 = arith.constant 16 : i32
      %mul3A_1525 = arith.muli %add3A_1523, %mul3A_1524 : i32
      %get3A_1526 = arith.index_cast %mul3A_1525 : i32 to index
      %get3A_1527 = tpu.vector_load %arg22[%get3A_1526] {strides = array<i32>} : memref<256xi32, #tpu.memory_space<vmem>>, vector<16xi32>,
      %mul3A_1528 = arith.constant 16 : i32
      %mul3A_1529 = arith.muli %add3A_1523, %mul3A_1528 : i32
      %get3A_1530 = arith.index_cast %mul3A_1529 : i32 to index
      %get3A_1531 = tpu.vector_load %arg23[%get3A_1530] {strides = array<i32>} : memref<256xi32, #tpu.memory_space<vmem>>, vector<16xi32>,
      %add3A_1532 = arith.addi %get3A_1527, %get3A_1531 : vector<16xi32>
      %mul3A_1533 = arith.constant 16 : i32
      %mul3A_1534 = arith.muli %add3A_1523, %mul3A_1533 : i32
      %swap3A_1535 = arith.index_cast %mul3A_1534 : i32 to index
      %swap3A_1536 = tpu.vector_load %arg22[%swap3A_1535] {strides = array<i32>} : memref<256xi32, #tpu.memory_space<vmem>>, vector<16xi32>,
      tpu.vector_store %arg22[%swap3A_1535], %add3A_1532 {strides = array<i32>} : memref<256xi32, #tpu.memory_space<vmem>>, vector<16xi32>,
    }
    %scan3A_116 = arith.constant 16 : i32
    %barrier3A_117 = arith.constant 0 : index
    tpu.barrier barrier_id(%barrier3A_117)
    %mul3A_118 = arith.constant 16 : i32
    %mul3A_119 = vector.broadcast %mul3A_118 : i32 to vector<16xi32>
    %mul3A_120 = arith.muli %iota3A, %mul3A_119 : vector<16xi32>
    %gather3A = tpu.vector_load_idx %arg22[%mul3A_120] : memref<256xi32, #tpu.memory_space<vmem>>[vector<16xi32>], vector<16xi32>,
    %mul3A_121 = arith.constant 16 : i32
    %mul3A_122 = vector.broadcast %mul3A_121 : i32 to vector<16xi32>
    %mul3A_123 = arith.muli %iota3A, %mul3A_122 : vector<16xi32>
    %add3A_124 = arith.constant 1 : i32
    %add3A_125 = vector.broadcast %add3A_124 : i32 to vector<16xi32>
    %add3A_126 = arith.addi %mul3A_123, %add3A_125 : vector<16xi32>
    %gather3A_127 = tpu.vector_load_idx %arg22[%add3A_126] : memref<256xi32, #tpu.memory_space<vmem>>[vector<16xi32>], vector<16xi32>,
    %add3A_128 = arith.addi %gather3A, %gather3A_127 : vector<16xi32>
    %mul3A_129 = arith.constant 16 : i32
    %mul3A_130 = vector.broadcast %mul3A_129 : i32 to vector<16xi32>
    %mul3A_131 = arith.muli %iota3A, %mul3A_130 : vector<16xi32>
    %add3A_132 = arith.constant 2 : i32
    %add3A_133 = vector.broadcast %add3A_132 : i32 to vector<16xi32>
    %add3A_134 = arith.addi %mul3A_131, %add3A_133 : vector<16xi32>
    %gather3A_135 = tpu.vector_load_idx %arg22[%add3A_134] : memref<256xi32, #tpu.memory_space<vmem>>[vector<16xi32>], vector<16xi32>,
    %add3A_136 = arith.addi %add3A_128, %gather3A_135 : vector<16xi32>
    %mul3A_137 = arith.constant 16 : i32
    %mul3A_138 = vector.broadcast %mul3A_137 : i32 to vector<16xi32>
    %mul3A_139 = arith.muli %iota3A, %mul3A_138 : vector<16xi32>
    %add3A_140 = arith.constant 3 : i32
    %add3A_141 = vector.broadcast %add3A_140 : i32 to vector<16xi32>
    %add3A_142 = arith.addi %mul3A_139, %add3A_141 : vector<16xi32>
    %gather3A_143 = tpu.vector_load_idx %arg22[%add3A_142] : memref<256xi32, #tpu.memory_space<vmem>>[vector<16xi32>], vector<16xi32>,
    %add3A_144 = arith.addi %add3A_136, %gather3A_143 : vector<16xi32>
    %mul3A_145 = arith.constant 16 : i32
    %mul3A_146 = vector.broadcast %mul3A_145 : i32 to vector<16xi32>
    %mul3A_147 = arith.muli %iota3A, %mul3A_146 : vector<16xi32>
    %add3A_148 = arith.constant 4 : i32
    %add3A_149 = vector.broadcast %add3A_148 : i32 to vector<16xi32>
    %add3A_150 = arith.addi %mul3A_147, %add3A_149 : vector<16xi32>
    %gather3A_151 = tpu.vector_load_idx %arg22[%add3A_150] : memref<256xi32, #tpu.memory_space<vmem>>[vector<16xi32>], vector<16xi32>,
    %add3A_152 = arith.addi %add3A_144, %gather3A_151 : vector<16xi32>
    %mul3A_153 = arith.constant 16 : i32
    %mul3A_154 = vector.broadcast %mul3A_153 : i32 to vector<16xi32>
    %mul3A_155 = arith.muli %iota3A, %mul3A_154 : vector<16xi32>
    %add3A_156 = arith.constant 5 : i32
    %add3A_157 = vector.broadcast %add3A_156 : i32 to vector<16xi32>
    %add3A_158 = arith.addi %mul3A_155, %add3A_157 : vector<16xi32>
    %gather3A_159 = tpu.vector_load_idx %arg22[%add3A_158] : memref<256xi32, #tpu.memory_space<vmem>>[vector<16xi32>], vector<16xi32>,
    %add3A_160 = arith.addi %add3A_152, %gather3A_159 : vector<16xi32>
    %mul3A_161 = arith.constant 16 : i32
    %mul3A_162 = vector.broadcast %mul3A_161 : i32 to vector<16xi32>
    %mul3A_163 = arith.muli %iota3A, %mul3A_162 : vector<16xi32>
    %add3A_164 = arith.constant 6 : i32
    %add3A_165 = vector.broadcast %add3A_164 : i32 to vector<16xi32>
    %add3A_166 = arith.addi %mul3A_163, %add3A_165 : vector<16xi32>
    %gather3A_167 = tpu.vector_load_idx %arg22[%add3A_166] : memref<256xi32, #tpu.memory_space<vmem>>[vector<16xi32>], vector<16xi32>,
    %add3A_168 = arith.addi %add3A_160, %gather3A_167 : vector<16xi32>
    %mul3A_169 = arith.constant 16 : i32
    %mul3A_170 = vector.broadcast %mul3A_169 : i32 to vector<16xi32>
    %mul3A_171 = arith.muli %iota3A, %mul3A_170 : vector<16xi32>
    %add3A_172 = arith.constant 7 : i32
    %add3A_173 = vector.broadcast %add3A_172 : i32 to vector<16xi32>
    %add3A_174 = arith.addi %mul3A_171, %add3A_173 : vector<16xi32>
    %gather3A_175 = tpu.vector_load_idx %arg22[%add3A_174] : memref<256xi32, #tpu.memory_space<vmem>>[vector<16xi32>], vector<16xi32>,
    %add3A_176 = arith.addi %add3A_168, %gather3A_175 : vector<16xi32>
    %mul3A_177 = arith.constant 16 : i32
    %mul3A_178 = vector.broadcast %mul3A_177 : i32 to vector<16xi32>
    %mul3A_179 = arith.muli %iota3A, %mul3A_178 : vector<16xi32>
    %add3A_180 = arith.constant 8 : i32
    %add3A_181 = vector.broadcast %add3A_180 : i32 to vector<16xi32>
    %add3A_182 = arith.addi %mul3A_179, %add3A_181 : vector<16xi32>
    %gather3A_183 = tpu.vector_load_idx %arg22[%add3A_182] : memref<256xi32, #tpu.memory_space<vmem>>[vector<16xi32>], vector<16xi32>,
    %add3A_184 = arith.addi %add3A_176, %gather3A_183 : vector<16xi32>
    %mul3A_185 = arith.constant 16 : i32
    %mul3A_186 = vector.broadcast %mul3A_185 : i32 to vector<16xi32>
    %mul3A_187 = arith.muli %iota3A, %mul3A_186 : vector<16xi32>
    %add3A_188 = arith.constant 9 : i32
    %add3A_189 = vector.broadcast %add3A_188 : i32 to vector<16xi32>
    %add3A_190 = arith.addi %mul3A_187, %add3A_189 : vector<16xi32>
    %gather3A_191 = tpu.vector_load_idx %arg22[%add3A_190] : memref<256xi32, #tpu.memory_space<vmem>>[vector<16xi32>], vector<16xi32>,
    %add3A_192 = arith.addi %add3A_184, %gather3A_191 : vector<16xi32>
    %mul3A_193 = arith.constant 16 : i32
    %mul3A_194 = vector.broadcast %mul3A_193 : i32 to vector<16xi32>
    %mul3A_195 = arith.muli %iota3A, %mul3A_194 : vector<16xi32>
    %add3A_196 = arith.constant 10 : i32
    %add3A_197 = vector.broadcast %add3A_196 : i32 to vector<16xi32>
    %add3A_198 = arith.addi %mul3A_195, %add3A_197 : vector<16xi32>
    %gather3A_199 = tpu.vector_load_idx %arg22[%add3A_198] : memref<256xi32, #tpu.memory_space<vmem>>[vector<16xi32>], vector<16xi32>,
    %add3A_200 = arith.addi %add3A_192, %gather3A_199 : vector<16xi32>
    %mul3A_201 = arith.constant 16 : i32
    %mul3A_202 = vector.broadcast %mul3A_201 : i32 to vector<16xi32>
    %mul3A_203 = arith.muli %iota3A, %mul3A_202 : vector<16xi32>
    %add3A_204 = arith.constant 11 : i32
    %add3A_205 = vector.broadcast %add3A_204 : i32 to vector<16xi32>
    %add3A_206 = arith.addi %mul3A_203, %add3A_205 : vector<16xi32>
    %gather3A_207 = tpu.vector_load_idx %arg22[%add3A_206] : memref<256xi32, #tpu.memory_space<vmem>>[vector<16xi32>], vector<16xi32>,
    %add3A_208 = arith.addi %add3A_200, %gather3A_207 : vector<16xi32>
    %mul3A_209 = arith.constant 16 : i32
    %mul3A_210 = vector.broadcast %mul3A_209 : i32 to vector<16xi32>
    %mul3A_211 = arith.muli %iota3A, %mul3A_210 : vector<16xi32>
    %add3A_212 = arith.constant 12 : i32
    %add3A_213 = vector.broadcast %add3A_212 : i32 to vector<16xi32>
    %add3A_214 = arith.addi %mul3A_211, %add3A_213 : vector<16xi32>
    %gather3A_215 = tpu.vector_load_idx %arg22[%add3A_214] : memref<256xi32, #tpu.memory_space<vmem>>[vector<16xi32>], vector<16xi32>,
    %add3A_216 = arith.addi %add3A_208, %gather3A_215 : vector<16xi32>
    %mul3A_217 = arith.constant 16 : i32
    %mul3A_218 = vector.broadcast %mul3A_217 : i32 to vector<16xi32>
    %mul3A_219 = arith.muli %iota3A, %mul3A_218 : vector<16xi32>
    %add3A_220 = arith.constant 13 : i32
    %add3A_221 = vector.broadcast %add3A_220 : i32 to vector<16xi32>
    %add3A_222 = arith.addi %mul3A_219, %add3A_221 : vector<16xi32>
    %gather3A_223 = tpu.vector_load_idx %arg22[%add3A_222] : memref<256xi32, #tpu.memory_space<vmem>>[vector<16xi32>], vector<16xi32>,
    %add3A_224 = arith.addi %add3A_216, %gather3A_223 : vector<16xi32>
    %mul3A_225 = arith.constant 16 : i32
    %mul3A_226 = vector.broadcast %mul3A_225 : i32 to vector<16xi32>
    %mul3A_227 = arith.muli %iota3A, %mul3A_226 : vector<16xi32>
    %add3A_228 = arith.constant 14 : i32
    %add3A_229 = vector.broadcast %add3A_228 : i32 to vector<16xi32>
    %add3A_230 = arith.addi %mul3A_227, %add3A_229 : vector<16xi32>
    %gather3A_231 = tpu.vector_load_idx %arg22[%add3A_230] : memref<256xi32, #tpu.memory_space<vmem>>[vector<16xi32>], vector<16xi32>,
    %add3A_232 = arith.addi %add3A_224, %gather3A_231 : vector<16xi32>
    %mul3A_233 = arith.constant 16 : i32
    %mul3A_234 = vector.broadcast %mul3A_233 : i32 to vector<16xi32>
    %mul3A_235 = arith.muli %iota3A, %mul3A_234 : vector<16xi32>
    %add3A_236 = arith.constant 15 : i32
    %add3A_237 = vector.broadcast %add3A_236 : i32 to vector<16xi32>
    %add3A_238 = arith.addi %mul3A_235, %add3A_237 : vector<16xi32>
    %gather3A_239 = tpu.vector_load_idx %arg22[%add3A_238] : memref<256xi32, #tpu.memory_space<vmem>>[vector<16xi32>], vector<16xi32>,
    %add3A_240 = arith.addi %add3A_232, %gather3A_239 : vector<16xi32>
    %cumsum3A = arith.constant true
    %cumsum3A_241 = vector.broadcast %cumsum3A : i1 to vector<16xi1>
    %cumsum3A_242 = tpu.scan <sum>, %add3A_240 masked %cumsum3A_241 : vector<16xi32>, vector<16xi1> -> vector<16xi32>
    %ge3A = arith.constant 32768 : i32
    %ge3A_243 = vector.broadcast %ge3A : i32 to vector<16xi32>
    %ge3A_244 = arith.cmpi sge, %cumsum3A_242, %ge3A_243 : vector<16xi32>
    %jit3A_245 = arith.constant 16 : i32
    %broadcast_in_dim3A_246 = vector.broadcast %jit3A_245 : i32 to vector<16xi32>
    %select_n3A_247 = arith.select %ge3A_244, %iota3A, %broadcast_in_dim3A_246 : vector<16xi1>, vector<16xi32>
    %reduce_min3A = arith.constant true
    %reduce_min3A_248 = vector.broadcast %reduce_min3A : i1 to vector<16xi1>
    %reduce_min3A_249 = arith.constant -2147483648 : i32
    %reduce_min3A_250 = vector.broadcast %reduce_min3A_249 : i32 to vector<16xi32>
    %reduce_min3A_251 = arith.xori %select_n3A_247, %reduce_min3A_250 : vector<16xi32>
    %reduce_min3A_252 = tpu.scan <min>, %reduce_min3A_251 masked %reduce_min3A_248 : vector<16xi32>, vector<16xi1> -> vector<16xi32>
    %reduce_min3A_253 = arith.xori %reduce_min3A_252, %reduce_min3A_250 : vector<16xi32>
    %reduce_min3A_254 = vector.extract %reduce_min3A_253[15] : i32 from vector<16xi32>
    %lt3A = vector.broadcast %reduce_min3A_254 : i32 to vector<16xi32>
    %lt3A_255 = arith.cmpi slt, %iota3A, %lt3A : vector<16xi32>
    %jit3A_256 = arith.constant 0 : i32
    %broadcast_in_dim3A_257 = vector.broadcast %jit3A_256 : i32 to vector<16xi32>
    %select_n3A_258 = arith.select %lt3A_255, %add3A_240, %broadcast_in_dim3A_257 : vector<16xi1>, vector<16xi32>
    %reduce_sum3A = arith.constant true
    %reduce_sum3A_259 = vector.broadcast %reduce_sum3A : i1 to vector<16xi1>
    %reduce_sum3A_260 = tpu.scan <sum>, %select_n3A_258 masked %reduce_sum3A_259 : vector<16xi32>, vector<16xi1> -> vector<16xi32>
    %reduce_sum3A_261 = vector.extract %reduce_sum3A_260[15] : i32 from vector<16xi32>
    %mul3A_262 = arith.constant 16 : i32
    %mul3A_263 = arith.muli %reduce_min3A_254, %mul3A_262 : i32
    %add3A_264 = vector.broadcast %mul3A_263 : i32 to vector<16xi32>
    %add3A_265 = arith.addi %add3A_264, %iota3A : vector<16xi32>
    %gather3A_266 = tpu.vector_load_idx %arg22[%add3A_265] : memref<256xi32, #tpu.memory_space<vmem>>[vector<16xi32>], vector<16xi32>,
    %cumsum3A_267 = arith.constant true
    %cumsum3A_268 = vector.broadcast %cumsum3A_267 : i1 to vector<16xi1>
    %cumsum3A_269 = tpu.scan <sum>, %gather3A_266 masked %cumsum3A_268 : vector<16xi32>, vector<16xi1> -> vector<16xi32>
    %add3A_270 = vector.broadcast %reduce_sum3A_261 : i32 to vector<16xi32>
    %add3A_271 = arith.addi %cumsum3A_269, %add3A_270 : vector<16xi32>
    %ge3A_272 = arith.constant 32768 : i32
    %ge3A_273 = vector.broadcast %ge3A_272 : i32 to vector<16xi32>
    %ge3A_274 = arith.cmpi sge, %add3A_271, %ge3A_273 : vector<16xi32>
    %jit3A_275 = arith.constant 16 : i32
    %broadcast_in_dim3A_276 = vector.broadcast %jit3A_275 : i32 to vector<16xi32>
    %select_n3A_277 = arith.select %ge3A_274, %iota3A, %broadcast_in_dim3A_276 : vector<16xi1>, vector<16xi32>
    %reduce_min3A_278 = arith.constant true
    %reduce_min3A_279 = vector.broadcast %reduce_min3A_278 : i1 to vector<16xi1>
    %reduce_min3A_280 = arith.constant -2147483648 : i32
    %reduce_min3A_281 = vector.broadcast %reduce_min3A_280 : i32 to vector<16xi32>
    %reduce_min3A_282 = arith.xori %select_n3A_277, %reduce_min3A_281 : vector<16xi32>
    %reduce_min3A_283 = tpu.scan <min>, %reduce_min3A_282 masked %reduce_min3A_279 : vector<16xi32>, vector<16xi1> -> vector<16xi32>
    %reduce_min3A_284 = arith.xori %reduce_min3A_283, %reduce_min3A_281 : vector<16xi32>
    %reduce_min3A_285 = vector.extract %reduce_min3A_284[15] : i32 from vector<16xi32>
    %lt3A_286 = vector.broadcast %reduce_min3A_285 : i32 to vector<16xi32>
    %lt3A_287 = arith.cmpi slt, %iota3A, %lt3A_286 : vector<16xi32>
    %jit3A_288 = arith.constant 0 : i32
    %broadcast_in_dim3A_289 = vector.broadcast %jit3A_288 : i32 to vector<16xi32>
    %select_n3A_290 = arith.select %lt3A_287, %gather3A_266, %broadcast_in_dim3A_289 : vector<16xi1>, vector<16xi32>
    %reduce_sum3A_291 = arith.constant true
    %reduce_sum3A_292 = vector.broadcast %reduce_sum3A_291 : i1 to vector<16xi1>
    %reduce_sum3A_293 = tpu.scan <sum>, %select_n3A_290 masked %reduce_sum3A_292 : vector<16xi32>, vector<16xi1> -> vector<16xi32>
    %reduce_sum3A_294 = vector.extract %reduce_sum3A_293[15] : i32 from vector<16xi32>
    %add3A_295 = arith.addi %reduce_sum3A_261, %reduce_sum3A_294 : i32
    %eq3A_296 = vector.broadcast %reduce_min3A_285 : i32 to vector<16xi32>
    %eq3A_297 = arith.cmpi eq, %iota3A, %eq3A_296 : vector<16xi32>
    %jit3A_298 = arith.constant 0 : i32
    %broadcast_in_dim3A_299 = vector.broadcast %jit3A_298 : i32 to vector<16xi32>
    %select_n3A_300 = arith.select %eq3A_297, %gather3A_266, %broadcast_in_dim3A_299 : vector<16xi1>, vector<16xi32>
    %reduce_sum3A_301 = arith.constant true
    %reduce_sum3A_302 = vector.broadcast %reduce_sum3A_301 : i1 to vector<16xi1>
    %reduce_sum3A_303 = tpu.scan <sum>, %select_n3A_300 masked %reduce_sum3A_302 : vector<16xi32>, vector<16xi1> -> vector<16xi32>
    %reduce_sum3A_304 = vector.extract %reduce_sum3A_303[15] : i32 from vector<16xi32>
    %mul3A_305 = arith.constant 16 : i32
    %mul3A_306 = arith.muli %reduce_min3A_254, %mul3A_305 : i32
    %add3A_307 = arith.addi %mul3A_306, %reduce_min3A_285 : i32
    %mul3A_308 = arith.constant 16 : i32
    %mul3A_309 = vector.broadcast %mul3A_308 : i32 to vector<16xi32>
    %mul3A_310 = arith.muli %iota3A, %mul3A_309 : vector<16xi32>
    %gather3A_311 = tpu.vector_load_idx %arg22[%mul3A_310] : memref<256xi32, #tpu.memory_space<vmem>>[vector<16xi32>], vector<16xi32>,
    %mul3A_312 = arith.constant 16 : i32
    %mul3A_313 = vector.broadcast %mul3A_312 : i32 to vector<16xi32>
    %mul3A_314 = arith.muli %iota3A, %mul3A_313 : vector<16xi32>
    %add3A_315 = arith.constant 1 : i32
    %add3A_316 = vector.broadcast %add3A_315 : i32 to vector<16xi32>
    %add3A_317 = arith.addi %mul3A_314, %add3A_316 : vector<16xi32>
    %gather3A_318 = tpu.vector_load_idx %arg22[%add3A_317] : memref<256xi32, #tpu.memory_space<vmem>>[vector<16xi32>], vector<16xi32>,
    %add3A_319 = arith.addi %gather3A_311, %gather3A_318 : vector<16xi32>
    %mul3A_320 = arith.constant 16 : i32
    %mul3A_321 = vector.broadcast %mul3A_320 : i32 to vector<16xi32>
    %mul3A_322 = arith.muli %iota3A, %mul3A_321 : vector<16xi32>
    %add3A_323 = arith.constant 2 : i32
    %add3A_324 = vector.broadcast %add3A_323 : i32 to vector<16xi32>
    %add3A_325 = arith.addi %mul3A_322, %add3A_324 : vector<16xi32>
    %gather3A_326 = tpu.vector_load_idx %arg22[%add3A_325] : memref<256xi32, #tpu.memory_space<vmem>>[vector<16xi32>], vector<16xi32>,
    %add3A_327 = arith.addi %add3A_319, %gather3A_326 : vector<16xi32>
    %mul3A_328 = arith.constant 16 : i32
    %mul3A_329 = vector.broadcast %mul3A_328 : i32 to vector<16xi32>
    %mul3A_330 = arith.muli %iota3A, %mul3A_329 : vector<16xi32>
    %add3A_331 = arith.constant 3 : i32
    %add3A_332 = vector.broadcast %add3A_331 : i32 to vector<16xi32>
    %add3A_333 = arith.addi %mul3A_330, %add3A_332 : vector<16xi32>
    %gather3A_334 = tpu.vector_load_idx %arg22[%add3A_333] : memref<256xi32, #tpu.memory_space<vmem>>[vector<16xi32>], vector<16xi32>,
    %add3A_335 = arith.addi %add3A_327, %gather3A_334 : vector<16xi32>
    %mul3A_336 = arith.constant 16 : i32
    %mul3A_337 = vector.broadcast %mul3A_336 : i32 to vector<16xi32>
    %mul3A_338 = arith.muli %iota3A, %mul3A_337 : vector<16xi32>
    %add3A_339 = arith.constant 4 : i32
    %add3A_340 = vector.broadcast %add3A_339 : i32 to vector<16xi32>
    %add3A_341 = arith.addi %mul3A_338, %add3A_340 : vector<16xi32>
    %gather3A_342 = tpu.vector_load_idx %arg22[%add3A_341] : memref<256xi32, #tpu.memory_space<vmem>>[vector<16xi32>], vector<16xi32>,
    %add3A_343 = arith.addi %add3A_335, %gather3A_342 : vector<16xi32>
    %mul3A_344 = arith.constant 16 : i32
    %mul3A_345 = vector.broadcast %mul3A_344 : i32 to vector<16xi32>
    %mul3A_346 = arith.muli %iota3A, %mul3A_345 : vector<16xi32>
    %add3A_347 = arith.constant 5 : i32
    %add3A_348 = vector.broadcast %add3A_347 : i32 to vector<16xi32>
    %add3A_349 = arith.addi %mul3A_346, %add3A_348 : vector<16xi32>
    %gather3A_350 = tpu.vector_load_idx %arg22[%add3A_349] : memref<256xi32, #tpu.memory_space<vmem>>[vector<16xi32>], vector<16xi32>,
    %add3A_351 = arith.addi %add3A_343, %gather3A_350 : vector<16xi32>
    %mul3A_352 = arith.constant 16 : i32
    %mul3A_353 = vector.broadcast %mul3A_352 : i32 to vector<16xi32>
    %mul3A_354 = arith.muli %iota3A, %mul3A_353 : vector<16xi32>
    %add3A_355 = arith.constant 6 : i32
    %add3A_356 = vector.broadcast %add3A_355 : i32 to vector<16xi32>
    %add3A_357 = arith.addi %mul3A_354, %add3A_356 : vector<16xi32>
    %gather3A_358 = tpu.vector_load_idx %arg22[%add3A_357] : memref<256xi32, #tpu.memory_space<vmem>>[vector<16xi32>], vector<16xi32>,
    %add3A_359 = arith.addi %add3A_351, %gather3A_358 : vector<16xi32>
    %mul3A_360 = arith.constant 16 : i32
    %mul3A_361 = vector.broadcast %mul3A_360 : i32 to vector<16xi32>
    %mul3A_362 = arith.muli %iota3A, %mul3A_361 : vector<16xi32>
    %add3A_363 = arith.constant 7 : i32
    %add3A_364 = vector.broadcast %add3A_363 : i32 to vector<16xi32>
    %add3A_365 = arith.addi %mul3A_362, %add3A_364 : vector<16xi32>
    %gather3A_366 = tpu.vector_load_idx %arg22[%add3A_365] : memref<256xi32, #tpu.memory_space<vmem>>[vector<16xi32>], vector<16xi32>,
    %add3A_367 = arith.addi %add3A_359, %gather3A_366 : vector<16xi32>
    %mul3A_368 = arith.constant 16 : i32
    %mul3A_369 = vector.broadcast %mul3A_368 : i32 to vector<16xi32>
    %mul3A_370 = arith.muli %iota3A, %mul3A_369 : vector<16xi32>
    %add3A_371 = arith.constant 8 : i32
    %add3A_372 = vector.broadcast %add3A_371 : i32 to vector<16xi32>
    %add3A_373 = arith.addi %mul3A_370, %add3A_372 : vector<16xi32>
    %gather3A_374 = tpu.vector_load_idx %arg22[%add3A_373] : memref<256xi32, #tpu.memory_space<vmem>>[vector<16xi32>], vector<16xi32>,
    %add3A_375 = arith.addi %add3A_367, %gather3A_374 : vector<16xi32>
    %mul3A_376 = arith.constant 16 : i32
    %mul3A_377 = vector.broadcast %mul3A_376 : i32 to vector<16xi32>
    %mul3A_378 = arith.muli %iota3A, %mul3A_377 : vector<16xi32>
    %add3A_379 = arith.constant 9 : i32
    %add3A_380 = vector.broadcast %add3A_379 : i32 to vector<16xi32>
    %add3A_381 = arith.addi %mul3A_378, %add3A_380 : vector<16xi32>
    %gather3A_382 = tpu.vector_load_idx %arg22[%add3A_381] : memref<256xi32, #tpu.memory_space<vmem>>[vector<16xi32>], vector<16xi32>,
    %add3A_383 = arith.addi %add3A_375, %gather3A_382 : vector<16xi32>
    %mul3A_384 = arith.constant 16 : i32
    %mul3A_385 = vector.broadcast %mul3A_384 : i32 to vector<16xi32>
    %mul3A_386 = arith.muli %iota3A, %mul3A_385 : vector<16xi32>
    %add3A_387 = arith.constant 10 : i32
    %add3A_388 = vector.broadcast %add3A_387 : i32 to vector<16xi32>
    %add3A_389 = arith.addi %mul3A_386, %add3A_388 : vector<16xi32>
    %gather3A_390 = tpu.vector_load_idx %arg22[%add3A_389] : memref<256xi32, #tpu.memory_space<vmem>>[vector<16xi32>], vector<16xi32>,
    %add3A_391 = arith.addi %add3A_383, %gather3A_390 : vector<16xi32>
    %mul3A_392 = arith.constant 16 : i32
    %mul3A_393 = vector.broadcast %mul3A_392 : i32 to vector<16xi32>
    %mul3A_394 = arith.muli %iota3A, %mul3A_393 : vector<16xi32>
    %add3A_395 = arith.constant 11 : i32
    %add3A_396 = vector.broadcast %add3A_395 : i32 to vector<16xi32>
    %add3A_397 = arith.addi %mul3A_394, %add3A_396 : vector<16xi32>
    %gather3A_398 = tpu.vector_load_idx %arg22[%add3A_397] : memref<256xi32, #tpu.memory_space<vmem>>[vector<16xi32>], vector<16xi32>,
    %add3A_399 = arith.addi %add3A_391, %gather3A_398 : vector<16xi32>
    %mul3A_400 = arith.constant 16 : i32
    %mul3A_401 = vector.broadcast %mul3A_400 : i32 to vector<16xi32>
    %mul3A_402 = arith.muli %iota3A, %mul3A_401 : vector<16xi32>
    %add3A_403 = arith.constant 12 : i32
    %add3A_404 = vector.broadcast %add3A_403 : i32 to vector<16xi32>
    %add3A_405 = arith.addi %mul3A_402, %add3A_404 : vector<16xi32>
    %gather3A_406 = tpu.vector_load_idx %arg22[%add3A_405] : memref<256xi32, #tpu.memory_space<vmem>>[vector<16xi32>], vector<16xi32>,
    %add3A_407 = arith.addi %add3A_399, %gather3A_406 : vector<16xi32>
    %mul3A_408 = arith.constant 16 : i32
    %mul3A_409 = vector.broadcast %mul3A_408 : i32 to vector<16xi32>
    %mul3A_410 = arith.muli %iota3A, %mul3A_409 : vector<16xi32>
    %add3A_411 = arith.constant 13 : i32
    %add3A_412 = vector.broadcast %add3A_411 : i32 to vector<16xi32>
    %add3A_413 = arith.addi %mul3A_410, %add3A_412 : vector<16xi32>
    %gather3A_414 = tpu.vector_load_idx %arg22[%add3A_413] : memref<256xi32, #tpu.memory_space<vmem>>[vector<16xi32>], vector<16xi32>,
    %add3A_415 = arith.addi %add3A_407, %gather3A_414 : vector<16xi32>
    %mul3A_416 = arith.constant 16 : i32
    %mul3A_417 = vector.broadcast %mul3A_416 : i32 to vector<16xi32>
    %mul3A_418 = arith.muli %iota3A, %mul3A_417 : vector<16xi32>
    %add3A_419 = arith.constant 14 : i32
    %add3A_420 = vector.broadcast %add3A_419 : i32 to vector<16xi32>
    %add3A_421 = arith.addi %mul3A_418, %add3A_420 : vector<16xi32>
    %gather3A_422 = tpu.vector_load_idx %arg22[%add3A_421] : memref<256xi32, #tpu.memory_space<vmem>>[vector<16xi32>], vector<16xi32>,
    %add3A_423 = arith.addi %add3A_415, %gather3A_422 : vector<16xi32>
    %mul3A_424 = arith.constant 16 : i32
    %mul3A_425 = vector.broadcast %mul3A_424 : i32 to vector<16xi32>
    %mul3A_426 = arith.muli %iota3A, %mul3A_425 : vector<16xi32>
    %add3A_427 = arith.constant 15 : i32
    %add3A_428 = vector.broadcast %add3A_427 : i32 to vector<16xi32>
    %add3A_429 = arith.addi %mul3A_426, %add3A_428 : vector<16xi32>
    %gather3A_430 = tpu.vector_load_idx %arg22[%add3A_429] : memref<256xi32, #tpu.memory_space<vmem>>[vector<16xi32>], vector<16xi32>,
    %add3A_431 = arith.addi %add3A_423, %gather3A_430 : vector<16xi32>
    %cumsum3A_432 = arith.constant true
    %cumsum3A_433 = vector.broadcast %cumsum3A_432 : i1 to vector<16xi1>
    %cumsum3A_434 = tpu.scan <sum>, %add3A_431 masked %cumsum3A_433 : vector<16xi32>, vector<16xi1> -> vector<16xi32>
    %ge3A_435 = arith.constant 32769 : i32
    %ge3A_436 = vector.broadcast %ge3A_435 : i32 to vector<16xi32>
    %ge3A_437 = arith.cmpi sge, %cumsum3A_434, %ge3A_436 : vector<16xi32>
    %jit3A_438 = arith.constant 16 : i32
    %broadcast_in_dim3A_439 = vector.broadcast %jit3A_438 : i32 to vector<16xi32>
    %select_n3A_440 = arith.select %ge3A_437, %iota3A, %broadcast_in_dim3A_439 : vector<16xi1>, vector<16xi32>
    %reduce_min3A_441 = arith.constant true
    %reduce_min3A_442 = vector.broadcast %reduce_min3A_441 : i1 to vector<16xi1>
    %reduce_min3A_443 = arith.constant -2147483648 : i32
    %reduce_min3A_444 = vector.broadcast %reduce_min3A_443 : i32 to vector<16xi32>
    %reduce_min3A_445 = arith.xori %select_n3A_440, %reduce_min3A_444 : vector<16xi32>
    %reduce_min3A_446 = tpu.scan <min>, %reduce_min3A_445 masked %reduce_min3A_442 : vector<16xi32>, vector<16xi1> -> vector<16xi32>
    %reduce_min3A_447 = arith.xori %reduce_min3A_446, %reduce_min3A_444 : vector<16xi32>
    %reduce_min3A_448 = vector.extract %reduce_min3A_447[15] : i32 from vector<16xi32>
    %lt3A_449 = vector.broadcast %reduce_min3A_448 : i32 to vector<16xi32>
    %lt3A_450 = arith.cmpi slt, %iota3A, %lt3A_449 : vector<16xi32>
    %jit3A_451 = arith.constant 0 : i32
    %broadcast_in_dim3A_452 = vector.broadcast %jit3A_451 : i32 to vector<16xi32>
    %select_n3A_453 = arith.select %lt3A_450, %add3A_431, %broadcast_in_dim3A_452 : vector<16xi1>, vector<16xi32>
    %reduce_sum3A_454 = arith.constant true
    %reduce_sum3A_455 = vector.broadcast %reduce_sum3A_454 : i1 to vector<16xi1>
    %reduce_sum3A_456 = tpu.scan <sum>, %select_n3A_453 masked %reduce_sum3A_455 : vector<16xi32>, vector<16xi1> -> vector<16xi32>
    %reduce_sum3A_457 = vector.extract %reduce_sum3A_456[15] : i32 from vector<16xi32>
    %mul3A_458 = arith.constant 16 : i32
    %mul3A_459 = arith.muli %reduce_min3A_448, %mul3A_458 : i32
    %add3A_460 = vector.broadcast %mul3A_459 : i32 to vector<16xi32>
    %add3A_461 = arith.addi %add3A_460, %iota3A : vector<16xi32>
    %gather3A_462 = tpu.vector_load_idx %arg22[%add3A_461] : memref<256xi32, #tpu.memory_space<vmem>>[vector<16xi32>], vector<16xi32>,
    %cumsum3A_463 = arith.constant true
    %cumsum3A_464 = vector.broadcast %cumsum3A_463 : i1 to vector<16xi1>
    %cumsum3A_465 = tpu.scan <sum>, %gather3A_462 masked %cumsum3A_464 : vector<16xi32>, vector<16xi1> -> vector<16xi32>
    %add3A_466 = vector.broadcast %reduce_sum3A_457 : i32 to vector<16xi32>
    %add3A_467 = arith.addi %cumsum3A_465, %add3A_466 : vector<16xi32>
    %ge3A_468 = arith.constant 32769 : i32
    %ge3A_469 = vector.broadcast %ge3A_468 : i32 to vector<16xi32>
    %ge3A_470 = arith.cmpi sge, %add3A_467, %ge3A_469 : vector<16xi32>
    %jit3A_471 = arith.constant 16 : i32
    %broadcast_in_dim3A_472 = vector.broadcast %jit3A_471 : i32 to vector<16xi32>
    %select_n3A_473 = arith.select %ge3A_470, %iota3A, %broadcast_in_dim3A_472 : vector<16xi1>, vector<16xi32>
    %reduce_min3A_474 = arith.constant true
    %reduce_min3A_475 = vector.broadcast %reduce_min3A_474 : i1 to vector<16xi1>
    %reduce_min3A_476 = arith.constant -2147483648 : i32
    %reduce_min3A_477 = vector.broadcast %reduce_min3A_476 : i32 to vector<16xi32>
    %reduce_min3A_478 = arith.xori %select_n3A_473, %reduce_min3A_477 : vector<16xi32>
    %reduce_min3A_479 = tpu.scan <min>, %reduce_min3A_478 masked %reduce_min3A_475 : vector<16xi32>, vector<16xi1> -> vector<16xi32>
    %reduce_min3A_480 = arith.xori %reduce_min3A_479, %reduce_min3A_477 : vector<16xi32>
    %reduce_min3A_481 = vector.extract %reduce_min3A_480[15] : i32 from vector<16xi32>
    %lt3A_482 = vector.broadcast %reduce_min3A_481 : i32 to vector<16xi32>
    %lt3A_483 = arith.cmpi slt, %iota3A, %lt3A_482 : vector<16xi32>
    %jit3A_484 = arith.constant 0 : i32
    %broadcast_in_dim3A_485 = vector.broadcast %jit3A_484 : i32 to vector<16xi32>
    %select_n3A_486 = arith.select %lt3A_483, %gather3A_462, %broadcast_in_dim3A_485 : vector<16xi1>, vector<16xi32>
    %reduce_sum3A_487 = arith.constant true
    %reduce_sum3A_488 = vector.broadcast %reduce_sum3A_487 : i1 to vector<16xi1>
    %reduce_sum3A_489 = tpu.scan <sum>, %select_n3A_486 masked %reduce_sum3A_488 : vector<16xi32>, vector<16xi1> -> vector<16xi32>
    %reduce_sum3A_490 = vector.extract %reduce_sum3A_489[15] : i32 from vector<16xi32>
    %add3A_491 = arith.addi %reduce_sum3A_457, %reduce_sum3A_490 : i32
    %eq3A_492 = vector.broadcast %reduce_min3A_481 : i32 to vector<16xi32>
    %eq3A_493 = arith.cmpi eq, %iota3A, %eq3A_492 : vector<16xi32>
    %jit3A_494 = arith.constant 0 : i32
    %broadcast_in_dim3A_495 = vector.broadcast %jit3A_494 : i32 to vector<16xi32>
    %select_n3A_496 = arith.select %eq3A_493, %gather3A_462, %broadcast_in_dim3A_495 : vector<16xi1>, vector<16xi32>
    %reduce_sum3A_497 = arith.constant true
    %reduce_sum3A_498 = vector.broadcast %reduce_sum3A_497 : i1 to vector<16xi1>
    %reduce_sum3A_499 = tpu.scan <sum>, %select_n3A_496 masked %reduce_sum3A_498 : vector<16xi32>, vector<16xi1> -> vector<16xi32>
    %reduce_sum3A_500 = vector.extract %reduce_sum3A_499[15] : i32 from vector<16xi32>
    %mul3A_501 = arith.constant 16 : i32
    %mul3A_502 = arith.muli %reduce_min3A_448, %mul3A_501 : i32
    %add3A_503 = arith.addi %mul3A_502, %reduce_min3A_481 : i32
    %sub3A_504 = arith.constant 32768 : i32
    %sub3A_505 = arith.subi %sub3A_504, %add3A_295 : i32
    %parallel_loop3A_506 = arith.constant 0 : i32
    %parallel_loop3A_507 = arith.constant 32768 : i32
    %parallel_loop3A_508 = arith.constant 16 : i32
    %parallel_loop3A_509 = arith.constant 0 : i32
    %parallel_loop3A_510 = scf.for %parallel_loop3A_1519 = %parallel_loop3A_506 to %parallel_loop3A_507 step %parallel_loop3A_508 iter_args(%parallel_loop3A_1520 = %parallel_loop3A_509) -> (i32)  : i32 {
      %parallel_loop3A_1521 = arith.index_cast %parallel_loop3A_1519 : i32 to index
      %parallel_loop3A_1522 = tpu.vector_load %arg19[%parallel_loop3A_1521] {strides = array<i32>} : memref<32768xf32, #tpu.memory_space<vmem>>, vector<16xf32>,
      %parallel_loop3A_1523 = arith.constant 2.560000e+02 : f32
      %parallel_loop3A_1524 = vector.broadcast %parallel_loop3A_1523 : f32 to vector<16xf32>
      %parallel_loop3A_1525 = arith.mulf %parallel_loop3A_1522, %parallel_loop3A_1524 : vector<16xf32>
      %parallel_loop3A_1526 = arith.fptosi %parallel_loop3A_1525 : vector<16xf32> to vector<16xi32>
      %parallel_loop3A_1527 = vector.broadcast %add3A_307 : i32 to vector<16xi32>
      %parallel_loop3A_1528 = arith.cmpi eq, %parallel_loop3A_1526, %parallel_loop3A_1527 : vector<16xi32>
      %parallel_loop3A_1529 = vector.broadcast %add3A_503 : i32 to vector<16xi32>
      %parallel_loop3A_1530 = arith.cmpi eq, %parallel_loop3A_1526, %parallel_loop3A_1529 : vector<16xi32>
      %parallel_loop3A_1531 = arith.ori %parallel_loop3A_1528, %parallel_loop3A_1530 : vector<16xi1>
      %parallel_loop3A_1532 = arith.index_cast %parallel_loop3A_1519 : i32 to index
      %parallel_loop3A_1533 = tpu.vector_load %arg19[%parallel_loop3A_1532] {strides = array<i32>} : memref<32768xf32, #tpu.memory_space<vmem>>, vector<16xf32>,
      %parallel_loop3A_1534 = vector.bitcast %parallel_loop3A_1533 : vector<16xf32> to vector<16xi32>
      %parallel_loop3A_1535 = arith.index_cast %parallel_loop3A_1520 : i32 to index
      %parallel_loop3A_1536 = tpu.vector_load %arg20[%parallel_loop3A_1535] masked %parallel_loop3A_1531 {strides = array<i32>} : memref<32800xi32, #tpu.memory_space<vmem>>, vector<16xi32>, vector<16xi1>
      tpu.vector_store %arg20[%parallel_loop3A_1535], %parallel_loop3A_1534 masked %parallel_loop3A_1531 {strides = array<i32>} : memref<32800xi32, #tpu.memory_space<vmem>>, vector<16xi32>, vector<16xi1>
      %parallel_loop3A_1537 = tpu.all_reduce %parallel_loop3A_1531 {dim = 0 : i64, kind = #tpu.reduction_kind<sum>} : vector<16xi1> -> vector<16xi32>
      %parallel_loop3A_1538 = arith.constant true
      %parallel_loop3A_1539 = vector.broadcast %parallel_loop3A_1538 : i1 to vector<16xi1>
      %parallel_loop3A_1540 = arith.constant -2147483648 : i32
      %parallel_loop3A_1541 = vector.broadcast %parallel_loop3A_1540 : i32 to vector<16xi32>
      %parallel_loop3A_1542 = arith.xori %parallel_loop3A_1537, %parallel_loop3A_1541 : vector<16xi32>
      %parallel_loop3A_1543 = tpu.scan <max>, %parallel_loop3A_1542 masked %parallel_loop3A_1539 : vector<16xi32>, vector<16xi1> -> vector<16xi32>
      %parallel_loop3A_1544 = arith.xori %parallel_loop3A_1543, %parallel_loop3A_1541 : vector<16xi32>
      %parallel_loop3A_1545 = vector.extract %parallel_loop3A_1544[15] : i32 from vector<16xi32>
      %parallel_loop3A_1546 = arith.addi %parallel_loop3A_1520, %parallel_loop3A_1545 : i32
      scf.yield %parallel_loop3A_1546 : i32
    } {sc.loop_unroll_factor = 8 : i64, sc.parallel_access}
    %broadcast_in_dim3A_511 = arith.constant 1073741824 : i32
    %broadcast_in_dim3A_512 = vector.broadcast %broadcast_in_dim3A_511 : i32 to vector<16xi32>
    %swap3A = arith.index_cast %parallel_loop3A_510 : i32 to index
    %swap3A_513 = tpu.vector_load %arg20[%swap3A] {strides = array<i32>} : memref<32800xi32, #tpu.memory_space<vmem>>, vector<16xi32>,
    tpu.vector_store %arg20[%swap3A], %broadcast_in_dim3A_512 {strides = array<i32>} : memref<32800xi32, #tpu.memory_space<vmem>>, vector<16xi32>,
    %add3A_514 = arith.constant 16 : i32
    %add3A_515 = arith.addi %parallel_loop3A_510, %add3A_514 : i32
    %sub3A_516 = arith.constant 1 : i32
    %sub3A_517 = arith.subi %add3A_515, %sub3A_516 : i32
    %shift_right_arithmetic3A = arith.constant 4 : i32
    %shift_right_arithmetic3A_518 = arith.shrsi %sub3A_517, %shift_right_arithmetic3A : i32
    %scan3A_519 = arith.constant 0 : i32
    %scan3A_520 = arith.constant 256 : i32
    %scan3A_521 = arith.addi %scan3A_519, %scan3A_520 : i32
    %scan3A_522 = arith.constant 1 : i32
    scf.for %scan3A_1519 = %scan3A_519 to %scan3A_521 step %scan3A_522  : i32 {
      %mul3A_1520 = arith.constant 16 : i32
      %mul3A_1521 = arith.muli %scan3A_1519, %mul3A_1520 : i32
      %add3A_1522 = arith.constant 0 : i32
      %add3A_1523 = arith.addi %add3A_1522, %mul3A_1521 : i32
      %broadcast_in_dim3A_1524 = arith.constant 0 : i32
      %broadcast_in_dim3A_1525 = vector.broadcast %broadcast_in_dim3A_1524 : i32 to vector<16xi32>
      %swap3A_1526 = arith.index_cast %add3A_1523 : i32 to index
      %swap3A_1527 = tpu.vector_load %arg21[%swap3A_1526] {strides = array<i32>} : memref<4096xi32, #tpu.memory_space<vmem>>, vector<16xi32>,
      tpu.vector_store %arg21[%swap3A_1526], %broadcast_in_dim3A_1525 {strides = array<i32>} : memref<4096xi32, #tpu.memory_space<vmem>>, vector<16xi32>,
    }
    %scan3A_523 = arith.constant 256 : i32
    %sub3A_524 = arith.constant 0 : i32
    %sub3A_525 = arith.subi %shift_right_arithmetic3A_518, %sub3A_524 : i32
    %sub3A_526 = arith.constant 1 : i32
    %sub3A_527 = arith.constant 1 : i32
    %sub3A_528 = arith.subi %sub3A_526, %sub3A_527 : i32
    %add3A_529 = arith.addi %sub3A_525, %sub3A_528 : i32
    %div3A_530 = arith.constant 1 : i32
    %div3A_531 = arith.divsi %add3A_529, %div3A_530 : i32
    %while3A = arith.constant 1 : i32
    %while3A_532 = arith.constant 0 : i32
    %while3A_533 = arith.constant 0 : i32
    %while3A_534 = arith.subi %div3A_531, %while3A_533 : i32
    %while3A_535 = arith.addi %while3A_533, %while3A_534 : i32
    %while3A_536 = arith.constant 1 : i32
    %while3A_537 = arith.divsi %while3A_534, %while3A_536 : i32
    %while3A_538 = arith.muli %while3A_537, %while3A_536 : i32
    %while3A_539 = arith.addi %while3A_533, %while3A_538 : i32
    %while3A_540 = arith.constant 1 : i32
    scf.for %while3A_1519 = %while3A_533 to %while3A_539 step %while3A_540  : i32 {
      %mul3A_1520 = arith.muli %while3A_1519, %while3A : i32
      %add3A_1521 = arith.addi %while3A_532, %mul3A_1520 : i32
      %mul3A_1522 = arith.constant 16 : i32
      %mul3A_1523 = arith.muli %add3A_1521, %mul3A_1522 : i32
      %get3A_1524 = arith.index_cast %mul3A_1523 : i32 to index
      %get3A_1525 = tpu.vector_load %arg20[%get3A_1524] {strides = array<i32>} : memref<32800xi32, #tpu.memory_space<vmem>>, vector<16xi32>,
      %bitcast3A_1526 = vector.bitcast %get3A_1525 : vector<16xi32> to vector<16xf32>
      %mul3A_1527 = arith.constant 2.560000e+02 : f32
      %mul3A_1528 = vector.broadcast %mul3A_1527 : f32 to vector<16xf32>
      %mul3A_1529 = arith.mulf %bitcast3A_1526, %mul3A_1528 : vector<16xf32>
      %convert_element_type3A_1530 = arith.fptosi %mul3A_1529 : vector<16xf32> to vector<16xi32>
      %eq3A_1531 = vector.broadcast %add3A_307 : i32 to vector<16xi32>
      %eq3A_1532 = arith.cmpi eq, %convert_element_type3A_1530, %eq3A_1531 : vector<16xi32>
      %shift_right_arithmetic3A_1533 = arith.constant 22 : i32
      %shift_right_arithmetic3A_1534 = vector.broadcast %shift_right_arithmetic3A_1533 : i32 to vector<16xi32>
      %shift_right_arithmetic3A_1535 = arith.shrsi %get3A_1525, %shift_right_arithmetic3A_1534 : vector<16xi32>
      %and3A_1536 = arith.constant 255 : i32
      %and3A_1537 = vector.broadcast %and3A_1536 : i32 to vector<16xi32>
      %and3A_1538 = arith.andi %shift_right_arithmetic3A_1535, %and3A_1537 : vector<16xi32>
      %add3A_1539 = arith.addi %mul3A_21, %and3A_1538 : vector<16xi32>
      tpu.vector_store_idx %arg21[%add3A_1539], %broadcast_in_dim3A_22 masked %eq3A_1532 {add = true} : memref<4096xi32, #tpu.memory_space<vmem>>[vector<16xi32>], vector<16xi32>, vector<16xi1>
    }
    %while3A_541 = arith.constant 1 : i32
    scf.for %while3A_1519 = %while3A_539 to %while3A_535 step %while3A_541  : i32 {
      %mul3A_1520 = arith.muli %while3A_1519, %while3A : i32
      %add3A_1521 = arith.addi %while3A_532, %mul3A_1520 : i32
      %mul3A_1522 = arith.constant 16 : i32
      %mul3A_1523 = arith.muli %add3A_1521, %mul3A_1522 : i32
      %get3A_1524 = arith.index_cast %mul3A_1523 : i32 to index
      %get3A_1525 = tpu.vector_load %arg20[%get3A_1524] {strides = array<i32>} : memref<32800xi32, #tpu.memory_space<vmem>>, vector<16xi32>,
      %bitcast3A_1526 = vector.bitcast %get3A_1525 : vector<16xi32> to vector<16xf32>
      %mul3A_1527 = arith.constant 2.560000e+02 : f32
      %mul3A_1528 = vector.broadcast %mul3A_1527 : f32 to vector<16xf32>
      %mul3A_1529 = arith.mulf %bitcast3A_1526, %mul3A_1528 : vector<16xf32>
      %convert_element_type3A_1530 = arith.fptosi %mul3A_1529 : vector<16xf32> to vector<16xi32>
      %eq3A_1531 = vector.broadcast %add3A_307 : i32 to vector<16xi32>
      %eq3A_1532 = arith.cmpi eq, %convert_element_type3A_1530, %eq3A_1531 : vector<16xi32>
      %shift_right_arithmetic3A_1533 = arith.constant 22 : i32
      %shift_right_arithmetic3A_1534 = vector.broadcast %shift_right_arithmetic3A_1533 : i32 to vector<16xi32>
      %shift_right_arithmetic3A_1535 = arith.shrsi %get3A_1525, %shift_right_arithmetic3A_1534 : vector<16xi32>
      %and3A_1536 = arith.constant 255 : i32
      %and3A_1537 = vector.broadcast %and3A_1536 : i32 to vector<16xi32>
      %and3A_1538 = arith.andi %shift_right_arithmetic3A_1535, %and3A_1537 : vector<16xi32>
      %add3A_1539 = arith.addi %mul3A_21, %and3A_1538 : vector<16xi32>
      tpu.vector_store_idx %arg21[%add3A_1539], %broadcast_in_dim3A_22 masked %eq3A_1532 {add = true} : memref<4096xi32, #tpu.memory_space<vmem>>[vector<16xi32>], vector<16xi32>, vector<16xi1>
    }
    %scan3A_542 = arith.constant 0 : i32
    %scan3A_543 = arith.constant 16 : i32
    %scan3A_544 = arith.addi %scan3A_542, %scan3A_543 : i32
    %scan3A_545 = arith.constant 1 : i32
    scf.for %scan3A_1519 = %scan3A_542 to %scan3A_544 step %scan3A_545  : i32 {
      %mul3A_1520 = arith.constant 1 : i32
      %mul3A_1521 = arith.muli %scan3A_1519, %mul3A_1520 : i32
      %add3A_1522 = arith.constant 0 : i32
      %add3A_1523 = arith.addi %add3A_1522, %mul3A_1521 : i32
      %mul3A_1524 = arith.constant 16 : i32
      %mul3A_1525 = arith.muli %add3A_1523, %mul3A_1524 : i32
      %get3A_1526 = arith.index_cast %mul3A_1525 : i32 to index
      %get3A_1527 = tpu.vector_load %arg21[%get3A_1526] {strides = array<i32>} : memref<4096xi32, #tpu.memory_space<vmem>>, vector<16xi32>,
      %mul3A_1528 = arith.constant 16 : i32
      %mul3A_1529 = arith.muli %add3A_1523, %mul3A_1528 : i32
      %add3A_1530 = arith.constant 256 : i32
      %add3A_1531 = arith.addi %add3A_1530, %mul3A_1529 : i32
      %get3A_1532 = arith.index_cast %add3A_1531 : i32 to index
      %get3A_1533 = tpu.vector_load %arg21[%get3A_1532] {strides = array<i32>} : memref<4096xi32, #tpu.memory_space<vmem>>, vector<16xi32>,
      %add3A_1534 = arith.addi %get3A_1527, %get3A_1533 : vector<16xi32>
      %mul3A_1535 = arith.constant 16 : i32
      %mul3A_1536 = arith.muli %add3A_1523, %mul3A_1535 : i32
      %add3A_1537 = arith.constant 512 : i32
      %add3A_1538 = arith.addi %add3A_1537, %mul3A_1536 : i32
      %get3A_1539 = arith.index_cast %add3A_1538 : i32 to index
      %get3A_1540 = tpu.vector_load %arg21[%get3A_1539] {strides = array<i32>} : memref<4096xi32, #tpu.memory_space<vmem>>, vector<16xi32>,
      %add3A_1541 = arith.addi %add3A_1534, %get3A_1540 : vector<16xi32>
      %mul3A_1542 = arith.constant 16 : i32
      %mul3A_1543 = arith.muli %add3A_1523, %mul3A_1542 : i32
      %add3A_1544 = arith.constant 768 : i32
      %add3A_1545 = arith.addi %add3A_1544, %mul3A_1543 : i32
      %get3A_1546 = arith.index_cast %add3A_1545 : i32 to index
      %get3A_1547 = tpu.vector_load %arg21[%get3A_1546] {strides = array<i32>} : memref<4096xi32, #tpu.memory_space<vmem>>, vector<16xi32>,
      %add3A_1548 = arith.addi %add3A_1541, %get3A_1547 : vector<16xi32>
      %mul3A_1549 = arith.constant 16 : i32
      %mul3A_1550 = arith.muli %add3A_1523, %mul3A_1549 : i32
      %add3A_1551 = arith.constant 1024 : i32
      %add3A_1552 = arith.addi %add3A_1551, %mul3A_1550 : i32
      %get3A_1553 = arith.index_cast %add3A_1552 : i32 to index
      %get3A_1554 = tpu.vector_load %arg21[%get3A_1553] {strides = array<i32>} : memref<4096xi32, #tpu.memory_space<vmem>>, vector<16xi32>,
      %add3A_1555 = arith.addi %add3A_1548, %get3A_1554 : vector<16xi32>
      %mul3A_1556 = arith.constant 16 : i32
      %mul3A_1557 = arith.muli %add3A_1523, %mul3A_1556 : i32
      %add3A_1558 = arith.constant 1280 : i32
      %add3A_1559 = arith.addi %add3A_1558, %mul3A_1557 : i32
      %get3A_1560 = arith.index_cast %add3A_1559 : i32 to index
      %get3A_1561 = tpu.vector_load %arg21[%get3A_1560] {strides = array<i32>} : memref<4096xi32, #tpu.memory_space<vmem>>, vector<16xi32>,
      %add3A_1562 = arith.addi %add3A_1555, %get3A_1561 : vector<16xi32>
      %mul3A_1563 = arith.constant 16 : i32
      %mul3A_1564 = arith.muli %add3A_1523, %mul3A_1563 : i32
      %add3A_1565 = arith.constant 1536 : i32
      %add3A_1566 = arith.addi %add3A_1565, %mul3A_1564 : i32
      %get3A_1567 = arith.index_cast %add3A_1566 : i32 to index
      %get3A_1568 = tpu.vector_load %arg21[%get3A_1567] {strides = array<i32>} : memref<4096xi32, #tpu.memory_space<vmem>>, vector<16xi32>,
      %add3A_1569 = arith.addi %add3A_1562, %get3A_1568 : vector<16xi32>
      %mul3A_1570 = arith.constant 16 : i32
      %mul3A_1571 = arith.muli %add3A_1523, %mul3A_1570 : i32
      %add3A_1572 = arith.constant 1792 : i32
      %add3A_1573 = arith.addi %add3A_1572, %mul3A_1571 : i32
      %get3A_1574 = arith.index_cast %add3A_1573 : i32 to index
      %get3A_1575 = tpu.vector_load %arg21[%get3A_1574] {strides = array<i32>} : memref<4096xi32, #tpu.memory_space<vmem>>, vector<16xi32>,
      %add3A_1576 = arith.addi %add3A_1569, %get3A_1575 : vector<16xi32>
      %mul3A_1577 = arith.constant 16 : i32
      %mul3A_1578 = arith.muli %add3A_1523, %mul3A_1577 : i32
      %add3A_1579 = arith.constant 2048 : i32
      %add3A_1580 = arith.addi %add3A_1579, %mul3A_1578 : i32
      %get3A_1581 = arith.index_cast %add3A_1580 : i32 to index
      %get3A_1582 = tpu.vector_load %arg21[%get3A_1581] {strides = array<i32>} : memref<4096xi32, #tpu.memory_space<vmem>>, vector<16xi32>,
      %add3A_1583 = arith.addi %add3A_1576, %get3A_1582 : vector<16xi32>
      %mul3A_1584 = arith.constant 16 : i32
      %mul3A_1585 = arith.muli %add3A_1523, %mul3A_1584 : i32
      %add3A_1586 = arith.constant 2304 : i32
      %add3A_1587 = arith.addi %add3A_1586, %mul3A_1585 : i32
      %get3A_1588 = arith.index_cast %add3A_1587 : i32 to index
      %get3A_1589 = tpu.vector_load %arg21[%get3A_1588] {strides = array<i32>} : memref<4096xi32, #tpu.memory_space<vmem>>, vector<16xi32>,
      %add3A_1590 = arith.addi %add3A_1583, %get3A_1589 : vector<16xi32>
      %mul3A_1591 = arith.constant 16 : i32
      %mul3A_1592 = arith.muli %add3A_1523, %mul3A_1591 : i32
      %add3A_1593 = arith.constant 2560 : i32
      %add3A_1594 = arith.addi %add3A_1593, %mul3A_1592 : i32
      %get3A_1595 = arith.index_cast %add3A_1594 : i32 to index
      %get3A_1596 = tpu.vector_load %arg21[%get3A_1595] {strides = array<i32>} : memref<4096xi32, #tpu.memory_space<vmem>>, vector<16xi32>,
      %add3A_1597 = arith.addi %add3A_1590, %get3A_1596 : vector<16xi32>
      %mul3A_1598 = arith.constant 16 : i32
      %mul3A_1599 = arith.muli %add3A_1523, %mul3A_1598 : i32
      %add3A_1600 = arith.constant 2816 : i32
      %add3A_1601 = arith.addi %add3A_1600, %mul3A_1599 : i32
      %get3A_1602 = arith.index_cast %add3A_1601 : i32 to index
      %get3A_1603 = tpu.vector_load %arg21[%get3A_1602] {strides = array<i32>} : memref<4096xi32, #tpu.memory_space<vmem>>, vector<16xi32>,
      %add3A_1604 = arith.addi %add3A_1597, %get3A_1603 : vector<16xi32>
      %mul3A_1605 = arith.constant 16 : i32
      %mul3A_1606 = arith.muli %add3A_1523, %mul3A_1605 : i32
      %add3A_1607 = arith.constant 3072 : i32
      %add3A_1608 = arith.addi %add3A_1607, %mul3A_1606 : i32
      %get3A_1609 = arith.index_cast %add3A_1608 : i32 to index
      %get3A_1610 = tpu.vector_load %arg21[%get3A_1609] {strides = array<i32>} : memref<4096xi32, #tpu.memory_space<vmem>>, vector<16xi32>,
      %add3A_1611 = arith.addi %add3A_1604, %get3A_1610 : vector<16xi32>
      %mul3A_1612 = arith.constant 16 : i32
      %mul3A_1613 = arith.muli %add3A_1523, %mul3A_1612 : i32
      %add3A_1614 = arith.constant 3328 : i32
      %add3A_1615 = arith.addi %add3A_1614, %mul3A_1613 : i32
      %get3A_1616 = arith.index_cast %add3A_1615 : i32 to index
      %get3A_1617 = tpu.vector_load %arg21[%get3A_1616] {strides = array<i32>} : memref<4096xi32, #tpu.memory_space<vmem>>, vector<16xi32>,
      %add3A_1618 = arith.addi %add3A_1611, %get3A_1617 : vector<16xi32>
      %mul3A_1619 = arith.constant 16 : i32
      %mul3A_1620 = arith.muli %add3A_1523, %mul3A_1619 : i32
      %add3A_1621 = arith.constant 3584 : i32
      %add3A_1622 = arith.addi %add3A_1621, %mul3A_1620 : i32
      %get3A_1623 = arith.index_cast %add3A_1622 : i32 to index
      %get3A_1624 = tpu.vector_load %arg21[%get3A_1623] {strides = array<i32>} : memref<4096xi32, #tpu.memory_space<vmem>>, vector<16xi32>,
      %add3A_1625 = arith.addi %add3A_1618, %get3A_1624 : vector<16xi32>
      %mul3A_1626 = arith.constant 16 : i32
      %mul3A_1627 = arith.muli %add3A_1523, %mul3A_1626 : i32
      %add3A_1628 = arith.constant 3840 : i32
      %add3A_1629 = arith.addi %add3A_1628, %mul3A_1627 : i32
      %get3A_1630 = arith.index_cast %add3A_1629 : i32 to index
      %get3A_1631 = tpu.vector_load %arg21[%get3A_1630] {strides = array<i32>} : memref<4096xi32, #tpu.memory_space<vmem>>, vector<16xi32>,
      %add3A_1632 = arith.addi %add3A_1625, %get3A_1631 : vector<16xi32>
      %mul3A_1633 = arith.constant 16 : i32
      %mul3A_1634 = arith.muli %add3A_1523, %mul3A_1633 : i32
      %swap3A_1635 = arith.index_cast %mul3A_1634 : i32 to index
      %swap3A_1636 = tpu.vector_load %arg22[%swap3A_1635] {strides = array<i32>} : memref<256xi32, #tpu.memory_space<vmem>>, vector<16xi32>,
      tpu.vector_store %arg22[%swap3A_1635], %add3A_1632 {strides = array<i32>} : memref<256xi32, #tpu.memory_space<vmem>>, vector<16xi32>,
    }
    %scan3A_546 = arith.constant 16 : i32
    "tpu.region"() ({
      %run_scoped3A = tpu.sem_alloc : memref<!tpu.dma_semaphore, #tpu.memory_space<semaphore_mem>>
      %dma_start3A = arith.constant 0 : i32
      %dma_start3A_1519 = tpu.memref_slice %arg24[%arg1, %dma_start3A] : memref<16x256xi32, #tpu.memory_space<vmem_shared>> -> memref<1x256xi32, #tpu.memory_space<vmem_shared>>
      %dma_start3A_1520 = tpu.memref_squeeze %dma_start3A_1519 : memref<1x256xi32, #tpu.memory_space<vmem_shared>> -> memref<256xi32, #tpu.memory_space<vmem_shared>>
      %dma_start3A_1521 = arith.constant 0 : i32
      %dma_start3A_1522 = tpu.memref_slice %arg24[%arg1, %dma_start3A_1521] : memref<16x256xi32, #tpu.memory_space<vmem_shared>> -> memref<1x256xi32, #tpu.memory_space<vmem_shared>>
      %dma_start3A_1523 = tpu.memref_squeeze %dma_start3A_1522 : memref<1x256xi32, #tpu.memory_space<vmem_shared>> -> memref<256xi32, #tpu.memory_space<vmem_shared>>
      tpu.enqueue_dma source(%arg22 : memref<256xi32, #tpu.memory_space<vmem>>) target(%dma_start3A_1523 : memref<256xi32, #tpu.memory_space<vmem_shared>>) target_semaphore(%run_scoped3A : memref<!tpu.dma_semaphore, #tpu.memory_space<semaphore_mem>>)
      %dma_wait3A = arith.constant 0 : i32
      %dma_wait3A_1524 = tpu.memref_slice %arg24[%arg1, %dma_wait3A] : memref<16x256xi32, #tpu.memory_space<vmem_shared>> -> memref<1x256xi32, #tpu.memory_space<vmem_shared>>
      %dma_wait3A_1525 = tpu.memref_squeeze %dma_wait3A_1524 : memref<1x256xi32, #tpu.memory_space<vmem_shared>> -> memref<256xi32, #tpu.memory_space<vmem_shared>>
      %dma_wait3A_1526 = arith.constant 0 : i32
      %dma_wait3A_1527 = tpu.memref_slice %arg24[%arg1, %dma_wait3A_1526] : memref<16x256xi32, #tpu.memory_space<vmem_shared>> -> memref<1x256xi32, #tpu.memory_space<vmem_shared>>
      %dma_wait3A_1528 = tpu.memref_squeeze %dma_wait3A_1527 : memref<1x256xi32, #tpu.memory_space<vmem_shared>> -> memref<256xi32, #tpu.memory_space<vmem_shared>>
      tpu.wait_dma2 semaphore(%run_scoped3A : memref<!tpu.dma_semaphore, #tpu.memory_space<semaphore_mem>>) src(%arg22 : memref<256xi32, #tpu.memory_space<vmem>>) dst(%dma_wait3A_1528 : memref<256xi32, #tpu.memory_space<vmem_shared>>)
      tpu.yield
    }) : () -> ()
    %barrier3A_547 = arith.constant 0 : index
    tpu.barrier barrier_id(%barrier3A_547)
    %xor3A_548 = arith.constant 1 : i32
    %xor3A_549 = arith.xori %arg1, %xor3A_548 : i32
    "tpu.region"() ({
      %run_scoped3A = tpu.sem_alloc : memref<!tpu.dma_semaphore, #tpu.memory_space<semaphore_mem>>
      %dma_start3A = arith.constant 0 : i32
      %dma_start3A_1519 = tpu.memref_slice %arg24[%xor3A_549, %dma_start3A] : memref<16x256xi32, #tpu.memory_space<vmem_shared>> -> memref<1x256xi32, #tpu.memory_space<vmem_shared>>
      %dma_start3A_1520 = tpu.memref_squeeze %dma_start3A_1519 : memref<1x256xi32, #tpu.memory_space<vmem_shared>> -> memref<256xi32, #tpu.memory_space<vmem_shared>>
      %dma_start3A_1521 = arith.constant 0 : i32
      %dma_start3A_1522 = tpu.memref_slice %arg24[%xor3A_549, %dma_start3A_1521] : memref<16x256xi32, #tpu.memory_space<vmem_shared>> -> memref<1x256xi32, #tpu.memory_space<vmem_shared>>
      %dma_start3A_1523 = tpu.memref_squeeze %dma_start3A_1522 : memref<1x256xi32, #tpu.memory_space<vmem_shared>> -> memref<256xi32, #tpu.memory_space<vmem_shared>>
      tpu.enqueue_dma source(%dma_start3A_1523 : memref<256xi32, #tpu.memory_space<vmem_shared>>) target(%arg23 : memref<256xi32, #tpu.memory_space<vmem>>) target_semaphore(%run_scoped3A : memref<!tpu.dma_semaphore, #tpu.memory_space<semaphore_mem>>)
      %dma_wait3A = arith.constant 0 : i32
      %dma_wait3A_1524 = tpu.memref_slice %arg24[%xor3A_549, %dma_wait3A] : memref<16x256xi32, #tpu.memory_space<vmem_shared>> -> memref<1x256xi32, #tpu.memory_space<vmem_shared>>
      %dma_wait3A_1525 = tpu.memref_squeeze %dma_wait3A_1524 : memref<1x256xi32, #tpu.memory_space<vmem_shared>> -> memref<256xi32, #tpu.memory_space<vmem_shared>>
      %dma_wait3A_1526 = arith.constant 0 : i32
      %dma_wait3A_1527 = tpu.memref_slice %arg24[%xor3A_549, %dma_wait3A_1526] : memref<16x256xi32, #tpu.memory_space<vmem_shared>> -> memref<1x256xi32, #tpu.memory_space<vmem_shared>>
      %dma_wait3A_1528 = tpu.memref_squeeze %dma_wait3A_1527 : memref<1x256xi32, #tpu.memory_space<vmem_shared>> -> memref<256xi32, #tpu.memory_space<vmem_shared>>
      tpu.wait_dma2 semaphore(%run_scoped3A : memref<!tpu.dma_semaphore, #tpu.memory_space<semaphore_mem>>) src(%dma_wait3A_1528 : memref<256xi32, #tpu.memory_space<vmem_shared>>) dst(%arg23 : memref<256xi32, #tpu.memory_space<vmem>>)
      tpu.yield
    }) : () -> ()
    %scan3A_550 = arith.constant 0 : i32
    %scan3A_551 = arith.constant 16 : i32
    %scan3A_552 = arith.addi %scan3A_550, %scan3A_551 : i32
    %scan3A_553 = arith.constant 1 : i32
    scf.for %scan3A_1519 = %scan3A_550 to %scan3A_552 step %scan3A_553  : i32 {
      %mul3A_1520 = arith.constant 1 : i32
      %mul3A_1521 = arith.muli %scan3A_1519, %mul3A_1520 : i32
      %add3A_1522 = arith.constant 0 : i32
      %add3A_1523 = arith.addi %add3A_1522, %mul3A_1521 : i32
      %mul3A_1524 = arith.constant 16 : i32
      %mul3A_1525 = arith.muli %add3A_1523, %mul3A_1524 : i32
      %get3A_1526 = arith.index_cast %mul3A_1525 : i32 to index
      %get3A_1527 = tpu.vector_load %arg22[%get3A_1526] {strides = array<i32>} : memref<256xi32, #tpu.memory_space<vmem>>, vector<16xi32>,
      %mul3A_1528 = arith.constant 16 : i32
      %mul3A_1529 = arith.muli %add3A_1523, %mul3A_1528 : i32
      %get3A_1530 = arith.index_cast %mul3A_1529 : i32 to index
      %get3A_1531 = tpu.vector_load %arg23[%get3A_1530] {strides = array<i32>} : memref<256xi32, #tpu.memory_space<vmem>>, vector<16xi32>,
      %add3A_1532 = arith.addi %get3A_1527, %get3A_1531 : vector<16xi32>
      %mul3A_1533 = arith.constant 16 : i32
      %mul3A_1534 = arith.muli %add3A_1523, %mul3A_1533 : i32
      %swap3A_1535 = arith.index_cast %mul3A_1534 : i32 to index
      %swap3A_1536 = tpu.vector_load %arg22[%swap3A_1535] {strides = array<i32>} : memref<256xi32, #tpu.memory_space<vmem>>, vector<16xi32>,
      tpu.vector_store %arg22[%swap3A_1535], %add3A_1532 {strides = array<i32>} : memref<256xi32, #tpu.memory_space<vmem>>, vector<16xi32>,
    }
    %scan3A_554 = arith.constant 16 : i32
    %barrier3A_555 = arith.constant 0 : index
    tpu.barrier barrier_id(%barrier3A_555)
    %mul3A_556 = arith.constant 16 : i32
    %mul3A_557 = vector.broadcast %mul3A_556 : i32 to vector<16xi32>
    %mul3A_558 = arith.muli %iota3A, %mul3A_557 : vector<16xi32>
    %gather3A_559 = tpu.vector_load_idx %arg22[%mul3A_558] : memref<256xi32, #tpu.memory_space<vmem>>[vector<16xi32>], vector<16xi32>,
    %mul3A_560 = arith.constant 16 : i32
    %mul3A_561 = vector.broadcast %mul3A_560 : i32 to vector<16xi32>
    %mul3A_562 = arith.muli %iota3A, %mul3A_561 : vector<16xi32>
    %add3A_563 = arith.constant 1 : i32
    %add3A_564 = vector.broadcast %add3A_563 : i32 to vector<16xi32>
    %add3A_565 = arith.addi %mul3A_562, %add3A_564 : vector<16xi32>
    %gather3A_566 = tpu.vector_load_idx %arg22[%add3A_565] : memref<256xi32, #tpu.memory_space<vmem>>[vector<16xi32>], vector<16xi32>,
    %add3A_567 = arith.addi %gather3A_559, %gather3A_566 : vector<16xi32>
    %mul3A_568 = arith.constant 16 : i32
    %mul3A_569 = vector.broadcast %mul3A_568 : i32 to vector<16xi32>
    %mul3A_570 = arith.muli %iota3A, %mul3A_569 : vector<16xi32>
    %add3A_571 = arith.constant 2 : i32
    %add3A_572 = vector.broadcast %add3A_571 : i32 to vector<16xi32>
    %add3A_573 = arith.addi %mul3A_570, %add3A_572 : vector<16xi32>
    %gather3A_574 = tpu.vector_load_idx %arg22[%add3A_573] : memref<256xi32, #tpu.memory_space<vmem>>[vector<16xi32>], vector<16xi32>,
    %add3A_575 = arith.addi %add3A_567, %gather3A_574 : vector<16xi32>
    %mul3A_576 = arith.constant 16 : i32
    %mul3A_577 = vector.broadcast %mul3A_576 : i32 to vector<16xi32>
    %mul3A_578 = arith.muli %iota3A, %mul3A_577 : vector<16xi32>
    %add3A_579 = arith.constant 3 : i32
    %add3A_580 = vector.broadcast %add3A_579 : i32 to vector<16xi32>
    %add3A_581 = arith.addi %mul3A_578, %add3A_580 : vector<16xi32>
    %gather3A_582 = tpu.vector_load_idx %arg22[%add3A_581] : memref<256xi32, #tpu.memory_space<vmem>>[vector<16xi32>], vector<16xi32>,
    %add3A_583 = arith.addi %add3A_575, %gather3A_582 : vector<16xi32>
    %mul3A_584 = arith.constant 16 : i32
    %mul3A_585 = vector.broadcast %mul3A_584 : i32 to vector<16xi32>
    %mul3A_586 = arith.muli %iota3A, %mul3A_585 : vector<16xi32>
    %add3A_587 = arith.constant 4 : i32
    %add3A_588 = vector.broadcast %add3A_587 : i32 to vector<16xi32>
    %add3A_589 = arith.addi %mul3A_586, %add3A_588 : vector<16xi32>
    %gather3A_590 = tpu.vector_load_idx %arg22[%add3A_589] : memref<256xi32, #tpu.memory_space<vmem>>[vector<16xi32>], vector<16xi32>,
    %add3A_591 = arith.addi %add3A_583, %gather3A_590 : vector<16xi32>
    %mul3A_592 = arith.constant 16 : i32
    %mul3A_593 = vector.broadcast %mul3A_592 : i32 to vector<16xi32>
    %mul3A_594 = arith.muli %iota3A, %mul3A_593 : vector<16xi32>
    %add3A_595 = arith.constant 5 : i32
    %add3A_596 = vector.broadcast %add3A_595 : i32 to vector<16xi32>
    %add3A_597 = arith.addi %mul3A_594, %add3A_596 : vector<16xi32>
    %gather3A_598 = tpu.vector_load_idx %arg22[%add3A_597] : memref<256xi32, #tpu.memory_space<vmem>>[vector<16xi32>], vector<16xi32>,
    %add3A_599 = arith.addi %add3A_591, %gather3A_598 : vector<16xi32>
    %mul3A_600 = arith.constant 16 : i32
    %mul3A_601 = vector.broadcast %mul3A_600 : i32 to vector<16xi32>
    %mul3A_602 = arith.muli %iota3A, %mul3A_601 : vector<16xi32>
    %add3A_603 = arith.constant 6 : i32
    %add3A_604 = vector.broadcast %add3A_603 : i32 to vector<16xi32>
    %add3A_605 = arith.addi %mul3A_602, %add3A_604 : vector<16xi32>
    %gather3A_606 = tpu.vector_load_idx %arg22[%add3A_605] : memref<256xi32, #tpu.memory_space<vmem>>[vector<16xi32>], vector<16xi32>,
    %add3A_607 = arith.addi %add3A_599, %gather3A_606 : vector<16xi32>
    %mul3A_608 = arith.constant 16 : i32
    %mul3A_609 = vector.broadcast %mul3A_608 : i32 to vector<16xi32>
    %mul3A_610 = arith.muli %iota3A, %mul3A_609 : vector<16xi32>
    %add3A_611 = arith.constant 7 : i32
    %add3A_612 = vector.broadcast %add3A_611 : i32 to vector<16xi32>
    %add3A_613 = arith.addi %mul3A_610, %add3A_612 : vector<16xi32>
    %gather3A_614 = tpu.vector_load_idx %arg22[%add3A_613] : memref<256xi32, #tpu.memory_space<vmem>>[vector<16xi32>], vector<16xi32>,
    %add3A_615 = arith.addi %add3A_607, %gather3A_614 : vector<16xi32>
    %mul3A_616 = arith.constant 16 : i32
    %mul3A_617 = vector.broadcast %mul3A_616 : i32 to vector<16xi32>
    %mul3A_618 = arith.muli %iota3A, %mul3A_617 : vector<16xi32>
    %add3A_619 = arith.constant 8 : i32
    %add3A_620 = vector.broadcast %add3A_619 : i32 to vector<16xi32>
    %add3A_621 = arith.addi %mul3A_618, %add3A_620 : vector<16xi32>
    %gather3A_622 = tpu.vector_load_idx %arg22[%add3A_621] : memref<256xi32, #tpu.memory_space<vmem>>[vector<16xi32>], vector<16xi32>,
    %add3A_623 = arith.addi %add3A_615, %gather3A_622 : vector<16xi32>
    %mul3A_624 = arith.constant 16 : i32
    %mul3A_625 = vector.broadcast %mul3A_624 : i32 to vector<16xi32>
    %mul3A_626 = arith.muli %iota3A, %mul3A_625 : vector<16xi32>
    %add3A_627 = arith.constant 9 : i32
    %add3A_628 = vector.broadcast %add3A_627 : i32 to vector<16xi32>
    %add3A_629 = arith.addi %mul3A_626, %add3A_628 : vector<16xi32>
    %gather3A_630 = tpu.vector_load_idx %arg22[%add3A_629] : memref<256xi32, #tpu.memory_space<vmem>>[vector<16xi32>], vector<16xi32>,
    %add3A_631 = arith.addi %add3A_623, %gather3A_630 : vector<16xi32>
    %mul3A_632 = arith.constant 16 : i32
    %mul3A_633 = vector.broadcast %mul3A_632 : i32 to vector<16xi32>
    %mul3A_634 = arith.muli %iota3A, %mul3A_633 : vector<16xi32>
    %add3A_635 = arith.constant 10 : i32
    %add3A_636 = vector.broadcast %add3A_635 : i32 to vector<16xi32>
    %add3A_637 = arith.addi %mul3A_634, %add3A_636 : vector<16xi32>
    %gather3A_638 = tpu.vector_load_idx %arg22[%add3A_637] : memref<256xi32, #tpu.memory_space<vmem>>[vector<16xi32>], vector<16xi32>,
    %add3A_639 = arith.addi %add3A_631, %gather3A_638 : vector<16xi32>
    %mul3A_640 = arith.constant 16 : i32
    %mul3A_641 = vector.broadcast %mul3A_640 : i32 to vector<16xi32>
    %mul3A_642 = arith.muli %iota3A, %mul3A_641 : vector<16xi32>
    %add3A_643 = arith.constant 11 : i32
    %add3A_644 = vector.broadcast %add3A_643 : i32 to vector<16xi32>
    %add3A_645 = arith.addi %mul3A_642, %add3A_644 : vector<16xi32>
    %gather3A_646 = tpu.vector_load_idx %arg22[%add3A_645] : memref<256xi32, #tpu.memory_space<vmem>>[vector<16xi32>], vector<16xi32>,
    %add3A_647 = arith.addi %add3A_639, %gather3A_646 : vector<16xi32>
    %mul3A_648 = arith.constant 16 : i32
    %mul3A_649 = vector.broadcast %mul3A_648 : i32 to vector<16xi32>
    %mul3A_650 = arith.muli %iota3A, %mul3A_649 : vector<16xi32>
    %add3A_651 = arith.constant 12 : i32
    %add3A_652 = vector.broadcast %add3A_651 : i32 to vector<16xi32>
    %add3A_653 = arith.addi %mul3A_650, %add3A_652 : vector<16xi32>
    %gather3A_654 = tpu.vector_load_idx %arg22[%add3A_653] : memref<256xi32, #tpu.memory_space<vmem>>[vector<16xi32>], vector<16xi32>,
    %add3A_655 = arith.addi %add3A_647, %gather3A_654 : vector<16xi32>
    %mul3A_656 = arith.constant 16 : i32
    %mul3A_657 = vector.broadcast %mul3A_656 : i32 to vector<16xi32>
    %mul3A_658 = arith.muli %iota3A, %mul3A_657 : vector<16xi32>
    %add3A_659 = arith.constant 13 : i32
    %add3A_660 = vector.broadcast %add3A_659 : i32 to vector<16xi32>
    %add3A_661 = arith.addi %mul3A_658, %add3A_660 : vector<16xi32>
    %gather3A_662 = tpu.vector_load_idx %arg22[%add3A_661] : memref<256xi32, #tpu.memory_space<vmem>>[vector<16xi32>], vector<16xi32>,
    %add3A_663 = arith.addi %add3A_655, %gather3A_662 : vector<16xi32>
    %mul3A_664 = arith.constant 16 : i32
    %mul3A_665 = vector.broadcast %mul3A_664 : i32 to vector<16xi32>
    %mul3A_666 = arith.muli %iota3A, %mul3A_665 : vector<16xi32>
    %add3A_667 = arith.constant 14 : i32
    %add3A_668 = vector.broadcast %add3A_667 : i32 to vector<16xi32>
    %add3A_669 = arith.addi %mul3A_666, %add3A_668 : vector<16xi32>
    %gather3A_670 = tpu.vector_load_idx %arg22[%add3A_669] : memref<256xi32, #tpu.memory_space<vmem>>[vector<16xi32>], vector<16xi32>,
    %add3A_671 = arith.addi %add3A_663, %gather3A_670 : vector<16xi32>
    %mul3A_672 = arith.constant 16 : i32
    %mul3A_673 = vector.broadcast %mul3A_672 : i32 to vector<16xi32>
    %mul3A_674 = arith.muli %iota3A, %mul3A_673 : vector<16xi32>
    %add3A_675 = arith.constant 15 : i32
    %add3A_676 = vector.broadcast %add3A_675 : i32 to vector<16xi32>
    %add3A_677 = arith.addi %mul3A_674, %add3A_676 : vector<16xi32>
    %gather3A_678 = tpu.vector_load_idx %arg22[%add3A_677] : memref<256xi32, #tpu.memory_space<vmem>>[vector<16xi32>], vector<16xi32>,
    %add3A_679 = arith.addi %add3A_671, %gather3A_678 : vector<16xi32>
    %cumsum3A_680 = arith.constant true
    %cumsum3A_681 = vector.broadcast %cumsum3A_680 : i1 to vector<16xi1>
    %cumsum3A_682 = tpu.scan <sum>, %add3A_679 masked %cumsum3A_681 : vector<16xi32>, vector<16xi1> -> vector<16xi32>
    %ge3A_683 = vector.broadcast %sub3A_505 : i32 to vector<16xi32>
    %ge3A_684 = arith.cmpi sge, %cumsum3A_682, %ge3A_683 : vector<16xi32>
    %jit3A_685 = arith.constant 16 : i32
    %broadcast_in_dim3A_686 = vector.broadcast %jit3A_685 : i32 to vector<16xi32>
    %select_n3A_687 = arith.select %ge3A_684, %iota3A, %broadcast_in_dim3A_686 : vector<16xi1>, vector<16xi32>
    %reduce_min3A_688 = arith.constant true
    %reduce_min3A_689 = vector.broadcast %reduce_min3A_688 : i1 to vector<16xi1>
    %reduce_min3A_690 = arith.constant -2147483648 : i32
    %reduce_min3A_691 = vector.broadcast %reduce_min3A_690 : i32 to vector<16xi32>
    %reduce_min3A_692 = arith.xori %select_n3A_687, %reduce_min3A_691 : vector<16xi32>
    %reduce_min3A_693 = tpu.scan <min>, %reduce_min3A_692 masked %reduce_min3A_689 : vector<16xi32>, vector<16xi1> -> vector<16xi32>
    %reduce_min3A_694 = arith.xori %reduce_min3A_693, %reduce_min3A_691 : vector<16xi32>
    %reduce_min3A_695 = vector.extract %reduce_min3A_694[15] : i32 from vector<16xi32>
    %lt3A_696 = vector.broadcast %reduce_min3A_695 : i32 to vector<16xi32>
    %lt3A_697 = arith.cmpi slt, %iota3A, %lt3A_696 : vector<16xi32>
    %jit3A_698 = arith.constant 0 : i32
    %broadcast_in_dim3A_699 = vector.broadcast %jit3A_698 : i32 to vector<16xi32>
    %select_n3A_700 = arith.select %lt3A_697, %add3A_679, %broadcast_in_dim3A_699 : vector<16xi1>, vector<16xi32>
    %reduce_sum3A_701 = arith.constant true
    %reduce_sum3A_702 = vector.broadcast %reduce_sum3A_701 : i1 to vector<16xi1>
    %reduce_sum3A_703 = tpu.scan <sum>, %select_n3A_700 masked %reduce_sum3A_702 : vector<16xi32>, vector<16xi1> -> vector<16xi32>
    %reduce_sum3A_704 = vector.extract %reduce_sum3A_703[15] : i32 from vector<16xi32>
    %mul3A_705 = arith.constant 16 : i32
    %mul3A_706 = arith.muli %reduce_min3A_695, %mul3A_705 : i32
    %add3A_707 = vector.broadcast %mul3A_706 : i32 to vector<16xi32>
    %add3A_708 = arith.addi %add3A_707, %iota3A : vector<16xi32>
    %gather3A_709 = tpu.vector_load_idx %arg22[%add3A_708] : memref<256xi32, #tpu.memory_space<vmem>>[vector<16xi32>], vector<16xi32>,
    %cumsum3A_710 = arith.constant true
    %cumsum3A_711 = vector.broadcast %cumsum3A_710 : i1 to vector<16xi1>
    %cumsum3A_712 = tpu.scan <sum>, %gather3A_709 masked %cumsum3A_711 : vector<16xi32>, vector<16xi1> -> vector<16xi32>
    %add3A_713 = vector.broadcast %reduce_sum3A_704 : i32 to vector<16xi32>
    %add3A_714 = arith.addi %cumsum3A_712, %add3A_713 : vector<16xi32>
    %ge3A_715 = vector.broadcast %sub3A_505 : i32 to vector<16xi32>
    %ge3A_716 = arith.cmpi sge, %add3A_714, %ge3A_715 : vector<16xi32>
    %jit3A_717 = arith.constant 16 : i32
    %broadcast_in_dim3A_718 = vector.broadcast %jit3A_717 : i32 to vector<16xi32>
    %select_n3A_719 = arith.select %ge3A_716, %iota3A, %broadcast_in_dim3A_718 : vector<16xi1>, vector<16xi32>
    %reduce_min3A_720 = arith.constant true
    %reduce_min3A_721 = vector.broadcast %reduce_min3A_720 : i1 to vector<16xi1>
    %reduce_min3A_722 = arith.constant -2147483648 : i32
    %reduce_min3A_723 = vector.broadcast %reduce_min3A_722 : i32 to vector<16xi32>
    %reduce_min3A_724 = arith.xori %select_n3A_719, %reduce_min3A_723 : vector<16xi32>
    %reduce_min3A_725 = tpu.scan <min>, %reduce_min3A_724 masked %reduce_min3A_721 : vector<16xi32>, vector<16xi1> -> vector<16xi32>
    %reduce_min3A_726 = arith.xori %reduce_min3A_725, %reduce_min3A_723 : vector<16xi32>
    %reduce_min3A_727 = vector.extract %reduce_min3A_726[15] : i32 from vector<16xi32>
    %lt3A_728 = vector.broadcast %reduce_min3A_727 : i32 to vector<16xi32>
    %lt3A_729 = arith.cmpi slt, %iota3A, %lt3A_728 : vector<16xi32>
    %jit3A_730 = arith.constant 0 : i32
    %broadcast_in_dim3A_731 = vector.broadcast %jit3A_730 : i32 to vector<16xi32>
    %select_n3A_732 = arith.select %lt3A_729, %gather3A_709, %broadcast_in_dim3A_731 : vector<16xi1>, vector<16xi32>
    %reduce_sum3A_733 = arith.constant true
    %reduce_sum3A_734 = vector.broadcast %reduce_sum3A_733 : i1 to vector<16xi1>
    %reduce_sum3A_735 = tpu.scan <sum>, %select_n3A_732 masked %reduce_sum3A_734 : vector<16xi32>, vector<16xi1> -> vector<16xi32>
    %reduce_sum3A_736 = vector.extract %reduce_sum3A_735[15] : i32 from vector<16xi32>
    %add3A_737 = arith.addi %reduce_sum3A_704, %reduce_sum3A_736 : i32
    %eq3A_738 = vector.broadcast %reduce_min3A_727 : i32 to vector<16xi32>
    %eq3A_739 = arith.cmpi eq, %iota3A, %eq3A_738 : vector<16xi32>
    %jit3A_740 = arith.constant 0 : i32
    %broadcast_in_dim3A_741 = vector.broadcast %jit3A_740 : i32 to vector<16xi32>
    %select_n3A_742 = arith.select %eq3A_739, %gather3A_709, %broadcast_in_dim3A_741 : vector<16xi1>, vector<16xi32>
    %reduce_sum3A_743 = arith.constant true
    %reduce_sum3A_744 = vector.broadcast %reduce_sum3A_743 : i1 to vector<16xi1>
    %reduce_sum3A_745 = tpu.scan <sum>, %select_n3A_742 masked %reduce_sum3A_744 : vector<16xi32>, vector<16xi1> -> vector<16xi32>
    %reduce_sum3A_746 = vector.extract %reduce_sum3A_745[15] : i32 from vector<16xi32>
    %mul3A_747 = arith.constant 16 : i32
    %mul3A_748 = arith.muli %reduce_min3A_695, %mul3A_747 : i32
    %add3A_749 = arith.addi %mul3A_748, %reduce_min3A_727 : i32
    %sub3A_750 = arith.subi %sub3A_505, %add3A_737 : i32
    %scan3A_751 = arith.constant 0 : i32
    %scan3A_752 = arith.constant 256 : i32
    %scan3A_753 = arith.addi %scan3A_751, %scan3A_752 : i32
    %scan3A_754 = arith.constant 1 : i32
    scf.for %scan3A_1519 = %scan3A_751 to %scan3A_753 step %scan3A_754  : i32 {
      %mul3A_1520 = arith.constant 16 : i32
      %mul3A_1521 = arith.muli %scan3A_1519, %mul3A_1520 : i32
      %add3A_1522 = arith.constant 0 : i32
      %add3A_1523 = arith.addi %add3A_1522, %mul3A_1521 : i32
      %broadcast_in_dim3A_1524 = arith.constant 0 : i32
      %broadcast_in_dim3A_1525 = vector.broadcast %broadcast_in_dim3A_1524 : i32 to vector<16xi32>
      %swap3A_1526 = arith.index_cast %add3A_1523 : i32 to index
      %swap3A_1527 = tpu.vector_load %arg21[%swap3A_1526] {strides = array<i32>} : memref<4096xi32, #tpu.memory_space<vmem>>, vector<16xi32>,
      tpu.vector_store %arg21[%swap3A_1526], %broadcast_in_dim3A_1525 {strides = array<i32>} : memref<4096xi32, #tpu.memory_space<vmem>>, vector<16xi32>,
    }
    %scan3A_755 = arith.constant 256 : i32
    %sub3A_756 = arith.constant 0 : i32
    %sub3A_757 = arith.subi %shift_right_arithmetic3A_518, %sub3A_756 : i32
    %sub3A_758 = arith.constant 1 : i32
    %sub3A_759 = arith.constant 1 : i32
    %sub3A_760 = arith.subi %sub3A_758, %sub3A_759 : i32
    %add3A_761 = arith.addi %sub3A_757, %sub3A_760 : i32
    %div3A_762 = arith.constant 1 : i32
    %div3A_763 = arith.divsi %add3A_761, %div3A_762 : i32
    %while3A_764 = arith.constant 1 : i32
    %while3A_765 = arith.constant 0 : i32
    %while3A_766 = arith.constant 0 : i32
    %while3A_767 = arith.subi %div3A_763, %while3A_766 : i32
    %while3A_768 = arith.addi %while3A_766, %while3A_767 : i32
    %while3A_769 = arith.constant 1 : i32
    %while3A_770 = arith.divsi %while3A_767, %while3A_769 : i32
    %while3A_771 = arith.muli %while3A_770, %while3A_769 : i32
    %while3A_772 = arith.addi %while3A_766, %while3A_771 : i32
    %while3A_773 = arith.constant 1 : i32
    scf.for %while3A_1519 = %while3A_766 to %while3A_772 step %while3A_773  : i32 {
      %mul3A_1520 = arith.muli %while3A_1519, %while3A_764 : i32
      %add3A_1521 = arith.addi %while3A_765, %mul3A_1520 : i32
      %mul3A_1522 = arith.constant 16 : i32
      %mul3A_1523 = arith.muli %add3A_1521, %mul3A_1522 : i32
      %get3A_1524 = arith.index_cast %mul3A_1523 : i32 to index
      %get3A_1525 = tpu.vector_load %arg20[%get3A_1524] {strides = array<i32>} : memref<32800xi32, #tpu.memory_space<vmem>>, vector<16xi32>,
      %bitcast3A_1526 = vector.bitcast %get3A_1525 : vector<16xi32> to vector<16xf32>
      %mul3A_1527 = arith.constant 2.560000e+02 : f32
      %mul3A_1528 = vector.broadcast %mul3A_1527 : f32 to vector<16xf32>
      %mul3A_1529 = arith.mulf %bitcast3A_1526, %mul3A_1528 : vector<16xf32>
      %convert_element_type3A_1530 = arith.fptosi %mul3A_1529 : vector<16xf32> to vector<16xi32>
      %eq3A_1531 = vector.broadcast %add3A_307 : i32 to vector<16xi32>
      %eq3A_1532 = arith.cmpi eq, %convert_element_type3A_1530, %eq3A_1531 : vector<16xi32>
      %shift_right_arithmetic3A_1533 = arith.constant 22 : i32
      %shift_right_arithmetic3A_1534 = vector.broadcast %shift_right_arithmetic3A_1533 : i32 to vector<16xi32>
      %shift_right_arithmetic3A_1535 = arith.shrsi %get3A_1525, %shift_right_arithmetic3A_1534 : vector<16xi32>
      %eq3A_1536 = vector.broadcast %add3A_749 : i32 to vector<16xi32>
      %eq3A_1537 = arith.cmpi eq, %shift_right_arithmetic3A_1535, %eq3A_1536 : vector<16xi32>
      %and3A_1538 = arith.andi %eq3A_1532, %eq3A_1537 : vector<16xi1>
      %shift_right_arithmetic3A_1539 = arith.constant 14 : i32
      %shift_right_arithmetic3A_1540 = vector.broadcast %shift_right_arithmetic3A_1539 : i32 to vector<16xi32>
      %shift_right_arithmetic3A_1541 = arith.shrsi %get3A_1525, %shift_right_arithmetic3A_1540 : vector<16xi32>
      %and3A_1542 = arith.constant 255 : i32
      %and3A_1543 = vector.broadcast %and3A_1542 : i32 to vector<16xi32>
      %and3A_1544 = arith.andi %shift_right_arithmetic3A_1541, %and3A_1543 : vector<16xi32>
      %add3A_1545 = arith.addi %mul3A_21, %and3A_1544 : vector<16xi32>
      tpu.vector_store_idx %arg21[%add3A_1545], %broadcast_in_dim3A_22 masked %and3A_1538 {add = true} : memref<4096xi32, #tpu.memory_space<vmem>>[vector<16xi32>], vector<16xi32>, vector<16xi1>
    }
    %while3A_774 = arith.constant 1 : i32
    scf.for %while3A_1519 = %while3A_772 to %while3A_768 step %while3A_774  : i32 {
      %mul3A_1520 = arith.muli %while3A_1519, %while3A_764 : i32
      %add3A_1521 = arith.addi %while3A_765, %mul3A_1520 : i32
      %mul3A_1522 = arith.constant 16 : i32
      %mul3A_1523 = arith.muli %add3A_1521, %mul3A_1522 : i32
      %get3A_1524 = arith.index_cast %mul3A_1523 : i32 to index
      %get3A_1525 = tpu.vector_load %arg20[%get3A_1524] {strides = array<i32>} : memref<32800xi32, #tpu.memory_space<vmem>>, vector<16xi32>,
      %bitcast3A_1526 = vector.bitcast %get3A_1525 : vector<16xi32> to vector<16xf32>
      %mul3A_1527 = arith.constant 2.560000e+02 : f32
      %mul3A_1528 = vector.broadcast %mul3A_1527 : f32 to vector<16xf32>
      %mul3A_1529 = arith.mulf %bitcast3A_1526, %mul3A_1528 : vector<16xf32>
      %convert_element_type3A_1530 = arith.fptosi %mul3A_1529 : vector<16xf32> to vector<16xi32>
      %eq3A_1531 = vector.broadcast %add3A_307 : i32 to vector<16xi32>
      %eq3A_1532 = arith.cmpi eq, %convert_element_type3A_1530, %eq3A_1531 : vector<16xi32>
      %shift_right_arithmetic3A_1533 = arith.constant 22 : i32
      %shift_right_arithmetic3A_1534 = vector.broadcast %shift_right_arithmetic3A_1533 : i32 to vector<16xi32>
      %shift_right_arithmetic3A_1535 = arith.shrsi %get3A_1525, %shift_right_arithmetic3A_1534 : vector<16xi32>
      %eq3A_1536 = vector.broadcast %add3A_749 : i32 to vector<16xi32>
      %eq3A_1537 = arith.cmpi eq, %shift_right_arithmetic3A_1535, %eq3A_1536 : vector<16xi32>
      %and3A_1538 = arith.andi %eq3A_1532, %eq3A_1537 : vector<16xi1>
      %shift_right_arithmetic3A_1539 = arith.constant 14 : i32
      %shift_right_arithmetic3A_1540 = vector.broadcast %shift_right_arithmetic3A_1539 : i32 to vector<16xi32>
      %shift_right_arithmetic3A_1541 = arith.shrsi %get3A_1525, %shift_right_arithmetic3A_1540 : vector<16xi32>
      %and3A_1542 = arith.constant 255 : i32
      %and3A_1543 = vector.broadcast %and3A_1542 : i32 to vector<16xi32>
      %and3A_1544 = arith.andi %shift_right_arithmetic3A_1541, %and3A_1543 : vector<16xi32>
      %add3A_1545 = arith.addi %mul3A_21, %and3A_1544 : vector<16xi32>
      tpu.vector_store_idx %arg21[%add3A_1545], %broadcast_in_dim3A_22 masked %and3A_1538 {add = true} : memref<4096xi32, #tpu.memory_space<vmem>>[vector<16xi32>], vector<16xi32>, vector<16xi1>
    }
    %scan3A_775 = arith.constant 0 : i32
    %scan3A_776 = arith.constant 16 : i32
    %scan3A_777 = arith.addi %scan3A_775, %scan3A_776 : i32
    %scan3A_778 = arith.constant 1 : i32
    scf.for %scan3A_1519 = %scan3A_775 to %scan3A_777 step %scan3A_778  : i32 {
      %mul3A_1520 = arith.constant 1 : i32
      %mul3A_1521 = arith.muli %scan3A_1519, %mul3A_1520 : i32
      %add3A_1522 = arith.constant 0 : i32
      %add3A_1523 = arith.addi %add3A_1522, %mul3A_1521 : i32
      %mul3A_1524 = arith.constant 16 : i32
      %mul3A_1525 = arith.muli %add3A_1523, %mul3A_1524 : i32
      %get3A_1526 = arith.index_cast %mul3A_1525 : i32 to index
      %get3A_1527 = tpu.vector_load %arg21[%get3A_1526] {strides = array<i32>} : memref<4096xi32, #tpu.memory_space<vmem>>, vector<16xi32>,
      %mul3A_1528 = arith.constant 16 : i32
      %mul3A_1529 = arith.muli %add3A_1523, %mul3A_1528 : i32
      %add3A_1530 = arith.constant 256 : i32
      %add3A_1531 = arith.addi %add3A_1530, %mul3A_1529 : i32
      %get3A_1532 = arith.index_cast %add3A_1531 : i32 to index
      %get3A_1533 = tpu.vector_load %arg21[%get3A_1532] {strides = array<i32>} : memref<4096xi32, #tpu.memory_space<vmem>>, vector<16xi32>,
      %add3A_1534 = arith.addi %get3A_1527, %get3A_1533 : vector<16xi32>
      %mul3A_1535 = arith.constant 16 : i32
      %mul3A_1536 = arith.muli %add3A_1523, %mul3A_1535 : i32
      %add3A_1537 = arith.constant 512 : i32
      %add3A_1538 = arith.addi %add3A_1537, %mul3A_1536 : i32
      %get3A_1539 = arith.index_cast %add3A_1538 : i32 to index
      %get3A_1540 = tpu.vector_load %arg21[%get3A_1539] {strides = array<i32>} : memref<4096xi32, #tpu.memory_space<vmem>>, vector<16xi32>,
      %add3A_1541 = arith.addi %add3A_1534, %get3A_1540 : vector<16xi32>
      %mul3A_1542 = arith.constant 16 : i32
      %mul3A_1543 = arith.muli %add3A_1523, %mul3A_1542 : i32
      %add3A_1544 = arith.constant 768 : i32
      %add3A_1545 = arith.addi %add3A_1544, %mul3A_1543 : i32
      %get3A_1546 = arith.index_cast %add3A_1545 : i32 to index
      %get3A_1547 = tpu.vector_load %arg21[%get3A_1546] {strides = array<i32>} : memref<4096xi32, #tpu.memory_space<vmem>>, vector<16xi32>,
      %add3A_1548 = arith.addi %add3A_1541, %get3A_1547 : vector<16xi32>
      %mul3A_1549 = arith.constant 16 : i32
      %mul3A_1550 = arith.muli %add3A_1523, %mul3A_1549 : i32
      %add3A_1551 = arith.constant 1024 : i32
      %add3A_1552 = arith.addi %add3A_1551, %mul3A_1550 : i32
      %get3A_1553 = arith.index_cast %add3A_1552 : i32 to index
      %get3A_1554 = tpu.vector_load %arg21[%get3A_1553] {strides = array<i32>} : memref<4096xi32, #tpu.memory_space<vmem>>, vector<16xi32>,
      %add3A_1555 = arith.addi %add3A_1548, %get3A_1554 : vector<16xi32>
      %mul3A_1556 = arith.constant 16 : i32
      %mul3A_1557 = arith.muli %add3A_1523, %mul3A_1556 : i32
      %add3A_1558 = arith.constant 1280 : i32
      %add3A_1559 = arith.addi %add3A_1558, %mul3A_1557 : i32
      %get3A_1560 = arith.index_cast %add3A_1559 : i32 to index
      %get3A_1561 = tpu.vector_load %arg21[%get3A_1560] {strides = array<i32>} : memref<4096xi32, #tpu.memory_space<vmem>>, vector<16xi32>,
      %add3A_1562 = arith.addi %add3A_1555, %get3A_1561 : vector<16xi32>
      %mul3A_1563 = arith.constant 16 : i32
      %mul3A_1564 = arith.muli %add3A_1523, %mul3A_1563 : i32
      %add3A_1565 = arith.constant 1536 : i32
      %add3A_1566 = arith.addi %add3A_1565, %mul3A_1564 : i32
      %get3A_1567 = arith.index_cast %add3A_1566 : i32 to index
      %get3A_1568 = tpu.vector_load %arg21[%get3A_1567] {strides = array<i32>} : memref<4096xi32, #tpu.memory_space<vmem>>, vector<16xi32>,
      %add3A_1569 = arith.addi %add3A_1562, %get3A_1568 : vector<16xi32>
      %mul3A_1570 = arith.constant 16 : i32
      %mul3A_1571 = arith.muli %add3A_1523, %mul3A_1570 : i32
      %add3A_1572 = arith.constant 1792 : i32
      %add3A_1573 = arith.addi %add3A_1572, %mul3A_1571 : i32
      %get3A_1574 = arith.index_cast %add3A_1573 : i32 to index
      %get3A_1575 = tpu.vector_load %arg21[%get3A_1574] {strides = array<i32>} : memref<4096xi32, #tpu.memory_space<vmem>>, vector<16xi32>,
      %add3A_1576 = arith.addi %add3A_1569, %get3A_1575 : vector<16xi32>
      %mul3A_1577 = arith.constant 16 : i32
      %mul3A_1578 = arith.muli %add3A_1523, %mul3A_1577 : i32
      %add3A_1579 = arith.constant 2048 : i32
      %add3A_1580 = arith.addi %add3A_1579, %mul3A_1578 : i32
      %get3A_1581 = arith.index_cast %add3A_1580 : i32 to index
      %get3A_1582 = tpu.vector_load %arg21[%get3A_1581] {strides = array<i32>} : memref<4096xi32, #tpu.memory_space<vmem>>, vector<16xi32>,
      %add3A_1583 = arith.addi %add3A_1576, %get3A_1582 : vector<16xi32>
      %mul3A_1584 = arith.constant 16 : i32
      %mul3A_1585 = arith.muli %add3A_1523, %mul3A_1584 : i32
      %add3A_1586 = arith.constant 2304 : i32
      %add3A_1587 = arith.addi %add3A_1586, %mul3A_1585 : i32
      %get3A_1588 = arith.index_cast %add3A_1587 : i32 to index
      %get3A_1589 = tpu.vector_load %arg21[%get3A_1588] {strides = array<i32>} : memref<4096xi32, #tpu.memory_space<vmem>>, vector<16xi32>,
      %add3A_1590 = arith.addi %add3A_1583, %get3A_1589 : vector<16xi32>
      %mul3A_1591 = arith.constant 16 : i32
      %mul3A_1592 = arith.muli %add3A_1523, %mul3A_1591 : i32
      %add3A_1593 = arith.constant 2560 : i32
      %add3A_1594 = arith.addi %add3A_1593, %mul3A_1592 : i32
      %get3A_1595 = arith.index_cast %add3A_1594 : i32 to index
      %get3A_1596 = tpu.vector_load %arg21[%get3A_1595] {strides = array<i32>} : memref<4096xi32, #tpu.memory_space<vmem>>, vector<16xi32>,
      %add3A_1597 = arith.addi %add3A_1590, %get3A_1596 : vector<16xi32>
      %mul3A_1598 = arith.constant 16 : i32
      %mul3A_1599 = arith.muli %add3A_1523, %mul3A_1598 : i32
      %add3A_1600 = arith.constant 2816 : i32
      %add3A_1601 = arith.addi %add3A_1600, %mul3A_1599 : i32
      %get3A_1602 = arith.index_cast %add3A_1601 : i32 to index
      %get3A_1603 = tpu.vector_load %arg21[%get3A_1602] {strides = array<i32>} : memref<4096xi32, #tpu.memory_space<vmem>>, vector<16xi32>,
      %add3A_1604 = arith.addi %add3A_1597, %get3A_1603 : vector<16xi32>
      %mul3A_1605 = arith.constant 16 : i32
      %mul3A_1606 = arith.muli %add3A_1523, %mul3A_1605 : i32
      %add3A_1607 = arith.constant 3072 : i32
      %add3A_1608 = arith.addi %add3A_1607, %mul3A_1606 : i32
      %get3A_1609 = arith.index_cast %add3A_1608 : i32 to index
      %get3A_1610 = tpu.vector_load %arg21[%get3A_1609] {strides = array<i32>} : memref<4096xi32, #tpu.memory_space<vmem>>, vector<16xi32>,
      %add3A_1611 = arith.addi %add3A_1604, %get3A_1610 : vector<16xi32>
      %mul3A_1612 = arith.constant 16 : i32
      %mul3A_1613 = arith.muli %add3A_1523, %mul3A_1612 : i32
      %add3A_1614 = arith.constant 3328 : i32
      %add3A_1615 = arith.addi %add3A_1614, %mul3A_1613 : i32
      %get3A_1616 = arith.index_cast %add3A_1615 : i32 to index
      %get3A_1617 = tpu.vector_load %arg21[%get3A_1616] {strides = array<i32>} : memref<4096xi32, #tpu.memory_space<vmem>>, vector<16xi32>,
      %add3A_1618 = arith.addi %add3A_1611, %get3A_1617 : vector<16xi32>
      %mul3A_1619 = arith.constant 16 : i32
      %mul3A_1620 = arith.muli %add3A_1523, %mul3A_1619 : i32
      %add3A_1621 = arith.constant 3584 : i32
      %add3A_1622 = arith.addi %add3A_1621, %mul3A_1620 : i32
      %get3A_1623 = arith.index_cast %add3A_1622 : i32 to index
      %get3A_1624 = tpu.vector_load %arg21[%get3A_1623] {strides = array<i32>} : memref<4096xi32, #tpu.memory_space<vmem>>, vector<16xi32>,
      %add3A_1625 = arith.addi %add3A_1618, %get3A_1624 : vector<16xi32>
      %mul3A_1626 = arith.constant 16 : i32
      %mul3A_1627 = arith.muli %add3A_1523, %mul3A_1626 : i32
      %add3A_1628 = arith.constant 3840 : i32
      %add3A_1629 = arith.addi %add3A_1628, %mul3A_1627 : i32
      %get3A_1630 = arith.index_cast %add3A_1629 : i32 to index
      %get3A_1631 = tpu.vector_load %arg21[%get3A_1630] {strides = array<i32>} : memref<4096xi32, #tpu.memory_space<vmem>>, vector<16xi32>,
      %add3A_1632 = arith.addi %add3A_1625, %get3A_1631 : vector<16xi32>
      %mul3A_1633 = arith.constant 16 : i32
      %mul3A_1634 = arith.muli %add3A_1523, %mul3A_1633 : i32
      %swap3A_1635 = arith.index_cast %mul3A_1634 : i32 to index
      %swap3A_1636 = tpu.vector_load %arg22[%swap3A_1635] {strides = array<i32>} : memref<256xi32, #tpu.memory_space<vmem>>, vector<16xi32>,
      tpu.vector_store %arg22[%swap3A_1635], %add3A_1632 {strides = array<i32>} : memref<256xi32, #tpu.memory_space<vmem>>, vector<16xi32>,
    }
    %scan3A_779 = arith.constant 16 : i32
    "tpu.region"() ({
      %run_scoped3A = tpu.sem_alloc : memref<!tpu.dma_semaphore, #tpu.memory_space<semaphore_mem>>
      %dma_start3A = arith.constant 0 : i32
      %dma_start3A_1519 = tpu.memref_slice %arg24[%arg1, %dma_start3A] : memref<16x256xi32, #tpu.memory_space<vmem_shared>> -> memref<1x256xi32, #tpu.memory_space<vmem_shared>>
      %dma_start3A_1520 = tpu.memref_squeeze %dma_start3A_1519 : memref<1x256xi32, #tpu.memory_space<vmem_shared>> -> memref<256xi32, #tpu.memory_space<vmem_shared>>
      %dma_start3A_1521 = arith.constant 0 : i32
      %dma_start3A_1522 = tpu.memref_slice %arg24[%arg1, %dma_start3A_1521] : memref<16x256xi32, #tpu.memory_space<vmem_shared>> -> memref<1x256xi32, #tpu.memory_space<vmem_shared>>
      %dma_start3A_1523 = tpu.memref_squeeze %dma_start3A_1522 : memref<1x256xi32, #tpu.memory_space<vmem_shared>> -> memref<256xi32, #tpu.memory_space<vmem_shared>>
      tpu.enqueue_dma source(%arg22 : memref<256xi32, #tpu.memory_space<vmem>>) target(%dma_start3A_1523 : memref<256xi32, #tpu.memory_space<vmem_shared>>) target_semaphore(%run_scoped3A : memref<!tpu.dma_semaphore, #tpu.memory_space<semaphore_mem>>)
      %dma_wait3A = arith.constant 0 : i32
      %dma_wait3A_1524 = tpu.memref_slice %arg24[%arg1, %dma_wait3A] : memref<16x256xi32, #tpu.memory_space<vmem_shared>> -> memref<1x256xi32, #tpu.memory_space<vmem_shared>>
      %dma_wait3A_1525 = tpu.memref_squeeze %dma_wait3A_1524 : memref<1x256xi32, #tpu.memory_space<vmem_shared>> -> memref<256xi32, #tpu.memory_space<vmem_shared>>
      %dma_wait3A_1526 = arith.constant 0 : i32
      %dma_wait3A_1527 = tpu.memref_slice %arg24[%arg1, %dma_wait3A_1526] : memref<16x256xi32, #tpu.memory_space<vmem_shared>> -> memref<1x256xi32, #tpu.memory_space<vmem_shared>>
      %dma_wait3A_1528 = tpu.memref_squeeze %dma_wait3A_1527 : memref<1x256xi32, #tpu.memory_space<vmem_shared>> -> memref<256xi32, #tpu.memory_space<vmem_shared>>
      tpu.wait_dma2 semaphore(%run_scoped3A : memref<!tpu.dma_semaphore, #tpu.memory_space<semaphore_mem>>) src(%arg22 : memref<256xi32, #tpu.memory_space<vmem>>) dst(%dma_wait3A_1528 : memref<256xi32, #tpu.memory_space<vmem_shared>>)
      tpu.yield
    }) : () -> ()
    %barrier3A_780 = arith.constant 0 : index
    tpu.barrier barrier_id(%barrier3A_780)
    %xor3A_781 = arith.constant 1 : i32
    %xor3A_782 = arith.xori %arg1, %xor3A_781 : i32
    "tpu.region"() ({
      %run_scoped3A = tpu.sem_alloc : memref<!tpu.dma_semaphore, #tpu.memory_space<semaphore_mem>>
      %dma_start3A = arith.constant 0 : i32
      %dma_start3A_1519 = tpu.memref_slice %arg24[%xor3A_782, %dma_start3A] : memref<16x256xi32, #tpu.memory_space<vmem_shared>> -> memref<1x256xi32, #tpu.memory_space<vmem_shared>>
      %dma_start3A_1520 = tpu.memref_squeeze %dma_start3A_1519 : memref<1x256xi32, #tpu.memory_space<vmem_shared>> -> memref<256xi32, #tpu.memory_space<vmem_shared>>
      %dma_start3A_1521 = arith.constant 0 : i32
      %dma_start3A_1522 = tpu.memref_slice %arg24[%xor3A_782, %dma_start3A_1521] : memref<16x256xi32, #tpu.memory_space<vmem_shared>> -> memref<1x256xi32, #tpu.memory_space<vmem_shared>>
      %dma_start3A_1523 = tpu.memref_squeeze %dma_start3A_1522 : memref<1x256xi32, #tpu.memory_space<vmem_shared>> -> memref<256xi32, #tpu.memory_space<vmem_shared>>
      tpu.enqueue_dma source(%dma_start3A_1523 : memref<256xi32, #tpu.memory_space<vmem_shared>>) target(%arg23 : memref<256xi32, #tpu.memory_space<vmem>>) target_semaphore(%run_scoped3A : memref<!tpu.dma_semaphore, #tpu.memory_space<semaphore_mem>>)
      %dma_wait3A = arith.constant 0 : i32
      %dma_wait3A_1524 = tpu.memref_slice %arg24[%xor3A_782, %dma_wait3A] : memref<16x256xi32, #tpu.memory_space<vmem_shared>> -> memref<1x256xi32, #tpu.memory_space<vmem_shared>>
      %dma_wait3A_1525 = tpu.memref_squeeze %dma_wait3A_1524 : memref<1x256xi32, #tpu.memory_space<vmem_shared>> -> memref<256xi32, #tpu.memory_space<vmem_shared>>
      %dma_wait3A_1526 = arith.constant 0 : i32
      %dma_wait3A_1527 = tpu.memref_slice %arg24[%xor3A_782, %dma_wait3A_1526] : memref<16x256xi32, #tpu.memory_space<vmem_shared>> -> memref<1x256xi32, #tpu.memory_space<vmem_shared>>
      %dma_wait3A_1528 = tpu.memref_squeeze %dma_wait3A_1527 : memref<1x256xi32, #tpu.memory_space<vmem_shared>> -> memref<256xi32, #tpu.memory_space<vmem_shared>>
      tpu.wait_dma2 semaphore(%run_scoped3A : memref<!tpu.dma_semaphore, #tpu.memory_space<semaphore_mem>>) src(%dma_wait3A_1528 : memref<256xi32, #tpu.memory_space<vmem_shared>>) dst(%arg23 : memref<256xi32, #tpu.memory_space<vmem>>)
      tpu.yield
    }) : () -> ()
    %scan3A_783 = arith.constant 0 : i32
    %scan3A_784 = arith.constant 16 : i32
    %scan3A_785 = arith.addi %scan3A_783, %scan3A_784 : i32
    %scan3A_786 = arith.constant 1 : i32
    scf.for %scan3A_1519 = %scan3A_783 to %scan3A_785 step %scan3A_786  : i32 {
      %mul3A_1520 = arith.constant 1 : i32
      %mul3A_1521 = arith.muli %scan3A_1519, %mul3A_1520 : i32
      %add3A_1522 = arith.constant 0 : i32
      %add3A_1523 = arith.addi %add3A_1522, %mul3A_1521 : i32
      %mul3A_1524 = arith.constant 16 : i32
      %mul3A_1525 = arith.muli %add3A_1523, %mul3A_1524 : i32
      %get3A_1526 = arith.index_cast %mul3A_1525 : i32 to index
      %get3A_1527 = tpu.vector_load %arg22[%get3A_1526] {strides = array<i32>} : memref<256xi32, #tpu.memory_space<vmem>>, vector<16xi32>,
      %mul3A_1528 = arith.constant 16 : i32
      %mul3A_1529 = arith.muli %add3A_1523, %mul3A_1528 : i32
      %get3A_1530 = arith.index_cast %mul3A_1529 : i32 to index
      %get3A_1531 = tpu.vector_load %arg23[%get3A_1530] {strides = array<i32>} : memref<256xi32, #tpu.memory_space<vmem>>, vector<16xi32>,
      %add3A_1532 = arith.addi %get3A_1527, %get3A_1531 : vector<16xi32>
      %mul3A_1533 = arith.constant 16 : i32
      %mul3A_1534 = arith.muli %add3A_1523, %mul3A_1533 : i32
      %swap3A_1535 = arith.index_cast %mul3A_1534 : i32 to index
      %swap3A_1536 = tpu.vector_load %arg22[%swap3A_1535] {strides = array<i32>} : memref<256xi32, #tpu.memory_space<vmem>>, vector<16xi32>,
      tpu.vector_store %arg22[%swap3A_1535], %add3A_1532 {strides = array<i32>} : memref<256xi32, #tpu.memory_space<vmem>>, vector<16xi32>,
    }
    %scan3A_787 = arith.constant 16 : i32
    %barrier3A_788 = arith.constant 0 : index
    tpu.barrier barrier_id(%barrier3A_788)
    %mul3A_789 = arith.constant 16 : i32
    %mul3A_790 = vector.broadcast %mul3A_789 : i32 to vector<16xi32>
    %mul3A_791 = arith.muli %iota3A, %mul3A_790 : vector<16xi32>
    %gather3A_792 = tpu.vector_load_idx %arg22[%mul3A_791] : memref<256xi32, #tpu.memory_space<vmem>>[vector<16xi32>], vector<16xi32>,
    %mul3A_793 = arith.constant 16 : i32
    %mul3A_794 = vector.broadcast %mul3A_793 : i32 to vector<16xi32>
    %mul3A_795 = arith.muli %iota3A, %mul3A_794 : vector<16xi32>
    %add3A_796 = arith.constant 1 : i32
    %add3A_797 = vector.broadcast %add3A_796 : i32 to vector<16xi32>
    %add3A_798 = arith.addi %mul3A_795, %add3A_797 : vector<16xi32>
    %gather3A_799 = tpu.vector_load_idx %arg22[%add3A_798] : memref<256xi32, #tpu.memory_space<vmem>>[vector<16xi32>], vector<16xi32>,
    %add3A_800 = arith.addi %gather3A_792, %gather3A_799 : vector<16xi32>
    %mul3A_801 = arith.constant 16 : i32
    %mul3A_802 = vector.broadcast %mul3A_801 : i32 to vector<16xi32>
    %mul3A_803 = arith.muli %iota3A, %mul3A_802 : vector<16xi32>
    %add3A_804 = arith.constant 2 : i32
    %add3A_805 = vector.broadcast %add3A_804 : i32 to vector<16xi32>
    %add3A_806 = arith.addi %mul3A_803, %add3A_805 : vector<16xi32>
    %gather3A_807 = tpu.vector_load_idx %arg22[%add3A_806] : memref<256xi32, #tpu.memory_space<vmem>>[vector<16xi32>], vector<16xi32>,
    %add3A_808 = arith.addi %add3A_800, %gather3A_807 : vector<16xi32>
    %mul3A_809 = arith.constant 16 : i32
    %mul3A_810 = vector.broadcast %mul3A_809 : i32 to vector<16xi32>
    %mul3A_811 = arith.muli %iota3A, %mul3A_810 : vector<16xi32>
    %add3A_812 = arith.constant 3 : i32
    %add3A_813 = vector.broadcast %add3A_812 : i32 to vector<16xi32>
    %add3A_814 = arith.addi %mul3A_811, %add3A_813 : vector<16xi32>
    %gather3A_815 = tpu.vector_load_idx %arg22[%add3A_814] : memref<256xi32, #tpu.memory_space<vmem>>[vector<16xi32>], vector<16xi32>,
    %add3A_816 = arith.addi %add3A_808, %gather3A_815 : vector<16xi32>
    %mul3A_817 = arith.constant 16 : i32
    %mul3A_818 = vector.broadcast %mul3A_817 : i32 to vector<16xi32>
    %mul3A_819 = arith.muli %iota3A, %mul3A_818 : vector<16xi32>
    %add3A_820 = arith.constant 4 : i32
    %add3A_821 = vector.broadcast %add3A_820 : i32 to vector<16xi32>
    %add3A_822 = arith.addi %mul3A_819, %add3A_821 : vector<16xi32>
    %gather3A_823 = tpu.vector_load_idx %arg22[%add3A_822] : memref<256xi32, #tpu.memory_space<vmem>>[vector<16xi32>], vector<16xi32>,
    %add3A_824 = arith.addi %add3A_816, %gather3A_823 : vector<16xi32>
    %mul3A_825 = arith.constant 16 : i32
    %mul3A_826 = vector.broadcast %mul3A_825 : i32 to vector<16xi32>
    %mul3A_827 = arith.muli %iota3A, %mul3A_826 : vector<16xi32>
    %add3A_828 = arith.constant 5 : i32
    %add3A_829 = vector.broadcast %add3A_828 : i32 to vector<16xi32>
    %add3A_830 = arith.addi %mul3A_827, %add3A_829 : vector<16xi32>
    %gather3A_831 = tpu.vector_load_idx %arg22[%add3A_830] : memref<256xi32, #tpu.memory_space<vmem>>[vector<16xi32>], vector<16xi32>,
    %add3A_832 = arith.addi %add3A_824, %gather3A_831 : vector<16xi32>
    %mul3A_833 = arith.constant 16 : i32
    %mul3A_834 = vector.broadcast %mul3A_833 : i32 to vector<16xi32>
    %mul3A_835 = arith.muli %iota3A, %mul3A_834 : vector<16xi32>
    %add3A_836 = arith.constant 6 : i32
    %add3A_837 = vector.broadcast %add3A_836 : i32 to vector<16xi32>
    %add3A_838 = arith.addi %mul3A_835, %add3A_837 : vector<16xi32>
    %gather3A_839 = tpu.vector_load_idx %arg22[%add3A_838] : memref<256xi32, #tpu.memory_space<vmem>>[vector<16xi32>], vector<16xi32>,
    %add3A_840 = arith.addi %add3A_832, %gather3A_839 : vector<16xi32>
    %mul3A_841 = arith.constant 16 : i32
    %mul3A_842 = vector.broadcast %mul3A_841 : i32 to vector<16xi32>
    %mul3A_843 = arith.muli %iota3A, %mul3A_842 : vector<16xi32>
    %add3A_844 = arith.constant 7 : i32
    %add3A_845 = vector.broadcast %add3A_844 : i32 to vector<16xi32>
    %add3A_846 = arith.addi %mul3A_843, %add3A_845 : vector<16xi32>
    %gather3A_847 = tpu.vector_load_idx %arg22[%add3A_846] : memref<256xi32, #tpu.memory_space<vmem>>[vector<16xi32>], vector<16xi32>,
    %add3A_848 = arith.addi %add3A_840, %gather3A_847 : vector<16xi32>
    %mul3A_849 = arith.constant 16 : i32
    %mul3A_850 = vector.broadcast %mul3A_849 : i32 to vector<16xi32>
    %mul3A_851 = arith.muli %iota3A, %mul3A_850 : vector<16xi32>
    %add3A_852 = arith.constant 8 : i32
    %add3A_853 = vector.broadcast %add3A_852 : i32 to vector<16xi32>
    %add3A_854 = arith.addi %mul3A_851, %add3A_853 : vector<16xi32>
    %gather3A_855 = tpu.vector_load_idx %arg22[%add3A_854] : memref<256xi32, #tpu.memory_space<vmem>>[vector<16xi32>], vector<16xi32>,
    %add3A_856 = arith.addi %add3A_848, %gather3A_855 : vector<16xi32>
    %mul3A_857 = arith.constant 16 : i32
    %mul3A_858 = vector.broadcast %mul3A_857 : i32 to vector<16xi32>
    %mul3A_859 = arith.muli %iota3A, %mul3A_858 : vector<16xi32>
    %add3A_860 = arith.constant 9 : i32
    %add3A_861 = vector.broadcast %add3A_860 : i32 to vector<16xi32>
    %add3A_862 = arith.addi %mul3A_859, %add3A_861 : vector<16xi32>
    %gather3A_863 = tpu.vector_load_idx %arg22[%add3A_862] : memref<256xi32, #tpu.memory_space<vmem>>[vector<16xi32>], vector<16xi32>,
    %add3A_864 = arith.addi %add3A_856, %gather3A_863 : vector<16xi32>
    %mul3A_865 = arith.constant 16 : i32
    %mul3A_866 = vector.broadcast %mul3A_865 : i32 to vector<16xi32>
    %mul3A_867 = arith.muli %iota3A, %mul3A_866 : vector<16xi32>
    %add3A_868 = arith.constant 10 : i32
    %add3A_869 = vector.broadcast %add3A_868 : i32 to vector<16xi32>
    %add3A_870 = arith.addi %mul3A_867, %add3A_869 : vector<16xi32>
    %gather3A_871 = tpu.vector_load_idx %arg22[%add3A_870] : memref<256xi32, #tpu.memory_space<vmem>>[vector<16xi32>], vector<16xi32>,
    %add3A_872 = arith.addi %add3A_864, %gather3A_871 : vector<16xi32>
    %mul3A_873 = arith.constant 16 : i32
    %mul3A_874 = vector.broadcast %mul3A_873 : i32 to vector<16xi32>
    %mul3A_875 = arith.muli %iota3A, %mul3A_874 : vector<16xi32>
    %add3A_876 = arith.constant 11 : i32
    %add3A_877 = vector.broadcast %add3A_876 : i32 to vector<16xi32>
    %add3A_878 = arith.addi %mul3A_875, %add3A_877 : vector<16xi32>
    %gather3A_879 = tpu.vector_load_idx %arg22[%add3A_878] : memref<256xi32, #tpu.memory_space<vmem>>[vector<16xi32>], vector<16xi32>,
    %add3A_880 = arith.addi %add3A_872, %gather3A_879 : vector<16xi32>
    %mul3A_881 = arith.constant 16 : i32
    %mul3A_882 = vector.broadcast %mul3A_881 : i32 to vector<16xi32>
    %mul3A_883 = arith.muli %iota3A, %mul3A_882 : vector<16xi32>
    %add3A_884 = arith.constant 12 : i32
    %add3A_885 = vector.broadcast %add3A_884 : i32 to vector<16xi32>
    %add3A_886 = arith.addi %mul3A_883, %add3A_885 : vector<16xi32>
    %gather3A_887 = tpu.vector_load_idx %arg22[%add3A_886] : memref<256xi32, #tpu.memory_space<vmem>>[vector<16xi32>], vector<16xi32>,
    %add3A_888 = arith.addi %add3A_880, %gather3A_887 : vector<16xi32>
    %mul3A_889 = arith.constant 16 : i32
    %mul3A_890 = vector.broadcast %mul3A_889 : i32 to vector<16xi32>
    %mul3A_891 = arith.muli %iota3A, %mul3A_890 : vector<16xi32>
    %add3A_892 = arith.constant 13 : i32
    %add3A_893 = vector.broadcast %add3A_892 : i32 to vector<16xi32>
    %add3A_894 = arith.addi %mul3A_891, %add3A_893 : vector<16xi32>
    %gather3A_895 = tpu.vector_load_idx %arg22[%add3A_894] : memref<256xi32, #tpu.memory_space<vmem>>[vector<16xi32>], vector<16xi32>,
    %add3A_896 = arith.addi %add3A_888, %gather3A_895 : vector<16xi32>
    %mul3A_897 = arith.constant 16 : i32
    %mul3A_898 = vector.broadcast %mul3A_897 : i32 to vector<16xi32>
    %mul3A_899 = arith.muli %iota3A, %mul3A_898 : vector<16xi32>
    %add3A_900 = arith.constant 14 : i32
    %add3A_901 = vector.broadcast %add3A_900 : i32 to vector<16xi32>
    %add3A_902 = arith.addi %mul3A_899, %add3A_901 : vector<16xi32>
    %gather3A_903 = tpu.vector_load_idx %arg22[%add3A_902] : memref<256xi32, #tpu.memory_space<vmem>>[vector<16xi32>], vector<16xi32>,
    %add3A_904 = arith.addi %add3A_896, %gather3A_903 : vector<16xi32>
    %mul3A_905 = arith.constant 16 : i32
    %mul3A_906 = vector.broadcast %mul3A_905 : i32 to vector<16xi32>
    %mul3A_907 = arith.muli %iota3A, %mul3A_906 : vector<16xi32>
    %add3A_908 = arith.constant 15 : i32
    %add3A_909 = vector.broadcast %add3A_908 : i32 to vector<16xi32>
    %add3A_910 = arith.addi %mul3A_907, %add3A_909 : vector<16xi32>
    %gather3A_911 = tpu.vector_load_idx %arg22[%add3A_910] : memref<256xi32, #tpu.memory_space<vmem>>[vector<16xi32>], vector<16xi32>,
    %add3A_912 = arith.addi %add3A_904, %gather3A_911 : vector<16xi32>
    %cumsum3A_913 = arith.constant true
    %cumsum3A_914 = vector.broadcast %cumsum3A_913 : i1 to vector<16xi1>
    %cumsum3A_915 = tpu.scan <sum>, %add3A_912 masked %cumsum3A_914 : vector<16xi32>, vector<16xi1> -> vector<16xi32>
    %ge3A_916 = vector.broadcast %sub3A_750 : i32 to vector<16xi32>
    %ge3A_917 = arith.cmpi sge, %cumsum3A_915, %ge3A_916 : vector<16xi32>
    %jit3A_918 = arith.constant 16 : i32
    %broadcast_in_dim3A_919 = vector.broadcast %jit3A_918 : i32 to vector<16xi32>
    %select_n3A_920 = arith.select %ge3A_917, %iota3A, %broadcast_in_dim3A_919 : vector<16xi1>, vector<16xi32>
    %reduce_min3A_921 = arith.constant true
    %reduce_min3A_922 = vector.broadcast %reduce_min3A_921 : i1 to vector<16xi1>
    %reduce_min3A_923 = arith.constant -2147483648 : i32
    %reduce_min3A_924 = vector.broadcast %reduce_min3A_923 : i32 to vector<16xi32>
    %reduce_min3A_925 = arith.xori %select_n3A_920, %reduce_min3A_924 : vector<16xi32>
    %reduce_min3A_926 = tpu.scan <min>, %reduce_min3A_925 masked %reduce_min3A_922 : vector<16xi32>, vector<16xi1> -> vector<16xi32>
    %reduce_min3A_927 = arith.xori %reduce_min3A_926, %reduce_min3A_924 : vector<16xi32>
    %reduce_min3A_928 = vector.extract %reduce_min3A_927[15] : i32 from vector<16xi32>
    %lt3A_929 = vector.broadcast %reduce_min3A_928 : i32 to vector<16xi32>
    %lt3A_930 = arith.cmpi slt, %iota3A, %lt3A_929 : vector<16xi32>
    %jit3A_931 = arith.constant 0 : i32
    %broadcast_in_dim3A_932 = vector.broadcast %jit3A_931 : i32 to vector<16xi32>
    %select_n3A_933 = arith.select %lt3A_930, %add3A_912, %broadcast_in_dim3A_932 : vector<16xi1>, vector<16xi32>
    %reduce_sum3A_934 = arith.constant true
    %reduce_sum3A_935 = vector.broadcast %reduce_sum3A_934 : i1 to vector<16xi1>
    %reduce_sum3A_936 = tpu.scan <sum>, %select_n3A_933 masked %reduce_sum3A_935 : vector<16xi32>, vector<16xi1> -> vector<16xi32>
    %reduce_sum3A_937 = vector.extract %reduce_sum3A_936[15] : i32 from vector<16xi32>
    %mul3A_938 = arith.constant 16 : i32
    %mul3A_939 = arith.muli %reduce_min3A_928, %mul3A_938 : i32
    %add3A_940 = vector.broadcast %mul3A_939 : i32 to vector<16xi32>
    %add3A_941 = arith.addi %add3A_940, %iota3A : vector<16xi32>
    %gather3A_942 = tpu.vector_load_idx %arg22[%add3A_941] : memref<256xi32, #tpu.memory_space<vmem>>[vector<16xi32>], vector<16xi32>,
    %cumsum3A_943 = arith.constant true
    %cumsum3A_944 = vector.broadcast %cumsum3A_943 : i1 to vector<16xi1>
    %cumsum3A_945 = tpu.scan <sum>, %gather3A_942 masked %cumsum3A_944 : vector<16xi32>, vector<16xi1> -> vector<16xi32>
    %add3A_946 = vector.broadcast %reduce_sum3A_937 : i32 to vector<16xi32>
    %add3A_947 = arith.addi %cumsum3A_945, %add3A_946 : vector<16xi32>
    %ge3A_948 = vector.broadcast %sub3A_750 : i32 to vector<16xi32>
    %ge3A_949 = arith.cmpi sge, %add3A_947, %ge3A_948 : vector<16xi32>
    %jit3A_950 = arith.constant 16 : i32
    %broadcast_in_dim3A_951 = vector.broadcast %jit3A_950 : i32 to vector<16xi32>
    %select_n3A_952 = arith.select %ge3A_949, %iota3A, %broadcast_in_dim3A_951 : vector<16xi1>, vector<16xi32>
    %reduce_min3A_953 = arith.constant true
    %reduce_min3A_954 = vector.broadcast %reduce_min3A_953 : i1 to vector<16xi1>
    %reduce_min3A_955 = arith.constant -2147483648 : i32
    %reduce_min3A_956 = vector.broadcast %reduce_min3A_955 : i32 to vector<16xi32>
    %reduce_min3A_957 = arith.xori %select_n3A_952, %reduce_min3A_956 : vector<16xi32>
    %reduce_min3A_958 = tpu.scan <min>, %reduce_min3A_957 masked %reduce_min3A_954 : vector<16xi32>, vector<16xi1> -> vector<16xi32>
    %reduce_min3A_959 = arith.xori %reduce_min3A_958, %reduce_min3A_956 : vector<16xi32>
    %reduce_min3A_960 = vector.extract %reduce_min3A_959[15] : i32 from vector<16xi32>
    %lt3A_961 = vector.broadcast %reduce_min3A_960 : i32 to vector<16xi32>
    %lt3A_962 = arith.cmpi slt, %iota3A, %lt3A_961 : vector<16xi32>
    %jit3A_963 = arith.constant 0 : i32
    %broadcast_in_dim3A_964 = vector.broadcast %jit3A_963 : i32 to vector<16xi32>
    %select_n3A_965 = arith.select %lt3A_962, %gather3A_942, %broadcast_in_dim3A_964 : vector<16xi1>, vector<16xi32>
    %reduce_sum3A_966 = arith.constant true
    %reduce_sum3A_967 = vector.broadcast %reduce_sum3A_966 : i1 to vector<16xi1>
    %reduce_sum3A_968 = tpu.scan <sum>, %select_n3A_965 masked %reduce_sum3A_967 : vector<16xi32>, vector<16xi1> -> vector<16xi32>
    %reduce_sum3A_969 = vector.extract %reduce_sum3A_968[15] : i32 from vector<16xi32>
    %add3A_970 = arith.addi %reduce_sum3A_937, %reduce_sum3A_969 : i32
    %eq3A_971 = vector.broadcast %reduce_min3A_960 : i32 to vector<16xi32>
    %eq3A_972 = arith.cmpi eq, %iota3A, %eq3A_971 : vector<16xi32>
    %jit3A_973 = arith.constant 0 : i32
    %broadcast_in_dim3A_974 = vector.broadcast %jit3A_973 : i32 to vector<16xi32>
    %select_n3A_975 = arith.select %eq3A_972, %gather3A_942, %broadcast_in_dim3A_974 : vector<16xi1>, vector<16xi32>
    %reduce_sum3A_976 = arith.constant true
    %reduce_sum3A_977 = vector.broadcast %reduce_sum3A_976 : i1 to vector<16xi1>
    %reduce_sum3A_978 = tpu.scan <sum>, %select_n3A_975 masked %reduce_sum3A_977 : vector<16xi32>, vector<16xi1> -> vector<16xi32>
    %reduce_sum3A_979 = vector.extract %reduce_sum3A_978[15] : i32 from vector<16xi32>
    %mul3A_980 = arith.constant 16 : i32
    %mul3A_981 = arith.muli %reduce_min3A_928, %mul3A_980 : i32
    %add3A_982 = arith.addi %mul3A_981, %reduce_min3A_960 : i32
    %shift_left3A = arith.constant 8 : i32
    %shift_left3A_983 = arith.shli %add3A_749, %shift_left3A : i32
    %or3A = arith.ori %shift_left3A_983, %add3A_982 : i32
    %sub3A_984 = arith.subi %sub3A_750, %add3A_970 : i32
    %scan3A_985 = arith.constant 0 : i32
    %scan3A_986 = arith.constant 256 : i32
    %scan3A_987 = arith.addi %scan3A_985, %scan3A_986 : i32
    %scan3A_988 = arith.constant 1 : i32
    scf.for %scan3A_1519 = %scan3A_985 to %scan3A_987 step %scan3A_988  : i32 {
      %mul3A_1520 = arith.constant 16 : i32
      %mul3A_1521 = arith.muli %scan3A_1519, %mul3A_1520 : i32
      %add3A_1522 = arith.constant 0 : i32
      %add3A_1523 = arith.addi %add3A_1522, %mul3A_1521 : i32
      %broadcast_in_dim3A_1524 = arith.constant 0 : i32
      %broadcast_in_dim3A_1525 = vector.broadcast %broadcast_in_dim3A_1524 : i32 to vector<16xi32>
      %swap3A_1526 = arith.index_cast %add3A_1523 : i32 to index
      %swap3A_1527 = tpu.vector_load %arg21[%swap3A_1526] {strides = array<i32>} : memref<4096xi32, #tpu.memory_space<vmem>>, vector<16xi32>,
      tpu.vector_store %arg21[%swap3A_1526], %broadcast_in_dim3A_1525 {strides = array<i32>} : memref<4096xi32, #tpu.memory_space<vmem>>, vector<16xi32>,
    }
    %scan3A_989 = arith.constant 256 : i32
    %sub3A_990 = arith.constant 0 : i32
    %sub3A_991 = arith.subi %shift_right_arithmetic3A_518, %sub3A_990 : i32
    %sub3A_992 = arith.constant 1 : i32
    %sub3A_993 = arith.constant 1 : i32
    %sub3A_994 = arith.subi %sub3A_992, %sub3A_993 : i32
    %add3A_995 = arith.addi %sub3A_991, %sub3A_994 : i32
    %div3A_996 = arith.constant 1 : i32
    %div3A_997 = arith.divsi %add3A_995, %div3A_996 : i32
    %while3A_998 = arith.constant 1 : i32
    %while3A_999 = arith.constant 0 : i32
    %while3A_1000 = arith.constant 0 : i32
    %while3A_1001 = arith.subi %div3A_997, %while3A_1000 : i32
    %while3A_1002 = arith.addi %while3A_1000, %while3A_1001 : i32
    %while3A_1003 = arith.constant 1 : i32
    %while3A_1004 = arith.divsi %while3A_1001, %while3A_1003 : i32
    %while3A_1005 = arith.muli %while3A_1004, %while3A_1003 : i32
    %while3A_1006 = arith.addi %while3A_1000, %while3A_1005 : i32
    %while3A_1007 = arith.constant 1 : i32
    scf.for %while3A_1519 = %while3A_1000 to %while3A_1006 step %while3A_1007  : i32 {
      %mul3A_1520 = arith.muli %while3A_1519, %while3A_998 : i32
      %add3A_1521 = arith.addi %while3A_999, %mul3A_1520 : i32
      %mul3A_1522 = arith.constant 16 : i32
      %mul3A_1523 = arith.muli %add3A_1521, %mul3A_1522 : i32
      %get3A_1524 = arith.index_cast %mul3A_1523 : i32 to index
      %get3A_1525 = tpu.vector_load %arg20[%get3A_1524] {strides = array<i32>} : memref<32800xi32, #tpu.memory_space<vmem>>, vector<16xi32>,
      %bitcast3A_1526 = vector.bitcast %get3A_1525 : vector<16xi32> to vector<16xf32>
      %mul3A_1527 = arith.constant 2.560000e+02 : f32
      %mul3A_1528 = vector.broadcast %mul3A_1527 : f32 to vector<16xf32>
      %mul3A_1529 = arith.mulf %bitcast3A_1526, %mul3A_1528 : vector<16xf32>
      %convert_element_type3A_1530 = arith.fptosi %mul3A_1529 : vector<16xf32> to vector<16xi32>
      %eq3A_1531 = vector.broadcast %add3A_307 : i32 to vector<16xi32>
      %eq3A_1532 = arith.cmpi eq, %convert_element_type3A_1530, %eq3A_1531 : vector<16xi32>
      %shift_right_arithmetic3A_1533 = arith.constant 14 : i32
      %shift_right_arithmetic3A_1534 = vector.broadcast %shift_right_arithmetic3A_1533 : i32 to vector<16xi32>
      %shift_right_arithmetic3A_1535 = arith.shrsi %get3A_1525, %shift_right_arithmetic3A_1534 : vector<16xi32>
      %eq3A_1536 = vector.broadcast %or3A : i32 to vector<16xi32>
      %eq3A_1537 = arith.cmpi eq, %shift_right_arithmetic3A_1535, %eq3A_1536 : vector<16xi32>
      %and3A_1538 = arith.andi %eq3A_1532, %eq3A_1537 : vector<16xi1>
      %shift_right_arithmetic3A_1539 = arith.constant 6 : i32
      %shift_right_arithmetic3A_1540 = vector.broadcast %shift_right_arithmetic3A_1539 : i32 to vector<16xi32>
      %shift_right_arithmetic3A_1541 = arith.shrsi %get3A_1525, %shift_right_arithmetic3A_1540 : vector<16xi32>
      %and3A_1542 = arith.constant 255 : i32
      %and3A_1543 = vector.broadcast %and3A_1542 : i32 to vector<16xi32>
      %and3A_1544 = arith.andi %shift_right_arithmetic3A_1541, %and3A_1543 : vector<16xi32>
      %add3A_1545 = arith.addi %mul3A_21, %and3A_1544 : vector<16xi32>
      tpu.vector_store_idx %arg21[%add3A_1545], %broadcast_in_dim3A_22 masked %and3A_1538 {add = true} : memref<4096xi32, #tpu.memory_space<vmem>>[vector<16xi32>], vector<16xi32>, vector<16xi1>
    }
    %while3A_1008 = arith.constant 1 : i32
    scf.for %while3A_1519 = %while3A_1006 to %while3A_1002 step %while3A_1008  : i32 {
      %mul3A_1520 = arith.muli %while3A_1519, %while3A_998 : i32
      %add3A_1521 = arith.addi %while3A_999, %mul3A_1520 : i32
      %mul3A_1522 = arith.constant 16 : i32
      %mul3A_1523 = arith.muli %add3A_1521, %mul3A_1522 : i32
      %get3A_1524 = arith.index_cast %mul3A_1523 : i32 to index
      %get3A_1525 = tpu.vector_load %arg20[%get3A_1524] {strides = array<i32>} : memref<32800xi32, #tpu.memory_space<vmem>>, vector<16xi32>,
      %bitcast3A_1526 = vector.bitcast %get3A_1525 : vector<16xi32> to vector<16xf32>
      %mul3A_1527 = arith.constant 2.560000e+02 : f32
      %mul3A_1528 = vector.broadcast %mul3A_1527 : f32 to vector<16xf32>
      %mul3A_1529 = arith.mulf %bitcast3A_1526, %mul3A_1528 : vector<16xf32>
      %convert_element_type3A_1530 = arith.fptosi %mul3A_1529 : vector<16xf32> to vector<16xi32>
      %eq3A_1531 = vector.broadcast %add3A_307 : i32 to vector<16xi32>
      %eq3A_1532 = arith.cmpi eq, %convert_element_type3A_1530, %eq3A_1531 : vector<16xi32>
      %shift_right_arithmetic3A_1533 = arith.constant 14 : i32
      %shift_right_arithmetic3A_1534 = vector.broadcast %shift_right_arithmetic3A_1533 : i32 to vector<16xi32>
      %shift_right_arithmetic3A_1535 = arith.shrsi %get3A_1525, %shift_right_arithmetic3A_1534 : vector<16xi32>
      %eq3A_1536 = vector.broadcast %or3A : i32 to vector<16xi32>
      %eq3A_1537 = arith.cmpi eq, %shift_right_arithmetic3A_1535, %eq3A_1536 : vector<16xi32>
      %and3A_1538 = arith.andi %eq3A_1532, %eq3A_1537 : vector<16xi1>
      %shift_right_arithmetic3A_1539 = arith.constant 6 : i32
      %shift_right_arithmetic3A_1540 = vector.broadcast %shift_right_arithmetic3A_1539 : i32 to vector<16xi32>
      %shift_right_arithmetic3A_1541 = arith.shrsi %get3A_1525, %shift_right_arithmetic3A_1540 : vector<16xi32>
      %and3A_1542 = arith.constant 255 : i32
      %and3A_1543 = vector.broadcast %and3A_1542 : i32 to vector<16xi32>
      %and3A_1544 = arith.andi %shift_right_arithmetic3A_1541, %and3A_1543 : vector<16xi32>
      %add3A_1545 = arith.addi %mul3A_21, %and3A_1544 : vector<16xi32>
      tpu.vector_store_idx %arg21[%add3A_1545], %broadcast_in_dim3A_22 masked %and3A_1538 {add = true} : memref<4096xi32, #tpu.memory_space<vmem>>[vector<16xi32>], vector<16xi32>, vector<16xi1>
    }
    %scan3A_1009 = arith.constant 0 : i32
    %scan3A_1010 = arith.constant 16 : i32
    %scan3A_1011 = arith.addi %scan3A_1009, %scan3A_1010 : i32
    %scan3A_1012 = arith.constant 1 : i32
    scf.for %scan3A_1519 = %scan3A_1009 to %scan3A_1011 step %scan3A_1012  : i32 {
      %mul3A_1520 = arith.constant 1 : i32
      %mul3A_1521 = arith.muli %scan3A_1519, %mul3A_1520 : i32
      %add3A_1522 = arith.constant 0 : i32
      %add3A_1523 = arith.addi %add3A_1522, %mul3A_1521 : i32
      %mul3A_1524 = arith.constant 16 : i32
      %mul3A_1525 = arith.muli %add3A_1523, %mul3A_1524 : i32
      %get3A_1526 = arith.index_cast %mul3A_1525 : i32 to index
      %get3A_1527 = tpu.vector_load %arg21[%get3A_1526] {strides = array<i32>} : memref<4096xi32, #tpu.memory_space<vmem>>, vector<16xi32>,
      %mul3A_1528 = arith.constant 16 : i32
      %mul3A_1529 = arith.muli %add3A_1523, %mul3A_1528 : i32
      %add3A_1530 = arith.constant 256 : i32
      %add3A_1531 = arith.addi %add3A_1530, %mul3A_1529 : i32
      %get3A_1532 = arith.index_cast %add3A_1531 : i32 to index
      %get3A_1533 = tpu.vector_load %arg21[%get3A_1532] {strides = array<i32>} : memref<4096xi32, #tpu.memory_space<vmem>>, vector<16xi32>,
      %add3A_1534 = arith.addi %get3A_1527, %get3A_1533 : vector<16xi32>
      %mul3A_1535 = arith.constant 16 : i32
      %mul3A_1536 = arith.muli %add3A_1523, %mul3A_1535 : i32
      %add3A_1537 = arith.constant 512 : i32
      %add3A_1538 = arith.addi %add3A_1537, %mul3A_1536 : i32
      %get3A_1539 = arith.index_cast %add3A_1538 : i32 to index
      %get3A_1540 = tpu.vector_load %arg21[%get3A_1539] {strides = array<i32>} : memref<4096xi32, #tpu.memory_space<vmem>>, vector<16xi32>,
      %add3A_1541 = arith.addi %add3A_1534, %get3A_1540 : vector<16xi32>
      %mul3A_1542 = arith.constant 16 : i32
      %mul3A_1543 = arith.muli %add3A_1523, %mul3A_1542 : i32
      %add3A_1544 = arith.constant 768 : i32
      %add3A_1545 = arith.addi %add3A_1544, %mul3A_1543 : i32
      %get3A_1546 = arith.index_cast %add3A_1545 : i32 to index
      %get3A_1547 = tpu.vector_load %arg21[%get3A_1546] {strides = array<i32>} : memref<4096xi32, #tpu.memory_space<vmem>>, vector<16xi32>,
      %add3A_1548 = arith.addi %add3A_1541, %get3A_1547 : vector<16xi32>
      %mul3A_1549 = arith.constant 16 : i32
      %mul3A_1550 = arith.muli %add3A_1523, %mul3A_1549 : i32
      %add3A_1551 = arith.constant 1024 : i32
      %add3A_1552 = arith.addi %add3A_1551, %mul3A_1550 : i32
      %get3A_1553 = arith.index_cast %add3A_1552 : i32 to index
      %get3A_1554 = tpu.vector_load %arg21[%get3A_1553] {strides = array<i32>} : memref<4096xi32, #tpu.memory_space<vmem>>, vector<16xi32>,
      %add3A_1555 = arith.addi %add3A_1548, %get3A_1554 : vector<16xi32>
      %mul3A_1556 = arith.constant 16 : i32
      %mul3A_1557 = arith.muli %add3A_1523, %mul3A_1556 : i32
      %add3A_1558 = arith.constant 1280 : i32
      %add3A_1559 = arith.addi %add3A_1558, %mul3A_1557 : i32
      %get3A_1560 = arith.index_cast %add3A_1559 : i32 to index
      %get3A_1561 = tpu.vector_load %arg21[%get3A_1560] {strides = array<i32>} : memref<4096xi32, #tpu.memory_space<vmem>>, vector<16xi32>,
      %add3A_1562 = arith.addi %add3A_1555, %get3A_1561 : vector<16xi32>
      %mul3A_1563 = arith.constant 16 : i32
      %mul3A_1564 = arith.muli %add3A_1523, %mul3A_1563 : i32
      %add3A_1565 = arith.constant 1536 : i32
      %add3A_1566 = arith.addi %add3A_1565, %mul3A_1564 : i32
      %get3A_1567 = arith.index_cast %add3A_1566 : i32 to index
      %get3A_1568 = tpu.vector_load %arg21[%get3A_1567] {strides = array<i32>} : memref<4096xi32, #tpu.memory_space<vmem>>, vector<16xi32>,
      %add3A_1569 = arith.addi %add3A_1562, %get3A_1568 : vector<16xi32>
      %mul3A_1570 = arith.constant 16 : i32
      %mul3A_1571 = arith.muli %add3A_1523, %mul3A_1570 : i32
      %add3A_1572 = arith.constant 1792 : i32
      %add3A_1573 = arith.addi %add3A_1572, %mul3A_1571 : i32
      %get3A_1574 = arith.index_cast %add3A_1573 : i32 to index
      %get3A_1575 = tpu.vector_load %arg21[%get3A_1574] {strides = array<i32>} : memref<4096xi32, #tpu.memory_space<vmem>>, vector<16xi32>,
      %add3A_1576 = arith.addi %add3A_1569, %get3A_1575 : vector<16xi32>
      %mul3A_1577 = arith.constant 16 : i32
      %mul3A_1578 = arith.muli %add3A_1523, %mul3A_1577 : i32
      %add3A_1579 = arith.constant 2048 : i32
      %add3A_1580 = arith.addi %add3A_1579, %mul3A_1578 : i32
      %get3A_1581 = arith.index_cast %add3A_1580 : i32 to index
      %get3A_1582 = tpu.vector_load %arg21[%get3A_1581] {strides = array<i32>} : memref<4096xi32, #tpu.memory_space<vmem>>, vector<16xi32>,
      %add3A_1583 = arith.addi %add3A_1576, %get3A_1582 : vector<16xi32>
      %mul3A_1584 = arith.constant 16 : i32
      %mul3A_1585 = arith.muli %add3A_1523, %mul3A_1584 : i32
      %add3A_1586 = arith.constant 2304 : i32
      %add3A_1587 = arith.addi %add3A_1586, %mul3A_1585 : i32
      %get3A_1588 = arith.index_cast %add3A_1587 : i32 to index
      %get3A_1589 = tpu.vector_load %arg21[%get3A_1588] {strides = array<i32>} : memref<4096xi32, #tpu.memory_space<vmem>>, vector<16xi32>,
      %add3A_1590 = arith.addi %add3A_1583, %get3A_1589 : vector<16xi32>
      %mul3A_1591 = arith.constant 16 : i32
      %mul3A_1592 = arith.muli %add3A_1523, %mul3A_1591 : i32
      %add3A_1593 = arith.constant 2560 : i32
      %add3A_1594 = arith.addi %add3A_1593, %mul3A_1592 : i32
      %get3A_1595 = arith.index_cast %add3A_1594 : i32 to index
      %get3A_1596 = tpu.vector_load %arg21[%get3A_1595] {strides = array<i32>} : memref<4096xi32, #tpu.memory_space<vmem>>, vector<16xi32>,
      %add3A_1597 = arith.addi %add3A_1590, %get3A_1596 : vector<16xi32>
      %mul3A_1598 = arith.constant 16 : i32
      %mul3A_1599 = arith.muli %add3A_1523, %mul3A_1598 : i32
      %add3A_1600 = arith.constant 2816 : i32
      %add3A_1601 = arith.addi %add3A_1600, %mul3A_1599 : i32
      %get3A_1602 = arith.index_cast %add3A_1601 : i32 to index
      %get3A_1603 = tpu.vector_load %arg21[%get3A_1602] {strides = array<i32>} : memref<4096xi32, #tpu.memory_space<vmem>>, vector<16xi32>,
      %add3A_1604 = arith.addi %add3A_1597, %get3A_1603 : vector<16xi32>
      %mul3A_1605 = arith.constant 16 : i32
      %mul3A_1606 = arith.muli %add3A_1523, %mul3A_1605 : i32
      %add3A_1607 = arith.constant 3072 : i32
      %add3A_1608 = arith.addi %add3A_1607, %mul3A_1606 : i32
      %get3A_1609 = arith.index_cast %add3A_1608 : i32 to index
      %get3A_1610 = tpu.vector_load %arg21[%get3A_1609] {strides = array<i32>} : memref<4096xi32, #tpu.memory_space<vmem>>, vector<16xi32>,
      %add3A_1611 = arith.addi %add3A_1604, %get3A_1610 : vector<16xi32>
      %mul3A_1612 = arith.constant 16 : i32
      %mul3A_1613 = arith.muli %add3A_1523, %mul3A_1612 : i32
      %add3A_1614 = arith.constant 3328 : i32
      %add3A_1615 = arith.addi %add3A_1614, %mul3A_1613 : i32
      %get3A_1616 = arith.index_cast %add3A_1615 : i32 to index
      %get3A_1617 = tpu.vector_load %arg21[%get3A_1616] {strides = array<i32>} : memref<4096xi32, #tpu.memory_space<vmem>>, vector<16xi32>,
      %add3A_1618 = arith.addi %add3A_1611, %get3A_1617 : vector<16xi32>
      %mul3A_1619 = arith.constant 16 : i32
      %mul3A_1620 = arith.muli %add3A_1523, %mul3A_1619 : i32
      %add3A_1621 = arith.constant 3584 : i32
      %add3A_1622 = arith.addi %add3A_1621, %mul3A_1620 : i32
      %get3A_1623 = arith.index_cast %add3A_1622 : i32 to index
      %get3A_1624 = tpu.vector_load %arg21[%get3A_1623] {strides = array<i32>} : memref<4096xi32, #tpu.memory_space<vmem>>, vector<16xi32>,
      %add3A_1625 = arith.addi %add3A_1618, %get3A_1624 : vector<16xi32>
      %mul3A_1626 = arith.constant 16 : i32
      %mul3A_1627 = arith.muli %add3A_1523, %mul3A_1626 : i32
      %add3A_1628 = arith.constant 3840 : i32
      %add3A_1629 = arith.addi %add3A_1628, %mul3A_1627 : i32
      %get3A_1630 = arith.index_cast %add3A_1629 : i32 to index
      %get3A_1631 = tpu.vector_load %arg21[%get3A_1630] {strides = array<i32>} : memref<4096xi32, #tpu.memory_space<vmem>>, vector<16xi32>,
      %add3A_1632 = arith.addi %add3A_1625, %get3A_1631 : vector<16xi32>
      %mul3A_1633 = arith.constant 16 : i32
      %mul3A_1634 = arith.muli %add3A_1523, %mul3A_1633 : i32
      %swap3A_1635 = arith.index_cast %mul3A_1634 : i32 to index
      %swap3A_1636 = tpu.vector_load %arg22[%swap3A_1635] {strides = array<i32>} : memref<256xi32, #tpu.memory_space<vmem>>, vector<16xi32>,
      tpu.vector_store %arg22[%swap3A_1635], %add3A_1632 {strides = array<i32>} : memref<256xi32, #tpu.memory_space<vmem>>, vector<16xi32>,
    }
    %scan3A_1013 = arith.constant 16 : i32
    "tpu.region"() ({
      %run_scoped3A = tpu.sem_alloc : memref<!tpu.dma_semaphore, #tpu.memory_space<semaphore_mem>>
      %dma_start3A = arith.constant 0 : i32
      %dma_start3A_1519 = tpu.memref_slice %arg24[%arg1, %dma_start3A] : memref<16x256xi32, #tpu.memory_space<vmem_shared>> -> memref<1x256xi32, #tpu.memory_space<vmem_shared>>
      %dma_start3A_1520 = tpu.memref_squeeze %dma_start3A_1519 : memref<1x256xi32, #tpu.memory_space<vmem_shared>> -> memref<256xi32, #tpu.memory_space<vmem_shared>>
      %dma_start3A_1521 = arith.constant 0 : i32
      %dma_start3A_1522 = tpu.memref_slice %arg24[%arg1, %dma_start3A_1521] : memref<16x256xi32, #tpu.memory_space<vmem_shared>> -> memref<1x256xi32, #tpu.memory_space<vmem_shared>>
      %dma_start3A_1523 = tpu.memref_squeeze %dma_start3A_1522 : memref<1x256xi32, #tpu.memory_space<vmem_shared>> -> memref<256xi32, #tpu.memory_space<vmem_shared>>
      tpu.enqueue_dma source(%arg22 : memref<256xi32, #tpu.memory_space<vmem>>) target(%dma_start3A_1523 : memref<256xi32, #tpu.memory_space<vmem_shared>>) target_semaphore(%run_scoped3A : memref<!tpu.dma_semaphore, #tpu.memory_space<semaphore_mem>>)
      %dma_wait3A = arith.constant 0 : i32
      %dma_wait3A_1524 = tpu.memref_slice %arg24[%arg1, %dma_wait3A] : memref<16x256xi32, #tpu.memory_space<vmem_shared>> -> memref<1x256xi32, #tpu.memory_space<vmem_shared>>
      %dma_wait3A_1525 = tpu.memref_squeeze %dma_wait3A_1524 : memref<1x256xi32, #tpu.memory_space<vmem_shared>> -> memref<256xi32, #tpu.memory_space<vmem_shared>>
      %dma_wait3A_1526 = arith.constant 0 : i32
      %dma_wait3A_1527 = tpu.memref_slice %arg24[%arg1, %dma_wait3A_1526] : memref<16x256xi32, #tpu.memory_space<vmem_shared>> -> memref<1x256xi32, #tpu.memory_space<vmem_shared>>
      %dma_wait3A_1528 = tpu.memref_squeeze %dma_wait3A_1527 : memref<1x256xi32, #tpu.memory_space<vmem_shared>> -> memref<256xi32, #tpu.memory_space<vmem_shared>>
      tpu.wait_dma2 semaphore(%run_scoped3A : memref<!tpu.dma_semaphore, #tpu.memory_space<semaphore_mem>>) src(%arg22 : memref<256xi32, #tpu.memory_space<vmem>>) dst(%dma_wait3A_1528 : memref<256xi32, #tpu.memory_space<vmem_shared>>)
      tpu.yield
    }) : () -> ()
    %barrier3A_1014 = arith.constant 0 : index
    tpu.barrier barrier_id(%barrier3A_1014)
    %xor3A_1015 = arith.constant 1 : i32
    %xor3A_1016 = arith.xori %arg1, %xor3A_1015 : i32
    "tpu.region"() ({
      %run_scoped3A = tpu.sem_alloc : memref<!tpu.dma_semaphore, #tpu.memory_space<semaphore_mem>>
      %dma_start3A = arith.constant 0 : i32
      %dma_start3A_1519 = tpu.memref_slice %arg24[%xor3A_1016, %dma_start3A] : memref<16x256xi32, #tpu.memory_space<vmem_shared>> -> memref<1x256xi32, #tpu.memory_space<vmem_shared>>
      %dma_start3A_1520 = tpu.memref_squeeze %dma_start3A_1519 : memref<1x256xi32, #tpu.memory_space<vmem_shared>> -> memref<256xi32, #tpu.memory_space<vmem_shared>>
      %dma_start3A_1521 = arith.constant 0 : i32
      %dma_start3A_1522 = tpu.memref_slice %arg24[%xor3A_1016, %dma_start3A_1521] : memref<16x256xi32, #tpu.memory_space<vmem_shared>> -> memref<1x256xi32, #tpu.memory_space<vmem_shared>>
      %dma_start3A_1523 = tpu.memref_squeeze %dma_start3A_1522 : memref<1x256xi32, #tpu.memory_space<vmem_shared>> -> memref<256xi32, #tpu.memory_space<vmem_shared>>
      tpu.enqueue_dma source(%dma_start3A_1523 : memref<256xi32, #tpu.memory_space<vmem_shared>>) target(%arg23 : memref<256xi32, #tpu.memory_space<vmem>>) target_semaphore(%run_scoped3A : memref<!tpu.dma_semaphore, #tpu.memory_space<semaphore_mem>>)
      %dma_wait3A = arith.constant 0 : i32
      %dma_wait3A_1524 = tpu.memref_slice %arg24[%xor3A_1016, %dma_wait3A] : memref<16x256xi32, #tpu.memory_space<vmem_shared>> -> memref<1x256xi32, #tpu.memory_space<vmem_shared>>
      %dma_wait3A_1525 = tpu.memref_squeeze %dma_wait3A_1524 : memref<1x256xi32, #tpu.memory_space<vmem_shared>> -> memref<256xi32, #tpu.memory_space<vmem_shared>>
      %dma_wait3A_1526 = arith.constant 0 : i32
      %dma_wait3A_1527 = tpu.memref_slice %arg24[%xor3A_1016, %dma_wait3A_1526] : memref<16x256xi32, #tpu.memory_space<vmem_shared>> -> memref<1x256xi32, #tpu.memory_space<vmem_shared>>
      %dma_wait3A_1528 = tpu.memref_squeeze %dma_wait3A_1527 : memref<1x256xi32, #tpu.memory_space<vmem_shared>> -> memref<256xi32, #tpu.memory_space<vmem_shared>>
      tpu.wait_dma2 semaphore(%run_scoped3A : memref<!tpu.dma_semaphore, #tpu.memory_space<semaphore_mem>>) src(%dma_wait3A_1528 : memref<256xi32, #tpu.memory_space<vmem_shared>>) dst(%arg23 : memref<256xi32, #tpu.memory_space<vmem>>)
      tpu.yield
    }) : () -> ()
    %scan3A_1017 = arith.constant 0 : i32
    %scan3A_1018 = arith.constant 16 : i32
    %scan3A_1019 = arith.addi %scan3A_1017, %scan3A_1018 : i32
    %scan3A_1020 = arith.constant 1 : i32
    scf.for %scan3A_1519 = %scan3A_1017 to %scan3A_1019 step %scan3A_1020  : i32 {
      %mul3A_1520 = arith.constant 1 : i32
      %mul3A_1521 = arith.muli %scan3A_1519, %mul3A_1520 : i32
      %add3A_1522 = arith.constant 0 : i32
      %add3A_1523 = arith.addi %add3A_1522, %mul3A_1521 : i32
      %mul3A_1524 = arith.constant 16 : i32
      %mul3A_1525 = arith.muli %add3A_1523, %mul3A_1524 : i32
      %get3A_1526 = arith.index_cast %mul3A_1525 : i32 to index
      %get3A_1527 = tpu.vector_load %arg22[%get3A_1526] {strides = array<i32>} : memref<256xi32, #tpu.memory_space<vmem>>, vector<16xi32>,
      %mul3A_1528 = arith.constant 16 : i32
      %mul3A_1529 = arith.muli %add3A_1523, %mul3A_1528 : i32
      %get3A_1530 = arith.index_cast %mul3A_1529 : i32 to index
      %get3A_1531 = tpu.vector_load %arg23[%get3A_1530] {strides = array<i32>} : memref<256xi32, #tpu.memory_space<vmem>>, vector<16xi32>,
      %add3A_1532 = arith.addi %get3A_1527, %get3A_1531 : vector<16xi32>
      %mul3A_1533 = arith.constant 16 : i32
      %mul3A_1534 = arith.muli %add3A_1523, %mul3A_1533 : i32
      %swap3A_1535 = arith.index_cast %mul3A_1534 : i32 to index
      %swap3A_1536 = tpu.vector_load %arg22[%swap3A_1535] {strides = array<i32>} : memref<256xi32, #tpu.memory_space<vmem>>, vector<16xi32>,
      tpu.vector_store %arg22[%swap3A_1535], %add3A_1532 {strides = array<i32>} : memref<256xi32, #tpu.memory_space<vmem>>, vector<16xi32>,
    }
    %scan3A_1021 = arith.constant 16 : i32
    %barrier3A_1022 = arith.constant 0 : index
    tpu.barrier barrier_id(%barrier3A_1022)
    %mul3A_1023 = arith.constant 16 : i32
    %mul3A_1024 = vector.broadcast %mul3A_1023 : i32 to vector<16xi32>
    %mul3A_1025 = arith.muli %iota3A, %mul3A_1024 : vector<16xi32>
    %gather3A_1026 = tpu.vector_load_idx %arg22[%mul3A_1025] : memref<256xi32, #tpu.memory_space<vmem>>[vector<16xi32>], vector<16xi32>,
    %mul3A_1027 = arith.constant 16 : i32
    %mul3A_1028 = vector.broadcast %mul3A_1027 : i32 to vector<16xi32>
    %mul3A_1029 = arith.muli %iota3A, %mul3A_1028 : vector<16xi32>
    %add3A_1030 = arith.constant 1 : i32
    %add3A_1031 = vector.broadcast %add3A_1030 : i32 to vector<16xi32>
    %add3A_1032 = arith.addi %mul3A_1029, %add3A_1031 : vector<16xi32>
    %gather3A_1033 = tpu.vector_load_idx %arg22[%add3A_1032] : memref<256xi32, #tpu.memory_space<vmem>>[vector<16xi32>], vector<16xi32>,
    %add3A_1034 = arith.addi %gather3A_1026, %gather3A_1033 : vector<16xi32>
    %mul3A_1035 = arith.constant 16 : i32
    %mul3A_1036 = vector.broadcast %mul3A_1035 : i32 to vector<16xi32>
    %mul3A_1037 = arith.muli %iota3A, %mul3A_1036 : vector<16xi32>
    %add3A_1038 = arith.constant 2 : i32
    %add3A_1039 = vector.broadcast %add3A_1038 : i32 to vector<16xi32>
    %add3A_1040 = arith.addi %mul3A_1037, %add3A_1039 : vector<16xi32>
    %gather3A_1041 = tpu.vector_load_idx %arg22[%add3A_1040] : memref<256xi32, #tpu.memory_space<vmem>>[vector<16xi32>], vector<16xi32>,
    %add3A_1042 = arith.addi %add3A_1034, %gather3A_1041 : vector<16xi32>
    %mul3A_1043 = arith.constant 16 : i32
    %mul3A_1044 = vector.broadcast %mul3A_1043 : i32 to vector<16xi32>
    %mul3A_1045 = arith.muli %iota3A, %mul3A_1044 : vector<16xi32>
    %add3A_1046 = arith.constant 3 : i32
    %add3A_1047 = vector.broadcast %add3A_1046 : i32 to vector<16xi32>
    %add3A_1048 = arith.addi %mul3A_1045, %add3A_1047 : vector<16xi32>
    %gather3A_1049 = tpu.vector_load_idx %arg22[%add3A_1048] : memref<256xi32, #tpu.memory_space<vmem>>[vector<16xi32>], vector<16xi32>,
    %add3A_1050 = arith.addi %add3A_1042, %gather3A_1049 : vector<16xi32>
    %mul3A_1051 = arith.constant 16 : i32
    %mul3A_1052 = vector.broadcast %mul3A_1051 : i32 to vector<16xi32>
    %mul3A_1053 = arith.muli %iota3A, %mul3A_1052 : vector<16xi32>
    %add3A_1054 = arith.constant 4 : i32
    %add3A_1055 = vector.broadcast %add3A_1054 : i32 to vector<16xi32>
    %add3A_1056 = arith.addi %mul3A_1053, %add3A_1055 : vector<16xi32>
    %gather3A_1057 = tpu.vector_load_idx %arg22[%add3A_1056] : memref<256xi32, #tpu.memory_space<vmem>>[vector<16xi32>], vector<16xi32>,
    %add3A_1058 = arith.addi %add3A_1050, %gather3A_1057 : vector<16xi32>
    %mul3A_1059 = arith.constant 16 : i32
    %mul3A_1060 = vector.broadcast %mul3A_1059 : i32 to vector<16xi32>
    %mul3A_1061 = arith.muli %iota3A, %mul3A_1060 : vector<16xi32>
    %add3A_1062 = arith.constant 5 : i32
    %add3A_1063 = vector.broadcast %add3A_1062 : i32 to vector<16xi32>
    %add3A_1064 = arith.addi %mul3A_1061, %add3A_1063 : vector<16xi32>
    %gather3A_1065 = tpu.vector_load_idx %arg22[%add3A_1064] : memref<256xi32, #tpu.memory_space<vmem>>[vector<16xi32>], vector<16xi32>,
    %add3A_1066 = arith.addi %add3A_1058, %gather3A_1065 : vector<16xi32>
    %mul3A_1067 = arith.constant 16 : i32
    %mul3A_1068 = vector.broadcast %mul3A_1067 : i32 to vector<16xi32>
    %mul3A_1069 = arith.muli %iota3A, %mul3A_1068 : vector<16xi32>
    %add3A_1070 = arith.constant 6 : i32
    %add3A_1071 = vector.broadcast %add3A_1070 : i32 to vector<16xi32>
    %add3A_1072 = arith.addi %mul3A_1069, %add3A_1071 : vector<16xi32>
    %gather3A_1073 = tpu.vector_load_idx %arg22[%add3A_1072] : memref<256xi32, #tpu.memory_space<vmem>>[vector<16xi32>], vector<16xi32>,
    %add3A_1074 = arith.addi %add3A_1066, %gather3A_1073 : vector<16xi32>
    %mul3A_1075 = arith.constant 16 : i32
    %mul3A_1076 = vector.broadcast %mul3A_1075 : i32 to vector<16xi32>
    %mul3A_1077 = arith.muli %iota3A, %mul3A_1076 : vector<16xi32>
    %add3A_1078 = arith.constant 7 : i32
    %add3A_1079 = vector.broadcast %add3A_1078 : i32 to vector<16xi32>
    %add3A_1080 = arith.addi %mul3A_1077, %add3A_1079 : vector<16xi32>
    %gather3A_1081 = tpu.vector_load_idx %arg22[%add3A_1080] : memref<256xi32, #tpu.memory_space<vmem>>[vector<16xi32>], vector<16xi32>,
    %add3A_1082 = arith.addi %add3A_1074, %gather3A_1081 : vector<16xi32>
    %mul3A_1083 = arith.constant 16 : i32
    %mul3A_1084 = vector.broadcast %mul3A_1083 : i32 to vector<16xi32>
    %mul3A_1085 = arith.muli %iota3A, %mul3A_1084 : vector<16xi32>
    %add3A_1086 = arith.constant 8 : i32
    %add3A_1087 = vector.broadcast %add3A_1086 : i32 to vector<16xi32>
    %add3A_1088 = arith.addi %mul3A_1085, %add3A_1087 : vector<16xi32>
    %gather3A_1089 = tpu.vector_load_idx %arg22[%add3A_1088] : memref<256xi32, #tpu.memory_space<vmem>>[vector<16xi32>], vector<16xi32>,
    %add3A_1090 = arith.addi %add3A_1082, %gather3A_1089 : vector<16xi32>
    %mul3A_1091 = arith.constant 16 : i32
    %mul3A_1092 = vector.broadcast %mul3A_1091 : i32 to vector<16xi32>
    %mul3A_1093 = arith.muli %iota3A, %mul3A_1092 : vector<16xi32>
    %add3A_1094 = arith.constant 9 : i32
    %add3A_1095 = vector.broadcast %add3A_1094 : i32 to vector<16xi32>
    %add3A_1096 = arith.addi %mul3A_1093, %add3A_1095 : vector<16xi32>
    %gather3A_1097 = tpu.vector_load_idx %arg22[%add3A_1096] : memref<256xi32, #tpu.memory_space<vmem>>[vector<16xi32>], vector<16xi32>,
    %add3A_1098 = arith.addi %add3A_1090, %gather3A_1097 : vector<16xi32>
    %mul3A_1099 = arith.constant 16 : i32
    %mul3A_1100 = vector.broadcast %mul3A_1099 : i32 to vector<16xi32>
    %mul3A_1101 = arith.muli %iota3A, %mul3A_1100 : vector<16xi32>
    %add3A_1102 = arith.constant 10 : i32
    %add3A_1103 = vector.broadcast %add3A_1102 : i32 to vector<16xi32>
    %add3A_1104 = arith.addi %mul3A_1101, %add3A_1103 : vector<16xi32>
    %gather3A_1105 = tpu.vector_load_idx %arg22[%add3A_1104] : memref<256xi32, #tpu.memory_space<vmem>>[vector<16xi32>], vector<16xi32>,
    %add3A_1106 = arith.addi %add3A_1098, %gather3A_1105 : vector<16xi32>
    %mul3A_1107 = arith.constant 16 : i32
    %mul3A_1108 = vector.broadcast %mul3A_1107 : i32 to vector<16xi32>
    %mul3A_1109 = arith.muli %iota3A, %mul3A_1108 : vector<16xi32>
    %add3A_1110 = arith.constant 11 : i32
    %add3A_1111 = vector.broadcast %add3A_1110 : i32 to vector<16xi32>
    %add3A_1112 = arith.addi %mul3A_1109, %add3A_1111 : vector<16xi32>
    %gather3A_1113 = tpu.vector_load_idx %arg22[%add3A_1112] : memref<256xi32, #tpu.memory_space<vmem>>[vector<16xi32>], vector<16xi32>,
    %add3A_1114 = arith.addi %add3A_1106, %gather3A_1113 : vector<16xi32>
    %mul3A_1115 = arith.constant 16 : i32
    %mul3A_1116 = vector.broadcast %mul3A_1115 : i32 to vector<16xi32>
    %mul3A_1117 = arith.muli %iota3A, %mul3A_1116 : vector<16xi32>
    %add3A_1118 = arith.constant 12 : i32
    %add3A_1119 = vector.broadcast %add3A_1118 : i32 to vector<16xi32>
    %add3A_1120 = arith.addi %mul3A_1117, %add3A_1119 : vector<16xi32>
    %gather3A_1121 = tpu.vector_load_idx %arg22[%add3A_1120] : memref<256xi32, #tpu.memory_space<vmem>>[vector<16xi32>], vector<16xi32>,
    %add3A_1122 = arith.addi %add3A_1114, %gather3A_1121 : vector<16xi32>
    %mul3A_1123 = arith.constant 16 : i32
    %mul3A_1124 = vector.broadcast %mul3A_1123 : i32 to vector<16xi32>
    %mul3A_1125 = arith.muli %iota3A, %mul3A_1124 : vector<16xi32>
    %add3A_1126 = arith.constant 13 : i32
    %add3A_1127 = vector.broadcast %add3A_1126 : i32 to vector<16xi32>
    %add3A_1128 = arith.addi %mul3A_1125, %add3A_1127 : vector<16xi32>
    %gather3A_1129 = tpu.vector_load_idx %arg22[%add3A_1128] : memref<256xi32, #tpu.memory_space<vmem>>[vector<16xi32>], vector<16xi32>,
    %add3A_1130 = arith.addi %add3A_1122, %gather3A_1129 : vector<16xi32>
    %mul3A_1131 = arith.constant 16 : i32
    %mul3A_1132 = vector.broadcast %mul3A_1131 : i32 to vector<16xi32>
    %mul3A_1133 = arith.muli %iota3A, %mul3A_1132 : vector<16xi32>
    %add3A_1134 = arith.constant 14 : i32
    %add3A_1135 = vector.broadcast %add3A_1134 : i32 to vector<16xi32>
    %add3A_1136 = arith.addi %mul3A_1133, %add3A_1135 : vector<16xi32>
    %gather3A_1137 = tpu.vector_load_idx %arg22[%add3A_1136] : memref<256xi32, #tpu.memory_space<vmem>>[vector<16xi32>], vector<16xi32>,
    %add3A_1138 = arith.addi %add3A_1130, %gather3A_1137 : vector<16xi32>
    %mul3A_1139 = arith.constant 16 : i32
    %mul3A_1140 = vector.broadcast %mul3A_1139 : i32 to vector<16xi32>
    %mul3A_1141 = arith.muli %iota3A, %mul3A_1140 : vector<16xi32>
    %add3A_1142 = arith.constant 15 : i32
    %add3A_1143 = vector.broadcast %add3A_1142 : i32 to vector<16xi32>
    %add3A_1144 = arith.addi %mul3A_1141, %add3A_1143 : vector<16xi32>
    %gather3A_1145 = tpu.vector_load_idx %arg22[%add3A_1144] : memref<256xi32, #tpu.memory_space<vmem>>[vector<16xi32>], vector<16xi32>,
    %add3A_1146 = arith.addi %add3A_1138, %gather3A_1145 : vector<16xi32>
    %cumsum3A_1147 = arith.constant true
    %cumsum3A_1148 = vector.broadcast %cumsum3A_1147 : i1 to vector<16xi1>
    %cumsum3A_1149 = tpu.scan <sum>, %add3A_1146 masked %cumsum3A_1148 : vector<16xi32>, vector<16xi1> -> vector<16xi32>
    %ge3A_1150 = vector.broadcast %sub3A_984 : i32 to vector<16xi32>
    %ge3A_1151 = arith.cmpi sge, %cumsum3A_1149, %ge3A_1150 : vector<16xi32>
    %jit3A_1152 = arith.constant 16 : i32
    %broadcast_in_dim3A_1153 = vector.broadcast %jit3A_1152 : i32 to vector<16xi32>
    %select_n3A_1154 = arith.select %ge3A_1151, %iota3A, %broadcast_in_dim3A_1153 : vector<16xi1>, vector<16xi32>
    %reduce_min3A_1155 = arith.constant true
    %reduce_min3A_1156 = vector.broadcast %reduce_min3A_1155 : i1 to vector<16xi1>
    %reduce_min3A_1157 = arith.constant -2147483648 : i32
    %reduce_min3A_1158 = vector.broadcast %reduce_min3A_1157 : i32 to vector<16xi32>
    %reduce_min3A_1159 = arith.xori %select_n3A_1154, %reduce_min3A_1158 : vector<16xi32>
    %reduce_min3A_1160 = tpu.scan <min>, %reduce_min3A_1159 masked %reduce_min3A_1156 : vector<16xi32>, vector<16xi1> -> vector<16xi32>
    %reduce_min3A_1161 = arith.xori %reduce_min3A_1160, %reduce_min3A_1158 : vector<16xi32>
    %reduce_min3A_1162 = vector.extract %reduce_min3A_1161[15] : i32 from vector<16xi32>
    %lt3A_1163 = vector.broadcast %reduce_min3A_1162 : i32 to vector<16xi32>
    %lt3A_1164 = arith.cmpi slt, %iota3A, %lt3A_1163 : vector<16xi32>
    %jit3A_1165 = arith.constant 0 : i32
    %broadcast_in_dim3A_1166 = vector.broadcast %jit3A_1165 : i32 to vector<16xi32>
    %select_n3A_1167 = arith.select %lt3A_1164, %add3A_1146, %broadcast_in_dim3A_1166 : vector<16xi1>, vector<16xi32>
    %reduce_sum3A_1168 = arith.constant true
    %reduce_sum3A_1169 = vector.broadcast %reduce_sum3A_1168 : i1 to vector<16xi1>
    %reduce_sum3A_1170 = tpu.scan <sum>, %select_n3A_1167 masked %reduce_sum3A_1169 : vector<16xi32>, vector<16xi1> -> vector<16xi32>
    %reduce_sum3A_1171 = vector.extract %reduce_sum3A_1170[15] : i32 from vector<16xi32>
    %mul3A_1172 = arith.constant 16 : i32
    %mul3A_1173 = arith.muli %reduce_min3A_1162, %mul3A_1172 : i32
    %add3A_1174 = vector.broadcast %mul3A_1173 : i32 to vector<16xi32>
    %add3A_1175 = arith.addi %add3A_1174, %iota3A : vector<16xi32>
    %gather3A_1176 = tpu.vector_load_idx %arg22[%add3A_1175] : memref<256xi32, #tpu.memory_space<vmem>>[vector<16xi32>], vector<16xi32>,
    %cumsum3A_1177 = arith.constant true
    %cumsum3A_1178 = vector.broadcast %cumsum3A_1177 : i1 to vector<16xi1>
    %cumsum3A_1179 = tpu.scan <sum>, %gather3A_1176 masked %cumsum3A_1178 : vector<16xi32>, vector<16xi1> -> vector<16xi32>
    %add3A_1180 = vector.broadcast %reduce_sum3A_1171 : i32 to vector<16xi32>
    %add3A_1181 = arith.addi %cumsum3A_1179, %add3A_1180 : vector<16xi32>
    %ge3A_1182 = vector.broadcast %sub3A_984 : i32 to vector<16xi32>
    %ge3A_1183 = arith.cmpi sge, %add3A_1181, %ge3A_1182 : vector<16xi32>
    %jit3A_1184 = arith.constant 16 : i32
    %broadcast_in_dim3A_1185 = vector.broadcast %jit3A_1184 : i32 to vector<16xi32>
    %select_n3A_1186 = arith.select %ge3A_1183, %iota3A, %broadcast_in_dim3A_1185 : vector<16xi1>, vector<16xi32>
    %reduce_min3A_1187 = arith.constant true
    %reduce_min3A_1188 = vector.broadcast %reduce_min3A_1187 : i1 to vector<16xi1>
    %reduce_min3A_1189 = arith.constant -2147483648 : i32
    %reduce_min3A_1190 = vector.broadcast %reduce_min3A_1189 : i32 to vector<16xi32>
    %reduce_min3A_1191 = arith.xori %select_n3A_1186, %reduce_min3A_1190 : vector<16xi32>
    %reduce_min3A_1192 = tpu.scan <min>, %reduce_min3A_1191 masked %reduce_min3A_1188 : vector<16xi32>, vector<16xi1> -> vector<16xi32>
    %reduce_min3A_1193 = arith.xori %reduce_min3A_1192, %reduce_min3A_1190 : vector<16xi32>
    %reduce_min3A_1194 = vector.extract %reduce_min3A_1193[15] : i32 from vector<16xi32>
    %lt3A_1195 = vector.broadcast %reduce_min3A_1194 : i32 to vector<16xi32>
    %lt3A_1196 = arith.cmpi slt, %iota3A, %lt3A_1195 : vector<16xi32>
    %jit3A_1197 = arith.constant 0 : i32
    %broadcast_in_dim3A_1198 = vector.broadcast %jit3A_1197 : i32 to vector<16xi32>
    %select_n3A_1199 = arith.select %lt3A_1196, %gather3A_1176, %broadcast_in_dim3A_1198 : vector<16xi1>, vector<16xi32>
    %reduce_sum3A_1200 = arith.constant true
    %reduce_sum3A_1201 = vector.broadcast %reduce_sum3A_1200 : i1 to vector<16xi1>
    %reduce_sum3A_1202 = tpu.scan <sum>, %select_n3A_1199 masked %reduce_sum3A_1201 : vector<16xi32>, vector<16xi1> -> vector<16xi32>
    %reduce_sum3A_1203 = vector.extract %reduce_sum3A_1202[15] : i32 from vector<16xi32>
    %add3A_1204 = arith.addi %reduce_sum3A_1171, %reduce_sum3A_1203 : i32
    %eq3A_1205 = vector.broadcast %reduce_min3A_1194 : i32 to vector<16xi32>
    %eq3A_1206 = arith.cmpi eq, %iota3A, %eq3A_1205 : vector<16xi32>
    %jit3A_1207 = arith.constant 0 : i32
    %broadcast_in_dim3A_1208 = vector.broadcast %jit3A_1207 : i32 to vector<16xi32>
    %select_n3A_1209 = arith.select %eq3A_1206, %gather3A_1176, %broadcast_in_dim3A_1208 : vector<16xi1>, vector<16xi32>
    %reduce_sum3A_1210 = arith.constant true
    %reduce_sum3A_1211 = vector.broadcast %reduce_sum3A_1210 : i1 to vector<16xi1>
    %reduce_sum3A_1212 = tpu.scan <sum>, %select_n3A_1209 masked %reduce_sum3A_1211 : vector<16xi32>, vector<16xi1> -> vector<16xi32>
    %reduce_sum3A_1213 = vector.extract %reduce_sum3A_1212[15] : i32 from vector<16xi32>
    %mul3A_1214 = arith.constant 16 : i32
    %mul3A_1215 = arith.muli %reduce_min3A_1162, %mul3A_1214 : i32
    %add3A_1216 = arith.addi %mul3A_1215, %reduce_min3A_1194 : i32
    %shift_left3A_1217 = arith.constant 8 : i32
    %shift_left3A_1218 = arith.shli %or3A, %shift_left3A_1217 : i32
    %or3A_1219 = arith.ori %shift_left3A_1218, %add3A_1216 : i32
    %sub3A_1220 = arith.subi %sub3A_984, %add3A_1204 : i32
    %scan3A_1221 = arith.constant 0 : i32
    %scan3A_1222 = arith.constant 256 : i32
    %scan3A_1223 = arith.addi %scan3A_1221, %scan3A_1222 : i32
    %scan3A_1224 = arith.constant 1 : i32
    scf.for %scan3A_1519 = %scan3A_1221 to %scan3A_1223 step %scan3A_1224  : i32 {
      %mul3A_1520 = arith.constant 16 : i32
      %mul3A_1521 = arith.muli %scan3A_1519, %mul3A_1520 : i32
      %add3A_1522 = arith.constant 0 : i32
      %add3A_1523 = arith.addi %add3A_1522, %mul3A_1521 : i32
      %broadcast_in_dim3A_1524 = arith.constant 0 : i32
      %broadcast_in_dim3A_1525 = vector.broadcast %broadcast_in_dim3A_1524 : i32 to vector<16xi32>
      %swap3A_1526 = arith.index_cast %add3A_1523 : i32 to index
      %swap3A_1527 = tpu.vector_load %arg21[%swap3A_1526] {strides = array<i32>} : memref<4096xi32, #tpu.memory_space<vmem>>, vector<16xi32>,
      tpu.vector_store %arg21[%swap3A_1526], %broadcast_in_dim3A_1525 {strides = array<i32>} : memref<4096xi32, #tpu.memory_space<vmem>>, vector<16xi32>,
    }
    %scan3A_1225 = arith.constant 256 : i32
    %sub3A_1226 = arith.constant 0 : i32
    %sub3A_1227 = arith.subi %shift_right_arithmetic3A_518, %sub3A_1226 : i32
    %sub3A_1228 = arith.constant 1 : i32
    %sub3A_1229 = arith.constant 1 : i32
    %sub3A_1230 = arith.subi %sub3A_1228, %sub3A_1229 : i32
    %add3A_1231 = arith.addi %sub3A_1227, %sub3A_1230 : i32
    %div3A_1232 = arith.constant 1 : i32
    %div3A_1233 = arith.divsi %add3A_1231, %div3A_1232 : i32
    %while3A_1234 = arith.constant 1 : i32
    %while3A_1235 = arith.constant 0 : i32
    %while3A_1236 = arith.constant 0 : i32
    %while3A_1237 = arith.subi %div3A_1233, %while3A_1236 : i32
    %while3A_1238 = arith.addi %while3A_1236, %while3A_1237 : i32
    %while3A_1239 = arith.constant 1 : i32
    %while3A_1240 = arith.divsi %while3A_1237, %while3A_1239 : i32
    %while3A_1241 = arith.muli %while3A_1240, %while3A_1239 : i32
    %while3A_1242 = arith.addi %while3A_1236, %while3A_1241 : i32
    %while3A_1243 = arith.constant 1 : i32
    scf.for %while3A_1519 = %while3A_1236 to %while3A_1242 step %while3A_1243  : i32 {
      %mul3A_1520 = arith.muli %while3A_1519, %while3A_1234 : i32
      %add3A_1521 = arith.addi %while3A_1235, %mul3A_1520 : i32
      %mul3A_1522 = arith.constant 16 : i32
      %mul3A_1523 = arith.muli %add3A_1521, %mul3A_1522 : i32
      %get3A_1524 = arith.index_cast %mul3A_1523 : i32 to index
      %get3A_1525 = tpu.vector_load %arg20[%get3A_1524] {strides = array<i32>} : memref<32800xi32, #tpu.memory_space<vmem>>, vector<16xi32>,
      %bitcast3A_1526 = vector.bitcast %get3A_1525 : vector<16xi32> to vector<16xf32>
      %mul3A_1527 = arith.constant 2.560000e+02 : f32
      %mul3A_1528 = vector.broadcast %mul3A_1527 : f32 to vector<16xf32>
      %mul3A_1529 = arith.mulf %bitcast3A_1526, %mul3A_1528 : vector<16xf32>
      %convert_element_type3A_1530 = arith.fptosi %mul3A_1529 : vector<16xf32> to vector<16xi32>
      %eq3A_1531 = vector.broadcast %add3A_307 : i32 to vector<16xi32>
      %eq3A_1532 = arith.cmpi eq, %convert_element_type3A_1530, %eq3A_1531 : vector<16xi32>
      %shift_right_arithmetic3A_1533 = arith.constant 6 : i32
      %shift_right_arithmetic3A_1534 = vector.broadcast %shift_right_arithmetic3A_1533 : i32 to vector<16xi32>
      %shift_right_arithmetic3A_1535 = arith.shrsi %get3A_1525, %shift_right_arithmetic3A_1534 : vector<16xi32>
      %eq3A_1536 = vector.broadcast %or3A_1219 : i32 to vector<16xi32>
      %eq3A_1537 = arith.cmpi eq, %shift_right_arithmetic3A_1535, %eq3A_1536 : vector<16xi32>
      %and3A_1538 = arith.andi %eq3A_1532, %eq3A_1537 : vector<16xi1>
      %shift_right_arithmetic3A_1539 = arith.constant 0 : i32
      %shift_right_arithmetic3A_1540 = vector.broadcast %shift_right_arithmetic3A_1539 : i32 to vector<16xi32>
      %shift_right_arithmetic3A_1541 = arith.shrsi %get3A_1525, %shift_right_arithmetic3A_1540 : vector<16xi32>
      %and3A_1542 = arith.constant 63 : i32
      %and3A_1543 = vector.broadcast %and3A_1542 : i32 to vector<16xi32>
      %and3A_1544 = arith.andi %shift_right_arithmetic3A_1541, %and3A_1543 : vector<16xi32>
      %add3A_1545 = arith.addi %mul3A_21, %and3A_1544 : vector<16xi32>
      tpu.vector_store_idx %arg21[%add3A_1545], %broadcast_in_dim3A_22 masked %and3A_1538 {add = true} : memref<4096xi32, #tpu.memory_space<vmem>>[vector<16xi32>], vector<16xi32>, vector<16xi1>
    }
    %while3A_1244 = arith.constant 1 : i32
    scf.for %while3A_1519 = %while3A_1242 to %while3A_1238 step %while3A_1244  : i32 {
      %mul3A_1520 = arith.muli %while3A_1519, %while3A_1234 : i32
      %add3A_1521 = arith.addi %while3A_1235, %mul3A_1520 : i32
      %mul3A_1522 = arith.constant 16 : i32
      %mul3A_1523 = arith.muli %add3A_1521, %mul3A_1522 : i32
      %get3A_1524 = arith.index_cast %mul3A_1523 : i32 to index
      %get3A_1525 = tpu.vector_load %arg20[%get3A_1524] {strides = array<i32>} : memref<32800xi32, #tpu.memory_space<vmem>>, vector<16xi32>,
      %bitcast3A_1526 = vector.bitcast %get3A_1525 : vector<16xi32> to vector<16xf32>
      %mul3A_1527 = arith.constant 2.560000e+02 : f32
      %mul3A_1528 = vector.broadcast %mul3A_1527 : f32 to vector<16xf32>
      %mul3A_1529 = arith.mulf %bitcast3A_1526, %mul3A_1528 : vector<16xf32>
      %convert_element_type3A_1530 = arith.fptosi %mul3A_1529 : vector<16xf32> to vector<16xi32>
      %eq3A_1531 = vector.broadcast %add3A_307 : i32 to vector<16xi32>
      %eq3A_1532 = arith.cmpi eq, %convert_element_type3A_1530, %eq3A_1531 : vector<16xi32>
      %shift_right_arithmetic3A_1533 = arith.constant 6 : i32
      %shift_right_arithmetic3A_1534 = vector.broadcast %shift_right_arithmetic3A_1533 : i32 to vector<16xi32>
      %shift_right_arithmetic3A_1535 = arith.shrsi %get3A_1525, %shift_right_arithmetic3A_1534 : vector<16xi32>
      %eq3A_1536 = vector.broadcast %or3A_1219 : i32 to vector<16xi32>
      %eq3A_1537 = arith.cmpi eq, %shift_right_arithmetic3A_1535, %eq3A_1536 : vector<16xi32>
      %and3A_1538 = arith.andi %eq3A_1532, %eq3A_1537 : vector<16xi1>
      %shift_right_arithmetic3A_1539 = arith.constant 0 : i32
      %shift_right_arithmetic3A_1540 = vector.broadcast %shift_right_arithmetic3A_1539 : i32 to vector<16xi32>
      %shift_right_arithmetic3A_1541 = arith.shrsi %get3A_1525, %shift_right_arithmetic3A_1540 : vector<16xi32>
      %and3A_1542 = arith.constant 63 : i32
      %and3A_1543 = vector.broadcast %and3A_1542 : i32 to vector<16xi32>
      %and3A_1544 = arith.andi %shift_right_arithmetic3A_1541, %and3A_1543 : vector<16xi32>
      %add3A_1545 = arith.addi %mul3A_21, %and3A_1544 : vector<16xi32>
      tpu.vector_store_idx %arg21[%add3A_1545], %broadcast_in_dim3A_22 masked %and3A_1538 {add = true} : memref<4096xi32, #tpu.memory_space<vmem>>[vector<16xi32>], vector<16xi32>, vector<16xi1>
    }
    %scan3A_1245 = arith.constant 0 : i32
    %scan3A_1246 = arith.constant 16 : i32
    %scan3A_1247 = arith.addi %scan3A_1245, %scan3A_1246 : i32
    %scan3A_1248 = arith.constant 1 : i32
    scf.for %scan3A_1519 = %scan3A_1245 to %scan3A_1247 step %scan3A_1248  : i32 {
      %mul3A_1520 = arith.constant 1 : i32
      %mul3A_1521 = arith.muli %scan3A_1519, %mul3A_1520 : i32
      %add3A_1522 = arith.constant 0 : i32
      %add3A_1523 = arith.addi %add3A_1522, %mul3A_1521 : i32
      %mul3A_1524 = arith.constant 16 : i32
      %mul3A_1525 = arith.muli %add3A_1523, %mul3A_1524 : i32
      %get3A_1526 = arith.index_cast %mul3A_1525 : i32 to index
      %get3A_1527 = tpu.vector_load %arg21[%get3A_1526] {strides = array<i32>} : memref<4096xi32, #tpu.memory_space<vmem>>, vector<16xi32>,
      %mul3A_1528 = arith.constant 16 : i32
      %mul3A_1529 = arith.muli %add3A_1523, %mul3A_1528 : i32
      %add3A_1530 = arith.constant 256 : i32
      %add3A_1531 = arith.addi %add3A_1530, %mul3A_1529 : i32
      %get3A_1532 = arith.index_cast %add3A_1531 : i32 to index
      %get3A_1533 = tpu.vector_load %arg21[%get3A_1532] {strides = array<i32>} : memref<4096xi32, #tpu.memory_space<vmem>>, vector<16xi32>,
      %add3A_1534 = arith.addi %get3A_1527, %get3A_1533 : vector<16xi32>
      %mul3A_1535 = arith.constant 16 : i32
      %mul3A_1536 = arith.muli %add3A_1523, %mul3A_1535 : i32
      %add3A_1537 = arith.constant 512 : i32
      %add3A_1538 = arith.addi %add3A_1537, %mul3A_1536 : i32
      %get3A_1539 = arith.index_cast %add3A_1538 : i32 to index
      %get3A_1540 = tpu.vector_load %arg21[%get3A_1539] {strides = array<i32>} : memref<4096xi32, #tpu.memory_space<vmem>>, vector<16xi32>,
      %add3A_1541 = arith.addi %add3A_1534, %get3A_1540 : vector<16xi32>
      %mul3A_1542 = arith.constant 16 : i32
      %mul3A_1543 = arith.muli %add3A_1523, %mul3A_1542 : i32
      %add3A_1544 = arith.constant 768 : i32
      %add3A_1545 = arith.addi %add3A_1544, %mul3A_1543 : i32
      %get3A_1546 = arith.index_cast %add3A_1545 : i32 to index
      %get3A_1547 = tpu.vector_load %arg21[%get3A_1546] {strides = array<i32>} : memref<4096xi32, #tpu.memory_space<vmem>>, vector<16xi32>,
      %add3A_1548 = arith.addi %add3A_1541, %get3A_1547 : vector<16xi32>
      %mul3A_1549 = arith.constant 16 : i32
      %mul3A_1550 = arith.muli %add3A_1523, %mul3A_1549 : i32
      %add3A_1551 = arith.constant 1024 : i32
      %add3A_1552 = arith.addi %add3A_1551, %mul3A_1550 : i32
      %get3A_1553 = arith.index_cast %add3A_1552 : i32 to index
      %get3A_1554 = tpu.vector_load %arg21[%get3A_1553] {strides = array<i32>} : memref<4096xi32, #tpu.memory_space<vmem>>, vector<16xi32>,
      %add3A_1555 = arith.addi %add3A_1548, %get3A_1554 : vector<16xi32>
      %mul3A_1556 = arith.constant 16 : i32
      %mul3A_1557 = arith.muli %add3A_1523, %mul3A_1556 : i32
      %add3A_1558 = arith.constant 1280 : i32
      %add3A_1559 = arith.addi %add3A_1558, %mul3A_1557 : i32
      %get3A_1560 = arith.index_cast %add3A_1559 : i32 to index
      %get3A_1561 = tpu.vector_load %arg21[%get3A_1560] {strides = array<i32>} : memref<4096xi32, #tpu.memory_space<vmem>>, vector<16xi32>,
      %add3A_1562 = arith.addi %add3A_1555, %get3A_1561 : vector<16xi32>
      %mul3A_1563 = arith.constant 16 : i32
      %mul3A_1564 = arith.muli %add3A_1523, %mul3A_1563 : i32
      %add3A_1565 = arith.constant 1536 : i32
      %add3A_1566 = arith.addi %add3A_1565, %mul3A_1564 : i32
      %get3A_1567 = arith.index_cast %add3A_1566 : i32 to index
      %get3A_1568 = tpu.vector_load %arg21[%get3A_1567] {strides = array<i32>} : memref<4096xi32, #tpu.memory_space<vmem>>, vector<16xi32>,
      %add3A_1569 = arith.addi %add3A_1562, %get3A_1568 : vector<16xi32>
      %mul3A_1570 = arith.constant 16 : i32
      %mul3A_1571 = arith.muli %add3A_1523, %mul3A_1570 : i32
      %add3A_1572 = arith.constant 1792 : i32
      %add3A_1573 = arith.addi %add3A_1572, %mul3A_1571 : i32
      %get3A_1574 = arith.index_cast %add3A_1573 : i32 to index
      %get3A_1575 = tpu.vector_load %arg21[%get3A_1574] {strides = array<i32>} : memref<4096xi32, #tpu.memory_space<vmem>>, vector<16xi32>,
      %add3A_1576 = arith.addi %add3A_1569, %get3A_1575 : vector<16xi32>
      %mul3A_1577 = arith.constant 16 : i32
      %mul3A_1578 = arith.muli %add3A_1523, %mul3A_1577 : i32
      %add3A_1579 = arith.constant 2048 : i32
      %add3A_1580 = arith.addi %add3A_1579, %mul3A_1578 : i32
      %get3A_1581 = arith.index_cast %add3A_1580 : i32 to index
      %get3A_1582 = tpu.vector_load %arg21[%get3A_1581] {strides = array<i32>} : memref<4096xi32, #tpu.memory_space<vmem>>, vector<16xi32>,
      %add3A_1583 = arith.addi %add3A_1576, %get3A_1582 : vector<16xi32>
      %mul3A_1584 = arith.constant 16 : i32
      %mul3A_1585 = arith.muli %add3A_1523, %mul3A_1584 : i32
      %add3A_1586 = arith.constant 2304 : i32
      %add3A_1587 = arith.addi %add3A_1586, %mul3A_1585 : i32
      %get3A_1588 = arith.index_cast %add3A_1587 : i32 to index
      %get3A_1589 = tpu.vector_load %arg21[%get3A_1588] {strides = array<i32>} : memref<4096xi32, #tpu.memory_space<vmem>>, vector<16xi32>,
      %add3A_1590 = arith.addi %add3A_1583, %get3A_1589 : vector<16xi32>
      %mul3A_1591 = arith.constant 16 : i32
      %mul3A_1592 = arith.muli %add3A_1523, %mul3A_1591 : i32
      %add3A_1593 = arith.constant 2560 : i32
      %add3A_1594 = arith.addi %add3A_1593, %mul3A_1592 : i32
      %get3A_1595 = arith.index_cast %add3A_1594 : i32 to index
      %get3A_1596 = tpu.vector_load %arg21[%get3A_1595] {strides = array<i32>} : memref<4096xi32, #tpu.memory_space<vmem>>, vector<16xi32>,
      %add3A_1597 = arith.addi %add3A_1590, %get3A_1596 : vector<16xi32>
      %mul3A_1598 = arith.constant 16 : i32
      %mul3A_1599 = arith.muli %add3A_1523, %mul3A_1598 : i32
      %add3A_1600 = arith.constant 2816 : i32
      %add3A_1601 = arith.addi %add3A_1600, %mul3A_1599 : i32
      %get3A_1602 = arith.index_cast %add3A_1601 : i32 to index
      %get3A_1603 = tpu.vector_load %arg21[%get3A_1602] {strides = array<i32>} : memref<4096xi32, #tpu.memory_space<vmem>>, vector<16xi32>,
      %add3A_1604 = arith.addi %add3A_1597, %get3A_1603 : vector<16xi32>
      %mul3A_1605 = arith.constant 16 : i32
      %mul3A_1606 = arith.muli %add3A_1523, %mul3A_1605 : i32
      %add3A_1607 = arith.constant 3072 : i32
      %add3A_1608 = arith.addi %add3A_1607, %mul3A_1606 : i32
      %get3A_1609 = arith.index_cast %add3A_1608 : i32 to index
      %get3A_1610 = tpu.vector_load %arg21[%get3A_1609] {strides = array<i32>} : memref<4096xi32, #tpu.memory_space<vmem>>, vector<16xi32>,
      %add3A_1611 = arith.addi %add3A_1604, %get3A_1610 : vector<16xi32>
      %mul3A_1612 = arith.constant 16 : i32
      %mul3A_1613 = arith.muli %add3A_1523, %mul3A_1612 : i32
      %add3A_1614 = arith.constant 3328 : i32
      %add3A_1615 = arith.addi %add3A_1614, %mul3A_1613 : i32
      %get3A_1616 = arith.index_cast %add3A_1615 : i32 to index
      %get3A_1617 = tpu.vector_load %arg21[%get3A_1616] {strides = array<i32>} : memref<4096xi32, #tpu.memory_space<vmem>>, vector<16xi32>,
      %add3A_1618 = arith.addi %add3A_1611, %get3A_1617 : vector<16xi32>
      %mul3A_1619 = arith.constant 16 : i32
      %mul3A_1620 = arith.muli %add3A_1523, %mul3A_1619 : i32
      %add3A_1621 = arith.constant 3584 : i32
      %add3A_1622 = arith.addi %add3A_1621, %mul3A_1620 : i32
      %get3A_1623 = arith.index_cast %add3A_1622 : i32 to index
      %get3A_1624 = tpu.vector_load %arg21[%get3A_1623] {strides = array<i32>} : memref<4096xi32, #tpu.memory_space<vmem>>, vector<16xi32>,
      %add3A_1625 = arith.addi %add3A_1618, %get3A_1624 : vector<16xi32>
      %mul3A_1626 = arith.constant 16 : i32
      %mul3A_1627 = arith.muli %add3A_1523, %mul3A_1626 : i32
      %add3A_1628 = arith.constant 3840 : i32
      %add3A_1629 = arith.addi %add3A_1628, %mul3A_1627 : i32
      %get3A_1630 = arith.index_cast %add3A_1629 : i32 to index
      %get3A_1631 = tpu.vector_load %arg21[%get3A_1630] {strides = array<i32>} : memref<4096xi32, #tpu.memory_space<vmem>>, vector<16xi32>,
      %add3A_1632 = arith.addi %add3A_1625, %get3A_1631 : vector<16xi32>
      %mul3A_1633 = arith.constant 16 : i32
      %mul3A_1634 = arith.muli %add3A_1523, %mul3A_1633 : i32
      %swap3A_1635 = arith.index_cast %mul3A_1634 : i32 to index
      %swap3A_1636 = tpu.vector_load %arg22[%swap3A_1635] {strides = array<i32>} : memref<256xi32, #tpu.memory_space<vmem>>, vector<16xi32>,
      tpu.vector_store %arg22[%swap3A_1635], %add3A_1632 {strides = array<i32>} : memref<256xi32, #tpu.memory_space<vmem>>, vector<16xi32>,
    }
    %scan3A_1249 = arith.constant 16 : i32
    "tpu.region"() ({
      %run_scoped3A = tpu.sem_alloc : memref<!tpu.dma_semaphore, #tpu.memory_space<semaphore_mem>>
      %dma_start3A = arith.constant 0 : i32
      %dma_start3A_1519 = tpu.memref_slice %arg24[%arg1, %dma_start3A] : memref<16x256xi32, #tpu.memory_space<vmem_shared>> -> memref<1x256xi32, #tpu.memory_space<vmem_shared>>
      %dma_start3A_1520 = tpu.memref_squeeze %dma_start3A_1519 : memref<1x256xi32, #tpu.memory_space<vmem_shared>> -> memref<256xi32, #tpu.memory_space<vmem_shared>>
      %dma_start3A_1521 = arith.constant 0 : i32
      %dma_start3A_1522 = tpu.memref_slice %arg24[%arg1, %dma_start3A_1521] : memref<16x256xi32, #tpu.memory_space<vmem_shared>> -> memref<1x256xi32, #tpu.memory_space<vmem_shared>>
      %dma_start3A_1523 = tpu.memref_squeeze %dma_start3A_1522 : memref<1x256xi32, #tpu.memory_space<vmem_shared>> -> memref<256xi32, #tpu.memory_space<vmem_shared>>
      tpu.enqueue_dma source(%arg22 : memref<256xi32, #tpu.memory_space<vmem>>) target(%dma_start3A_1523 : memref<256xi32, #tpu.memory_space<vmem_shared>>) target_semaphore(%run_scoped3A : memref<!tpu.dma_semaphore, #tpu.memory_space<semaphore_mem>>)
      %dma_wait3A = arith.constant 0 : i32
      %dma_wait3A_1524 = tpu.memref_slice %arg24[%arg1, %dma_wait3A] : memref<16x256xi32, #tpu.memory_space<vmem_shared>> -> memref<1x256xi32, #tpu.memory_space<vmem_shared>>
      %dma_wait3A_1525 = tpu.memref_squeeze %dma_wait3A_1524 : memref<1x256xi32, #tpu.memory_space<vmem_shared>> -> memref<256xi32, #tpu.memory_space<vmem_shared>>
      %dma_wait3A_1526 = arith.constant 0 : i32
      %dma_wait3A_1527 = tpu.memref_slice %arg24[%arg1, %dma_wait3A_1526] : memref<16x256xi32, #tpu.memory_space<vmem_shared>> -> memref<1x256xi32, #tpu.memory_space<vmem_shared>>
      %dma_wait3A_1528 = tpu.memref_squeeze %dma_wait3A_1527 : memref<1x256xi32, #tpu.memory_space<vmem_shared>> -> memref<256xi32, #tpu.memory_space<vmem_shared>>
      tpu.wait_dma2 semaphore(%run_scoped3A : memref<!tpu.dma_semaphore, #tpu.memory_space<semaphore_mem>>) src(%arg22 : memref<256xi32, #tpu.memory_space<vmem>>) dst(%dma_wait3A_1528 : memref<256xi32, #tpu.memory_space<vmem_shared>>)
      tpu.yield
    }) : () -> ()
    %barrier3A_1250 = arith.constant 0 : index
    tpu.barrier barrier_id(%barrier3A_1250)
    %xor3A_1251 = arith.constant 1 : i32
    %xor3A_1252 = arith.xori %arg1, %xor3A_1251 : i32
    "tpu.region"() ({
      %run_scoped3A = tpu.sem_alloc : memref<!tpu.dma_semaphore, #tpu.memory_space<semaphore_mem>>
      %dma_start3A = arith.constant 0 : i32
      %dma_start3A_1519 = tpu.memref_slice %arg24[%xor3A_1252, %dma_start3A] : memref<16x256xi32, #tpu.memory_space<vmem_shared>> -> memref<1x256xi32, #tpu.memory_space<vmem_shared>>
      %dma_start3A_1520 = tpu.memref_squeeze %dma_start3A_1519 : memref<1x256xi32, #tpu.memory_space<vmem_shared>> -> memref<256xi32, #tpu.memory_space<vmem_shared>>
      %dma_start3A_1521 = arith.constant 0 : i32
      %dma_start3A_1522 = tpu.memref_slice %arg24[%xor3A_1252, %dma_start3A_1521] : memref<16x256xi32, #tpu.memory_space<vmem_shared>> -> memref<1x256xi32, #tpu.memory_space<vmem_shared>>
      %dma_start3A_1523 = tpu.memref_squeeze %dma_start3A_1522 : memref<1x256xi32, #tpu.memory_space<vmem_shared>> -> memref<256xi32, #tpu.memory_space<vmem_shared>>
      tpu.enqueue_dma source(%dma_start3A_1523 : memref<256xi32, #tpu.memory_space<vmem_shared>>) target(%arg23 : memref<256xi32, #tpu.memory_space<vmem>>) target_semaphore(%run_scoped3A : memref<!tpu.dma_semaphore, #tpu.memory_space<semaphore_mem>>)
      %dma_wait3A = arith.constant 0 : i32
      %dma_wait3A_1524 = tpu.memref_slice %arg24[%xor3A_1252, %dma_wait3A] : memref<16x256xi32, #tpu.memory_space<vmem_shared>> -> memref<1x256xi32, #tpu.memory_space<vmem_shared>>
      %dma_wait3A_1525 = tpu.memref_squeeze %dma_wait3A_1524 : memref<1x256xi32, #tpu.memory_space<vmem_shared>> -> memref<256xi32, #tpu.memory_space<vmem_shared>>
      %dma_wait3A_1526 = arith.constant 0 : i32
      %dma_wait3A_1527 = tpu.memref_slice %arg24[%xor3A_1252, %dma_wait3A_1526] : memref<16x256xi32, #tpu.memory_space<vmem_shared>> -> memref<1x256xi32, #tpu.memory_space<vmem_shared>>
      %dma_wait3A_1528 = tpu.memref_squeeze %dma_wait3A_1527 : memref<1x256xi32, #tpu.memory_space<vmem_shared>> -> memref<256xi32, #tpu.memory_space<vmem_shared>>
      tpu.wait_dma2 semaphore(%run_scoped3A : memref<!tpu.dma_semaphore, #tpu.memory_space<semaphore_mem>>) src(%dma_wait3A_1528 : memref<256xi32, #tpu.memory_space<vmem_shared>>) dst(%arg23 : memref<256xi32, #tpu.memory_space<vmem>>)
      tpu.yield
    }) : () -> ()
    %scan3A_1253 = arith.constant 0 : i32
    %scan3A_1254 = arith.constant 16 : i32
    %scan3A_1255 = arith.addi %scan3A_1253, %scan3A_1254 : i32
    %scan3A_1256 = arith.constant 1 : i32
    scf.for %scan3A_1519 = %scan3A_1253 to %scan3A_1255 step %scan3A_1256  : i32 {
      %mul3A_1520 = arith.constant 1 : i32
      %mul3A_1521 = arith.muli %scan3A_1519, %mul3A_1520 : i32
      %add3A_1522 = arith.constant 0 : i32
      %add3A_1523 = arith.addi %add3A_1522, %mul3A_1521 : i32
      %mul3A_1524 = arith.constant 16 : i32
      %mul3A_1525 = arith.muli %add3A_1523, %mul3A_1524 : i32
      %get3A_1526 = arith.index_cast %mul3A_1525 : i32 to index
      %get3A_1527 = tpu.vector_load %arg22[%get3A_1526] {strides = array<i32>} : memref<256xi32, #tpu.memory_space<vmem>>, vector<16xi32>,
      %mul3A_1528 = arith.constant 16 : i32
      %mul3A_1529 = arith.muli %add3A_1523, %mul3A_1528 : i32
      %get3A_1530 = arith.index_cast %mul3A_1529 : i32 to index
      %get3A_1531 = tpu.vector_load %arg23[%get3A_1530] {strides = array<i32>} : memref<256xi32, #tpu.memory_space<vmem>>, vector<16xi32>,
      %add3A_1532 = arith.addi %get3A_1527, %get3A_1531 : vector<16xi32>
      %mul3A_1533 = arith.constant 16 : i32
      %mul3A_1534 = arith.muli %add3A_1523, %mul3A_1533 : i32
      %swap3A_1535 = arith.index_cast %mul3A_1534 : i32 to index
      %swap3A_1536 = tpu.vector_load %arg22[%swap3A_1535] {strides = array<i32>} : memref<256xi32, #tpu.memory_space<vmem>>, vector<16xi32>,
      tpu.vector_store %arg22[%swap3A_1535], %add3A_1532 {strides = array<i32>} : memref<256xi32, #tpu.memory_space<vmem>>, vector<16xi32>,
    }
    %scan3A_1257 = arith.constant 16 : i32
    %barrier3A_1258 = arith.constant 0 : index
    tpu.barrier barrier_id(%barrier3A_1258)
    %mul3A_1259 = arith.constant 16 : i32
    %mul3A_1260 = vector.broadcast %mul3A_1259 : i32 to vector<16xi32>
    %mul3A_1261 = arith.muli %iota3A, %mul3A_1260 : vector<16xi32>
    %gather3A_1262 = tpu.vector_load_idx %arg22[%mul3A_1261] : memref<256xi32, #tpu.memory_space<vmem>>[vector<16xi32>], vector<16xi32>,
    %mul3A_1263 = arith.constant 16 : i32
    %mul3A_1264 = vector.broadcast %mul3A_1263 : i32 to vector<16xi32>
    %mul3A_1265 = arith.muli %iota3A, %mul3A_1264 : vector<16xi32>
    %add3A_1266 = arith.constant 1 : i32
    %add3A_1267 = vector.broadcast %add3A_1266 : i32 to vector<16xi32>
    %add3A_1268 = arith.addi %mul3A_1265, %add3A_1267 : vector<16xi32>
    %gather3A_1269 = tpu.vector_load_idx %arg22[%add3A_1268] : memref<256xi32, #tpu.memory_space<vmem>>[vector<16xi32>], vector<16xi32>,
    %add3A_1270 = arith.addi %gather3A_1262, %gather3A_1269 : vector<16xi32>
    %mul3A_1271 = arith.constant 16 : i32
    %mul3A_1272 = vector.broadcast %mul3A_1271 : i32 to vector<16xi32>
    %mul3A_1273 = arith.muli %iota3A, %mul3A_1272 : vector<16xi32>
    %add3A_1274 = arith.constant 2 : i32
    %add3A_1275 = vector.broadcast %add3A_1274 : i32 to vector<16xi32>
    %add3A_1276 = arith.addi %mul3A_1273, %add3A_1275 : vector<16xi32>
    %gather3A_1277 = tpu.vector_load_idx %arg22[%add3A_1276] : memref<256xi32, #tpu.memory_space<vmem>>[vector<16xi32>], vector<16xi32>,
    %add3A_1278 = arith.addi %add3A_1270, %gather3A_1277 : vector<16xi32>
    %mul3A_1279 = arith.constant 16 : i32
    %mul3A_1280 = vector.broadcast %mul3A_1279 : i32 to vector<16xi32>
    %mul3A_1281 = arith.muli %iota3A, %mul3A_1280 : vector<16xi32>
    %add3A_1282 = arith.constant 3 : i32
    %add3A_1283 = vector.broadcast %add3A_1282 : i32 to vector<16xi32>
    %add3A_1284 = arith.addi %mul3A_1281, %add3A_1283 : vector<16xi32>
    %gather3A_1285 = tpu.vector_load_idx %arg22[%add3A_1284] : memref<256xi32, #tpu.memory_space<vmem>>[vector<16xi32>], vector<16xi32>,
    %add3A_1286 = arith.addi %add3A_1278, %gather3A_1285 : vector<16xi32>
    %mul3A_1287 = arith.constant 16 : i32
    %mul3A_1288 = vector.broadcast %mul3A_1287 : i32 to vector<16xi32>
    %mul3A_1289 = arith.muli %iota3A, %mul3A_1288 : vector<16xi32>
    %add3A_1290 = arith.constant 4 : i32
    %add3A_1291 = vector.broadcast %add3A_1290 : i32 to vector<16xi32>
    %add3A_1292 = arith.addi %mul3A_1289, %add3A_1291 : vector<16xi32>
    %gather3A_1293 = tpu.vector_load_idx %arg22[%add3A_1292] : memref<256xi32, #tpu.memory_space<vmem>>[vector<16xi32>], vector<16xi32>,
    %add3A_1294 = arith.addi %add3A_1286, %gather3A_1293 : vector<16xi32>
    %mul3A_1295 = arith.constant 16 : i32
    %mul3A_1296 = vector.broadcast %mul3A_1295 : i32 to vector<16xi32>
    %mul3A_1297 = arith.muli %iota3A, %mul3A_1296 : vector<16xi32>
    %add3A_1298 = arith.constant 5 : i32
    %add3A_1299 = vector.broadcast %add3A_1298 : i32 to vector<16xi32>
    %add3A_1300 = arith.addi %mul3A_1297, %add3A_1299 : vector<16xi32>
    %gather3A_1301 = tpu.vector_load_idx %arg22[%add3A_1300] : memref<256xi32, #tpu.memory_space<vmem>>[vector<16xi32>], vector<16xi32>,
    %add3A_1302 = arith.addi %add3A_1294, %gather3A_1301 : vector<16xi32>
    %mul3A_1303 = arith.constant 16 : i32
    %mul3A_1304 = vector.broadcast %mul3A_1303 : i32 to vector<16xi32>
    %mul3A_1305 = arith.muli %iota3A, %mul3A_1304 : vector<16xi32>
    %add3A_1306 = arith.constant 6 : i32
    %add3A_1307 = vector.broadcast %add3A_1306 : i32 to vector<16xi32>
    %add3A_1308 = arith.addi %mul3A_1305, %add3A_1307 : vector<16xi32>
    %gather3A_1309 = tpu.vector_load_idx %arg22[%add3A_1308] : memref<256xi32, #tpu.memory_space<vmem>>[vector<16xi32>], vector<16xi32>,
    %add3A_1310 = arith.addi %add3A_1302, %gather3A_1309 : vector<16xi32>
    %mul3A_1311 = arith.constant 16 : i32
    %mul3A_1312 = vector.broadcast %mul3A_1311 : i32 to vector<16xi32>
    %mul3A_1313 = arith.muli %iota3A, %mul3A_1312 : vector<16xi32>
    %add3A_1314 = arith.constant 7 : i32
    %add3A_1315 = vector.broadcast %add3A_1314 : i32 to vector<16xi32>
    %add3A_1316 = arith.addi %mul3A_1313, %add3A_1315 : vector<16xi32>
    %gather3A_1317 = tpu.vector_load_idx %arg22[%add3A_1316] : memref<256xi32, #tpu.memory_space<vmem>>[vector<16xi32>], vector<16xi32>,
    %add3A_1318 = arith.addi %add3A_1310, %gather3A_1317 : vector<16xi32>
    %mul3A_1319 = arith.constant 16 : i32
    %mul3A_1320 = vector.broadcast %mul3A_1319 : i32 to vector<16xi32>
    %mul3A_1321 = arith.muli %iota3A, %mul3A_1320 : vector<16xi32>
    %add3A_1322 = arith.constant 8 : i32
    %add3A_1323 = vector.broadcast %add3A_1322 : i32 to vector<16xi32>
    %add3A_1324 = arith.addi %mul3A_1321, %add3A_1323 : vector<16xi32>
    %gather3A_1325 = tpu.vector_load_idx %arg22[%add3A_1324] : memref<256xi32, #tpu.memory_space<vmem>>[vector<16xi32>], vector<16xi32>,
    %add3A_1326 = arith.addi %add3A_1318, %gather3A_1325 : vector<16xi32>
    %mul3A_1327 = arith.constant 16 : i32
    %mul3A_1328 = vector.broadcast %mul3A_1327 : i32 to vector<16xi32>
    %mul3A_1329 = arith.muli %iota3A, %mul3A_1328 : vector<16xi32>
    %add3A_1330 = arith.constant 9 : i32
    %add3A_1331 = vector.broadcast %add3A_1330 : i32 to vector<16xi32>
    %add3A_1332 = arith.addi %mul3A_1329, %add3A_1331 : vector<16xi32>
    %gather3A_1333 = tpu.vector_load_idx %arg22[%add3A_1332] : memref<256xi32, #tpu.memory_space<vmem>>[vector<16xi32>], vector<16xi32>,
    %add3A_1334 = arith.addi %add3A_1326, %gather3A_1333 : vector<16xi32>
    %mul3A_1335 = arith.constant 16 : i32
    %mul3A_1336 = vector.broadcast %mul3A_1335 : i32 to vector<16xi32>
    %mul3A_1337 = arith.muli %iota3A, %mul3A_1336 : vector<16xi32>
    %add3A_1338 = arith.constant 10 : i32
    %add3A_1339 = vector.broadcast %add3A_1338 : i32 to vector<16xi32>
    %add3A_1340 = arith.addi %mul3A_1337, %add3A_1339 : vector<16xi32>
    %gather3A_1341 = tpu.vector_load_idx %arg22[%add3A_1340] : memref<256xi32, #tpu.memory_space<vmem>>[vector<16xi32>], vector<16xi32>,
    %add3A_1342 = arith.addi %add3A_1334, %gather3A_1341 : vector<16xi32>
    %mul3A_1343 = arith.constant 16 : i32
    %mul3A_1344 = vector.broadcast %mul3A_1343 : i32 to vector<16xi32>
    %mul3A_1345 = arith.muli %iota3A, %mul3A_1344 : vector<16xi32>
    %add3A_1346 = arith.constant 11 : i32
    %add3A_1347 = vector.broadcast %add3A_1346 : i32 to vector<16xi32>
    %add3A_1348 = arith.addi %mul3A_1345, %add3A_1347 : vector<16xi32>
    %gather3A_1349 = tpu.vector_load_idx %arg22[%add3A_1348] : memref<256xi32, #tpu.memory_space<vmem>>[vector<16xi32>], vector<16xi32>,
    %add3A_1350 = arith.addi %add3A_1342, %gather3A_1349 : vector<16xi32>
    %mul3A_1351 = arith.constant 16 : i32
    %mul3A_1352 = vector.broadcast %mul3A_1351 : i32 to vector<16xi32>
    %mul3A_1353 = arith.muli %iota3A, %mul3A_1352 : vector<16xi32>
    %add3A_1354 = arith.constant 12 : i32
    %add3A_1355 = vector.broadcast %add3A_1354 : i32 to vector<16xi32>
    %add3A_1356 = arith.addi %mul3A_1353, %add3A_1355 : vector<16xi32>
    %gather3A_1357 = tpu.vector_load_idx %arg22[%add3A_1356] : memref<256xi32, #tpu.memory_space<vmem>>[vector<16xi32>], vector<16xi32>,
    %add3A_1358 = arith.addi %add3A_1350, %gather3A_1357 : vector<16xi32>
    %mul3A_1359 = arith.constant 16 : i32
    %mul3A_1360 = vector.broadcast %mul3A_1359 : i32 to vector<16xi32>
    %mul3A_1361 = arith.muli %iota3A, %mul3A_1360 : vector<16xi32>
    %add3A_1362 = arith.constant 13 : i32
    %add3A_1363 = vector.broadcast %add3A_1362 : i32 to vector<16xi32>
    %add3A_1364 = arith.addi %mul3A_1361, %add3A_1363 : vector<16xi32>
    %gather3A_1365 = tpu.vector_load_idx %arg22[%add3A_1364] : memref<256xi32, #tpu.memory_space<vmem>>[vector<16xi32>], vector<16xi32>,
    %add3A_1366 = arith.addi %add3A_1358, %gather3A_1365 : vector<16xi32>
    %mul3A_1367 = arith.constant 16 : i32
    %mul3A_1368 = vector.broadcast %mul3A_1367 : i32 to vector<16xi32>
    %mul3A_1369 = arith.muli %iota3A, %mul3A_1368 : vector<16xi32>
    %add3A_1370 = arith.constant 14 : i32
    %add3A_1371 = vector.broadcast %add3A_1370 : i32 to vector<16xi32>
    %add3A_1372 = arith.addi %mul3A_1369, %add3A_1371 : vector<16xi32>
    %gather3A_1373 = tpu.vector_load_idx %arg22[%add3A_1372] : memref<256xi32, #tpu.memory_space<vmem>>[vector<16xi32>], vector<16xi32>,
    %add3A_1374 = arith.addi %add3A_1366, %gather3A_1373 : vector<16xi32>
    %mul3A_1375 = arith.constant 16 : i32
    %mul3A_1376 = vector.broadcast %mul3A_1375 : i32 to vector<16xi32>
    %mul3A_1377 = arith.muli %iota3A, %mul3A_1376 : vector<16xi32>
    %add3A_1378 = arith.constant 15 : i32
    %add3A_1379 = vector.broadcast %add3A_1378 : i32 to vector<16xi32>
    %add3A_1380 = arith.addi %mul3A_1377, %add3A_1379 : vector<16xi32>
    %gather3A_1381 = tpu.vector_load_idx %arg22[%add3A_1380] : memref<256xi32, #tpu.memory_space<vmem>>[vector<16xi32>], vector<16xi32>,
    %add3A_1382 = arith.addi %add3A_1374, %gather3A_1381 : vector<16xi32>
    %cumsum3A_1383 = arith.constant true
    %cumsum3A_1384 = vector.broadcast %cumsum3A_1383 : i1 to vector<16xi1>
    %cumsum3A_1385 = tpu.scan <sum>, %add3A_1382 masked %cumsum3A_1384 : vector<16xi32>, vector<16xi1> -> vector<16xi32>
    %ge3A_1386 = vector.broadcast %sub3A_1220 : i32 to vector<16xi32>
    %ge3A_1387 = arith.cmpi sge, %cumsum3A_1385, %ge3A_1386 : vector<16xi32>
    %jit3A_1388 = arith.constant 16 : i32
    %broadcast_in_dim3A_1389 = vector.broadcast %jit3A_1388 : i32 to vector<16xi32>
    %select_n3A_1390 = arith.select %ge3A_1387, %iota3A, %broadcast_in_dim3A_1389 : vector<16xi1>, vector<16xi32>
    %reduce_min3A_1391 = arith.constant true
    %reduce_min3A_1392 = vector.broadcast %reduce_min3A_1391 : i1 to vector<16xi1>
    %reduce_min3A_1393 = arith.constant -2147483648 : i32
    %reduce_min3A_1394 = vector.broadcast %reduce_min3A_1393 : i32 to vector<16xi32>
    %reduce_min3A_1395 = arith.xori %select_n3A_1390, %reduce_min3A_1394 : vector<16xi32>
    %reduce_min3A_1396 = tpu.scan <min>, %reduce_min3A_1395 masked %reduce_min3A_1392 : vector<16xi32>, vector<16xi1> -> vector<16xi32>
    %reduce_min3A_1397 = arith.xori %reduce_min3A_1396, %reduce_min3A_1394 : vector<16xi32>
    %reduce_min3A_1398 = vector.extract %reduce_min3A_1397[15] : i32 from vector<16xi32>
    %lt3A_1399 = vector.broadcast %reduce_min3A_1398 : i32 to vector<16xi32>
    %lt3A_1400 = arith.cmpi slt, %iota3A, %lt3A_1399 : vector<16xi32>
    %jit3A_1401 = arith.constant 0 : i32
    %broadcast_in_dim3A_1402 = vector.broadcast %jit3A_1401 : i32 to vector<16xi32>
    %select_n3A_1403 = arith.select %lt3A_1400, %add3A_1382, %broadcast_in_dim3A_1402 : vector<16xi1>, vector<16xi32>
    %reduce_sum3A_1404 = arith.constant true
    %reduce_sum3A_1405 = vector.broadcast %reduce_sum3A_1404 : i1 to vector<16xi1>
    %reduce_sum3A_1406 = tpu.scan <sum>, %select_n3A_1403 masked %reduce_sum3A_1405 : vector<16xi32>, vector<16xi1> -> vector<16xi32>
    %reduce_sum3A_1407 = vector.extract %reduce_sum3A_1406[15] : i32 from vector<16xi32>
    %mul3A_1408 = arith.constant 16 : i32
    %mul3A_1409 = arith.muli %reduce_min3A_1398, %mul3A_1408 : i32
    %add3A_1410 = vector.broadcast %mul3A_1409 : i32 to vector<16xi32>
    %add3A_1411 = arith.addi %add3A_1410, %iota3A : vector<16xi32>
    %gather3A_1412 = tpu.vector_load_idx %arg22[%add3A_1411] : memref<256xi32, #tpu.memory_space<vmem>>[vector<16xi32>], vector<16xi32>,
    %cumsum3A_1413 = arith.constant true
    %cumsum3A_1414 = vector.broadcast %cumsum3A_1413 : i1 to vector<16xi1>
    %cumsum3A_1415 = tpu.scan <sum>, %gather3A_1412 masked %cumsum3A_1414 : vector<16xi32>, vector<16xi1> -> vector<16xi32>
    %add3A_1416 = vector.broadcast %reduce_sum3A_1407 : i32 to vector<16xi32>
    %add3A_1417 = arith.addi %cumsum3A_1415, %add3A_1416 : vector<16xi32>
    %ge3A_1418 = vector.broadcast %sub3A_1220 : i32 to vector<16xi32>
    %ge3A_1419 = arith.cmpi sge, %add3A_1417, %ge3A_1418 : vector<16xi32>
    %jit3A_1420 = arith.constant 16 : i32
    %broadcast_in_dim3A_1421 = vector.broadcast %jit3A_1420 : i32 to vector<16xi32>
    %select_n3A_1422 = arith.select %ge3A_1419, %iota3A, %broadcast_in_dim3A_1421 : vector<16xi1>, vector<16xi32>
    %reduce_min3A_1423 = arith.constant true
    %reduce_min3A_1424 = vector.broadcast %reduce_min3A_1423 : i1 to vector<16xi1>
    %reduce_min3A_1425 = arith.constant -2147483648 : i32
    %reduce_min3A_1426 = vector.broadcast %reduce_min3A_1425 : i32 to vector<16xi32>
    %reduce_min3A_1427 = arith.xori %select_n3A_1422, %reduce_min3A_1426 : vector<16xi32>
    %reduce_min3A_1428 = tpu.scan <min>, %reduce_min3A_1427 masked %reduce_min3A_1424 : vector<16xi32>, vector<16xi1> -> vector<16xi32>
    %reduce_min3A_1429 = arith.xori %reduce_min3A_1428, %reduce_min3A_1426 : vector<16xi32>
    %reduce_min3A_1430 = vector.extract %reduce_min3A_1429[15] : i32 from vector<16xi32>
    %lt3A_1431 = vector.broadcast %reduce_min3A_1430 : i32 to vector<16xi32>
    %lt3A_1432 = arith.cmpi slt, %iota3A, %lt3A_1431 : vector<16xi32>
    %jit3A_1433 = arith.constant 0 : i32
    %broadcast_in_dim3A_1434 = vector.broadcast %jit3A_1433 : i32 to vector<16xi32>
    %select_n3A_1435 = arith.select %lt3A_1432, %gather3A_1412, %broadcast_in_dim3A_1434 : vector<16xi1>, vector<16xi32>
    %reduce_sum3A_1436 = arith.constant true
    %reduce_sum3A_1437 = vector.broadcast %reduce_sum3A_1436 : i1 to vector<16xi1>
    %reduce_sum3A_1438 = tpu.scan <sum>, %select_n3A_1435 masked %reduce_sum3A_1437 : vector<16xi32>, vector<16xi1> -> vector<16xi32>
    %reduce_sum3A_1439 = vector.extract %reduce_sum3A_1438[15] : i32 from vector<16xi32>
    %add3A_1440 = arith.addi %reduce_sum3A_1407, %reduce_sum3A_1439 : i32
    %eq3A_1441 = vector.broadcast %reduce_min3A_1430 : i32 to vector<16xi32>
    %eq3A_1442 = arith.cmpi eq, %iota3A, %eq3A_1441 : vector<16xi32>
    %jit3A_1443 = arith.constant 0 : i32
    %broadcast_in_dim3A_1444 = vector.broadcast %jit3A_1443 : i32 to vector<16xi32>
    %select_n3A_1445 = arith.select %eq3A_1442, %gather3A_1412, %broadcast_in_dim3A_1444 : vector<16xi1>, vector<16xi32>
    %reduce_sum3A_1446 = arith.constant true
    %reduce_sum3A_1447 = vector.broadcast %reduce_sum3A_1446 : i1 to vector<16xi1>
    %reduce_sum3A_1448 = tpu.scan <sum>, %select_n3A_1445 masked %reduce_sum3A_1447 : vector<16xi32>, vector<16xi1> -> vector<16xi32>
    %reduce_sum3A_1449 = vector.extract %reduce_sum3A_1448[15] : i32 from vector<16xi32>
    %mul3A_1450 = arith.constant 16 : i32
    %mul3A_1451 = arith.muli %reduce_min3A_1398, %mul3A_1450 : i32
    %add3A_1452 = arith.addi %mul3A_1451, %reduce_min3A_1430 : i32
    %shift_left3A_1453 = arith.constant 6 : i32
    %shift_left3A_1454 = arith.shli %or3A_1219, %shift_left3A_1453 : i32
    %or3A_1455 = arith.ori %shift_left3A_1454, %add3A_1452 : i32
    %sub3A_1456 = arith.subi %sub3A_1220, %add3A_1440 : i32
    %sub3A_1457 = arith.constant 32768 : i32
    %sub3A_1458 = arith.subi %sub3A_1457, %sub3A_1456 : i32
    %add3A_1459 = arith.addi %sub3A_1458, %reduce_sum3A_1449 : i32
    %broadcast_in_dim3A_1460 = arith.constant 2147483647 : i32
    %broadcast_in_dim3A_1461 = vector.broadcast %broadcast_in_dim3A_1460 : i32 to vector<16xi32>
    %swap3A_1462 = arith.constant 0 : index
    %swap3A_1463 = tpu.vector_load %arg25[%swap3A_1462] {strides = array<i32>} : memref<16xi32, #tpu.memory_space<vmem>>, vector<16xi32>,
    tpu.vector_store %arg25[%swap3A_1462], %broadcast_in_dim3A_1461 {strides = array<i32>} : memref<16xi32, #tpu.memory_space<vmem>>, vector<16xi32>,
    %sub3A_1464 = arith.constant 0 : i32
    %sub3A_1465 = arith.subi %shift_right_arithmetic3A_518, %sub3A_1464 : i32
    %sub3A_1466 = arith.constant 1 : i32
    %sub3A_1467 = arith.constant 1 : i32
    %sub3A_1468 = arith.subi %sub3A_1466, %sub3A_1467 : i32
    %add3A_1469 = arith.addi %sub3A_1465, %sub3A_1468 : i32
    %div3A_1470 = arith.constant 1 : i32
    %div3A_1471 = arith.divsi %add3A_1469, %div3A_1470 : i32
    %while3A_1472 = arith.constant 1 : i32
    %while3A_1473 = arith.constant 0 : i32
    %while3A_1474 = arith.constant 0 : i32
    %while3A_1475 = arith.subi %div3A_1471, %while3A_1474 : i32
    %while3A_1476 = arith.addi %while3A_1474, %while3A_1475 : i32
    %while3A_1477 = arith.constant 1 : i32
    %while3A_1478 = arith.divsi %while3A_1475, %while3A_1477 : i32
    %while3A_1479 = arith.muli %while3A_1478, %while3A_1477 : i32
    %while3A_1480 = arith.addi %while3A_1474, %while3A_1479 : i32
    %while3A_1481 = arith.constant 1 : i32
    scf.for %while3A_1519 = %while3A_1474 to %while3A_1480 step %while3A_1481  : i32 {
      %mul3A_1520 = arith.muli %while3A_1519, %while3A_1472 : i32
      %add3A_1521 = arith.addi %while3A_1473, %mul3A_1520 : i32
      %mul3A_1522 = arith.constant 16 : i32
      %mul3A_1523 = arith.muli %add3A_1521, %mul3A_1522 : i32
      %get3A_1524 = arith.index_cast %mul3A_1523 : i32 to index
      %get3A_1525 = tpu.vector_load %arg20[%get3A_1524] {strides = array<i32>} : memref<32800xi32, #tpu.memory_space<vmem>>, vector<16xi32>,
      %get3A_1526 = arith.constant 0 : index
      %get3A_1527 = tpu.vector_load %arg25[%get3A_1526] {strides = array<i32>} : memref<16xi32, #tpu.memory_space<vmem>>, vector<16xi32>,
      %gt3A = vector.broadcast %or3A_1455 : i32 to vector<16xi32>
      %gt3A_1528 = arith.cmpi sgt, %get3A_1525, %gt3A : vector<16xi32>
      %jit3A_1529 = arith.constant 2147483647 : i32
      %broadcast_in_dim3A_1530 = vector.broadcast %jit3A_1529 : i32 to vector<16xi32>
      %select_n3A_1531 = arith.select %gt3A_1528, %get3A_1525, %broadcast_in_dim3A_1530 : vector<16xi1>, vector<16xi32>
      %min3A_1532 = arith.minsi %get3A_1527, %select_n3A_1531 : vector<16xi32>
      %swap3A_1533 = arith.constant 0 : index
      %swap3A_1534 = tpu.vector_load %arg25[%swap3A_1533] {strides = array<i32>} : memref<16xi32, #tpu.memory_space<vmem>>, vector<16xi32>,
      tpu.vector_store %arg25[%swap3A_1533], %min3A_1532 {strides = array<i32>} : memref<16xi32, #tpu.memory_space<vmem>>, vector<16xi32>,
    }
    %while3A_1482 = arith.constant 1 : i32
    scf.for %while3A_1519 = %while3A_1480 to %while3A_1476 step %while3A_1482  : i32 {
      %mul3A_1520 = arith.muli %while3A_1519, %while3A_1472 : i32
      %add3A_1521 = arith.addi %while3A_1473, %mul3A_1520 : i32
      %mul3A_1522 = arith.constant 16 : i32
      %mul3A_1523 = arith.muli %add3A_1521, %mul3A_1522 : i32
      %get3A_1524 = arith.index_cast %mul3A_1523 : i32 to index
      %get3A_1525 = tpu.vector_load %arg20[%get3A_1524] {strides = array<i32>} : memref<32800xi32, #tpu.memory_space<vmem>>, vector<16xi32>,
      %get3A_1526 = arith.constant 0 : index
      %get3A_1527 = tpu.vector_load %arg25[%get3A_1526] {strides = array<i32>} : memref<16xi32, #tpu.memory_space<vmem>>, vector<16xi32>,
      %gt3A = vector.broadcast %or3A_1455 : i32 to vector<16xi32>
      %gt3A_1528 = arith.cmpi sgt, %get3A_1525, %gt3A : vector<16xi32>
      %jit3A_1529 = arith.constant 2147483647 : i32
      %broadcast_in_dim3A_1530 = vector.broadcast %jit3A_1529 : i32 to vector<16xi32>
      %select_n3A_1531 = arith.select %gt3A_1528, %get3A_1525, %broadcast_in_dim3A_1530 : vector<16xi1>, vector<16xi32>
      %min3A_1532 = arith.minsi %get3A_1527, %select_n3A_1531 : vector<16xi32>
      %swap3A_1533 = arith.constant 0 : index
      %swap3A_1534 = tpu.vector_load %arg25[%swap3A_1533] {strides = array<i32>} : memref<16xi32, #tpu.memory_space<vmem>>, vector<16xi32>,
      tpu.vector_store %arg25[%swap3A_1533], %min3A_1532 {strides = array<i32>} : memref<16xi32, #tpu.memory_space<vmem>>, vector<16xi32>,
    }
    "tpu.region"() ({
      %run_scoped3A = tpu.sem_alloc : memref<!tpu.dma_semaphore, #tpu.memory_space<semaphore_mem>>
      %dma_start3A = arith.constant 0 : i32
      %dma_start3A_1519 = tpu.memref_slice %arg24[%arg1, %dma_start3A] : memref<16x256xi32, #tpu.memory_space<vmem_shared>> -> memref<1x16xi32, #tpu.memory_space<vmem_shared>>
      %dma_start3A_1520 = tpu.memref_squeeze %dma_start3A_1519 : memref<1x16xi32, #tpu.memory_space<vmem_shared>> -> memref<16xi32, #tpu.memory_space<vmem_shared>>
      %dma_start3A_1521 = arith.constant 0 : i32
      %dma_start3A_1522 = tpu.memref_slice %arg24[%arg1, %dma_start3A_1521] : memref<16x256xi32, #tpu.memory_space<vmem_shared>> -> memref<1x16xi32, #tpu.memory_space<vmem_shared>>
      %dma_start3A_1523 = tpu.memref_squeeze %dma_start3A_1522 : memref<1x16xi32, #tpu.memory_space<vmem_shared>> -> memref<16xi32, #tpu.memory_space<vmem_shared>>
      tpu.enqueue_dma source(%arg25 : memref<16xi32, #tpu.memory_space<vmem>>) target(%dma_start3A_1523 : memref<16xi32, #tpu.memory_space<vmem_shared>>) target_semaphore(%run_scoped3A : memref<!tpu.dma_semaphore, #tpu.memory_space<semaphore_mem>>)
      %dma_wait3A = arith.constant 0 : i32
      %dma_wait3A_1524 = tpu.memref_slice %arg24[%arg1, %dma_wait3A] : memref<16x256xi32, #tpu.memory_space<vmem_shared>> -> memref<1x16xi32, #tpu.memory_space<vmem_shared>>
      %dma_wait3A_1525 = tpu.memref_squeeze %dma_wait3A_1524 : memref<1x16xi32, #tpu.memory_space<vmem_shared>> -> memref<16xi32, #tpu.memory_space<vmem_shared>>
      %dma_wait3A_1526 = arith.constant 0 : i32
      %dma_wait3A_1527 = tpu.memref_slice %arg24[%arg1, %dma_wait3A_1526] : memref<16x256xi32, #tpu.memory_space<vmem_shared>> -> memref<1x16xi32, #tpu.memory_space<vmem_shared>>
      %dma_wait3A_1528 = tpu.memref_squeeze %dma_wait3A_1527 : memref<1x16xi32, #tpu.memory_space<vmem_shared>> -> memref<16xi32, #tpu.memory_space<vmem_shared>>
      tpu.wait_dma2 semaphore(%run_scoped3A : memref<!tpu.dma_semaphore, #tpu.memory_space<semaphore_mem>>) src(%arg25 : memref<16xi32, #tpu.memory_space<vmem>>) dst(%dma_wait3A_1528 : memref<16xi32, #tpu.memory_space<vmem_shared>>)
      tpu.yield
    }) : () -> ()
    %barrier3A_1483 = arith.constant 0 : index
    tpu.barrier barrier_id(%barrier3A_1483)
    %xor3A_1484 = arith.constant 1 : i32
    %xor3A_1485 = arith.xori %arg1, %xor3A_1484 : i32
    "tpu.region"() ({
      %run_scoped3A = tpu.sem_alloc : memref<!tpu.dma_semaphore, #tpu.memory_space<semaphore_mem>>
      %dma_start3A = arith.constant 0 : i32
      %dma_start3A_1519 = tpu.memref_slice %arg23[%dma_start3A] : memref<256xi32, #tpu.memory_space<vmem>> -> memref<16xi32, #tpu.memory_space<vmem>>
      %dma_start3A_1520 = arith.constant 0 : i32
      %dma_start3A_1521 = tpu.memref_slice %arg24[%xor3A_1485, %dma_start3A_1520] : memref<16x256xi32, #tpu.memory_space<vmem_shared>> -> memref<1x16xi32, #tpu.memory_space<vmem_shared>>
      %dma_start3A_1522 = tpu.memref_squeeze %dma_start3A_1521 : memref<1x16xi32, #tpu.memory_space<vmem_shared>> -> memref<16xi32, #tpu.memory_space<vmem_shared>>
      %dma_start3A_1523 = arith.constant 0 : i32
      %dma_start3A_1524 = tpu.memref_slice %arg23[%dma_start3A_1523] : memref<256xi32, #tpu.memory_space<vmem>> -> memref<16xi32, #tpu.memory_space<vmem>>
      %dma_start3A_1525 = arith.constant 0 : i32
      %dma_start3A_1526 = tpu.memref_slice %arg24[%xor3A_1485, %dma_start3A_1525] : memref<16x256xi32, #tpu.memory_space<vmem_shared>> -> memref<1x16xi32, #tpu.memory_space<vmem_shared>>
      %dma_start3A_1527 = tpu.memref_squeeze %dma_start3A_1526 : memref<1x16xi32, #tpu.memory_space<vmem_shared>> -> memref<16xi32, #tpu.memory_space<vmem_shared>>
      tpu.enqueue_dma source(%dma_start3A_1527 : memref<16xi32, #tpu.memory_space<vmem_shared>>) target(%dma_start3A_1524 : memref<16xi32, #tpu.memory_space<vmem>>) target_semaphore(%run_scoped3A : memref<!tpu.dma_semaphore, #tpu.memory_space<semaphore_mem>>)
      %dma_wait3A = arith.constant 0 : i32
      %dma_wait3A_1528 = tpu.memref_slice %arg23[%dma_wait3A] : memref<256xi32, #tpu.memory_space<vmem>> -> memref<16xi32, #tpu.memory_space<vmem>>
      %dma_wait3A_1529 = arith.constant 0 : i32
      %dma_wait3A_1530 = tpu.memref_slice %arg24[%xor3A_1485, %dma_wait3A_1529] : memref<16x256xi32, #tpu.memory_space<vmem_shared>> -> memref<1x16xi32, #tpu.memory_space<vmem_shared>>
      %dma_wait3A_1531 = tpu.memref_squeeze %dma_wait3A_1530 : memref<1x16xi32, #tpu.memory_space<vmem_shared>> -> memref<16xi32, #tpu.memory_space<vmem_shared>>
      %dma_wait3A_1532 = arith.constant 0 : i32
      %dma_wait3A_1533 = tpu.memref_slice %arg23[%dma_wait3A_1532] : memref<256xi32, #tpu.memory_space<vmem>> -> memref<16xi32, #tpu.memory_space<vmem>>
      %dma_wait3A_1534 = arith.constant 0 : i32
      %dma_wait3A_1535 = tpu.memref_slice %arg24[%xor3A_1485, %dma_wait3A_1534] : memref<16x256xi32, #tpu.memory_space<vmem_shared>> -> memref<1x16xi32, #tpu.memory_space<vmem_shared>>
      %dma_wait3A_1536 = tpu.memref_squeeze %dma_wait3A_1535 : memref<1x16xi32, #tpu.memory_space<vmem_shared>> -> memref<16xi32, #tpu.memory_space<vmem_shared>>
      tpu.wait_dma2 semaphore(%run_scoped3A : memref<!tpu.dma_semaphore, #tpu.memory_space<semaphore_mem>>) src(%dma_wait3A_1536 : memref<16xi32, #tpu.memory_space<vmem_shared>>) dst(%dma_wait3A_1533 : memref<16xi32, #tpu.memory_space<vmem>>)
      tpu.yield
    }) : () -> ()
    %get3A = arith.constant 0 : index
    %get3A_1486 = tpu.vector_load %arg25[%get3A] {strides = array<i32>} : memref<16xi32, #tpu.memory_space<vmem>>, vector<16xi32>,
    %get3A_1487 = arith.constant 0 : index
    %get3A_1488 = tpu.vector_load %arg23[%get3A_1487] {strides = array<i32>} : memref<256xi32, #tpu.memory_space<vmem>>, vector<16xi32>,
    %min3A = arith.minsi %get3A_1486, %get3A_1488 : vector<16xi32>
    %reduce_min3A_1489 = arith.constant true
    %reduce_min3A_1490 = vector.broadcast %reduce_min3A_1489 : i1 to vector<16xi1>
    %reduce_min3A_1491 = arith.constant -2147483648 : i32
    %reduce_min3A_1492 = vector.broadcast %reduce_min3A_1491 : i32 to vector<16xi32>
    %reduce_min3A_1493 = arith.xori %min3A, %reduce_min3A_1492 : vector<16xi32>
    %reduce_min3A_1494 = tpu.scan <min>, %reduce_min3A_1493 masked %reduce_min3A_1490 : vector<16xi32>, vector<16xi1> -> vector<16xi32>
    %reduce_min3A_1495 = arith.xori %reduce_min3A_1494, %reduce_min3A_1492 : vector<16xi32>
    %reduce_min3A_1496 = vector.extract %reduce_min3A_1495[15] : i32 from vector<16xi32>
    %ge3A_1497 = arith.constant 32769 : i32
    %ge3A_1498 = arith.cmpi sge, %add3A_1459, %ge3A_1497 : i32
    %select_n3A_1499 = arith.select %ge3A_1498, %or3A_1455, %reduce_min3A_1496 : i32
    %eq3A_1500 = arith.constant 0 : i32
    %eq3A_1501 = vector.broadcast %eq3A_1500 : i32 to vector<16xi32>
    %eq3A_1502 = arith.cmpi eq, %iota3A, %eq3A_1501 : vector<16xi32>
    %eq3A_1503 = arith.constant 1 : i32
    %eq3A_1504 = vector.broadcast %eq3A_1503 : i32 to vector<16xi32>
    %eq3A_1505 = arith.cmpi eq, %iota3A, %eq3A_1504 : vector<16xi32>
    %jit3A_1506 = arith.constant 0 : i32
    %broadcast_in_dim3A_1507 = vector.broadcast %select_n3A_1499 : i32 to vector<16xi32>
    %broadcast_in_dim3A_1508 = vector.broadcast %jit3A_1506 : i32 to vector<16xi32>
    %select_n3A_1509 = arith.select %eq3A_1505, %broadcast_in_dim3A_1507, %broadcast_in_dim3A_1508 : vector<16xi1>, vector<16xi32>
    %broadcast_in_dim3A_1510 = vector.broadcast %or3A_1455 : i32 to vector<16xi32>
    %select_n3A_1511 = arith.select %eq3A_1502, %broadcast_in_dim3A_1510, %select_n3A_1509 : vector<16xi1>, vector<16xi32>
    %bitcast3A = vector.bitcast %select_n3A_1511 : vector<16xi32> to vector<16xf32>
    %swap3A_1512 = arith.constant 0 : index
    %swap3A_1513 = tpu.vector_load %arg26[%swap3A_1512] {strides = array<i32>} : memref<16xf32, #tpu.memory_space<vmem>>, vector<16xf32>,
    tpu.vector_store %arg26[%swap3A_1512], %bitcast3A {strides = array<i32>} : memref<16xf32, #tpu.memory_space<vmem>>, vector<16xf32>,
    %eq3A_1514 = arith.constant 0 : i32
    %eq3A_1515 = arith.cmpi eq, %and3A_18, %eq3A_1514 : i32
    %convert_element_type3A_1516 = arith.extui %eq3A_1515 : i1 to i32
    %cond3A_1517 = arith.constant 0 : i32
    %cond3A_1518 = arith.cmpi ne, %convert_element_type3A_1516, %cond3A_1517 : i32
    scf.if %cond3A_1518 {
      "tpu.region"() ({
        %run_scoped3A = tpu.sem_alloc : memref<!tpu.dma_semaphore, #tpu.memory_space<semaphore_mem>>
        %dma_start3A = arith.constant 0 : i32
        %dma_start3A_1519 = tpu.memref_slice %arg18[%add3A, %dma_start3A] : memref<16x16xf32, #tpu.memory_space<hbm>> -> memref<1x16xf32, #tpu.memory_space<hbm>>
        %dma_start3A_1520 = tpu.memref_squeeze %dma_start3A_1519 : memref<1x16xf32, #tpu.memory_space<hbm>> -> memref<16xf32, #tpu.memory_space<hbm>>
        %dma_start3A_1521 = arith.constant 0 : i32
        %dma_start3A_1522 = tpu.memref_slice %arg18[%add3A, %dma_start3A_1521] : memref<16x16xf32, #tpu.memory_space<hbm>> -> memref<1x16xf32, #tpu.memory_space<hbm>>
        %dma_start3A_1523 = tpu.memref_squeeze %dma_start3A_1522 : memref<1x16xf32, #tpu.memory_space<hbm>> -> memref<16xf32, #tpu.memory_space<hbm>>
        tpu.enqueue_dma source(%arg26 : memref<16xf32, #tpu.memory_space<vmem>>) target(%dma_start3A_1523 : memref<16xf32, #tpu.memory_space<hbm>>) target_semaphore(%run_scoped3A : memref<!tpu.dma_semaphore, #tpu.memory_space<semaphore_mem>>)
        %dma_wait3A = arith.constant 0 : i32
        %dma_wait3A_1524 = tpu.memref_slice %arg18[%add3A, %dma_wait3A] : memref<16x16xf32, #tpu.memory_space<hbm>> -> memref<1x16xf32, #tpu.memory_space<hbm>>
        %dma_wait3A_1525 = tpu.memref_squeeze %dma_wait3A_1524 : memref<1x16xf32, #tpu.memory_space<hbm>> -> memref<16xf32, #tpu.memory_space<hbm>>
        %dma_wait3A_1526 = arith.constant 0 : i32
        %dma_wait3A_1527 = tpu.memref_slice %arg18[%add3A, %dma_wait3A_1526] : memref<16x16xf32, #tpu.memory_space<hbm>> -> memref<1x16xf32, #tpu.memory_space<hbm>>
        %dma_wait3A_1528 = tpu.memref_squeeze %dma_wait3A_1527 : memref<1x16xf32, #tpu.memory_space<hbm>> -> memref<16xf32, #tpu.memory_space<hbm>>
        tpu.wait_dma2 semaphore(%run_scoped3A : memref<!tpu.dma_semaphore, #tpu.memory_space<semaphore_mem>>) src(%arg26 : memref<16xf32, #tpu.memory_space<vmem>>) dst(%dma_wait3A_1528 : memref<16xf32, #tpu.memory_space<hbm>>)
        tpu.yield
      }) : () -> ()
    } else {
    }
    return
  }
}

module attributes {stable_mosaic.version = 14 : i64} {
  func.func @_epilogue_body(%arg0: memref<16x16xf32, #tpu.memory_space<vmem>>, %arg1: memref<16x4xf32, #tpu.memory_space<vmem>>) attributes {dimension_semantics = [], scalar_prefetch = 0 : i64, scratch_operands = 0 : i64, tpu.core_type = #tpu.core_type<tc>} {
    %get3A = arith.constant 0 : index
    %get3A_0 = arith.constant 0 : index
    %get3A_1 = vector.load %arg0[%get3A, %get3A_0] : memref<16x16xf32, #tpu.memory_space<vmem>>, vector<16x1xf32>
    %get3A_2 = arith.constant 0 : index
    %get3A_3 = arith.constant 1 : index
    %get3A_4 = vector.load %arg0[%get3A_2, %get3A_3] : memref<16x16xf32, #tpu.memory_space<vmem>>, vector<16x1xf32>
    %add3A = arith.addf %get3A_1, %get3A_4 : vector<16x1xf32>
    %mul3A = arith.constant 5.000000e-01 : f32
    %mul3A_5 = vector.broadcast %mul3A : f32 to vector<16x1xf32>
    %mul3A_6 = arith.mulf %add3A, %mul3A_5 : vector<16x1xf32>
    %mul3A_7 = arith.constant 5.000000e-05 : f32
    %mul3A_8 = vector.broadcast %mul3A_7 : f32 to vector<16x1xf32>
    %mul3A_9 = arith.mulf %get3A_1, %mul3A_8 : vector<16x1xf32>
    %reduce_sum3A = vector.shape_cast %mul3A_9 : vector<16x1xf32> to vector<1x16x1xf32>
    %reduce_sum3A_10 = arith.constant dense<0.000000e+00> : vector<1xf32>
    %reduce_sum3A_11 = vector.multi_reduction <add>, %reduce_sum3A, %reduce_sum3A_10 [1, 2] : vector<1x16x1xf32> to vector<1xf32>
    %reduce_sum3A_12 = vector.shape_cast %reduce_sum3A_11 : vector<1xf32> to vector<1x1x1xf32>
    %reduce_sum3A_13 = vector.extract %reduce_sum3A_12[0, 0, 0] : f32 from vector<1x1x1xf32>
    %ge3A = vector.broadcast %reduce_sum3A_13 : f32 to vector<16x1xf32>
    %ge3A_14 = arith.cmpf oge, %mul3A_6, %ge3A : vector<16x1xf32>
    %convert_element_type3A = arith.extui %ge3A_14 : vector<16x1xi1> to vector<16x1xi32>
    %convert_element_type3A_15 = arith.sitofp %convert_element_type3A : vector<16x1xi32> to vector<16x1xf32>
    %div3A = vector.broadcast %reduce_sum3A_13 : f32 to vector<16x1xf32>
    %div3A_16 = arith.divf %mul3A_6, %div3A : vector<16x1xf32>
    %mul3A_17 = arith.constant 1.500000e+03 : f32
    %mul3A_18 = vector.broadcast %mul3A_17 : f32 to vector<16x1xf32>
    %mul3A_19 = arith.mulf %mul3A_18, %div3A_16 : vector<16x1xf32>
    %mul3A_20 = arith.mulf %mul3A_19, %convert_element_type3A_15 : vector<16x1xf32>
    %broadcast_in_dim3A = arith.constant 6.553600e+04 : f32
    %broadcast_in_dim3A_21 = vector.broadcast %broadcast_in_dim3A : f32 to vector<16x1xf32>
    %broadcast_in_dim3A_22 = arith.constant 1.000000e+00 : f32
    %broadcast_in_dim3A_23 = vector.broadcast %broadcast_in_dim3A_22 : f32 to vector<16x1xf32>
    %concatenate3A = tpu.concatenate %broadcast_in_dim3A_21, %mul3A_6, %broadcast_in_dim3A_23, %mul3A_20 in 1 : vector<16x1xf32>, vector<16x1xf32>, vector<16x1xf32>, vector<16x1xf32> -> vector<16x4xf32>
    %swap3A = arith.constant 0 : index
    %swap3A_24 = arith.constant 0 : index
    %swap3A_25 = vector.load %arg1[%swap3A, %swap3A_24] : memref<16x4xf32, #tpu.memory_space<vmem>>, vector<16x4xf32>
    tpu.vector_store %arg1[%swap3A, %swap3A_24], %concatenate3A {strides = array<i32>} : memref<16x4xf32, #tpu.memory_space<vmem>>, vector<16x4xf32>,
    return
  }
}

</mosaic_0001>

<sc_bundles>
// kernel: kernel.4.cloned.1.call-start
scs
__scs_entry_jumppad:
0x0: {  	(pc) =	sbr.rel $0x88, $3  }
0x1: {  	(tag) =	ssettag $0x0;
	lr =	simm.s32 $0x1  }
0x2: {  	[smem:$0x3F91] =	sst lr;
	_ =	strace $0xD0000000  }
0x3: {  	_ = 	snop  }
0x4: {  	_ = 	snop  }
0x5: {  	_ = 	snop  }
0x6: {  	_ = 	snop  }
0x7: {  	_ = 	snop  }
__scs_overlays_trampoline_lowered:
0x8: {  	[smem:$0x3FA0] =	sst s0  }
0x9: {  	[smem:$0x3FA1] =	sst s1  }
0xa: {  	[smem:$0x3FA2] =	sst s2  }
0xb: {  	[smem:$0x3FA3] =	sst s3  }
0xc: {  	[smem:$0x3FA4] =	sst s4  }
0xd: {  	[smem:$0x3FA5] =	sst s5  }
0xe: {  	[smem:$0x3FA6] =	sst s6  }
0xf: {  	[smem:$0x3FA7] =	sst s7  }
0x10: {  	[smem:$0x3FA8] =	sst s8  }
0x11: {  	[smem:$0x3FA9] =	sst s9;
	s0 =	simm.s32 @!p0 $0x0  }
0x12: {  	s1 =	sld [smem:$0x3F8F];
	s0 =	simm.s32 @p0 $0x1  }
0x13: {  	[smem:$0x3FAA] =	sst s0;
	s0 =	simm.s32 @!p1 $0x0  }
0x14: {  	s2 =	sld [smem:$0x3F8E];
	s0 =	simm.s32 @p1 $0x1  }
0x15: {  	[smem:$0x3FAB] =	sst s0;
	s0 =	simm.s32 @!p2 $0x0  }
0x16: {  	s3 =	sld [smem:$0x3FDB];
	s0 =	simm.s32 @p2 $0x1  }
0x17: {  	s4 =	simm.s32 $0x1BF5;
	[smem:$0x3FAD] =	sst s0  }
0x18: {  	s0 =	sld [smem:$0x3F90];
	_ =	swait.ge [sflag:s4], $0x0  }
0x19: {  	s7 =	sld [smem:$0x3F91]  }
0x1a: {  	s8 =	sadd.s32 $0xFFFFE003, lr  }
0x1b: {  	s9 =	sadd.s32 $0xFFFFFEF7, lr;
	s5 =	simm.s32 $0xFFFFFFFF;
	p2 =	slt.u32 s8, $0xFFFFF086  }
0x1c: {  	p1 =	slt.u32 s9, $0xF7A;
	s5 =	simm.s32 @!p2 $0x0  }
0x1d: {  	s5 =	simm.s32 @p1 $0x1;
	p0 =	seq.s32 s7, s2  }
0x1e: {  	s7 =	smul.u32 @!p0 $0xF7A, s2;
	p2 =	seq.s32 @!p0 s5, $0x0  }
0x1f: {  	s9 =	smul.u32 $0xF7A, s1;
	s8 =	simm.s32 @!p0 $0x1BF5;
	p2 =	por !p2, p0  }
0x20: {  	[sflag:s8] =	ssyncset.s32 @!p0 $0xFFFFF086;
	s6 =	sadd.s32 @!p0 s3, s7;
	s7 =	simm.s32 @!p0 $0x108  }
0x21: {  	s3 =	sadd.s32 s3, s9;
	s6 =	sadd.s32 @!p0 $0x88, s6;
	s7 =	simm.s32 @p2 $0x1082  }
0x22: {  	[simem:s7], [sflag:s8] =	dma.local @!p0 [hbm:s6], $0xF7A  }
0x23: {  	s9 =	sor.u32 $0xD0000000, s2;
	s6 =	simm.s32 $0x108;
	_ =	swait.ge @!p0 [sflag:s8], $0x0  }
0x24: {  	s3 =	sadd.s32 $0x88, s3;
	s6 =	simm.s32 @!p1 $0x1082;
	[sflag:s4] =	ssyncset.s32 $0xFFFFF086  }
0x25: {  	[simem:s6], [sflag:s4] =	dma.local [hbm:s3], $0xF7A  }
0x26: {  	[smem:$0x3F91] =	sst s1;
	(tag) =	ssettag s2;
	_ =	strace s9  }
0x27: {  	s1 =	sld [smem:$0x3FA1]  }
0x28: {  	s2 =	sld [smem:$0x3FA2]  }
0x29: {  	s4 =	sld [smem:$0x3FA4]  }
0x2a: {  	p0 =	seq.s32 s5, $0x0;
	s5 =	sld [smem:$0x3FA5]  }
0x2b: {  	s6 =	sld [smem:$0x3FA6]  }
0x2c: {  	s7 =	sld [smem:$0x3FA7]  }
0x2d: {  	s3 =	simm.s32 $0x108;
	s8 =	sld [smem:$0x3FA8]  }
0x2e: {  	s3 =	simm.s32 @!p0 $0x1082;
	s9 =	sld [smem:$0x3FA9]  }
0x2f: {  	lr =	sadd.s32 s0, s3;
	s0 =	sld [smem:$0x3FA0]  }
0x30: {  	s3 =	sld [smem:$0x3FA3]  }
0x31: {  	[smem:$0x3FAC] =	sst s10  }
0x32: {  	s10 =	sld [smem:$0x3FAA];
	_ =	sdelay $0x3  }
0x33: {  	p0 =	seq.s32 s10, $0x1;
	s10 =	sld [smem:$0x3FAC];
	_ =	sdelay $0x3  }
0x34: {  	[smem:$0x3FAC] =	sst s10  }
0x35: {  	s10 =	sld [smem:$0x3FAB];
	_ =	sdelay $0x3  }
0x36: {  	p1 =	seq.s32 s10, $0x1;
	s10 =	sld [smem:$0x3FAC];
	_ =	sdelay $0x3  }
0x37: {  	[smem:$0x3FAC] =	sst s10  }
0x38: {  	s10 =	sld [smem:$0x3FAD]  }
0x39: {  	_ = 	snop;
	(pc) =	sbr.ind lr, $3  }
0x3a: {  	_ = 	snop  }
0x3b: {  	_ = 	snop  }
0x3c: {  	p2 =	seq.s32 s10, $0x1;
	s10 =	sld [smem:$0x3FAC]  }
0x3d: {  	_ =	shalt  }
0x3e: {  	_ =	shalt  }
0x3f: {  	_ =	shalt  }
0x40: {  	_ =	shalt  }
0x41: {  	_ =	shalt  }
0x42: {  	_ =	shalt  }
0x43: {  	_ =	shalt  }
0x44: {  	_ =	shalt  }
0x45: {  	_ =	shalt  }
0x46: {  	_ =	shalt  }
0x47: {  	_ =	shalt  }
0x48: {  	_ =	shalt  }
0x49: {  	_ =	shalt  }
0x4a: {  	_ =	shalt  }
0x4b: {  	_ =	shalt  }
0x4c: {  	_ =	shalt  }
0x4d: {  	_ =	shalt  }
0x4e: {  	_ =	shalt  }
0x4f: {  	_ =	shalt  }
0x50: {  	_ =	shalt  }
0x51: {  	_ =	shalt  }
0x52: {  	_ =	shalt  }
0x53: {  	_ =	shalt  }
0x54: {  	_ =	shalt  }
0x55: {  	_ =	shalt  }
0x56: {  	_ =	shalt  }
0x57: {  	_ =	shalt  }
0x58: {  	_ =	shalt  }
0x59: {  	_ =	shalt  }
0x5a: {  	_ =	shalt  }
0x5b: {  	_ =	shalt  }
0x5c: {  	_ =	shalt  }
0x5d: {  	_ =	shalt  }
0x5e: {  	_ =	shalt  }
0x5f: {  	_ =	shalt  }
0x60: {  	_ =	shalt  }
0x61: {  	_ =	shalt  }
0x62: {  	_ =	shalt  }
0x63: {  	_ =	shalt  }
0x64: {  	_ =	shalt  }
0x65: {  	_ =	shalt  }
0x66: {  	_ =	shalt  }
0x67: {  	_ =	shalt  }
0x68: {  	_ =	shalt  }
0x69: {  	_ =	shalt  }
0x6a: {  	_ =	shalt  }
0x6b: {  	_ =	shalt  }
0x6c: {  	_ =	shalt  }
0x6d: {  	_ =	shalt  }
0x6e: {  	_ =	shalt  }
0x6f: {  	_ =	shalt  }
0x70: {  	_ =	shalt  }
0x71: {  	_ =	shalt  }
0x72: {  	_ =	shalt  }
0x73: {  	_ =	shalt  }
0x74: {  	_ =	shalt  }
0x75: {  	_ =	shalt  }
0x76: {  	_ =	shalt  }
0x77: {  	_ =	shalt  }
0x78: {  	_ =	shalt  }
0x79: {  	_ =	shalt  }
0x7a: {  	_ =	shalt  }
0x7b: {  	_ =	shalt  }
0x7c: {  	_ =	shalt  }
0x7d: {  	_ =	shalt  }
0x7e: {  	_ =	shalt  }
0x7f: {  	_ =	shalt  }
0x80: {  	_ =	shalt  }
0x81: {  	_ =	shalt  }
0x82: {  	_ =	shalt  }
0x83: {  	_ =	shalt  }
0x84: {  	_ =	shalt  }
0x85: {  	_ =	shalt  }
0x86: {  	_ =	shalt  }
0x87: {  	_ =	shalt  }
.Lfunc_end0:
.L_simem_size_0:
called_computation_lowered:
.L_overlay_start_0:
0x88: {  	s2 =	sld [smem:$0x3FD9]  }
0x89: {  	s3 =	sld [smem:$0x3FFE];
	_ =	sdelay $0x1  }
0x8a: {  	s1 =	srdreg.scid  }
0x8b: {  	s0 =	sand.u32 $0x1, s1  }
0x8c: {  	s23 =	sshll.u32 s0, $0xA;
	s2 =	sadd.s32 s3, s2  }
0x8d: {  	s2 =	sadd.s32 s2, s23  }
0x8e: {  	[smem:$0x3FB8] =	sst s2  }
0x8f: {  	_ = 	snop  }
0x90: {  	s2 =	sld [smem:$0x3FC9]  }
0x91: {  	s3 =	sld [smem:$0x3FC8]  }
0x92: {  	s4 =	sld [smem:$0x3FC7]  }
0x93: {  	s5 =	sld [smem:$0x3FC6]  }
0x94: {  	s6 =	sld [smem:$0x3FC5]  }
0x95: {  	s7 =	sld [smem:$0x3FC4]  }
0x96: {  	s8 =	sld [smem:$0x3FC3]  }
0x97: {  	s9 =	sld [smem:$0x3FC2]  }
0x98: {  	s10 =	sld [smem:$0x3FC1]  }
0x99: {  	s11 =	sld [smem:$0x3FC0]  }
0x9a: {  	s12 =	sld [smem:$0x3FBF]  }
0x9b: {  	s13 =	sld [smem:$0x3FBE]  }
0x9c: {  	s14 =	sld [smem:$0x3FBD]  }
0x9d: {  	s15 =	sld [smem:$0x3FBC]  }
0x9e: {  	s17 =	sld [smem:$0x3FBB]  }
0x9f: {  	s18 =	sld [smem:$0x3FBA];
	(tm) =	ssettm $0x1  }
0xa0: {  	s16 =	sld [smem:$0x3FFB];
	_ =	sdelay $0x3  }
0xa1: {  	_ =	strace s16  }
0xa2: {  	s16 =	sld [smem:$0x3FFC];
	_ =	sdelay $0x3  }
0xa3: {  	_ =	strace s16  }
0xa4: {  	s16 =	sld [smem:$0x3FFD];
	_ =	sdelay $0x3  }
0xa5: {  	_ =	strace s16  }
0xa6: {  	_ =	strace $0x8FFFFFFF  }
0xa7: {  	s24 =	sld [smem:$0x3FDB];
	_ =	sdelay $0x1  }
0xa8: {  	s19 =	simm.s32 $_scs_section_size  }
0xa9: {  	s20 =	simm.s32 $_size__tile_task_arg_handler_lowered;
	s21 =	simm.s32 $_tile_task_arg_handler_lowered  }
0xaa: {  	s28 =	simm.s32 $0x1BFF;
	s26 =	sshll.u32 s21, $0x1;
	s19 =	sadd.s32 s19, s24  }
0xab: {  	s22 =	simm.s32 $0x60;
	s25 =	sshll.u32 s20, $0x1;
	s20 =	sadd.s32 s26, s19  }
0xac: {  	[timem:s22], [sflag:s28] =	dma.local [hbm:s20], s25  }
0xad: {  	_ =	swait.ge [sflag:s28], s25  }
0xae: {  	s29 =	simm.s32 $_tile_overlayer_lowered;
	s16 =	ssub.s32 $0x0, s25;
	[sflag:s28] =	ssyncset.done $0x0  }
0xaf: {  	s30 =	simm.s32 $_size__tile_overlayer_lowered;
	s20 =	sshll.u32 s29, $0x1;
	[sflag:s28] =	ssyncadd.s32 s16  }
0xb0: {  	s31 =	sshll.u32 s30, $0x1;
	s20 =	sadd.s32 s20, s19;
	s16 =	simm.s32 $0x0  }
0xb1: {  	[timem:s16], [sflag:s28] =	dma.local [hbm:s20], s31  }
0xb2: {  	_ =	swait.ge [sflag:s28], s31  }
0xb3: {  	s22 =	ssub.s32 $0x0, s31;
	[sflag:s28] =	ssyncset.done $0x0  }
0xb4: {  	[sflag:s28] =	ssyncadd.s32 s22;
	_ =	sdelay $0x1  }
0xb5: {  	s23 =	simm.s32 $0x1B8B  }
0xb6: {  	_ =	swait.ge [sflag:s23], $0x1  }
0xb7: {  	[sflag:s23] =	ssyncset.done $0x0  }
0xb8: {  	s25 =	simm.s32 $0x1B8E;
	s24 =	sld [smem:$0x3FFE];
	[sflag:s23] =	ssyncadd.s32 $0xFFFFFFFF  }
0xb9: {  	s26 =	simm.s32 $execute0_lowered;
	[smem:$0x3FD2] =	sst s25  }
0xba: {  	s21 =	sshll.u32 s26, $0x1;
	_ =	strace $0x80000046;
	[dreg:$0x1] =	wrdreg $0xFFFFFFFF  }
0xbb: {  	s19 =	sadd.s32 s19, s21;
	s28 =	simm.s32 $_size_execute0_lowered;
	[dreg:$0x0] =	wrdreg $0x0  }
0xbc: {  	s21 =	sshll.u32 s28, $0x1;
	[dreg:$0x2] =	wrdreg s19  }
0xbd: {  	[dreg:$0x3] =	wrdreg s21  }
0xbe: {  	[dreg:$0x4] =	wrdreg $0xC0  }
0xbf: {  	_ =	task [dreg:s16], $0x5FFFF  }
0xc0: {  	[dreg:$0x1] =	wrdreg $0xFFFFFFFF  }
0xc1: {  	[dreg:$0x0] =	wrdreg $0x30  }
0xc2: {  	[dreg:$0x2] =	wrdreg $0x0  }
0xc3: {  	[dreg:$0x3] =	wrdreg s17  }
0xc4: {  	[dreg:$0x4] =	wrdreg s18  }
0xc5: {  	[dreg:$0x5] =	wrdreg s24  }
0xc6: {  	[dreg:$0x6] =	wrdreg $0x112800  }
0xc7: {  	[dreg:$0x7] =	wrdreg $0x9  }
0xc8: {  	_ =	task [dreg:s16], $0x8FFFF  }
0xc9: {  	[dreg:$0x1] =	wrdreg $0xFFFFFFFF  }
0xca: {  	[dreg:$0x0] =	wrdreg $0x60  }
0xcb: {  	[dreg:$0x2] =	wrdreg s2  }
0xcc: {  	[dreg:$0x3] =	wrdreg s3  }
0xcd: {  	[dreg:$0x4] =	wrdreg s4  }
0xce: {  	[dreg:$0x5] =	wrdreg s5  }
0xcf: {  	[dreg:$0x6] =	wrdreg s6  }
0xd0: {  	[dreg:$0x7] =	wrdreg s7  }
0xd1: {  	[dreg:$0x8] =	wrdreg s8  }
0xd2: {  	[dreg:$0x9] =	wrdreg s9  }
0xd3: {  	[dreg:$0xa] =	wrdreg s10  }
0xd4: {  	[dreg:$0xb] =	wrdreg s11  }
0xd5: {  	[dreg:$0xc] =	wrdreg s12  }
0xd6: {  	[dreg:$0xd] =	wrdreg s13  }
0xd7: {  	[dreg:$0xe] =	wrdreg s14  }
0xd8: {  	[dreg:$0xf] =	wrdreg s15  }
0xd9: {  	_ =	task.clear_ibuf [dreg:s16], $0x10FFFF;
	_ =	strace $0x90000046  }
0xda: {  	s29 =	simm.s32 $0x9;
	_ =	strace $0x80000048  }
0xdb: {  	_ =	swait.ge [sflag:s29], $0x1  }
0xdc: {  	[sflag:s29] =	ssyncadd.s32 $0xFFFFFFFF  }
0xdd: {  	_ =	strace $0x90000048  }
0xde: {  	_ =	sfence  }
0xdf: {  	s30 =	sld [smem:$0x0];
	_ =	sdelay $0x2  }
0xe0: {  	s31 =	sshll.u32 s1, $0xD;
	s1 =	sshrl.u32 s1, $0x2  }
0xe1: {  	s3 =	sand.u32 $0x4000, s31;
	s1 =	sadd.s32 s1, s30  }
0xe2: {  	s0 =	sor.u32 s3, s0;
	s1 =	sshll.u32 s1, $0x11  }
0xe3: {  	s0 =	sor.u32 s1, s0  }
0xe4: {  	s0 =	sadd.s32 $0x8F2B, s0  }
0xe5: {  	[sflag:s0] =	ssyncadd.remote.s32 $0x1  }
0xe6: {  	_ =	sfence.sel $0xFFFF  }
0xe7: {  	[dreg:$0x0] =	wrdreg $0xFFFFFFFF;
	(pc) =	sbr.abs _section_cstart, $3  }
0xe8: {  	[dreg:$0x1] =	wrdreg $0xFFFFFFFF  }
0xe9: {  	_ =	task.clear_ibuf [dreg:s16], $0x2FFFF;
	_ =	strace $0x9FFFFFFF  }
0xea: {  	(tm) =	ssettm $0x7FFFFFFF  }
0xeb: {  	_ =	shalt  }
tec
_tile_task_arg_handler_lowered:
.L_overlay_start_1:
0x0: {  	(tag) =	ssettag $0x1  }
0x1: {  	s0 =	rddreg [dreg:$0x0]  }
0x2: {  	s1 =	rddreg [dreg:$0x1]  }
0x3: {  	s2 =	rddreg [dreg:$0x2]  }
0x4: {  	s3 =	rddreg [dreg:$0x3]  }
0x5: {  	s4 =	rddreg [dreg:$0x4]  }
0x6: {  	s5 =	rddreg [dreg:$0x5]  }
0x7: {  	s6 =	rddreg [dreg:$0x6]  }
0x8: {  	s7 =	rddreg [dreg:$0x7]  }
0x9: {  	s8 =	rddreg [dreg:$0x8]  }
0xa: {  	s9 =	rddreg [dreg:$0x9]  }
0xb: {  	s10 =	rddreg [dreg:$0xa]  }
0xc: {  	s11 =	rddreg [dreg:$0xb]  }
0xd: {  	s12 =	rddreg [dreg:$0xc]  }
0xe: {  	s13 =	rddreg [dreg:$0xd]  }
0xf: {  	[smem:s0] =	sst s1  }
0x10: {  	[smem:s0+$0x1] =	sst s2  }
0x11: {  	[smem:s0+$0x2] =	sst s3  }
0x12: {  	[smem:s0+$0x3] =	sst s4  }
0x13: {  	[smem:s0+$0x4] =	sst s5  }
0x14: {  	[smem:s0+$0x5] =	sst s6  }
0x15: {  	[smem:s0+$0x6] =	sst s7  }
0x16: {  	[smem:s0+$0x7] =	sst s8  }
0x17: {  	[smem:s0+$0x8] =	sst s9  }
0x18: {  	[smem:s0+$0x9] =	sst s10  }
0x19: {  	[smem:s0+$0xA] =	sst s11  }
0x1a: {  	[smem:s0+$0xB] =	sst s12  }
0x1b: {  	[smem:s0+$0xC] =	sst s13;
	_ =	shalt  }
.Lfunc_end2:
execute0_lowered:
.L_overlay_start_2:
0x1c: {  	(tag) =	ssettag $0x2  }
0x1d: {  	s0 =	srdreg.scid  }
0x1e: {  	s2 =	sand.u32 $0x1, s0;
	s0 =	stileid.u32  }
0x1f: {  	s1 =	sshll.u32 s2, $0x3;
	s5 =	sshrl.u32 s0, $0x1  }
0x20: {  	s3 =	sor.u32 s5, s1  }
0x21: {  	p0 =	sgt.s32 s3, $0x7  }
0x22: {  	p4 =	sgt.s32 @p0 s3, $0xB  }
0x23: {  	p1 =	por !p4, !p0  }
0x24: {  	p6 =	sgt.s32 @!p1 s3, $0xD  }
0x25: {  	p2 =	por @p0 !p6, !p4  }
0x26: {  	s1 =	simm.s32 @!p1 $0x0;
	p3 =	por p2, !p0  }
0x27: {  	s1 =	simm.s32 @p1 $0x1;
	s4 =	simm.s32 @!p2 $0x0;
	p5 =	seq.s32 @!p3 s3, $0xE  }
0x28: {  	s4 =	simm.s32 @p2 $0x1;
	p2 =	por p4, !p0;
	p1 =	por @!p1 !p5, !p6  }
0x29: {  	p3 =	sgt.s32 @!p2 s3, $0x9;
	s7 =	simm.s32 @!p1 $0x0  }
0x2a: {  	s8 =	rddreg [dreg:$0xa];
	s7 =	simm.s32 @p1 $0x1;
	p1 =	por @p0 !p3, p4  }
0x2b: {  	[smem:$0x7F5] =	sst s7;
	s7 =	simm.s32 @!p1 $0x0  }
0x2c: {  	[smem:$0x7FC] =	sst s1;
	p5 =	por @p0 p6, !p4;
	s7 =	simm.s32 @p1 $0x1  }
0x2d: {  	s1 =	simm.s32 $0x0;
	[smem:$0x7F9] =	sst s7;
	s7 =	simm.s32 @!p5 $0x0  }
0x2e: {  	[smem:$0x7FF] =	sst s1;
	s7 =	simm.s32 @p5 $0x1  }
0x2f: {  	[smem:$0x7F0] =	sst s7  }
0x30: {  	s9 =	sld [smem:$0x7F0]  }
0x31: {  	s13 =	sld [smem:$0x7FC];
	p5 =	por p1, !p0;
	p1 =	por @p0 p3, p4  }
0x32: {  	[smem:$0x7F7] =	sst s4;
	s7 =	simm.s32 @!p1 $0x0  }
0x33: {  	s4 =	sld [smem:$0x0];
	s7 =	simm.s32 @p1 $0x1;
	p1 =	seq.s32 s9, $0x1  }
0x34: {  	[smem:$0x7F1] =	sst s7;
	p1 =	por p1, !p0  }
0x35: {  	s10 =	sld [smem:$0x7F1];
	s7 =	simm.s32 @!p1 $0x0  }
0x36: {  	s6 =	sld [smem:$0x1];
	s7 =	simm.s32 @p1 $0x1  }
0x37: {  	[smem:$0x7F2] =	sst s7  }
0x38: {  	p1 =	seq.s32 s10, $0x1;
	s11 =	sld [smem:$0x7F2]  }
0x39: {  	s20 =	sshll.u32 s2, $0x7;
	s19 =	sld [smem:$0x2];
	p1 =	por p1, !p0  }
0x3a: {  	s2 =	ssub.s32 $0x2, s2;
	s21 =	sld [smem:$0x3];
	s7 =	simm.s32 @!p1 $0x0  }
0x3b: {  	s16 =	sld [smem:$0x7F7];
	s7 =	simm.s32 @p1 $0x1;
	p1 =	seq.s32 s11, $0x1  }
0x3c: {  	s22 =	sshll.u32 s0, $0x8;
	[smem:$0x7F3] =	sst s7;
	p1 =	seq.s32 @!p1 s3, $0xC  }
0x3d: {  	p5 =	seq.s32 @!p5 s3, $0xA;
	s12 =	sld [smem:$0x7F3];
	s7 =	simm.s32 @!p1 $0x0  }
0x3e: {  	s15 =	sld [smem:$0x7F5];
	s7 =	simm.s32 @p1 $0x1;
	p1 =	por @!p2 !p5, !p3  }
0x3f: {  	s23 =	sshll.u32 s0, $0x7;
	[smem:$0x7F4] =	sst s7;
	s7 =	simm.s32 @!p1 $0x0  }
0x40: {  	s18 =	sld [smem:$0x7F9];
	s7 =	simm.s32 @p1 $0x1;
	p1 =	seq.s32 s12, $0x1  }
0x41: {  	s26 =	sand.u32 $0x1, s0;
	s11 =	rddreg [dreg:$0x1];
	p5 =	seq.s32 @!p1 s3, $0x8  }
0x42: {  	s29 =	sshll.u32 s26, $0xC;
	s14 =	sld [smem:$0x7F4];
	p1 =	por @!p2 !p5, p3  }
0x43: {  	s5 =	sshll.u32 s5, $0x4;
	[smem:$0x7F6] =	sst s7;
	s7 =	simm.s32 @!p1 $0x0  }
0x44: {  	p3 =	sgt.s32 @!p0 s3, $0x3;
	s9 =	sld [smem:$0x7F6];
	s7 =	simm.s32 @p1 $0x1  }
0x45: {  	p2 =	seq.s32 s14, $0x1;
	p1 =	seq.s32 s13, $0x1;
	[smem:$0x7F8] =	sst s7  }
0x46: {  	s13 =	sshrl.u32 s2, $0x1;
	p1 =	por @!p1 !p2, p6;
	s7 =	rddreg [dreg:$0xc]  }
0x47: {  	p2 =	seq.s32 s15, $0x1;
	p6 =	seq.s32 s16, $0x1;
	s15 =	rddreg [dreg:$0x2]  }
0x48: {  	s13 =	ssub.s32 s2, s13;
	s2 =	sld [smem:$0x4];
	p2 =	por @p0 !p2, !p4  }
0x49: {  	p1 =	por @p0 !p1, !p4;
	p5 =	por !p6, !p0;
	p2 =	por !p2, !p0  }
0x4a: {  	p1 =	por !p1, !p0;
	s4 =	smov.u32 @p2 s6;
	s6 =	rddreg [dreg:$0xd]  }
0x4b: {  	s17 =	sld [smem:$0x7F8];
	s7 =	smov.u32 @p1 s6;
	p1 =	seq.s32 s9, $0x1  }
0x4c: {  	s6 =	rddreg [dreg:$0xb];
	p2 =	por @p0 !p1, p4;
	p1 =	por !p3, p0  }
0x4d: {  	s9 =	rddreg [dreg:$0x5];
	p6 =	por !p2, !p0;
	p2 =	sgt.s32 @!p1 s3, $0x5  }
0x4e: {  	s7 =	smov.u32 @p5 s4;
	s8 =	smov.u32 @p6 s6;
	p5 =	por @!p0 !p2, !p3  }
0x4f: {  	p6 =	seq.s32 s17, $0x1;
	s6 =	rddreg [dreg:$0x8];
	s4 =	simm.s32 @!p5 $0x0  }
0x50: {  	p4 =	por @p0 !p6, p4;
	p6 =	por p5, p0;
	s4 =	simm.s32 @p5 $0x1  }
0x51: {  	p4 =	por !p4, !p0;
	p5 =	seq.s32 s18, $0x1;
	[smem:$0x7FA] =	sst s4  }
0x52: {  	p6 =	seq.s32 @!p6 s3, $0x6;
	s4 =	rddreg [dreg:$0x9];
	p5 =	por !p5, !p0  }
0x53: {  	p6 =	por @!p1 !p6, !p2;
	s6 =	smov.u32 @p4 s4;
	s4 =	simm.s32 @!p1 $0x0  }
0x54: {  	s4 =	simm.s32 @p1 $0x1;
	s6 =	smov.u32 @p5 s8;
	s8 =	rddreg [dreg:$0x7]  }
0x55: {  	p4 =	por p1, p1;
	p1 =	por @!p0 !p6, !p3;
	[smem:$0x7FD] =	sst s4  }
0x56: {  	p6 =	por @!p0 p2, !p3;
	s4 =	rddreg [dreg:$0x6];
	p1 =	por !p1, p0  }
0x57: {  	s4 =	smov.u32 @p1 s8;
	p1 =	por p6, p0;
	p6 =	por p3, p0  }
0x58: {  	s12 =	sld [smem:$0x7FA];
	p5 =	seq.s32 @!p1 s3, $0x4;
	p1 =	sgt.s32 @!p6 s3, $0x1  }
0x59: {  	s8 =	rddreg [dreg:$0x4];
	p5 =	por @!p4 !p5, p2;
	p2 =	por @!p0 !p1, p3  }
0x5a: {  	p4 =	por @!p0 p1, p3;
	s10 =	simm.s32 @!p2 $0x0;
	p5 =	por @!p0 !p5, !p3  }
0x5b: {  	p4 =	por p4, p0;
	s10 =	simm.s32 @p2 $0x1;
	p2 =	por p2, p0  }
0x5c: {  	p5 =	por !p5, p0;
	p4 =	seq.s32 @!p4 s3, $0x0;
	[smem:$0x7FB] =	sst s10  }
0x5d: {  	p2 =	seq.s32 @!p2 s3, $0x2;
	s8 =	smov.u32 @p5 s9;
	s9 =	rddreg [dreg:$0x0]  }
0x5e: {  	p5 =	seq.s32 s12, $0x1;
	s10 =	sadd.s32 s20, s19;
	s3 =	sand.u32 $0x800, s22  }
0x5f: {  	s12 =	sand.u32 $0x380, s23;
	p2 =	por @!p6 !p2, !p1;
	p6 =	por @!p6 !p4, p1  }
0x60: {  	p1 =	por !p5, p0;
	s24 =	sadd.s32 s3, s21;
	s14 =	sor.u32 s3, s12  }
0x61: {  	s5 =	sadd.s32 s5, s10;
	s10 =	simm.s32 $0x400;
	s8 =	smov.u32 @p1 s4  }
0x62: {  	s3 =	sadd.s32 s12, s24;
	s12 =	rddreg [dreg:$0x3];
	_ =	strace $0x80000047  }
0x63: {  	s25 =	sxor.u32 $0x80, s14;
	p1 =	por @!p0 !p2, p3;
	s28 =	sld [smem:$0x7FB]  }
0x64: {  	v0 =	vlaneseq.u32;
	p2 =	por @!p0 !p6, p3;
	s5 =	sadd.s32 $0x600, s5;
	s30 =	sld [smem:$0x7FC]  }
0x65: {  	v2 =	vimm.s32 $0x0;
	v4 =	vimm.s32 $0x1;
	v21 =	vimm.s32 $0x40000000;
	s14 =	simm.s32 $0x11380;
	p1 =	por !p1, p0;
	s31 =	sld [smem:$0x7FD]  }
0x66: {  	v22 =	vimm.s32 $0x7FFFFFFF;
	vm0 =	vcmask $0x300;
	v1 =	vmul.u32 $0x10, v0;
	s15 =	smov.u32 @p1 s12;
	p1 =	por !p2, p0;
	p6 =	seq.s32 s28, $0x1  }
0x67: {  	vm1 =	vcmask $0x704;
	v3 =	vmul.u32 $0x100, v0;
	v20 =	vor.u32 $0x80000000, v0;
	s4 =	sadd.s32 s25, s21;
	s9 =	smov.u32 @p1 s11;
	p1 =	por !p6, p0  }
.Ltmp0:
0x68: {  	v5 =	vor.u32 $0x1, v1;
	v6 =	vor.u32 $0x2, v1;
	v7 =	vor.u32 $0x3, v1;
	s9 =	smov.u32 @p1 s15;
	p1 =	seq.s32 s30, $0x1;
	(pc) =	sbr.rel .LBB3_1-.Ltmp0, $4  }
0x69: {  	v8 =	vor.u32 $0x4, v1;
	v9 =	vor.u32 $0x5, v1;
	v10 =	vor.u32 $0x6, v1;
	s12 =	simm.s32 $0x11180;
	s7 =	smov.u32 @p1 s6;
	p1 =	seq.s32 s31, $0x1  }
0x6a: {  	v11 =	vor.u32 $0x7, v1;
	v12 =	vor.u32 $0x8, v1;
	v13 =	vor.u32 $0x9, v1;
	s11 =	simm.s32 $0x11080;
	s6 =	smax.u32 s13, $0x1;
	s8 =	smov.u32 @p1 s9  }
0x6b: {  	v14 =	vor.u32 $0xA, v1;
	v15 =	vor.u32 $0xB, v1;
	v16 =	vor.u32 $0xC, v1;
	s13 =	simm.s32 $0x10080;
	s9 =	simm.s32 $0x80;
	s8 =	smov.u32 @p0 s7  }
0x6c: {  	v17 =	vor.u32 $0xD, v1;
	v18 =	vor.u32 $0xE, v1;
	v19 =	vor.u32 $0xF, v1;
	p0 =	sne.s32 s26, $0x0;
	s7 =	sadd.s32 s8, s29;
	s8 =	simm.s32 $0x1  }
.LBB3_44:
0x6d: {  	vm2 =	vlt.s32 v24, v25  }
0x6e: {  	vm3 =	vgt.s32 v25, v23;
	v63 =	vsel vm2, v24, v25  }
0x6f: {  	v24 =	vsel vm3, v63, v24  }
0x70: {  	[tilespmem:$0x11380] =	vst v24  }
.LBB3_45:
0x71: {  	[spmem:s3] =	stream.linear.scatter [tilespmem:s14], [sflag:$0x1], $0x10, $0x38;
	[tilespmem:$0x11480] =	vst v63  }
0x72: {  	_ =	swait.ge [sflag:s8], $0x10  }
0x73: {  	[sflag:s8] =	ssyncset.done $0x0  }
0x74: {  	[sflag:s8] =	ssyncadd.s32 $0xFFFFFFF0  }
0x75: {  	[bflag:$0x0] =	sbarrier.arrive $0xFFFF  }
0x76: {  	[tilespmem:s12], [sflag:$0x1] =	stream.linear.gather [spmem:s4], $0x10, $0x38;
	[tilespmem:$0x11480] =	vst v63  }
0x77: {  	_ =	swait.ge [sflag:s8], $0x10  }
0x78: {  	[sflag:s8] =	ssyncset.done $0x0  }
0x79: {  	[sflag:s8] =	ssyncadd.s32 $0xFFFFFFF0  }
0x7a: {  	v24 =	vld [tilespmem:$0x11380]  }
0x7b: {  	v25 =	vld [tilespmem:$0x11180];
	_ =	sdelay $0x4  }
0x7c: {  	vm2 =	vlt.s32 v24, v25  }
0x7d: {  	v24 =	vsel vm2, v24, v25  }
0x7e: {  	v24 =	vxor.u32 $0x80000000, v24  }
0x7f: {  	(xrf0) =	vmin.scan.msk.u32 $0xffff, v24;
	_ =	sdelay $0x5  }
0x80: {  	v24, _, _ =	vpop (xrf0)  }
0x81: {  	(v2sf) =	vpush v24, $0xF;
	_ =	sdelay $0xb  }
0x82: {  	s15 =	ssub.s32 s18, s16  }
0x83: {  	s15 =	sadd.s32 s19, s15  }
0x84: {  	s15 =	sadd.s32 s20, s15  }
0x85: {  	s15 =	sadd.s32 $0x8000, s15;
	s31 =	spop (v2sf)  }
0x86: {  	p1 =	sgt.s32 s15, $0x8000;
	s16 =	sxor.u32 $0x80000000, s31  }
0x87: {  	v23 =	vnsel vm0, $0x0, v23;
	s16 =	smov.u32 @p1 s17  }
0x88: {  	s1 =	sadd.s32 $0x1, s1;
	v23 =	vsel vm1, s16, v23  }
0x89: {  	s15 =	simm.s32 @!p0 $0x0;
	p1 =	sne.s32 s1, s6;
	s16 =	simm.s32 @!p0 $0x11400;
	[tilespmem:$0x11400] =	vst v23  }
0x8a: {  	[hbm4b:s5+s15] =	stream.linear.scatter @!p0 [tilespmem:s16], [sflag:$0x1], $0x80, $0x38;
	[tilespmem:$0x11480] =	vst v63  }
.Ltmp1:
0x8b: {  	_ = 	snop;
	(pc) =	sbr.rel @!p1 .LBB3_46-.Ltmp1, $4  }
0x8c: {  	s15 =	simm.s32 @!p0 $0x1  }
0x8d: {  	_ =	swait.ge @!p0 [sflag:s15], $0x80  }
0x8e: {  	[sflag:s15] =	ssyncset.done @!p0 $0x0  }
0x8f: {  	[sflag:s15] =	ssyncadd.s32 @!p0 $0xFFFFFF80  }
.LBB3_1:
0x90: {  	s15 =	simm.s32 $0x0  }
0x91: {  	[tilespmem:s15], [sflag:$0x1] =	stream.linear.gather [hbm4b:s7+s15], $0x8000, $0x38;
	[tilespmem:$0x11480] =	vst v63  }
0x92: {  	_ =	swait.ge [sflag:s8], $0x8000  }
0x93: {  	[sflag:s8] =	ssyncset.done $0x0  }
0x94: {  	[sflag:s8] =	ssyncadd.s32 $0xFFFF8000  }
.LBB3_2:
0x95: {  	p1 =	sne.s32 s15, $0x3FC0  }
.Ltmp2:
0x96: {  	_ = 	snop;
	(pc) =	sbr.rel @p1 .LBB3_2-.Ltmp2, $3  }
0x97: {  	_ =	sdelay $0x1  }
0x98: {  	s16 =	sshra.s32 s15, $0x2  }
0x99: {  	s15 =	sadd.s32 $0x40, s15;
	[tilespmem:s16+$0x10080] =	vst v2  }
0x9a: {  	s15 =	simm.s32 $0x40  }
0x9b: {  	v23 =	vld [tilespmem:s15+$0x30]  }
0x9c: {  	v24 =	vld [tilespmem:s15+$0xFFFFFFD0]  }
0x9d: {  	v25 =	vld [tilespmem:s15+$0xFFFFFFE0]  }
0x9e: {  	v27 =	vld [tilespmem:s15+$0x0]  }
0x9f: {  	v28 =	vld [tilespmem:s15+$0x10]  }
0xa0: {  	v29 =	vld [tilespmem:s15+$0x20]  }
0xa1: {  	v30 =	vld [tilespmem:s15+$0xFFFFFFC0];
	v23 =	vmul.f32 $2.560000000e+02, v23;
	v24 =	vmul.f32 $2.560000000e+02, v24  }
0xa2: {  	v26 =	vld [tilespmem:s15+$0xFFFFFFF0];
	v25 =	vmul.f32 $2.560000000e+02, v25  }
0xa3: {  	v23 =	vtrunc.f32 v23;
	v31 =	vtrunc.f32 v24  }
0xa4: {  	v24 =	vmul.f32 $2.560000000e+02, v27;
	v23 =	vcvt.f32.s32 v23  }
0xa5: {  	v27 =	vtrunc.f32 v25;
	v25 =	vmul.f32 $2.560000000e+02, v28  }
0xa6: {  	v28 =	vmul.f32 $2.560000000e+02, v29;
	v29 =	vmul.f32 $2.560000000e+02, v30;
	v32 =	vadd.s32 v3, v23  }
0xa7: {  	v26 =	vmul.f32 $2.560000000e+02, v26  }
0xa8: {  	v27 =	vcvt.f32.s32 v27;
	v29 =	vtrunc.f32 v29  }
0xa9: {  	v23 =	vtrunc.f32 v26;
	v26 =	vtrunc.f32 v24  }
0xaa: {  	s16 =	simm.s32 $0x10080;
	v24 =	vtrunc.f32 v28;
	v28 =	vcvt.f32.s32 v31  }
0xab: {  	s17 =	simm.s32 $0x0;
	s18 =	simm.s32 $0xC0;
	v25 =	vtrunc.f32 v25;
	v29 =	vcvt.f32.s32 v29;
	[tilespmem:v32+s16+$0x0] =	vst.idx.add.s32.msk $0xffff, v4  }
.LBB3_4:
0xac: {  	v30 =	vld [tilespmem:s18+$0x30];
	s17 =	sadd.s32 $0x80, s17;
	v28 =	vadd.s32 v3, v28;
	v23 =	vcvt.f32.s32 v23;
	v26 =	vcvt.f32.s32 v26  }
0xad: {  	v25 =	vcvt.f32.s32 v25;
	v24 =	vcvt.f32.s32 v24;
	v31 =	vld [tilespmem:s18+$0xFFFFFFD0];
	p1 =	slt.u32 s17, $0x7F80;
	v29 =	vadd.s32 v3, v29  }
0xae: {  	v27 =	vadd.s32 v3, v27;
	v32 =	vld [tilespmem:s18+$0xFFFFFFE0];
	v33 =	vadd.s32 v3, v23;
	v34 =	vadd.s32 v3, v26  }
0xaf: {  	v35 =	vadd.s32 v3, v25;
	v36 =	vadd.s32 v3, v24;
	v23 =	vld [tilespmem:s18+$0xFFFFFFF0]  }
0xb0: {  	v24 =	vld [tilespmem:s18+$0x0]  }
0xb1: {  	v25 =	vld [tilespmem:s18+$0x10];
	v26 =	vmul.f32 $2.560000000e+02, v30  }
0xb2: {  	v30 =	vmul.f32 $2.560000000e+02, v31;
	v31 =	vld [tilespmem:s18+$0x20]  }
0xb3: {  	v37 =	vld [tilespmem:s18+$0xFFFFFFC0];
	v32 =	vmul.f32 $2.560000000e+02, v32;
	v26 =	vtrunc.f32 v26  }
0xb4: {  	v23 =	vmul.f32 $2.560000000e+02, v23;
	v26 =	vcvt.f32.s32 v26;
	[tilespmem:v29+s16+$0x0] =	vst.idx.add.s32.msk $0xffff, v4  }
0xb5: {  	v29 =	vtrunc.f32 v30;
	v24 =	vmul.f32 $2.560000000e+02, v24;
	[tilespmem:v28+s16+$0x0] =	vst.idx.add.s32.msk $0xffff, v4  }
0xb6: {  	v30 =	vtrunc.f32 v32;
	v25 =	vmul.f32 $2.560000000e+02, v25;
	v32 =	vadd.s32 v3, v26;
	[tilespmem:v27+s16+$0x0] =	vst.idx.add.s32.msk $0xffff, v4  }
.Ltmp3:
0xb7: {  	v23 =	vtrunc.f32 v23;
	v27 =	vmul.f32 $2.560000000e+02, v31;
	[tilespmem:v33+s16+$0x0] =	vst.idx.add.s32.msk $0xffff, v4;
	(pc) =	sbr.rel @p1 .LBB3_4-.Ltmp3, $4  }
0xb8: {  	v26 =	vtrunc.f32 v24;
	v28 =	vmul.f32 $2.560000000e+02, v37;
	[tilespmem:v34+s16+$0x0] =	vst.idx.add.s32.msk $0xffff, v4  }
0xb9: {  	v25 =	vtrunc.f32 v25;
	v24 =	vtrunc.f32 v27;
	[tilespmem:v35+s16+$0x0] =	vst.idx.add.s32.msk $0xffff, v4  }
0xba: {  	v27 =	vtrunc.f32 v28;
	v28 =	vcvt.f32.s32 v29;
	[tilespmem:v36+s16+$0x0] =	vst.idx.add.s32.msk $0xffff, v4  }
0xbb: {  	s19 =	simm.s32 $0x0;
	s15 =	simm.s32 $0x11080;
	s18 =	sadd.s32 $0x80, s18;
	v29 =	vcvt.f32.s32 v27;
	v27 =	vcvt.f32.s32 v30;
	[tilespmem:v32+s16+$0x0] =	vst.idx.add.s32.msk $0xffff, v4  }
0xbc: {  	v28 =	vadd.s32 v3, v28  }
0xbd: {  	v23 =	vcvt.f32.s32 v23;
	v29 =	vadd.s32 v3, v29  }
0xbe: {  	v26 =	vcvt.f32.s32 v26;
	v27 =	vadd.s32 v3, v27  }
0xbf: {  	v25 =	vcvt.f32.s32 v25;
	v23 =	vadd.s32 v3, v23  }
0xc0: {  	v24 =	vcvt.f32.s32 v24;
	v26 =	vadd.s32 v3, v26  }
0xc1: {  	v25 =	vadd.s32 v3, v25;
	[tilespmem:v28+s16+$0x0] =	vst.idx.add.s32.msk $0xffff, v4  }
0xc2: {  	v24 =	vadd.s32 v3, v24;
	[tilespmem:v29+s16+$0x0] =	vst.idx.add.s32.msk $0xffff, v4  }
0xc3: {  	[tilespmem:v27+s16+$0x0] =	vst.idx.add.s32.msk $0xffff, v4  }
0xc4: {  	[tilespmem:v23+s16+$0x0] =	vst.idx.add.s32.msk $0xffff, v4  }
0xc5: {  	[tilespmem:v26+s16+$0x0] =	vst.idx.add.s32.msk $0xffff, v4  }
0xc6: {  	[tilespmem:v25+s16+$0x0] =	vst.idx.add.s32.msk $0xffff, v4  }
0xc7: {  	s17 =	sand.u32 $0xF0, s19;
	[tilespmem:v24+s16+$0x0] =	vst.idx.add.s32.msk $0xffff, v4  }
0xc8: {  	v23 =	vld [tilespmem:s17+$0x10180]  }
0xc9: {  	v24 =	vld [tilespmem:s16+$0x0]  }
0xca: {  	v25 =	vld [tilespmem:s17+$0x10280]  }
0xcb: {  	v26 =	vld [tilespmem:s17+$0x10380]  }
0xcc: {  	v27 =	vld [tilespmem:s17+$0x10480]  }
0xcd: {  	v28 =	vld [tilespmem:s17+$0x10580]  }
0xce: {  	v54 =	vld [tilespmem:s17+$0x10680];
	v23 =	vadd.s32 v24, v23  }
0xcf: {  	v55 =	vld [tilespmem:s17+$0x10780];
	v23 =	vadd.s32 v25, v23  }
0xd0: {  	v56 =	vld [tilespmem:s17+$0x10880];
	v23 =	vadd.s32 v26, v23  }
0xd1: {  	v57 =	vld [tilespmem:s17+$0x10980];
	v23 =	vadd.s32 v27, v23  }
0xd2: {  	v58 =	vld [tilespmem:s17+$0x10A80];
	v23 =	vadd.s32 v28, v23  }
0xd3: {  	v59 =	vld [tilespmem:s17+$0x10B80];
	v23 =	vadd.s32 v54, v23  }
0xd4: {  	v60 =	vld [tilespmem:s17+$0x10C80];
	v23 =	vadd.s32 v55, v23  }
0xd5: {  	v61 =	vld [tilespmem:s17+$0x10D80];
	v23 =	vadd.s32 v56, v23  }
0xd6: {  	v62 =	vld [tilespmem:s17+$0x10E80];
	v23 =	vadd.s32 v57, v23  }
0xd7: {  	v63 =	vld [tilespmem:s17+$0x10F80];
	v23 =	vadd.s32 v58, v23  }
0xd8: {  	v23 =	vadd.s32 v59, v23  }
0xd9: {  	v23 =	vadd.s32 v60, v23  }
0xda: {  	v23 =	vadd.s32 v61, v23  }
0xdb: {  	v23 =	vadd.s32 v62, v23  }
0xdc: {  	s31 =	simm.s32 $0x10;
	v23 =	vadd.s32 v63, v23  }
0xdd: {  	s16 =	sand.u32 $0xF0, s31;
	[tilespmem:s15+$0x0] =	vst v23  }
0xde: {  	s18 =	simm.s32 $0x20;
	s17 =	simm.s32 $0x10090;
	v23 =	vld [tilespmem:s16+$0x10180]  }
.LBB3_6:
0xdf: {  	p1 =	sne.s32 s18, $0xF0;
	v24 =	vld [tilespmem:s17+$0x0]  }
0xe0: {  	v25 =	vld [tilespmem:s16+$0x10280]  }
0xe1: {  	v26 =	vld [tilespmem:s16+$0x10380]  }
0xe2: {  	v27 =	vld [tilespmem:s16+$0x10480]  }
0xe3: {  	v28 =	vld [tilespmem:s16+$0x10580]  }
0xe4: {  	v23 =	vadd.s32 v24, v23;
	v24 =	vld [tilespmem:s16+$0x10680]  }
0xe5: {  	v23 =	vadd.s32 v25, v23;
	v25 =	vld [tilespmem:s16+$0x10780]  }
0xe6: {  	v23 =	vadd.s32 v26, v23;
	v26 =	vld [tilespmem:s16+$0x10880]  }
0xe7: {  	v23 =	vadd.s32 v27, v23;
	v27 =	vld [tilespmem:s16+$0x10980]  }
0xe8: {  	v23 =	vadd.s32 v28, v23;
	v28 =	vld [tilespmem:s16+$0x10A80]  }
0xe9: {  	v23 =	vadd.s32 v24, v23;
	v24 =	vld [tilespmem:s16+$0x10B80]  }
0xea: {  	v23 =	vadd.s32 v25, v23;
	v25 =	vld [tilespmem:s16+$0x10C80]  }
0xeb: {  	v23 =	vadd.s32 v26, v23;
	v26 =	vld [tilespmem:s16+$0x10D80]  }
0xec: {  	v23 =	vadd.s32 v27, v23;
	v27 =	vld [tilespmem:s16+$0x10E80]  }
0xed: {  	v23 =	vadd.s32 v28, v23;
	v28 =	vld [tilespmem:s16+$0x10F80]  }
0xee: {  	v23 =	vadd.s32 v24, v23  }
0xef: {  	v23 =	vadd.s32 v25, v23  }
.Ltmp4:
0xf0: {  	v23 =	vadd.s32 v26, v23;
	(pc) =	sbr.rel @p1 .LBB3_6-.Ltmp4, $4  }
0xf1: {  	v23 =	vadd.s32 v27, v23  }
0xf2: {  	s15 =	sadd.s32 $0x10, s15;
	v23 =	vadd.s32 v28, v23  }
0xf3: {  	s16 =	sand.u32 $0xF0, s18;
	[tilespmem:s15+$0x0] =	vst v23  }
0xf4: {  	s17 =	sadd.s32 $0x10, s17;
	s18 =	sadd.s32 $0x10, s18;
	v23 =	vld [tilespmem:s16+$0x10180]  }
0xf5: {  	v24 =	vld [tilespmem:s17+$0x0]  }
0xf6: {  	v25 =	vld [tilespmem:s16+$0x10280]  }
0xf7: {  	v26 =	vld [tilespmem:s16+$0x10380]  }
0xf8: {  	v27 =	vld [tilespmem:s16+$0x10480]  }
0xf9: {  	v28 =	vld [tilespmem:s16+$0x10580]  }
0xfa: {  	v23 =	vadd.s32 v24, v23;
	v24 =	vld [tilespmem:s16+$0x10680]  }
0xfb: {  	v23 =	vadd.s32 v25, v23;
	v25 =	vld [tilespmem:s16+$0x10780]  }
0xfc: {  	v23 =	vadd.s32 v26, v23;
	v26 =	vld [tilespmem:s16+$0x10880]  }
0xfd: {  	v23 =	vadd.s32 v27, v23;
	v27 =	vld [tilespmem:s16+$0x10980]  }
0xfe: {  	v23 =	vadd.s32 v28, v23;
	v28 =	vld [tilespmem:s16+$0x10A80]  }
0xff: {  	v23 =	vadd.s32 v24, v23;
	v24 =	vld [tilespmem:s16+$0x10B80]  }
0x100: {  	v23 =	vadd.s32 v25, v23;
	v25 =	vld [tilespmem:s16+$0x10C80]  }
0x101: {  	v23 =	vadd.s32 v26, v23;
	v26 =	vld [tilespmem:s16+$0x10D80]  }
0x102: {  	v23 =	vadd.s32 v27, v23;
	v27 =	vld [tilespmem:s16+$0x10E80]  }
0x103: {  	v23 =	vadd.s32 v28, v23;
	v28 =	vld [tilespmem:s16+$0x10F80]  }
0x104: {  	v23 =	vadd.s32 v24, v23  }
0x105: {  	v23 =	vadd.s32 v25, v23  }
0x106: {  	v23 =	vadd.s32 v26, v23  }
0x107: {  	v23 =	vadd.s32 v27, v23  }
0x108: {  	s15 =	sadd.s32 $0x10, s15;
	v23 =	vadd.s32 v28, v23  }
0x109: {  	[tilespmem:s15+$0x0] =	vst v23  }
0x10a: {  	[spmem:s3] =	stream.strided.scatter [tilespmem:s11], [sflag:$0x1], $0x100, s10, s9, $0x38;
	[tilespmem:$0x11480] =	vst v63  }
0x10b: {  	_ =	swait.ge [sflag:s8], $0x100  }
0x10c: {  	[sflag:s8] =	ssyncset.done $0x0  }
0x10d: {  	[sflag:s8] =	ssyncadd.s32 $0xFFFFFF00  }
0x10e: {  	[bflag:$0x0] =	sbarrier.arrive $0xFFFF  }
0x10f: {  	[tilespmem:s12], [sflag:$0x1] =	stream.strided.gather [spmem:s4], $0x100, s10, s9, $0x38;
	[tilespmem:$0x11480] =	vst v63  }
0x110: {  	_ =	swait.ge [sflag:s8], $0x100  }
0x111: {  	[sflag:s8] =	ssyncset.done $0x0  }
0x112: {  	[sflag:s8] =	ssyncadd.s32 $0xFFFFFF00  }
0x113: {  	v23 =	vld [tilespmem:$0x11080]  }
0x114: {  	v24 =	vld [tilespmem:$0x11180]  }
0x115: {  	v25 =	vld [tilespmem:$0x11090]  }
0x116: {  	v26 =	vld [tilespmem:$0x11190]  }
0x117: {  	v27 =	vld [tilespmem:$0x110A0]  }
0x118: {  	v28 =	vld [tilespmem:$0x111A0]  }
0x119: {  	v29 =	vld [tilespmem:$0x110B0]  }
0x11a: {  	v30 =	vld [tilespmem:$0x111B0]  }
0x11b: {  	v31 =	vld [tilespmem:$0x110C0]  }
0x11c: {  	v32 =	vld [tilespmem:$0x111C0]  }
0x11d: {  	v33 =	vld [tilespmem:$0x110D0]  }
0x11e: {  	v34 =	vld [tilespmem:$0x111D0]  }
0x11f: {  	v35 =	vld [tilespmem:$0x110E0]  }
0x120: {  	v36 =	vld [tilespmem:$0x111E0]  }
0x121: {  	v37 =	vld [tilespmem:$0x110F0]  }
0x122: {  	v38 =	vld [tilespmem:$0x111F0]  }
0x123: {  	v39 =	vld [tilespmem:$0x11100]  }
0x124: {  	v40 =	vld [tilespmem:$0x11200]  }
0x125: {  	v41 =	vld [tilespmem:$0x11110]  }
0x126: {  	v42 =	vld [tilespmem:$0x11210]  }
0x127: {  	v43 =	vld [tilespmem:$0x11120]  }
0x128: {  	v44 =	vld [tilespmem:$0x11170];
	v23 =	vadd.s32 v23, v24  }
0x129: {  	v24 =	vld [tilespmem:$0x11220];
	[tilespmem:$0x11080] =	vst v23;
	v23 =	vadd.s32 v25, v26  }
0x12a: {  	v25 =	vld [tilespmem:$0x11130];
	[tilespmem:$0x11090] =	vst v23;
	v23 =	vadd.s32 v27, v28  }
0x12b: {  	v26 =	vld [tilespmem:$0x11230];
	[tilespmem:$0x110A0] =	vst v23;
	v23 =	vadd.s32 v29, v30  }
0x12c: {  	v27 =	vld [tilespmem:$0x11140];
	[tilespmem:$0x110B0] =	vst v23;
	v23 =	vadd.s32 v31, v32  }
0x12d: {  	v28 =	vld [tilespmem:$0x11240];
	[tilespmem:$0x110C0] =	vst v23;
	v23 =	vadd.s32 v33, v34  }
0x12e: {  	v29 =	vld [tilespmem:$0x11150];
	[tilespmem:$0x110D0] =	vst v23;
	v23 =	vadd.s32 v35, v36  }
0x12f: {  	v30 =	vld [tilespmem:$0x11250];
	[tilespmem:$0x110E0] =	vst v23;
	v23 =	vadd.s32 v37, v38  }
0x130: {  	v31 =	vld [tilespmem:$0x11160];
	[tilespmem:$0x110F0] =	vst v23;
	v23 =	vadd.s32 v39, v40  }
0x131: {  	v40 =	vld [tilespmem:$0x11260];
	[tilespmem:$0x11100] =	vst v23;
	v23 =	vadd.s32 v41, v42  }
0x132: {  	[tilespmem:$0x11110] =	vst v23;
	v23 =	vadd.s32 v43, v24;
	v24 =	vld [tilespmem:$0x11270]  }
0x133: {  	[tilespmem:$0x11120] =	vst v23;
	v23 =	vadd.s32 v25, v26  }
0x134: {  	[tilespmem:$0x11130] =	vst v23;
	v23 =	vadd.s32 v27, v28  }
0x135: {  	[tilespmem:$0x11140] =	vst v23;
	v23 =	vadd.s32 v29, v30  }
0x136: {  	[tilespmem:$0x11150] =	vst v23;
	v23 =	vadd.s32 v31, v40  }
0x137: {  	[tilespmem:$0x11160] =	vst v23;
	v23 =	vadd.s32 v44, v24  }
0x138: {  	[tilespmem:$0x11170] =	vst v23  }
0x139: {  	[bflag:$0x0] =	sbarrier.arrive $0xFFFF  }
0x13a: {  	v23 =	vld.idx.msk [tilespmem:v1+s11+$0x0], $0xffff  }
0x13b: {  	v24 =	vld.idx.msk [tilespmem:v5+s11+$0x0], $0xffff  }
0x13c: {  	v25 =	vld.idx.msk [tilespmem:v6+s11+$0x0], $0xffff  }
0x13d: {  	v26 =	vld.idx.msk [tilespmem:v7+s11+$0x0], $0xffff  }
0x13e: {  	v27 =	vld.idx.msk [tilespmem:v8+s11+$0x0], $0xffff  }
0x13f: {  	v28 =	vld.idx.msk [tilespmem:v9+s11+$0x0], $0xffff  }
0x140: {  	v23 =	vadd.s32 v23, v24;
	v24 =	vld.idx.msk [tilespmem:v10+s11+$0x0], $0xffff  }
0x141: {  	v23 =	vadd.s32 v25, v23;
	v25 =	vld.idx.msk [tilespmem:v11+s11+$0x0], $0xffff  }
0x142: {  	v23 =	vadd.s32 v26, v23;
	v26 =	vld.idx.msk [tilespmem:v12+s11+$0x0], $0xffff  }
0x143: {  	v23 =	vadd.s32 v27, v23;
	v27 =	vld.idx.msk [tilespmem:v13+s11+$0x0], $0xffff  }
0x144: {  	v23 =	vadd.s32 v28, v23;
	v28 =	vld.idx.msk [tilespmem:v14+s11+$0x0], $0xffff  }
0x145: {  	v23 =	vadd.s32 v24, v23;
	v24 =	vld.idx.msk [tilespmem:v15+s11+$0x0], $0xffff  }
0x146: {  	v23 =	vadd.s32 v25, v23;
	v25 =	vld.idx.msk [tilespmem:v16+s11+$0x0], $0xffff  }
0x147: {  	v23 =	vadd.s32 v26, v23;
	v26 =	vld.idx.msk [tilespmem:v17+s11+$0x0], $0xffff  }
0x148: {  	v23 =	vadd.s32 v27, v23;
	v27 =	vld.idx.msk [tilespmem:v18+s11+$0x0], $0xffff  }
0x149: {  	v23 =	vadd.s32 v28, v23;
	v28 =	vld.idx.msk [tilespmem:v19+s11+$0x0], $0xffff  }
0x14a: {  	v23 =	vadd.s32 v24, v23  }
0x14b: {  	v23 =	vadd.s32 v25, v23  }
0x14c: {  	v23 =	vadd.s32 v26, v23  }
0x14d: {  	v23 =	vadd.s32 v27, v23  }
0x14e: {  	v23 =	vadd.s32 v28, v23  }
0x14f: {  	(xrf0) =	vadd.scan.msk.s32 $0xffff, v23;
	_ =	sdelay $0x5  }
0x150: {  	v26, _, _ =	vpop (xrf0)  }
0x151: {  	vm2 =	vgt.s32 v26, $0x7FFF  }
0x152: {  	v24 =	vnsel vm2, $0x80000010, v20  }
0x153: {  	(xrf0) =	vmin.scan.msk.u32 $0xffff, v24;
	_ =	sdelay $0x5  }
0x154: {  	v24, _, _ =	vpop (xrf0)  }
0x155: {  	(v2sf) =	vpush v24, $0xF;
	_ =	sdelay $0xe  }
0x156: {  	s20 =	spop (v2sf)  }
0x157: {  	s21 =	sshll.u32 s20, $0x4  }
0x158: {  	v24 =	vor.u32 s21, v0;
	_ =	sdelay $0x3  }
0x159: {  	s15 =	sxor.u32 $0x80000000, s20  }
0x15a: {  	v25 =	vmov s15;
	v24 =	vld.idx.msk [tilespmem:v24+s11+$0x0], $0xffff  }
0x15b: {  	vm2 =	vgt.s32 v25, v0  }
0x15c: {  	v25 =	vnsel vm2, $0x0, v23  }
0x15d: {  	(xrf0) =	vadd.scan.msk.s32 $0xffff, v25;
	_ =	sdelay $0x1  }
0x15e: {  	(xrf0) =	vadd.scan.msk.s32 $0xffff, v24;
	_ =	sdelay $0x3  }
0x15f: {  	v25, _, _ =	vpop (xrf0)  }
0x160: {  	v27 =	vbroadcast v25, $0xF  }
0x161: {  	v28, _, _ =	vpop (xrf0)  }
0x162: {  	v27 =	vadd.s32 v28, v27  }
0x163: {  	vm2 =	vgt.s32 v27, $0x7FFF  }
0x164: {  	v27 =	vnsel vm2, $0x80000010, v20;
	vm2 =	vgt.s32 v26, $0x8000  }
0x165: {  	(xrf0) =	vmin.scan.msk.u32 $0xffff, v27;
	v26 =	vnsel vm2, $0x80000010, v20  }
0x166: {  	(xrf0) =	vmin.scan.msk.u32 $0xffff, v26;
	_ =	sdelay $0x4  }
0x167: {  	v26, _, _ =	vpop (xrf0)  }
0x168: {  	(v2sf) =	vpush v26, $0xF;
	v26, _, _ =	vpop (xrf0)  }
0x169: {  	(v2sf) =	vpush v26, $0xF;
	_ =	sdelay $0xd  }
0x16a: {  	s22 =	spop (v2sf)  }
0x16b: {  	s23 =	spop (v2sf)  }
0x16c: {  	s18 =	sshll.u32 s23, $0x4  }
0x16d: {  	v26 =	vor.u32 s18, v0;
	_ =	sdelay $0x3  }
0x16e: {  	s17 =	sxor.u32 $0x80000000, s23  }
0x16f: {  	v27 =	vmov s17;
	v26 =	vld.idx.msk [tilespmem:v26+s11+$0x0], $0xffff  }
0x170: {  	vm2 =	vgt.s32 v27, v0  }
0x171: {  	v23 =	vnsel vm2, $0x0, v23  }
0x172: {  	(xrf0) =	vadd.scan.msk.s32 $0xffff, v23;
	_ =	sdelay $0x1  }
0x173: {  	(xrf0) =	vadd.scan.msk.s32 $0xffff, v26;
	_ =	sdelay $0x3  }
0x174: {  	v23, _, _ =	vpop (xrf0)  }
0x175: {  	v23 =	vbroadcast v23, $0xF  }
0x176: {  	v26, _, _ =	vpop (xrf0)  }
0x177: {  	v23 =	vadd.s32 v26, v23  }
0x178: {  	vm2 =	vgt.s32 v23, $0x8000  }
0x179: {  	v23 =	vnsel vm2, $0x80000010, v20  }
0x17a: {  	(xrf0) =	vmin.scan.msk.u32 $0xffff, v23;
	_ =	sdelay $0x5  }
0x17b: {  	v23, _, _ =	vpop (xrf0)  }
0x17c: {  	(v2sf) =	vpush v23, $0xF  }
0x17d: {  	s24 =	simm.s32 $0x40  }
0x17e: {  	v29 =	vld [tilespmem:s24+$0x0]  }
0x17f: {  	v40 =	vld [tilespmem:s24+$0xFFFFFFE0]  }
0x180: {  	v44 =	vld [tilespmem:s24+$0xFFFFFFC0]  }
0x181: {  	v42 =	vld [tilespmem:s24+$0xFFFFFFD0]  }
0x182: {  	v30 =	vld [tilespmem:s24+$0xFFFFFFF0];
	_ =	sdelay $0x2  }
0x183: {  	v46 =	vmul.f32 $2.560000000e+02, v29;
	v48 =	vmul.f32 $2.560000000e+02, v44  }
0x184: {  	v47 =	vmul.f32 $2.560000000e+02, v40;
	v50 =	vmul.f32 $2.560000000e+02, v42;
	v28 =	vld [tilespmem:s24+$0x10]  }
0x185: {  	v49 =	vmul.f32 $2.560000000e+02, v30;
	v35 =	vtrunc.f32 v48;
	v27 =	vld [tilespmem:s24+$0x20]  }
0x186: {  	v52 =	vtrunc.f32 v50;
	v32 =	vtrunc.f32 v46;
	v26 =	vld [tilespmem:s24+$0x30]  }
0x187: {  	v34 =	vtrunc.f32 v47;
	v37 =	vtrunc.f32 v49  }
0x188: {  	v35 =	vcvt.f32.s32 v35;
	v39 =	vcvt.f32.s32 v52  }
0x189: {  	v34 =	vcvt.f32.s32 v34;
	v37 =	vcvt.f32.s32 v37;
	s25 =	spop (v2sf)  }
0x18a: {  	v32 =	vcvt.f32.s32 v32;
	s15 =	sxor.u32 $0x80000000, s22;
	v23 =	vmul.f32 $2.560000000e+02, v27;
	s17 =	sadd.s32 s25, s18  }
0x18b: {  	v31 =	vmul.f32 $2.560000000e+02, v28;
	s16 =	sadd.s32 s21, s15;
	v45 =	vmul.f32 $2.560000000e+02, v26;
	s17 =	sadd.s32 $0x80000000, s17  }
0x18c: {  	v51 =	vtrunc.f32 v23;
	v23 =	vmov s16;
	v36 =	vmov s17  }
0x18d: {  	v31 =	vtrunc.f32 v31;
	vm2 =	veq.s32 v23, v35;
	vm3 =	veq.s32 v36, v35  }
0x18e: {  	v31 =	vcvt.f32.s32 v31;
	v45 =	vtrunc.f32 v45;
	vm7 =	vmor vm2, vm3  }
0x18f: {  	vm2 =	veq.s32 v23, v39;
	vm3 =	veq.s32 v36, v39;
	v53 =	vmpcnt.ones.xlane vm7  }
0x190: {  	v48 =	vcvt.f32.s32 v45;
	vm4 =	veq.s32 v36, v34;
	vm3 =	vmor vm2, vm3  }
0x191: {  	vm2 =	veq.s32 v23, v34;
	v54 =	vmpcnt.ones.xlane vm3;
	v35 =	vxor.u32 $0x80000000, v53  }
0x192: {  	vm6 =	vmor vm2, vm4;
	vm2 =	veq.s32 v23, v37;
	vm4 =	veq.s32 v36, v37;
	(xrf0) =	vmax.scan.msk.u32 $0xffff, v35  }
0x193: {  	v55 =	vmpcnt.ones.xlane vm6;
	vm4 =	vmor vm2, vm4;
	v34 =	vxor.u32 $0x80000000, v54  }
0x194: {  	s26 =	simm.s32 $0xC0;
	v58 =	vcvt.f32.s32 v51;
	vm5 =	veq.s32 v36, v32;
	v57 =	vmpcnt.ones.xlane vm4;
	(xrf0) =	vmax.scan.msk.u32 $0xffff, v34  }
0x195: {  	v33 =	vld [tilespmem:s26+$0x0];
	vm8 =	veq.s32 v36, v31;
	vm2 =	veq.s32 v23, v32;
	v56 =	vxor.u32 $0x80000000, v55  }
0x196: {  	vm2 =	vmor vm2, vm5;
	vm5 =	veq.s32 v23, v31;
	(xrf0) =	vmax.scan.msk.u32 $0xffff, v56;
	v60 =	vxor.u32 $0x80000000, v57  }
0x197: {  	vm10 =	veq.s32 v23, v48;
	v59 =	vmpcnt.ones.xlane vm2;
	vm5 =	vmor vm5, vm8;
	(xrf0) =	vmax.scan.msk.u32 $0xffff, v60  }
0x198: {  	vm9 =	veq.s32 v36, v58;
	v37 =	vld [tilespmem:s26+$0xFFFFFFD0];
	vm8 =	veq.s32 v23, v58;
	v61 =	vmpcnt.ones.xlane vm5;
	v46, _, _ =	vpop (xrf0)  }
0x199: {  	v32 =	vld [tilespmem:s26+$0x20];
	vm8 =	vmor vm8, vm9;
	v62 =	vxor.u32 $0x80000000, v59;
	(v2sf) =	vpush v46, $0xF  }
0x19a: {  	vm12 =	veq.s32 v36, v48;
	v48 =	vmul.f32 $2.560000000e+02, v33;
	v31 =	vld [tilespmem:s26+$0x30];
	v63 =	vmpcnt.ones.xlane vm8;
	(xrf0) =	vmax.scan.msk.u32 $0xffff, v62;
	v49, _, _ =	vpop (xrf0)  }
0x19b: {  	v34 =	vld [tilespmem:s26+$0x10];
	v47 =	vxor.u32 $0x80000000, v61;
	(v2sf) =	vpush v49, $0xF  }
0x19c: {  	vm10 =	vmor vm10, vm12;
	v48 =	vtrunc.f32 v48;
	v35 =	vld [tilespmem:s26+$0xFFFFFFE0];
	v39 =	vxor.u32 $0x80000000, v63;
	(xrf0) =	vmax.scan.msk.u32 $0xffff, v47;
	v50, _, _ =	vpop (xrf0)  }
0x19d: {  	vm11 =	vmmov vm3;
	(xrf0) =	vmax.scan.msk.u32 $0xffff, v39;
	v39 =	vld [tilespmem:s26+$0xFFFFFFC0];
	v46 =	vmpcnt.ones.xlane vm10;
	v51, _, _ =	vpop (xrf0);
	(v2sf) =	vpush v50, $0xF  }
0x19e: {  	v38 =	vld [tilespmem:s26+$0xFFFFFFF0];
	vm9 =	vmmov vm6;
	v57 =	vmul.f32 $2.560000000e+02, v37;
	(v2sf) =	vpush v51, $0xF  }
0x19f: {  	v52 =	vmul.f32 $2.560000000e+02, v32;
	v45 =	vmul.f32 $2.560000000e+02, v31;
	v46 =	vxor.u32 $0x80000000, v46  }
0x1a0: {  	vm6 =	vmmov vm2;
	v43 =	vtrunc.f32 v57;
	v47 =	vmul.f32 $2.560000000e+02, v34;
	v53, _, _ =	vpop (xrf0);
	(xrf0) =	vmax.scan.msk.u32 $0xffff, v46  }
0x1a1: {  	vm2 =	vmmov vm10;
	v41 =	vtrunc.f32 v52;
	v45 =	vtrunc.f32 v45  }
0x1a2: {  	v49 =	vmul.f32 $2.560000000e+02, v35;
	(v2sf) =	vpush v53, $0xF;
	v56 =	vmul.f32 $2.560000000e+02, v39  }
0x1a3: {  	vm3 =	vmmov vm8;
	v47 =	vtrunc.f32 v47;
	v50 =	vmul.f32 $2.560000000e+02, v38;
	v54, _, _ =	vpop (xrf0)  }
0x1a4: {  	v51 =	vcvt.f32.s32 v43;
	(v2sf) =	vpush v54, $0xF;
	v46 =	vtrunc.f32 v56  }
0x1a5: {  	vm8 =	vmmov vm4;
	v59 =	vtrunc.f32 v49;
	v55, _, _ =	vpop (xrf0);
	v46 =	vcvt.f32.s32 v46  }
0x1a6: {  	v43 =	vcvt.f32.s32 v45;
	v50 =	vtrunc.f32 v50;
	(v2sf) =	vpush v55, $0xF;
	v58, _, _ =	vpop (xrf0)  }
0x1a7: {  	vm10 =	veq.s32 v23, v46;
	vm12 =	veq.s32 v36, v46;
	(v2sf) =	vpush v58, $0xF  }
0x1a8: {  	vm4 =	vmor vm10, vm12;
	vm10 =	veq.s32 v23, v51;
	vm12 =	veq.s32 v36, v51;
	s28 =	spop (v2sf)  }
0x1a9: {  	s29 =	simm.s32 $0x0;
	v46 =	vcvt.f32.s32 v59;
	v60 =	vmpcnt.ones.xlane vm4;
	vm10 =	vmor vm10, vm12;
	s16 =	sadd.s32 $0x0, s28  }
0x1aa: {  	[tilespmem:s29+$0x8000] =	vst.msk vm7, v44;
	vm5 =	vmmov vm5;
	v61 =	vcvt.f32.s32 v50;
	v63 =	vmpcnt.ones.xlane vm10;
	s30 =	spop (v2sf);
	s16 =	sadd.s32 $0x80000000, s16  }
0x1ab: {  	vm7 =	veq.s32 v23, v46;
	vm12 =	veq.s32 v36, v46;
	v62 =	vxor.u32 $0x80000000, v60;
	[tilespmem:s16+$0x8000] =	vst.msk vm11, v42;
	s16 =	sadd.s32 s30, s16  }
0x1ac: {  	vm12 =	vmor vm7, vm12;
	(xrf0) =	vmax.scan.msk.u32 $0xffff, v62;
	v45 =	vxor.u32 $0x80000000, v63;
	s31 =	spop (v2sf);
	v42 =	vcvt.f32.s32 v48;
	s17 =	sadd.s32 $0x80000000, s16  }
0x1ad: {  	vm7 =	veq.s32 v23, v61;
	v44 =	vmpcnt.ones.xlane vm12;
	(xrf0) =	vmax.scan.msk.u32 $0xffff, v45;
	vm11 =	veq.s32 v36, v61;
	s19 =	spop (v2sf);
	s18 =	sadd.s32 s31, s17  }
0x1ae: {  	s16 =	simm.s32 $0x80;
	vm7 =	vmor vm7, vm11;
	[tilespmem:s17+$0x8000] =	vst.msk vm9, v40;
	vm13 =	veq.s32 v23, v42;
	v40 =	vcvt.f32.s32 v47;
	s17 =	simm.s32 $0x140;
	s18 =	sadd.s32 $0x80000000, s18  }
.LBB3_8:
0x1af: {  	v44 =	vxor.u32 $0x80000000, v44;
	v46 =	vmpcnt.ones.xlane vm7  }
0x1b0: {  	v45 =	vld [tilespmem:s17+$0x30];
	vm14 =	veq.s32 v36, v42;
	[tilespmem:s18+$0x8000] =	vst.msk vm8, v30;
	s18 =	sadd.s32 s19, s18;
	v30 =	vmovc v38;
	vm11 =	vmmov vm10;
	vm9 =	vmmov vm12  }
0x1b1: {  	v38 =	vcvt.f32.s32 v41;
	v42 =	vld [tilespmem:s17+$0x20];
	vm8 =	vmor vm13, vm14;
	vm10 =	veq.s32 v23, v40;
	(xrf0) =	vmax.scan.msk.u32 $0xffff, v44;
	s18 =	sadd.s32 $0x80000000, s18;
	s19 =	spop (v2sf)  }
0x1b2: {  	vm12 =	veq.s32 v36, v40;
	v41 =	vld [tilespmem:s17+$0x10];
	v44 =	vxor.u32 $0x80000000, v46;
	v46 =	vmpcnt.ones.xlane vm8;
	[tilespmem:s18+$0x8000] =	vst.msk vm6, v29;
	s18 =	sadd.s32 s19, s18;
	v29 =	vmovc v33  }
0x1b3: {  	vm10 =	vmor vm10, vm12;
	vm6 =	veq.s32 v23, v38;
	vm12 =	veq.s32 v36, v38;
	v33 =	vld [tilespmem:s17+$0x0];
	v40, _, _ =	vpop (xrf0);
	(xrf0) =	vmax.scan.msk.u32 $0xffff, v44;
	s18 =	sadd.s32 $0x80000000, s18;
	s19 =	spop (v2sf)  }
0x1b4: {  	v38 =	vld [tilespmem:s17+$0xFFFFFFF0];
	v44 =	vxor.u32 $0x80000000, v46;
	v46 =	vmpcnt.ones.xlane vm10;
	(v2sf) =	vpush v40, $0xF;
	[tilespmem:s18+$0x8000] =	vst.msk vm5, v28;
	s18 =	sadd.s32 s19, s18;
	v28 =	vmovc v34  }
0x1b5: {  	vm12 =	vmor vm6, vm12;
	vm6 =	veq.s32 v36, v43;
	vm5 =	veq.s32 v23, v43;
	v40 =	vld [tilespmem:s17+$0xFFFFFFE0];
	v34, _, _ =	vpop (xrf0);
	(xrf0) =	vmax.scan.msk.u32 $0xffff, v44;
	s18 =	sadd.s32 $0x80000000, s18;
	s19 =	spop (v2sf)  }
0x1b6: {  	v44 =	vld [tilespmem:s17+$0xFFFFFFD0];
	v43 =	vxor.u32 $0x80000000, v46;
	v46 =	vmpcnt.ones.xlane vm12;
	(v2sf) =	vpush v34, $0xF;
	[tilespmem:s18+$0x8000] =	vst.msk vm3, v27;
	s18 =	sadd.s32 s19, s18;
	v27 =	vmovc v32;
	v32 =	vmovc v42  }
0x1b7: {  	v47 =	vmul.f32 $2.560000000e+02, v45;
	vm13 =	vmor vm5, vm6;
	v42 =	vld [tilespmem:s17+$0xFFFFFFC0];
	v48, _, _ =	vpop (xrf0);
	(xrf0) =	vmax.scan.msk.u32 $0xffff, v43;
	s18 =	sadd.s32 $0x80000000, s18;
	s19 =	spop (v2sf);
	v34 =	vmov v41  }
0x1b8: {  	s16 =	sadd.s32 $0x80, s16;
	v43 =	vmpcnt.ones.xlane vm13;
	v41 =	vxor.u32 $0x80000000, v46;
	(v2sf) =	vpush v48, $0xF;
	[tilespmem:s18+$0x8000] =	vst.msk vm2, v26;
	s18 =	sadd.s32 s19, s18;
	v26 =	vmovc v31;
	v31 =	vmovc v45  }
0x1b9: {  	p1 =	slt.u32 s16, $0x7F80;
	vm6 =	vmmov vm8;
	v45 =	vmul.f32 $2.560000000e+02, v34;
	v46 =	vmul.f32 $2.560000000e+02, v32;
	v48, _, _ =	vpop (xrf0);
	(xrf0) =	vmax.scan.msk.u32 $0xffff, v41;
	s18 =	sadd.s32 $0x80000000, s18  }
0x1ba: {  	v49 =	vmul.f32 $2.560000000e+02, v33;
	v52 =	vxor.u32 $0x80000000, v43;
	[tilespmem:s18+$0x8000] =	vst.msk vm4, v39;
	(v2sf) =	vpush v48, $0xF  }
0x1bb: {  	vm5 =	vmmov vm10;
	v43 =	vmul.f32 $2.560000000e+02, v40;
	v48 =	vmul.f32 $2.560000000e+02, v38;
	v41, _, _ =	vpop (xrf0);
	(xrf0) =	vmax.scan.msk.u32 $0xffff, v52  }
0x1bc: {  	v51 =	vmul.f32 $2.560000000e+02, v44;
	v50 =	vmul.f32 $2.560000000e+02, v42;
	(v2sf) =	vpush v41, $0xF;
	v39 =	vmovc v42  }
0x1bd: {  	vm3 =	vmmov vm12;
	v41 =	vtrunc.f32 v46;
	v42 =	vtrunc.f32 v47;
	v46, _, _ =	vpop (xrf0)  }
0x1be: {  	v45 =	vtrunc.f32 v45;
	v47 =	vtrunc.f32 v49;
	(v2sf) =	vpush v46, $0xF  }
0x1bf: {  	vm2 =	vmmov vm13;
	v48 =	vtrunc.f32 v48;
	v46 =	vtrunc.f32 v50;
	v49, _, _ =	vpop (xrf0)  }
0x1c0: {  	v51 =	vtrunc.f32 v51;
	v46 =	vcvt.f32.s32 v46;
	(v2sf) =	vpush v49, $0xF  }
0x1c1: {  	vm8 =	vmmov vm7;
	v43 =	vtrunc.f32 v43;
	v49 =	vcvt.f32.s32 v51;
	v50, _, _ =	vpop (xrf0)  }
0x1c2: {  	vm4 =	veq.s32 v23, v46;
	vm7 =	veq.s32 v36, v46;
	(v2sf) =	vpush v50, $0xF  }
0x1c3: {  	v46 =	vcvt.f32.s32 v43;
	v43 =	vcvt.f32.s32 v42;
	vm4 =	vmor vm4, vm7;
	s19 =	spop (v2sf)  }
0x1c4: {  	vm7 =	veq.s32 v23, v49;
	vm10 =	veq.s32 v36, v49;
	v42 =	vmpcnt.ones.xlane vm4;
	s18 =	sadd.s32 s19, s18  }
.Ltmp5:
0x1c5: {  	v48 =	vcvt.f32.s32 v48;
	vm10 =	vmor vm7, vm10;
	vm7 =	veq.s32 v23, v46;
	s18 =	sadd.s32 $0x80000000, s18;
	s19 =	spop (v2sf);
	(pc) =	sbr.rel @p1 .LBB3_8-.Ltmp5, $4  }
0x1c6: {  	vm12 =	veq.s32 v36, v46;
	v50 =	vmpcnt.ones.xlane vm10;
	v49 =	vxor.u32 $0x80000000, v42;
	[tilespmem:s18+$0x8000] =	vst.msk vm11, v37;
	s18 =	sadd.s32 s19, s18;
	v37 =	vmovc v44  }
0x1c7: {  	vm12 =	vmor vm7, vm12;
	vm7 =	veq.s32 v23, v48;
	v42 =	vcvt.f32.s32 v47;
	(xrf0) =	vmax.scan.msk.u32 $0xffff, v49;
	s18 =	sadd.s32 $0x80000000, s18;
	s19 =	spop (v2sf)  }
0x1c8: {  	v46 =	vxor.u32 $0x80000000, v50;
	v44 =	vmpcnt.ones.xlane vm12;
	vm11 =	veq.s32 v36, v48;
	[tilespmem:s18+$0x8000] =	vst.msk vm9, v35;
	s18 =	sadd.s32 s19, s18;
	v35 =	vmovc v40  }
0x1c9: {  	s17 =	sadd.s32 $0x80, s17;
	vm7 =	vmor vm7, vm11;
	vm13 =	veq.s32 v23, v42;
	v40 =	vcvt.f32.s32 v45;
	(xrf0) =	vmax.scan.msk.u32 $0xffff, v46;
	s18 =	sadd.s32 $0x80000000, s18;
	s19 =	spop (v2sf)  }
0x1ca: {  	v44 =	vxor.u32 $0x80000000, v44;
	v45 =	vmpcnt.ones.xlane vm7;
	vm9 =	veq.s32 v36, v42  }
0x1cb: {  	v41 =	vcvt.f32.s32 v41;
	vm9 =	vmor vm13, vm9;
	vm11 =	veq.s32 v23, v40;
	(xrf0) =	vmax.scan.msk.u32 $0xffff, v44  }
0x1cc: {  	vm13 =	veq.s32 v36, v40;
	v48 =	vxor.u32 $0x80000000, v45;
	v49 =	vmpcnt.ones.xlane vm9  }
0x1cd: {  	vm11 =	vmor vm11, vm13;
	vm13 =	veq.s32 v23, v41;
	vm14 =	veq.s32 v36, v41;
	v50, _, _ =	vpop (xrf0);
	(xrf0) =	vmax.scan.msk.u32 $0xffff, v48  }
0x1ce: {  	v52 =	vmpcnt.ones.xlane vm11;
	v51 =	vxor.u32 $0x80000000, v49;
	(v2sf) =	vpush v50, $0xF  }
0x1cf: {  	vm15 =	veq.s32 v36, v43;
	vm13 =	vmor vm13, vm14;
	vm14 =	veq.s32 v23, v43;
	v53, _, _ =	vpop (xrf0);
	(xrf0) =	vmax.scan.msk.u32 $0xffff, v51  }
0x1d0: {  	v54 =	vmpcnt.ones.xlane vm13;
	v40 =	vxor.u32 $0x80000000, v52;
	(v2sf) =	vpush v53, $0xF  }
0x1d1: {  	vm14 =	vmor vm14, vm15;
	v55, _, _ =	vpop (xrf0);
	(xrf0) =	vmax.scan.msk.u32 $0xffff, v40  }
0x1d2: {  	v57 =	vmpcnt.ones.xlane vm14;
	v56 =	vxor.u32 $0x80000000, v54;
	(v2sf) =	vpush v55, $0xF  }
0x1d3: {  	v58, _, _ =	vpop (xrf0);
	(xrf0) =	vmax.scan.msk.u32 $0xffff, v56  }
0x1d4: {  	s16 =	sadd.s32 s19, s18;
	v59 =	vxor.u32 $0x80000000, v57;
	(v2sf) =	vpush v58, $0xF  }
0x1d5: {  	s16 =	sadd.s32 $0x80000000, s16;
	s17 =	spop (v2sf);
	v60, _, _ =	vpop (xrf0);
	(xrf0) =	vmax.scan.msk.u32 $0xffff, v59  }
0x1d6: {  	s17 =	sadd.s32 s17, s16;
	(v2sf) =	vpush v60, $0xF  }
0x1d7: {  	s17 =	sadd.s32 $0x80000000, s17;
	s26 =	spop (v2sf);
	v61, _, _ =	vpop (xrf0)  }
0x1d8: {  	s19 =	sadd.s32 s26, s17;
	(v2sf) =	vpush v61, $0xF  }
0x1d9: {  	s19 =	sadd.s32 $0x80000000, s19;
	s20 =	spop (v2sf);
	v62, _, _ =	vpop (xrf0)  }
0x1da: {  	s20 =	sadd.s32 s20, s19;
	(v2sf) =	vpush v62, $0xF  }
0x1db: {  	s20 =	sadd.s32 $0x80000000, s20;
	s21 =	spop (v2sf);
	v63, _, _ =	vpop (xrf0)  }
0x1dc: {  	s21 =	sadd.s32 s21, s20;
	(v2sf) =	vpush v63, $0xF  }
0x1dd: {  	s21 =	sadd.s32 $0x80000000, s21;
	s22 =	spop (v2sf)  }
0x1de: {  	s22 =	sadd.s32 s22, s21  }
0x1df: {  	s22 =	sadd.s32 $0x80000000, s22;
	s23 =	spop (v2sf)  }
0x1e0: {  	s23 =	sadd.s32 s23, s22  }
0x1e1: {  	[tilespmem:s18+$0x8000] =	vst.msk vm8, v30;
	s28 =	sadd.s32 $0x80000000, s23;
	s29 =	spop (v2sf)  }
0x1e2: {  	[tilespmem:s16+$0x8000] =	vst.msk vm6, v29;
	s30 =	sadd.s32 s29, s28  }
0x1e3: {  	[tilespmem:s17+$0x8000] =	vst.msk vm5, v28;
	s16 =	sadd.s32 $0x80000000, s30;
	s31 =	spop (v2sf)  }
0x1e4: {  	[tilespmem:s19+$0x8000] =	vst.msk vm3, v27;
	s17 =	sadd.s32 s31, s16  }
0x1e5: {  	[tilespmem:s20+$0x8000] =	vst.msk vm2, v26;
	s17 =	sadd.s32 $0x80000000, s17;
	s23 =	spop (v2sf)  }
0x1e6: {  	vm2 =	vmmov vm10;
	[tilespmem:s21+$0x8000] =	vst.msk vm4, v39;
	s19 =	sadd.s32 s23, s17  }
0x1e7: {  	vm3 =	vmmov vm12;
	[tilespmem:s22+$0x8000] =	vst.msk vm2, v37;
	s19 =	sadd.s32 $0x80000000, s19;
	s24 =	spop (v2sf)  }
0x1e8: {  	vm2 =	vmmov vm7;
	[tilespmem:s28+$0x8000] =	vst.msk vm3, v35;
	s25 =	sadd.s32 s24, s19  }
0x1e9: {  	vm3 =	vmmov vm9;
	[tilespmem:s16+$0x8000] =	vst.msk vm2, v38;
	s26 =	sadd.s32 $0x80000000, s25;
	s28 =	spop (v2sf)  }
0x1ea: {  	vm2 =	vmmov vm11;
	[tilespmem:s17+$0x8000] =	vst.msk vm3, v33;
	s29 =	sadd.s32 s28, s26  }
0x1eb: {  	vm3 =	vmmov vm13;
	[tilespmem:s19+$0x8000] =	vst.msk vm2, v34;
	s17 =	sadd.s32 $0x80000000, s29;
	s30 =	spop (v2sf)  }
0x1ec: {  	vm2 =	vmmov vm14;
	[tilespmem:s26+$0x8000] =	vst.msk vm3, v32;
	s31 =	sadd.s32 s30, s17  }
0x1ed: {  	[tilespmem:s17+$0x8000] =	vst.msk vm2, v31;
	s16 =	sadd.s32 $0x80000000, s31  }
0x1ee: {  	s18 =	simm.s32 $0x0;
	s17 =	simm.s32 $0x40;
	[tilespmem:s16+$0x8000] =	vst v21  }
.LBB3_10:
0x1ef: {  	p1 =	seq.s32 s17, $0x3FC0;
	[tilespmem:s18+$0x10080] =	vst v2;
	s18 =	smov.u32 s17;
	s17 =	sadd.s32 $0x40, s17  }
.Ltmp6:
0x1f0: {  	(pc) =	sbr.rel @!p1 .LBB3_10-.Ltmp6, $2  }
0x1f1: {  	_ =	sdelay $0x2  }
0x1f2: {  	s18 =	sshra.s32 s18, $0x2  }
0x1f3: {  	v26 =	vmov s15  }
0x1f4: {  	vm2 =	vgt.s32 v26, v0  }
0x1f5: {  	v24 =	vnsel vm2, $0x0, v24  }
0x1f6: {  	(xrf0) =	vadd.scan.msk.s32 $0xffff, v24;
	_ =	sdelay $0x5  }
0x1f7: {  	(v2sf) =	vpush v25, $0xF;
	v24, _, _ =	vpop (xrf0)  }
0x1f8: {  	(v2sf) =	vpush v24, $0xF;
	_ =	sdelay $0x7  }
0x1f9: {  	s31 =	sadd.s32 $0xF, s16  }
0x1fa: {  	s15 =	sshra.s32 s31, $0x4  }
0x1fb: {  	p1 =	sgt.s32 s15, $0x0  }
.Ltmp7:
0x1fc: {  	_ = 	snop;
	(pc) =	sbr.rel @!p1 .LBB3_15-.Ltmp7, $3  }
0x1fd: {  	_ =	sdelay $0x1  }
0x1fe: {  	s16 =	spop (v2sf)  }
0x1ff: {  	[tilespmem:s18+$0x10080] =	vst v2;
	s17 =	simm.s32 $0x8000;
	s18 =	spop (v2sf)  }
0x200: {  	p1 =	sne.s32 s15, $0x1  }
.Ltmp8:
0x201: {  	_ = 	snop;
	(pc) =	sbr.rel @!p1 .LBB3_14-.Ltmp8, $2  }
0x202: {  	_ =	sdelay $0x2  }
0x203: {  	v24 =	vld [tilespmem:s17+$0x0];
	s19 =	sadd.s32 $0xFFFFFFFF, s15  }
.LBB3_13:
0x204: {  	p1 =	sne.s32 s19, $0x1;
	_ =	sdelay $0x3  }
0x205: {  	v25 =	vmul.f32 $2.560000000e+02, v24;
	_ =	sdelay $0x1  }
0x206: {  	v25 =	vtrunc.f32 v25  }
0x207: {  	v25 =	vcvt.f32.s32 v25  }
0x208: {  	v24 =	vshrl.u32 v24, $0x16  }
0x209: {  	v24 =	vand.u32 $0xFF, v24;
	vm2 =	veq.s32 v23, v25  }
0x20a: {  	v24 =	vor.u32 v3, v24;
	_ =	sdelay $0x1  }
.Ltmp9:
0x20b: {  	(pc) =	sbr.rel @p1 .LBB3_13-.Ltmp9, $3  }
0x20c: {  	_ =	sdelay $0x1  }
0x20d: {  	s17 =	sadd.s32 $0x10, s17;
	[tilespmem:v24+s13+$0x0] =	vst.idx.add.s32.msk vm2, v4  }
0x20e: {  	s19 =	sadd.s32 $0xFFFFFFFF, s19;
	v24 =	vld [tilespmem:s17+$0x0]  }
.LBB3_14:
0x20f: {  	_ =	sdelay $0x3  }
0x210: {  	v25 =	vmul.f32 $2.560000000e+02, v24;
	_ =	sdelay $0x1  }
0x211: {  	v25 =	vtrunc.f32 v25  }
0x212: {  	v25 =	vcvt.f32.s32 v25  }
0x213: {  	v63 =	vshrl.u32 v24, $0x16  }
0x214: {  	v24 =	vand.u32 $0xFF, v63;
	vm2 =	veq.s32 v23, v25  }
0x215: {  	v24 =	vor.u32 v3, v24;
	_ =	sdelay $0x4  }
0x216: {  	[tilespmem:v24+s13+$0x0] =	vst.idx.add.s32.msk vm2, v4  }
.LBB3_15:
0x217: {  	s17 =	simm.s32 $0x0;
	s19 =	simm.s32 $0x10080  }
0x218: {  	s17 =	sand.u32 $0xF0, s17;
	v25 =	vld [tilespmem:s19+$0x0]  }
0x219: {  	v24 =	vld [tilespmem:s17+$0x10180]  }
0x21a: {  	v26 =	vld [tilespmem:s17+$0x10280]  }
0x21b: {  	v27 =	vld [tilespmem:s17+$0x10380]  }
0x21c: {  	v28 =	vld [tilespmem:s17+$0x10480]  }
0x21d: {  	v29 =	vld [tilespmem:s17+$0x10580]  }
0x21e: {  	v24 =	vadd.s32 v25, v24;
	v25 =	vld [tilespmem:s17+$0x10680]  }
0x21f: {  	v24 =	vadd.s32 v26, v24;
	v26 =	vld [tilespmem:s17+$0x10780]  }
0x220: {  	v24 =	vadd.s32 v27, v24;
	v27 =	vld [tilespmem:s17+$0x10880]  }
0x221: {  	v60 =	vld [tilespmem:s17+$0x10980];
	v24 =	vadd.s32 v28, v24  }
0x222: {  	v61 =	vld [tilespmem:s17+$0x10A80];
	v24 =	vadd.s32 v29, v24  }
0x223: {  	v24 =	vadd.s32 v25, v24;
	v25 =	vld [tilespmem:s17+$0x10B80]  }
0x224: {  	v24 =	vadd.s32 v26, v24;
	v26 =	vld [tilespmem:s17+$0x10C80]  }
0x225: {  	v24 =	vadd.s32 v27, v24;
	v27 =	vld [tilespmem:s17+$0x10D80]  }
0x226: {  	v62 =	vld [tilespmem:s17+$0x10E80];
	v24 =	vadd.s32 v60, v24  }
0x227: {  	v63 =	vld [tilespmem:s17+$0x10F80];
	v24 =	vadd.s32 v61, v24  }
0x228: {  	v24 =	vadd.s32 v25, v24  }
0x229: {  	v24 =	vadd.s32 v26, v24  }
0x22a: {  	v24 =	vadd.s32 v27, v24  }
0x22b: {  	v24 =	vadd.s32 v62, v24  }
0x22c: {  	s31 =	simm.s32 $0x10;
	s17 =	simm.s32 $0x11080;
	v24 =	vadd.s32 v63, v24  }
0x22d: {  	s16 =	sadd.s32 s18, s16;
	s18 =	sand.u32 $0xF0, s31;
	[tilespmem:s17+$0x0] =	vst v24  }
0x22e: {  	s20 =	simm.s32 $0x20;
	s16 =	ssub.s32 $0x8000, s16;
	s19 =	simm.s32 $0x10090;
	v24 =	vld [tilespmem:s18+$0x10180]  }
.LBB3_16:
0x22f: {  	p1 =	sne.s32 s20, $0xF0;
	v25 =	vld [tilespmem:s19+$0x0]  }
0x230: {  	v26 =	vld [tilespmem:s18+$0x10280]  }
0x231: {  	v27 =	vld [tilespmem:s18+$0x10380]  }
0x232: {  	v28 =	vld [tilespmem:s18+$0x10480]  }
0x233: {  	v29 =	vld [tilespmem:s18+$0x10580]  }
0x234: {  	v24 =	vadd.s32 v25, v24;
	v25 =	vld [tilespmem:s18+$0x10680]  }
0x235: {  	v24 =	vadd.s32 v26, v24;
	v26 =	vld [tilespmem:s18+$0x10780]  }
0x236: {  	v24 =	vadd.s32 v27, v24;
	v27 =	vld [tilespmem:s18+$0x10880]  }
0x237: {  	v24 =	vadd.s32 v28, v24;
	v28 =	vld [tilespmem:s18+$0x10980]  }
0x238: {  	v24 =	vadd.s32 v29, v24;
	v29 =	vld [tilespmem:s18+$0x10A80]  }
0x239: {  	v24 =	vadd.s32 v25, v24;
	v25 =	vld [tilespmem:s18+$0x10B80]  }
0x23a: {  	v24 =	vadd.s32 v26, v24;
	v26 =	vld [tilespmem:s18+$0x10C80]  }
0x23b: {  	v24 =	vadd.s32 v27, v24;
	v27 =	vld [tilespmem:s18+$0x10D80]  }
0x23c: {  	v24 =	vadd.s32 v28, v24;
	v28 =	vld [tilespmem:s18+$0x10E80]  }
0x23d: {  	v24 =	vadd.s32 v29, v24;
	v29 =	vld [tilespmem:s18+$0x10F80]  }
0x23e: {  	v24 =	vadd.s32 v25, v24  }
0x23f: {  	v24 =	vadd.s32 v26, v24  }
.Ltmp10:
0x240: {  	v24 =	vadd.s32 v27, v24;
	(pc) =	sbr.rel @p1 .LBB3_16-.Ltmp10, $4  }
0x241: {  	v24 =	vadd.s32 v28, v24  }
0x242: {  	s17 =	sadd.s32 $0x10, s17;
	v24 =	vadd.s32 v29, v24  }
0x243: {  	s18 =	sand.u32 $0xF0, s20;
	[tilespmem:s17+$0x0] =	vst v24  }
0x244: {  	s19 =	sadd.s32 $0x10, s19;
	s20 =	sadd.s32 $0x10, s20;
	v24 =	vld [tilespmem:s18+$0x10180]  }
0x245: {  	v25 =	vld [tilespmem:s19+$0x0]  }
0x246: {  	v26 =	vld [tilespmem:s18+$0x10280]  }
0x247: {  	v27 =	vld [tilespmem:s18+$0x10380]  }
0x248: {  	v28 =	vld [tilespmem:s18+$0x10480]  }
0x249: {  	v29 =	vld [tilespmem:s18+$0x10580]  }
0x24a: {  	v24 =	vadd.s32 v25, v24;
	v25 =	vld [tilespmem:s18+$0x10680]  }
0x24b: {  	v24 =	vadd.s32 v26, v24;
	v26 =	vld [tilespmem:s18+$0x10780]  }
0x24c: {  	v24 =	vadd.s32 v27, v24;
	v27 =	vld [tilespmem:s18+$0x10880]  }
0x24d: {  	v45 =	vld [tilespmem:s18+$0x10980];
	v24 =	vadd.s32 v28, v24  }
0x24e: {  	v46 =	vld [tilespmem:s18+$0x10A80];
	v24 =	vadd.s32 v29, v24  }
0x24f: {  	v24 =	vadd.s32 v25, v24;
	v25 =	vld [tilespmem:s18+$0x10B80]  }
0x250: {  	v24 =	vadd.s32 v26, v24;
	v26 =	vld [tilespmem:s18+$0x10C80]  }
0x251: {  	v24 =	vadd.s32 v27, v24;
	v27 =	vld [tilespmem:s18+$0x10D80]  }
0x252: {  	v47 =	vld [tilespmem:s18+$0x10E80];
	v24 =	vadd.s32 v45, v24  }
0x253: {  	v48 =	vld [tilespmem:s18+$0x10F80];
	v24 =	vadd.s32 v46, v24  }
0x254: {  	v24 =	vadd.s32 v25, v24  }
0x255: {  	v24 =	vadd.s32 v26, v24  }
0x256: {  	v24 =	vadd.s32 v27, v24  }
0x257: {  	v24 =	vadd.s32 v47, v24  }
0x258: {  	s17 =	sadd.s32 $0x10, s17;
	v24 =	vadd.s32 v48, v24  }
0x259: {  	[tilespmem:s17+$0x0] =	vst v24  }
0x25a: {  	[spmem:s3] =	stream.strided.scatter [tilespmem:s11], [sflag:$0x1], $0x100, s10, s9, $0x38;
	[tilespmem:$0x11480] =	vst v63  }
0x25b: {  	_ =	swait.ge [sflag:s8], $0x100  }
0x25c: {  	[sflag:s8] =	ssyncset.done $0x0  }
0x25d: {  	[sflag:s8] =	ssyncadd.s32 $0xFFFFFF00  }
0x25e: {  	[bflag:$0x0] =	sbarrier.arrive $0xFFFF  }
0x25f: {  	[tilespmem:s12], [sflag:$0x1] =	stream.strided.gather [spmem:s4], $0x100, s10, s9, $0x38;
	[tilespmem:$0x11480] =	vst v63  }
0x260: {  	_ =	swait.ge [sflag:s8], $0x100  }
0x261: {  	[sflag:s8] =	ssyncset.done $0x0  }
0x262: {  	[sflag:s8] =	ssyncadd.s32 $0xFFFFFF00  }
0x263: {  	v24 =	vld [tilespmem:$0x11080]  }
0x264: {  	v25 =	vld [tilespmem:$0x11180]  }
0x265: {  	v26 =	vld [tilespmem:$0x11090]  }
0x266: {  	v27 =	vld [tilespmem:$0x11190]  }
0x267: {  	v49 =	vld [tilespmem:$0x110A0]  }
0x268: {  	v50 =	vld [tilespmem:$0x111A0]  }
0x269: {  	v30 =	vld [tilespmem:$0x110B0]  }
0x26a: {  	v31 =	vld [tilespmem:$0x111B0]  }
0x26b: {  	v32 =	vld [tilespmem:$0x110C0]  }
0x26c: {  	v33 =	vld [tilespmem:$0x111C0]  }
0x26d: {  	v34 =	vld [tilespmem:$0x110D0]  }
0x26e: {  	v35 =	vld [tilespmem:$0x111D0]  }
0x26f: {  	v36 =	vld [tilespmem:$0x110E0]  }
0x270: {  	v37 =	vld [tilespmem:$0x111E0]  }
0x271: {  	v38 =	vld [tilespmem:$0x110F0]  }
0x272: {  	v39 =	vld [tilespmem:$0x111F0]  }
0x273: {  	v40 =	vld [tilespmem:$0x11100]  }
0x274: {  	v41 =	vld [tilespmem:$0x11200]  }
0x275: {  	v42 =	vld [tilespmem:$0x11110]  }
0x276: {  	v43 =	vld [tilespmem:$0x11210]  }
0x277: {  	v44 =	vld [tilespmem:$0x11120]  }
0x278: {  	v51 =	vld [tilespmem:$0x11140];
	v24 =	vadd.s32 v24, v25  }
0x279: {  	v52 =	vld [tilespmem:$0x11240];
	[tilespmem:$0x11080] =	vst v24;
	v24 =	vadd.s32 v26, v27  }
0x27a: {  	v53 =	vld [tilespmem:$0x11150];
	[tilespmem:$0x11090] =	vst v24;
	v24 =	vadd.s32 v49, v50  }
0x27b: {  	v54 =	vld [tilespmem:$0x11250];
	[tilespmem:$0x110A0] =	vst v24;
	v24 =	vadd.s32 v30, v31  }
0x27c: {  	v25 =	vld [tilespmem:$0x11220];
	[tilespmem:$0x110B0] =	vst v24;
	v24 =	vadd.s32 v32, v33  }
0x27d: {  	v26 =	vld [tilespmem:$0x11130];
	[tilespmem:$0x110C0] =	vst v24;
	v24 =	vadd.s32 v34, v35  }
0x27e: {  	v27 =	vld [tilespmem:$0x11230];
	[tilespmem:$0x110D0] =	vst v24;
	v24 =	vadd.s32 v36, v37  }
0x27f: {  	v55 =	vld [tilespmem:$0x11160];
	[tilespmem:$0x110E0] =	vst v24;
	v24 =	vadd.s32 v38, v39  }
0x280: {  	v56 =	vld [tilespmem:$0x11260];
	[tilespmem:$0x110F0] =	vst v24;
	v24 =	vadd.s32 v40, v41  }
0x281: {  	v57 =	vld [tilespmem:$0x11170];
	[tilespmem:$0x11100] =	vst v24;
	v24 =	vadd.s32 v42, v43  }
0x282: {  	[tilespmem:$0x11110] =	vst v24;
	v24 =	vadd.s32 v44, v25;
	v25 =	vld [tilespmem:$0x11270]  }
0x283: {  	[tilespmem:$0x11120] =	vst v24;
	v24 =	vadd.s32 v26, v27  }
0x284: {  	[tilespmem:$0x11130] =	vst v24;
	v24 =	vadd.s32 v51, v52  }
0x285: {  	[tilespmem:$0x11140] =	vst v24;
	v24 =	vadd.s32 v53, v54  }
0x286: {  	[tilespmem:$0x11150] =	vst v24;
	v24 =	vadd.s32 v55, v56  }
0x287: {  	[tilespmem:$0x11160] =	vst v24;
	v24 =	vadd.s32 v57, v25  }
0x288: {  	[tilespmem:$0x11170] =	vst v24  }
0x289: {  	[bflag:$0x0] =	sbarrier.arrive $0xFFFF  }
0x28a: {  	v24 =	vld.idx.msk [tilespmem:v1+s11+$0x0], $0xffff  }
0x28b: {  	v25 =	vld.idx.msk [tilespmem:v5+s11+$0x0], $0xffff  }
0x28c: {  	v26 =	vld.idx.msk [tilespmem:v6+s11+$0x0], $0xffff  }
0x28d: {  	v27 =	vld.idx.msk [tilespmem:v7+s11+$0x0], $0xffff  }
0x28e: {  	v58 =	vld.idx.msk [tilespmem:v8+s11+$0x0], $0xffff  }
0x28f: {  	v59 =	vld.idx.msk [tilespmem:v9+s11+$0x0], $0xffff  }
0x290: {  	v24 =	vadd.s32 v24, v25;
	v25 =	vld.idx.msk [tilespmem:v10+s11+$0x0], $0xffff  }
0x291: {  	v24 =	vadd.s32 v26, v24;
	v26 =	vld.idx.msk [tilespmem:v11+s11+$0x0], $0xffff  }
0x292: {  	v24 =	vadd.s32 v27, v24;
	v27 =	vld.idx.msk [tilespmem:v12+s11+$0x0], $0xffff  }
0x293: {  	v60 =	vld.idx.msk [tilespmem:v13+s11+$0x0], $0xffff;
	v24 =	vadd.s32 v58, v24  }
0x294: {  	v61 =	vld.idx.msk [tilespmem:v14+s11+$0x0], $0xffff;
	v24 =	vadd.s32 v59, v24  }
0x295: {  	v24 =	vadd.s32 v25, v24;
	v25 =	vld.idx.msk [tilespmem:v15+s11+$0x0], $0xffff  }
0x296: {  	v24 =	vadd.s32 v26, v24;
	v26 =	vld.idx.msk [tilespmem:v16+s11+$0x0], $0xffff  }
0x297: {  	v24 =	vadd.s32 v27, v24;
	v27 =	vld.idx.msk [tilespmem:v17+s11+$0x0], $0xffff  }
0x298: {  	v62 =	vld.idx.msk [tilespmem:v18+s11+$0x0], $0xffff;
	v24 =	vadd.s32 v60, v24  }
0x299: {  	v63 =	vld.idx.msk [tilespmem:v19+s11+$0x0], $0xffff;
	v24 =	vadd.s32 v61, v24  }
0x29a: {  	v24 =	vadd.s32 v25, v24  }
0x29b: {  	v24 =	vadd.s32 v26, v24  }
0x29c: {  	v24 =	vadd.s32 v27, v24  }
0x29d: {  	v24 =	vadd.s32 v62, v24  }
0x29e: {  	v25 =	vadd.s32 v63, v24  }
0x29f: {  	(xrf0) =	vadd.scan.msk.s32 $0xffff, v25;
	_ =	sdelay $0x5  }
0x2a0: {  	v24, _, _ =	vpop (xrf0)  }
0x2a1: {  	vm2 =	vlt.s32 v24, s16  }
0x2a2: {  	v24 =	vsel vm2, $0x80000010, v20  }
0x2a3: {  	(xrf0) =	vmin.scan.msk.u32 $0xffff, v24;
	_ =	sdelay $0x5  }
0x2a4: {  	v24, _, _ =	vpop (xrf0)  }
0x2a5: {  	(v2sf) =	vpush v24, $0xF;
	_ =	sdelay $0xe  }
0x2a6: {  	s18 =	spop (v2sf)  }
0x2a7: {  	s17 =	sshll.u32 s18, $0x4  }
0x2a8: {  	v24 =	vor.u32 s17, v0;
	_ =	sdelay $0x4  }
0x2a9: {  	s19 =	simm.s32 $0x40;
	s20 =	simm.s32 $0x0;
	v26 =	vmov s16;
	v24 =	vld.idx.msk [tilespmem:v24+s11+$0x0], $0xffff  }
.LBB3_18:
0x2aa: {  	p1 =	seq.s32 s19, $0x3FC0;
	[tilespmem:s20+$0x10080] =	vst v2;
	s20 =	smov.u32 s19;
	s19 =	sadd.s32 $0x40, s19  }
.Ltmp11:
0x2ab: {  	(pc) =	sbr.rel @!p1 .LBB3_18-.Ltmp11, $2  }
0x2ac: {  	_ =	sdelay $0x2  }
0x2ad: {  	s20 =	sshra.s32 s20, $0x2  }
0x2ae: {  	s18 =	sxor.u32 $0x80000000, s18  }
0x2af: {  	v27 =	vmov s18  }
0x2b0: {  	vm2 =	vgt.s32 v27, v0  }
0x2b1: {  	v25 =	vnsel vm2, $0x0, v25  }
0x2b2: {  	(xrf0) =	vadd.scan.msk.s32 $0xffff, v25;
	_ =	sdelay $0x1  }
0x2b3: {  	(xrf0) =	vadd.scan.msk.s32 $0xffff, v24;
	_ =	sdelay $0x3  }
0x2b4: {  	v25, _, _ =	vpop (xrf0)  }
0x2b5: {  	v60 =	vbroadcast v25, $0xF  }
0x2b6: {  	v28, _, _ =	vpop (xrf0)  }
0x2b7: {  	v27 =	vadd.s32 v28, v60  }
0x2b8: {  	vm2 =	vlt.s32 v27, v26  }
0x2b9: {  	v26 =	vsel vm2, $0x80000010, v20  }
0x2ba: {  	(xrf0) =	vmin.scan.msk.u32 $0xffff, v26;
	_ =	sdelay $0x5  }
0x2bb: {  	(v2sf) =	vpush v25, $0xF;
	v61, _, _ =	vpop (xrf0)  }
0x2bc: {  	(v2sf) =	vpush v61, $0xF;
	_ =	sdelay $0xd  }
0x2bd: {  	s18 =	spop (v2sf)  }
0x2be: {  	s19 =	spop (v2sf)  }
0x2bf: {  	s19 =	sxor.u32 $0x80000000, s19  }
0x2c0: {  	v62 =	vmov s19  }
0x2c1: {  	vm2 =	vgt.s32 v62, v0  }
0x2c2: {  	v63 =	vnsel vm2, $0x0, v24  }
0x2c3: {  	(xrf0) =	vadd.scan.msk.s32 $0xffff, v63;
	_ =	sdelay $0x5  }
0x2c4: {  	v24, _, _ =	vpop (xrf0)  }
0x2c5: {  	(v2sf) =	vpush v24, $0xF;
	_ =	sdelay $0x9  }
0x2c6: {  	p1 =	slt.s32 s15, $0x1  }
.Ltmp12:
0x2c7: {  	_ = 	snop;
	(pc) =	sbr.rel @p1 .LBB3_23-.Ltmp12, $2  }
0x2c8: {  	_ =	sdelay $0x2  }
0x2c9: {  	[tilespmem:s20+$0x10080] =	vst v2;
	s17 =	sadd.s32 s17, s19;
	s20 =	spop (v2sf)  }
0x2ca: {  	p2 =	sne.s32 s15, $0x1  }
.Ltmp13:
0x2cb: {  	_ = 	snop;
	(pc) =	sbr.rel @!p2 .LBB3_22-.Ltmp13, $3  }
0x2cc: {  	_ =	sdelay $0x1  }
0x2cd: {  	s19 =	simm.s32 $0x8000  }
0x2ce: {  	v24 =	vmov s17;
	s21 =	sadd.s32 $0xFFFFFFFF, s15;
	v25 =	vld [tilespmem:s19+$0x0]  }
.LBB3_21:
0x2cf: {  	p2 =	sne.s32 s21, $0x1;
	_ =	sdelay $0x3  }
0x2d0: {  	v26 =	vmul.f32 $2.560000000e+02, v25;
	_ =	sdelay $0x1  }
0x2d1: {  	v26 =	vtrunc.f32 v26  }
0x2d2: {  	v26 =	vcvt.f32.s32 v26  }
0x2d3: {  	v27 =	vshra.s32 v25, $0x16  }
0x2d4: {  	v25 =	vshrl.u32 v25, $0xE;
	vm3 =	veq.s32 v27, v24;
	vm2 =	veq.s32 v23, v26  }
0x2d5: {  	v25 =	vand.u32 $0xFF, v25;
	vm2 =	vmand vm3, vm2  }
0x2d6: {  	v25 =	vor.u32 v3, v25;
	_ =	sdelay $0x1  }
.Ltmp14:
0x2d7: {  	(pc) =	sbr.rel @p2 .LBB3_21-.Ltmp14, $3  }
0x2d8: {  	_ =	sdelay $0x1  }
0x2d9: {  	s19 =	sadd.s32 $0x10, s19;
	[tilespmem:v25+s13+$0x0] =	vst.idx.add.s32.msk vm2, v4  }
0x2da: {  	s21 =	sadd.s32 $0xFFFFFFFF, s21;
	v25 =	vld [tilespmem:s19+$0x0]  }
.LBB3_22:
0x2db: {  	_ =	sdelay $0x3  }
0x2dc: {  	v26 =	vmul.f32 $2.560000000e+02, v25;
	_ =	sdelay $0x1  }
0x2dd: {  	v26 =	vtrunc.f32 v26  }
0x2de: {  	v26 =	vcvt.f32.s32 v26  }
0x2df: {  	v27 =	vshra.s32 v25, $0x16  }
0x2e0: {  	v63 =	vshrl.u32 v25, $0xE;
	vm3 =	veq.s32 v27, v24;
	vm2 =	veq.s32 v23, v26  }
0x2e1: {  	v24 =	vand.u32 $0xFF, v63;
	vm2 =	vmand vm3, vm2  }
0x2e2: {  	v24 =	vor.u32 v3, v24;
	_ =	sdelay $0x4  }
0x2e3: {  	[tilespmem:v24+s13+$0x0] =	vst.idx.add.s32.msk vm2, v4  }
.LBB3_23:
0x2e4: {  	s19 =	simm.s32 $0x0;
	s21 =	simm.s32 $0x10080  }
0x2e5: {  	s19 =	sand.u32 $0xF0, s19;
	v25 =	vld [tilespmem:s21+$0x0]  }
0x2e6: {  	v24 =	vld [tilespmem:s19+$0x10180]  }
0x2e7: {  	v26 =	vld [tilespmem:s19+$0x10280]  }
0x2e8: {  	v27 =	vld [tilespmem:s19+$0x10380]  }
0x2e9: {  	v28 =	vld [tilespmem:s19+$0x10480]  }
0x2ea: {  	v29 =	vld [tilespmem:s19+$0x10580]  }
0x2eb: {  	v24 =	vadd.s32 v25, v24;
	v25 =	vld [tilespmem:s19+$0x10680]  }
0x2ec: {  	v24 =	vadd.s32 v26, v24;
	v26 =	vld [tilespmem:s19+$0x10780]  }
0x2ed: {  	v24 =	vadd.s32 v27, v24;
	v27 =	vld [tilespmem:s19+$0x10880]  }
0x2ee: {  	v60 =	vld [tilespmem:s19+$0x10980];
	v24 =	vadd.s32 v28, v24  }
0x2ef: {  	v61 =	vld [tilespmem:s19+$0x10A80];
	v24 =	vadd.s32 v29, v24  }
0x2f0: {  	v24 =	vadd.s32 v25, v24;
	v25 =	vld [tilespmem:s19+$0x10B80]  }
0x2f1: {  	v24 =	vadd.s32 v26, v24;
	v26 =	vld [tilespmem:s19+$0x10C80]  }
0x2f2: {  	v24 =	vadd.s32 v27, v24;
	v27 =	vld [tilespmem:s19+$0x10D80]  }
0x2f3: {  	v62 =	vld [tilespmem:s19+$0x10E80];
	v24 =	vadd.s32 v60, v24  }
0x2f4: {  	v63 =	vld [tilespmem:s19+$0x10F80];
	v24 =	vadd.s32 v61, v24  }
0x2f5: {  	v24 =	vadd.s32 v25, v24  }
0x2f6: {  	v24 =	vadd.s32 v26, v24  }
0x2f7: {  	v24 =	vadd.s32 v27, v24  }
0x2f8: {  	v24 =	vadd.s32 v62, v24  }
0x2f9: {  	s31 =	simm.s32 $0x10;
	s19 =	simm.s32 $0x11080;
	v24 =	vadd.s32 v63, v24  }
0x2fa: {  	s20 =	sadd.s32 s20, s18;
	s18 =	sand.u32 $0xF0, s31;
	[tilespmem:s19+$0x0] =	vst v24  }
0x2fb: {  	s16 =	ssub.s32 s16, s20;
	s21 =	simm.s32 $0x20;
	s20 =	simm.s32 $0x10090;
	v24 =	vld [tilespmem:s18+$0x10180]  }
.LBB3_24:
0x2fc: {  	p2 =	sne.s32 s21, $0xF0;
	v25 =	vld [tilespmem:s20+$0x0]  }
0x2fd: {  	v26 =	vld [tilespmem:s18+$0x10280]  }
0x2fe: {  	v27 =	vld [tilespmem:s18+$0x10380]  }
0x2ff: {  	v28 =	vld [tilespmem:s18+$0x10480]  }
0x300: {  	v29 =	vld [tilespmem:s18+$0x10580]  }
0x301: {  	v24 =	vadd.s32 v25, v24;
	v25 =	vld [tilespmem:s18+$0x10680]  }
0x302: {  	v24 =	vadd.s32 v26, v24;
	v26 =	vld [tilespmem:s18+$0x10780]  }
0x303: {  	v24 =	vadd.s32 v27, v24;
	v27 =	vld [tilespmem:s18+$0x10880]  }
0x304: {  	v24 =	vadd.s32 v28, v24;
	v28 =	vld [tilespmem:s18+$0x10980]  }
0x305: {  	v24 =	vadd.s32 v29, v24;
	v29 =	vld [tilespmem:s18+$0x10A80]  }
0x306: {  	v24 =	vadd.s32 v25, v24;
	v25 =	vld [tilespmem:s18+$0x10B80]  }
0x307: {  	v24 =	vadd.s32 v26, v24;
	v26 =	vld [tilespmem:s18+$0x10C80]  }
0x308: {  	v24 =	vadd.s32 v27, v24;
	v27 =	vld [tilespmem:s18+$0x10D80]  }
0x309: {  	v24 =	vadd.s32 v28, v24;
	v28 =	vld [tilespmem:s18+$0x10E80]  }
0x30a: {  	v24 =	vadd.s32 v29, v24;
	v29 =	vld [tilespmem:s18+$0x10F80]  }
0x30b: {  	v24 =	vadd.s32 v25, v24  }
0x30c: {  	v24 =	vadd.s32 v26, v24  }
.Ltmp15:
0x30d: {  	v24 =	vadd.s32 v27, v24;
	(pc) =	sbr.rel @p2 .LBB3_24-.Ltmp15, $4  }
0x30e: {  	v24 =	vadd.s32 v28, v24  }
0x30f: {  	s19 =	sadd.s32 $0x10, s19;
	v24 =	vadd.s32 v29, v24  }
0x310: {  	s18 =	sand.u32 $0xF0, s21;
	[tilespmem:s19+$0x0] =	vst v24  }
0x311: {  	s20 =	sadd.s32 $0x10, s20;
	s21 =	sadd.s32 $0x10, s21;
	v24 =	vld [tilespmem:s18+$0x10180]  }
0x312: {  	v25 =	vld [tilespmem:s20+$0x0]  }
0x313: {  	v26 =	vld [tilespmem:s18+$0x10280]  }
0x314: {  	v27 =	vld [tilespmem:s18+$0x10380]  }
0x315: {  	v28 =	vld [tilespmem:s18+$0x10480]  }
0x316: {  	v29 =	vld [tilespmem:s18+$0x10580]  }
0x317: {  	v24 =	vadd.s32 v25, v24;
	v25 =	vld [tilespmem:s18+$0x10680]  }
0x318: {  	v24 =	vadd.s32 v26, v24;
	v26 =	vld [tilespmem:s18+$0x10780]  }
0x319: {  	v24 =	vadd.s32 v27, v24;
	v27 =	vld [tilespmem:s18+$0x10880]  }
0x31a: {  	v45 =	vld [tilespmem:s18+$0x10980];
	v24 =	vadd.s32 v28, v24  }
0x31b: {  	v46 =	vld [tilespmem:s18+$0x10A80];
	v24 =	vadd.s32 v29, v24  }
0x31c: {  	v24 =	vadd.s32 v25, v24;
	v25 =	vld [tilespmem:s18+$0x10B80]  }
0x31d: {  	v24 =	vadd.s32 v26, v24;
	v26 =	vld [tilespmem:s18+$0x10C80]  }
0x31e: {  	v24 =	vadd.s32 v27, v24;
	v27 =	vld [tilespmem:s18+$0x10D80]  }
0x31f: {  	v47 =	vld [tilespmem:s18+$0x10E80];
	v24 =	vadd.s32 v45, v24  }
0x320: {  	v48 =	vld [tilespmem:s18+$0x10F80];
	v24 =	vadd.s32 v46, v24  }
0x321: {  	v24 =	vadd.s32 v25, v24  }
0x322: {  	v24 =	vadd.s32 v26, v24  }
0x323: {  	v24 =	vadd.s32 v27, v24  }
0x324: {  	v24 =	vadd.s32 v47, v24  }
0x325: {  	s31 =	sadd.s32 $0x10, s19;
	v24 =	vadd.s32 v48, v24  }
0x326: {  	[tilespmem:s31+$0x0] =	vst v24  }
0x327: {  	[spmem:s3] =	stream.strided.scatter [tilespmem:s11], [sflag:$0x1], $0x100, s10, s9, $0x38;
	[tilespmem:$0x11480] =	vst v63  }
0x328: {  	_ =	swait.ge [sflag:s8], $0x100  }
0x329: {  	[sflag:s8] =	ssyncset.done $0x0  }
0x32a: {  	[sflag:s8] =	ssyncadd.s32 $0xFFFFFF00  }
0x32b: {  	[bflag:$0x0] =	sbarrier.arrive $0xFFFF  }
0x32c: {  	[tilespmem:s12], [sflag:$0x1] =	stream.strided.gather [spmem:s4], $0x100, s10, s9, $0x38;
	[tilespmem:$0x11480] =	vst v63  }
0x32d: {  	_ =	swait.ge [sflag:s8], $0x100  }
0x32e: {  	[sflag:s8] =	ssyncset.done $0x0  }
0x32f: {  	[sflag:s8] =	ssyncadd.s32 $0xFFFFFF00  }
0x330: {  	v24 =	vld [tilespmem:$0x11080]  }
0x331: {  	v25 =	vld [tilespmem:$0x11180]  }
0x332: {  	v26 =	vld [tilespmem:$0x11090]  }
0x333: {  	v27 =	vld [tilespmem:$0x11190]  }
0x334: {  	v49 =	vld [tilespmem:$0x110A0]  }
0x335: {  	v50 =	vld [tilespmem:$0x111A0]  }
0x336: {  	v30 =	vld [tilespmem:$0x110B0]  }
0x337: {  	v31 =	vld [tilespmem:$0x111B0]  }
0x338: {  	v32 =	vld [tilespmem:$0x110C0]  }
0x339: {  	v33 =	vld [tilespmem:$0x111C0]  }
0x33a: {  	v34 =	vld [tilespmem:$0x110D0]  }
0x33b: {  	v35 =	vld [tilespmem:$0x111D0]  }
0x33c: {  	v36 =	vld [tilespmem:$0x110E0]  }
0x33d: {  	v37 =	vld [tilespmem:$0x111E0]  }
0x33e: {  	v38 =	vld [tilespmem:$0x110F0]  }
0x33f: {  	v39 =	vld [tilespmem:$0x111F0]  }
0x340: {  	v40 =	vld [tilespmem:$0x11100]  }
0x341: {  	v41 =	vld [tilespmem:$0x11200]  }
0x342: {  	v42 =	vld [tilespmem:$0x11110]  }
0x343: {  	v43 =	vld [tilespmem:$0x11210]  }
0x344: {  	v44 =	vld [tilespmem:$0x11120]  }
0x345: {  	v51 =	vld [tilespmem:$0x11140];
	v24 =	vadd.s32 v24, v25  }
0x346: {  	v52 =	vld [tilespmem:$0x11240];
	[tilespmem:$0x11080] =	vst v24;
	v24 =	vadd.s32 v26, v27  }
0x347: {  	v53 =	vld [tilespmem:$0x11150];
	[tilespmem:$0x11090] =	vst v24;
	v24 =	vadd.s32 v49, v50  }
0x348: {  	v54 =	vld [tilespmem:$0x11250];
	[tilespmem:$0x110A0] =	vst v24;
	v24 =	vadd.s32 v30, v31  }
0x349: {  	v25 =	vld [tilespmem:$0x11220];
	[tilespmem:$0x110B0] =	vst v24;
	v24 =	vadd.s32 v32, v33  }
0x34a: {  	v26 =	vld [tilespmem:$0x11130];
	[tilespmem:$0x110C0] =	vst v24;
	v24 =	vadd.s32 v34, v35  }
0x34b: {  	v27 =	vld [tilespmem:$0x11230];
	[tilespmem:$0x110D0] =	vst v24;
	v24 =	vadd.s32 v36, v37  }
0x34c: {  	v55 =	vld [tilespmem:$0x11160];
	[tilespmem:$0x110E0] =	vst v24;
	v24 =	vadd.s32 v38, v39  }
0x34d: {  	v56 =	vld [tilespmem:$0x11260];
	[tilespmem:$0x110F0] =	vst v24;
	v24 =	vadd.s32 v40, v41  }
0x34e: {  	v57 =	vld [tilespmem:$0x11170];
	[tilespmem:$0x11100] =	vst v24;
	v24 =	vadd.s32 v42, v43  }
0x34f: {  	[tilespmem:$0x11110] =	vst v24;
	v24 =	vadd.s32 v44, v25;
	v25 =	vld [tilespmem:$0x11270]  }
0x350: {  	[tilespmem:$0x11120] =	vst v24;
	v24 =	vadd.s32 v26, v27  }
0x351: {  	[tilespmem:$0x11130] =	vst v24;
	v24 =	vadd.s32 v51, v52  }
0x352: {  	[tilespmem:$0x11140] =	vst v24;
	v24 =	vadd.s32 v53, v54  }
0x353: {  	[tilespmem:$0x11150] =	vst v24;
	v24 =	vadd.s32 v55, v56  }
0x354: {  	[tilespmem:$0x11160] =	vst v24;
	v24 =	vadd.s32 v57, v25  }
0x355: {  	[tilespmem:$0x11170] =	vst v24  }
0x356: {  	[bflag:$0x0] =	sbarrier.arrive $0xFFFF  }
0x357: {  	v24 =	vld.idx.msk [tilespmem:v1+s11+$0x0], $0xffff  }
0x358: {  	v25 =	vld.idx.msk [tilespmem:v5+s11+$0x0], $0xffff  }
0x359: {  	v26 =	vld.idx.msk [tilespmem:v6+s11+$0x0], $0xffff  }
0x35a: {  	v27 =	vld.idx.msk [tilespmem:v7+s11+$0x0], $0xffff  }
0x35b: {  	v58 =	vld.idx.msk [tilespmem:v8+s11+$0x0], $0xffff  }
0x35c: {  	v59 =	vld.idx.msk [tilespmem:v9+s11+$0x0], $0xffff  }
0x35d: {  	v24 =	vadd.s32 v24, v25;
	v25 =	vld.idx.msk [tilespmem:v10+s11+$0x0], $0xffff  }
0x35e: {  	v24 =	vadd.s32 v26, v24;
	v26 =	vld.idx.msk [tilespmem:v11+s11+$0x0], $0xffff  }
0x35f: {  	v24 =	vadd.s32 v27, v24;
	v27 =	vld.idx.msk [tilespmem:v12+s11+$0x0], $0xffff  }
0x360: {  	v60 =	vld.idx.msk [tilespmem:v13+s11+$0x0], $0xffff;
	v24 =	vadd.s32 v58, v24  }
0x361: {  	v61 =	vld.idx.msk [tilespmem:v14+s11+$0x0], $0xffff;
	v24 =	vadd.s32 v59, v24  }
0x362: {  	v24 =	vadd.s32 v25, v24;
	v25 =	vld.idx.msk [tilespmem:v15+s11+$0x0], $0xffff  }
0x363: {  	v24 =	vadd.s32 v26, v24;
	v26 =	vld.idx.msk [tilespmem:v16+s11+$0x0], $0xffff  }
0x364: {  	v24 =	vadd.s32 v27, v24;
	v27 =	vld.idx.msk [tilespmem:v17+s11+$0x0], $0xffff  }
0x365: {  	v62 =	vld.idx.msk [tilespmem:v18+s11+$0x0], $0xffff;
	v24 =	vadd.s32 v60, v24  }
0x366: {  	v63 =	vld.idx.msk [tilespmem:v19+s11+$0x0], $0xffff;
	v24 =	vadd.s32 v61, v24  }
0x367: {  	v24 =	vadd.s32 v25, v24  }
0x368: {  	v24 =	vadd.s32 v26, v24  }
0x369: {  	v24 =	vadd.s32 v27, v24  }
0x36a: {  	v24 =	vadd.s32 v62, v24  }
0x36b: {  	v25 =	vadd.s32 v63, v24  }
0x36c: {  	(xrf0) =	vadd.scan.msk.s32 $0xffff, v25;
	_ =	sdelay $0x5  }
0x36d: {  	v24, _, _ =	vpop (xrf0)  }
0x36e: {  	vm2 =	vlt.s32 v24, s16  }
0x36f: {  	v24 =	vsel vm2, $0x80000010, v20  }
0x370: {  	(xrf0) =	vmin.scan.msk.u32 $0xffff, v24;
	_ =	sdelay $0x5  }
0x371: {  	v24, _, _ =	vpop (xrf0)  }
0x372: {  	(v2sf) =	vpush v24, $0xF;
	_ =	sdelay $0xe  }
0x373: {  	s18 =	spop (v2sf)  }
0x374: {  	s19 =	sshll.u32 s18, $0x4  }
0x375: {  	v24 =	vor.u32 s19, v0;
	_ =	sdelay $0x4  }
0x376: {  	s20 =	simm.s32 $0x40;
	s21 =	simm.s32 $0x0;
	v26 =	vmov s16;
	v24 =	vld.idx.msk [tilespmem:v24+s11+$0x0], $0xffff  }
.LBB3_26:
0x377: {  	p2 =	seq.s32 s20, $0x3FC0;
	[tilespmem:s21+$0x10080] =	vst v2;
	s21 =	smov.u32 s20;
	s20 =	sadd.s32 $0x40, s20  }
.Ltmp16:
0x378: {  	(pc) =	sbr.rel @!p2 .LBB3_26-.Ltmp16, $2  }
0x379: {  	_ =	sdelay $0x2  }
0x37a: {  	s21 =	sshra.s32 s21, $0x2  }
0x37b: {  	s18 =	sxor.u32 $0x80000000, s18  }
0x37c: {  	v27 =	vmov s18  }
0x37d: {  	vm2 =	vgt.s32 v27, v0  }
0x37e: {  	v25 =	vnsel vm2, $0x0, v25  }
0x37f: {  	(xrf0) =	vadd.scan.msk.s32 $0xffff, v25;
	_ =	sdelay $0x1  }
0x380: {  	(xrf0) =	vadd.scan.msk.s32 $0xffff, v24;
	_ =	sdelay $0x3  }
0x381: {  	v25, _, _ =	vpop (xrf0)  }
0x382: {  	v60 =	vbroadcast v25, $0xF  }
0x383: {  	v28, _, _ =	vpop (xrf0)  }
0x384: {  	v27 =	vadd.s32 v28, v60  }
0x385: {  	vm2 =	vlt.s32 v27, v26  }
0x386: {  	v26 =	vsel vm2, $0x80000010, v20  }
0x387: {  	(xrf0) =	vmin.scan.msk.u32 $0xffff, v26;
	_ =	sdelay $0x5  }
0x388: {  	(v2sf) =	vpush v25, $0xF;
	v61, _, _ =	vpop (xrf0)  }
0x389: {  	(v2sf) =	vpush v61, $0xF;
	_ =	sdelay $0xd  }
0x38a: {  	s18 =	spop (v2sf)  }
0x38b: {  	s20 =	spop (v2sf)  }
0x38c: {  	s20 =	sxor.u32 $0x80000000, s20  }
0x38d: {  	v62 =	vmov s20  }
0x38e: {  	vm2 =	vgt.s32 v62, v0  }
0x38f: {  	v63 =	vnsel vm2, $0x0, v24  }
0x390: {  	(xrf0) =	vadd.scan.msk.s32 $0xffff, v63;
	_ =	sdelay $0x5  }
0x391: {  	v24, _, _ =	vpop (xrf0)  }
0x392: {  	(v2sf) =	vpush v24, $0xF;
	_ =	sdelay $0xa  }
.Ltmp17:
0x393: {  	_ = 	snop;
	(pc) =	sbr.rel @p1 .LBB3_31-.Ltmp17, $3  }
0x394: {  	_ =	sdelay $0x1  }
0x395: {  	s17 =	sshll.u32 s17, $0x8;
	s19 =	sadd.s32 s19, s20  }
0x396: {  	[tilespmem:s21+$0x10080] =	vst v2;
	s17 =	sor.u32 s17, s19;
	s20 =	spop (v2sf)  }
0x397: {  	p2 =	sne.s32 s15, $0x1  }
.Ltmp18:
0x398: {  	_ = 	snop;
	(pc) =	sbr.rel @!p2 .LBB3_30-.Ltmp18, $3  }
0x399: {  	_ =	sdelay $0x1  }
0x39a: {  	s19 =	simm.s32 $0x8000  }
0x39b: {  	v24 =	vmov s17;
	s21 =	sadd.s32 $0xFFFFFFFF, s15;
	v25 =	vld [tilespmem:s19+$0x0]  }
.LBB3_29:
0x39c: {  	p2 =	sne.s32 s21, $0x1;
	_ =	sdelay $0x3  }
0x39d: {  	v26 =	vmul.f32 $2.560000000e+02, v25;
	_ =	sdelay $0x1  }
0x39e: {  	v26 =	vtrunc.f32 v26  }
0x39f: {  	v26 =	vcvt.f32.s32 v26  }
0x3a0: {  	v27 =	vshra.s32 v25, $0xE  }
0x3a1: {  	v25 =	vshrl.u32 v25, $0x6;
	vm3 =	veq.s32 v27, v24;
	vm2 =	veq.s32 v23, v26  }
0x3a2: {  	v25 =	vand.u32 $0xFF, v25;
	vm2 =	vmand vm3, vm2  }
0x3a3: {  	v25 =	vor.u32 v3, v25;
	_ =	sdelay $0x1  }
.Ltmp19:
0x3a4: {  	(pc) =	sbr.rel @p2 .LBB3_29-.Ltmp19, $3  }
0x3a5: {  	_ =	sdelay $0x1  }
0x3a6: {  	s19 =	sadd.s32 $0x10, s19;
	[tilespmem:v25+s13+$0x0] =	vst.idx.add.s32.msk vm2, v4  }
0x3a7: {  	s21 =	sadd.s32 $0xFFFFFFFF, s21;
	v25 =	vld [tilespmem:s19+$0x0]  }
.LBB3_30:
0x3a8: {  	_ =	sdelay $0x3  }
0x3a9: {  	v26 =	vmul.f32 $2.560000000e+02, v25;
	_ =	sdelay $0x1  }
0x3aa: {  	v26 =	vtrunc.f32 v26  }
0x3ab: {  	v26 =	vcvt.f32.s32 v26  }
0x3ac: {  	v27 =	vshra.s32 v25, $0xE  }
0x3ad: {  	v63 =	vshrl.u32 v25, $0x6;
	vm3 =	veq.s32 v27, v24;
	vm2 =	veq.s32 v23, v26  }
0x3ae: {  	v24 =	vand.u32 $0xFF, v63;
	vm2 =	vmand vm3, vm2  }
0x3af: {  	v24 =	vor.u32 v3, v24;
	_ =	sdelay $0x4  }
0x3b0: {  	[tilespmem:v24+s13+$0x0] =	vst.idx.add.s32.msk vm2, v4  }
.LBB3_31:
0x3b1: {  	s19 =	simm.s32 $0x0;
	s21 =	simm.s32 $0x10080  }
0x3b2: {  	s19 =	sand.u32 $0xF0, s19;
	v25 =	vld [tilespmem:s21+$0x0]  }
0x3b3: {  	v24 =	vld [tilespmem:s19+$0x10180]  }
0x3b4: {  	v26 =	vld [tilespmem:s19+$0x10280]  }
0x3b5: {  	v27 =	vld [tilespmem:s19+$0x10380]  }
0x3b6: {  	v28 =	vld [tilespmem:s19+$0x10480]  }
0x3b7: {  	v29 =	vld [tilespmem:s19+$0x10580]  }
0x3b8: {  	v24 =	vadd.s32 v25, v24;
	v25 =	vld [tilespmem:s19+$0x10680]  }
0x3b9: {  	v24 =	vadd.s32 v26, v24;
	v26 =	vld [tilespmem:s19+$0x10780]  }
0x3ba: {  	v24 =	vadd.s32 v27, v24;
	v27 =	vld [tilespmem:s19+$0x10880]  }
0x3bb: {  	v60 =	vld [tilespmem:s19+$0x10980];
	v24 =	vadd.s32 v28, v24  }
0x3bc: {  	v61 =	vld [tilespmem:s19+$0x10A80];
	v24 =	vadd.s32 v29, v24  }
0x3bd: {  	v24 =	vadd.s32 v25, v24;
	v25 =	vld [tilespmem:s19+$0x10B80]  }
0x3be: {  	v24 =	vadd.s32 v26, v24;
	v26 =	vld [tilespmem:s19+$0x10C80]  }
0x3bf: {  	v24 =	vadd.s32 v27, v24;
	v27 =	vld [tilespmem:s19+$0x10D80]  }
0x3c0: {  	v62 =	vld [tilespmem:s19+$0x10E80];
	v24 =	vadd.s32 v60, v24  }
0x3c1: {  	v63 =	vld [tilespmem:s19+$0x10F80];
	v24 =	vadd.s32 v61, v24  }
0x3c2: {  	v24 =	vadd.s32 v25, v24  }
0x3c3: {  	v24 =	vadd.s32 v26, v24  }
0x3c4: {  	v24 =	vadd.s32 v27, v24  }
0x3c5: {  	v24 =	vadd.s32 v62, v24  }
0x3c6: {  	s31 =	simm.s32 $0x10;
	s19 =	simm.s32 $0x11080;
	v24 =	vadd.s32 v63, v24  }
0x3c7: {  	s20 =	sadd.s32 s20, s18;
	s18 =	sand.u32 $0xF0, s31;
	[tilespmem:s19+$0x0] =	vst v24  }
0x3c8: {  	s16 =	ssub.s32 s16, s20;
	s21 =	simm.s32 $0x20;
	s20 =	simm.s32 $0x10090;
	v24 =	vld [tilespmem:s18+$0x10180]  }
.LBB3_32:
0x3c9: {  	p2 =	sne.s32 s21, $0xF0;
	v25 =	vld [tilespmem:s20+$0x0]  }
0x3ca: {  	v26 =	vld [tilespmem:s18+$0x10280]  }
0x3cb: {  	v27 =	vld [tilespmem:s18+$0x10380]  }
0x3cc: {  	v28 =	vld [tilespmem:s18+$0x10480]  }
0x3cd: {  	v29 =	vld [tilespmem:s18+$0x10580]  }
0x3ce: {  	v24 =	vadd.s32 v25, v24;
	v25 =	vld [tilespmem:s18+$0x10680]  }
0x3cf: {  	v24 =	vadd.s32 v26, v24;
	v26 =	vld [tilespmem:s18+$0x10780]  }
0x3d0: {  	v24 =	vadd.s32 v27, v24;
	v27 =	vld [tilespmem:s18+$0x10880]  }
0x3d1: {  	v24 =	vadd.s32 v28, v24;
	v28 =	vld [tilespmem:s18+$0x10980]  }
0x3d2: {  	v24 =	vadd.s32 v29, v24;
	v29 =	vld [tilespmem:s18+$0x10A80]  }
0x3d3: {  	v24 =	vadd.s32 v25, v24;
	v25 =	vld [tilespmem:s18+$0x10B80]  }
0x3d4: {  	v24 =	vadd.s32 v26, v24;
	v26 =	vld [tilespmem:s18+$0x10C80]  }
0x3d5: {  	v24 =	vadd.s32 v27, v24;
	v27 =	vld [tilespmem:s18+$0x10D80]  }
0x3d6: {  	v24 =	vadd.s32 v28, v24;
	v28 =	vld [tilespmem:s18+$0x10E80]  }
0x3d7: {  	v24 =	vadd.s32 v29, v24;
	v29 =	vld [tilespmem:s18+$0x10F80]  }
0x3d8: {  	v24 =	vadd.s32 v25, v24  }
0x3d9: {  	v24 =	vadd.s32 v26, v24  }
.Ltmp20:
0x3da: {  	v24 =	vadd.s32 v27, v24;
	(pc) =	sbr.rel @p2 .LBB3_32-.Ltmp20, $4  }
0x3db: {  	v24 =	vadd.s32 v28, v24  }
0x3dc: {  	s19 =	sadd.s32 $0x10, s19;
	v24 =	vadd.s32 v29, v24  }
0x3dd: {  	s18 =	sand.u32 $0xF0, s21;
	[tilespmem:s19+$0x0] =	vst v24  }
0x3de: {  	s20 =	sadd.s32 $0x10, s20;
	s21 =	sadd.s32 $0x10, s21;
	v24 =	vld [tilespmem:s18+$0x10180]  }
0x3df: {  	v25 =	vld [tilespmem:s20+$0x0]  }
0x3e0: {  	v26 =	vld [tilespmem:s18+$0x10280]  }
0x3e1: {  	v27 =	vld [tilespmem:s18+$0x10380]  }
0x3e2: {  	v28 =	vld [tilespmem:s18+$0x10480]  }
0x3e3: {  	v29 =	vld [tilespmem:s18+$0x10580]  }
0x3e4: {  	v24 =	vadd.s32 v25, v24;
	v25 =	vld [tilespmem:s18+$0x10680]  }
0x3e5: {  	v24 =	vadd.s32 v26, v24;
	v26 =	vld [tilespmem:s18+$0x10780]  }
0x3e6: {  	v24 =	vadd.s32 v27, v24;
	v27 =	vld [tilespmem:s18+$0x10880]  }
0x3e7: {  	v45 =	vld [tilespmem:s18+$0x10980];
	v24 =	vadd.s32 v28, v24  }
0x3e8: {  	v46 =	vld [tilespmem:s18+$0x10A80];
	v24 =	vadd.s32 v29, v24  }
0x3e9: {  	v24 =	vadd.s32 v25, v24;
	v25 =	vld [tilespmem:s18+$0x10B80]  }
0x3ea: {  	v24 =	vadd.s32 v26, v24;
	v26 =	vld [tilespmem:s18+$0x10C80]  }
0x3eb: {  	v24 =	vadd.s32 v27, v24;
	v27 =	vld [tilespmem:s18+$0x10D80]  }
0x3ec: {  	v47 =	vld [tilespmem:s18+$0x10E80];
	v24 =	vadd.s32 v45, v24  }
0x3ed: {  	v48 =	vld [tilespmem:s18+$0x10F80];
	v24 =	vadd.s32 v46, v24  }
0x3ee: {  	v24 =	vadd.s32 v25, v24  }
0x3ef: {  	v24 =	vadd.s32 v26, v24  }
0x3f0: {  	v24 =	vadd.s32 v27, v24  }
0x3f1: {  	v24 =	vadd.s32 v47, v24  }
0x3f2: {  	s31 =	sadd.s32 $0x10, s19;
	v24 =	vadd.s32 v48, v24  }
0x3f3: {  	[tilespmem:s31+$0x0] =	vst v24  }
0x3f4: {  	[spmem:s3] =	stream.strided.scatter [tilespmem:s11], [sflag:$0x1], $0x100, s10, s9, $0x38;
	[tilespmem:$0x11480] =	vst v63  }
0x3f5: {  	_ =	swait.ge [sflag:s8], $0x100  }
0x3f6: {  	[sflag:s8] =	ssyncset.done $0x0  }
0x3f7: {  	[sflag:s8] =	ssyncadd.s32 $0xFFFFFF00  }
0x3f8: {  	[bflag:$0x0] =	sbarrier.arrive $0xFFFF  }
0x3f9: {  	[tilespmem:s12], [sflag:$0x1] =	stream.strided.gather [spmem:s4], $0x100, s10, s9, $0x38;
	[tilespmem:$0x11480] =	vst v63  }
0x3fa: {  	_ =	swait.ge [sflag:s8], $0x100  }
0x3fb: {  	[sflag:s8] =	ssyncset.done $0x0  }
0x3fc: {  	[sflag:s8] =	ssyncadd.s32 $0xFFFFFF00  }
0x3fd: {  	v24 =	vld [tilespmem:$0x11080]  }
0x3fe: {  	v25 =	vld [tilespmem:$0x11180]  }
0x3ff: {  	v26 =	vld [tilespmem:$0x11090]  }
0x400: {  	v27 =	vld [tilespmem:$0x11190]  }
0x401: {  	v49 =	vld [tilespmem:$0x110A0]  }
0x402: {  	v50 =	vld [tilespmem:$0x111A0]  }
0x403: {  	v30 =	vld [tilespmem:$0x110B0]  }
0x404: {  	v31 =	vld [tilespmem:$0x111B0]  }
0x405: {  	v32 =	vld [tilespmem:$0x110C0]  }
0x406: {  	v33 =	vld [tilespmem:$0x111C0]  }
0x407: {  	v34 =	vld [tilespmem:$0x110D0]  }
0x408: {  	v35 =	vld [tilespmem:$0x111D0]  }
0x409: {  	v36 =	vld [tilespmem:$0x110E0]  }
0x40a: {  	v37 =	vld [tilespmem:$0x111E0]  }
0x40b: {  	v38 =	vld [tilespmem:$0x110F0]  }
0x40c: {  	v39 =	vld [tilespmem:$0x111F0]  }
0x40d: {  	v40 =	vld [tilespmem:$0x11100]  }
0x40e: {  	v41 =	vld [tilespmem:$0x11200]  }
0x40f: {  	v42 =	vld [tilespmem:$0x11110]  }
0x410: {  	v43 =	vld [tilespmem:$0x11210]  }
0x411: {  	v44 =	vld [tilespmem:$0x11120]  }
0x412: {  	v51 =	vld [tilespmem:$0x11140];
	v24 =	vadd.s32 v24, v25  }
0x413: {  	v52 =	vld [tilespmem:$0x11240];
	[tilespmem:$0x11080] =	vst v24;
	v24 =	vadd.s32 v26, v27  }
0x414: {  	v53 =	vld [tilespmem:$0x11150];
	[tilespmem:$0x11090] =	vst v24;
	v24 =	vadd.s32 v49, v50  }
0x415: {  	v54 =	vld [tilespmem:$0x11250];
	[tilespmem:$0x110A0] =	vst v24;
	v24 =	vadd.s32 v30, v31  }
0x416: {  	v25 =	vld [tilespmem:$0x11220];
	[tilespmem:$0x110B0] =	vst v24;
	v24 =	vadd.s32 v32, v33  }
0x417: {  	v26 =	vld [tilespmem:$0x11130];
	[tilespmem:$0x110C0] =	vst v24;
	v24 =	vadd.s32 v34, v35  }
0x418: {  	v27 =	vld [tilespmem:$0x11230];
	[tilespmem:$0x110D0] =	vst v24;
	v24 =	vadd.s32 v36, v37  }
0x419: {  	v55 =	vld [tilespmem:$0x11160];
	[tilespmem:$0x110E0] =	vst v24;
	v24 =	vadd.s32 v38, v39  }
0x41a: {  	v56 =	vld [tilespmem:$0x11260];
	[tilespmem:$0x110F0] =	vst v24;
	v24 =	vadd.s32 v40, v41  }
0x41b: {  	v57 =	vld [tilespmem:$0x11170];
	[tilespmem:$0x11100] =	vst v24;
	v24 =	vadd.s32 v42, v43  }
0x41c: {  	[tilespmem:$0x11110] =	vst v24;
	v24 =	vadd.s32 v44, v25;
	v25 =	vld [tilespmem:$0x11270]  }
0x41d: {  	[tilespmem:$0x11120] =	vst v24;
	v24 =	vadd.s32 v26, v27  }
0x41e: {  	[tilespmem:$0x11130] =	vst v24;
	v24 =	vadd.s32 v51, v52  }
0x41f: {  	[tilespmem:$0x11140] =	vst v24;
	v24 =	vadd.s32 v53, v54  }
0x420: {  	[tilespmem:$0x11150] =	vst v24;
	v24 =	vadd.s32 v55, v56  }
0x421: {  	[tilespmem:$0x11160] =	vst v24;
	v24 =	vadd.s32 v57, v25  }
0x422: {  	[tilespmem:$0x11170] =	vst v24  }
0x423: {  	[bflag:$0x0] =	sbarrier.arrive $0xFFFF  }
0x424: {  	v24 =	vld.idx.msk [tilespmem:v1+s11+$0x0], $0xffff  }
0x425: {  	v25 =	vld.idx.msk [tilespmem:v5+s11+$0x0], $0xffff  }
0x426: {  	v26 =	vld.idx.msk [tilespmem:v6+s11+$0x0], $0xffff  }
0x427: {  	v27 =	vld.idx.msk [tilespmem:v7+s11+$0x0], $0xffff  }
0x428: {  	v58 =	vld.idx.msk [tilespmem:v8+s11+$0x0], $0xffff  }
0x429: {  	v59 =	vld.idx.msk [tilespmem:v9+s11+$0x0], $0xffff  }
0x42a: {  	v24 =	vadd.s32 v24, v25;
	v25 =	vld.idx.msk [tilespmem:v10+s11+$0x0], $0xffff  }
0x42b: {  	v24 =	vadd.s32 v26, v24;
	v26 =	vld.idx.msk [tilespmem:v11+s11+$0x0], $0xffff  }
0x42c: {  	v24 =	vadd.s32 v27, v24;
	v27 =	vld.idx.msk [tilespmem:v12+s11+$0x0], $0xffff  }
0x42d: {  	v60 =	vld.idx.msk [tilespmem:v13+s11+$0x0], $0xffff;
	v24 =	vadd.s32 v58, v24  }
0x42e: {  	v61 =	vld.idx.msk [tilespmem:v14+s11+$0x0], $0xffff;
	v24 =	vadd.s32 v59, v24  }
0x42f: {  	v24 =	vadd.s32 v25, v24;
	v25 =	vld.idx.msk [tilespmem:v15+s11+$0x0], $0xffff  }
0x430: {  	v24 =	vadd.s32 v26, v24;
	v26 =	vld.idx.msk [tilespmem:v16+s11+$0x0], $0xffff  }
0x431: {  	v24 =	vadd.s32 v27, v24;
	v27 =	vld.idx.msk [tilespmem:v17+s11+$0x0], $0xffff  }
0x432: {  	v62 =	vld.idx.msk [tilespmem:v18+s11+$0x0], $0xffff;
	v24 =	vadd.s32 v60, v24  }
0x433: {  	v63 =	vld.idx.msk [tilespmem:v19+s11+$0x0], $0xffff;
	v24 =	vadd.s32 v61, v24  }
0x434: {  	v24 =	vadd.s32 v25, v24  }
0x435: {  	v24 =	vadd.s32 v26, v24  }
0x436: {  	v24 =	vadd.s32 v27, v24  }
0x437: {  	v24 =	vadd.s32 v62, v24  }
0x438: {  	v25 =	vadd.s32 v63, v24  }
0x439: {  	(xrf0) =	vadd.scan.msk.s32 $0xffff, v25;
	_ =	sdelay $0x5  }
0x43a: {  	v24, _, _ =	vpop (xrf0)  }
0x43b: {  	vm2 =	vlt.s32 v24, s16  }
0x43c: {  	v24 =	vsel vm2, $0x80000010, v20  }
0x43d: {  	(xrf0) =	vmin.scan.msk.u32 $0xffff, v24;
	_ =	sdelay $0x5  }
0x43e: {  	v24, _, _ =	vpop (xrf0)  }
0x43f: {  	(v2sf) =	vpush v24, $0xF;
	_ =	sdelay $0xe  }
0x440: {  	s18 =	spop (v2sf)  }
0x441: {  	s19 =	sshll.u32 s18, $0x4  }
0x442: {  	v24 =	vor.u32 s19, v0;
	_ =	sdelay $0x4  }
0x443: {  	s20 =	simm.s32 $0x40;
	s21 =	simm.s32 $0x0;
	v26 =	vmov s16;
	v24 =	vld.idx.msk [tilespmem:v24+s11+$0x0], $0xffff  }
.LBB3_34:
0x444: {  	p2 =	seq.s32 s20, $0x3FC0;
	[tilespmem:s21+$0x10080] =	vst v2;
	s21 =	smov.u32 s20;
	s20 =	sadd.s32 $0x40, s20  }
.Ltmp21:
0x445: {  	(pc) =	sbr.rel @!p2 .LBB3_34-.Ltmp21, $2  }
0x446: {  	_ =	sdelay $0x2  }
0x447: {  	s21 =	sshra.s32 s21, $0x2  }
0x448: {  	s18 =	sxor.u32 $0x80000000, s18  }
0x449: {  	v27 =	vmov s18  }
0x44a: {  	vm2 =	vgt.s32 v27, v0  }
0x44b: {  	v25 =	vnsel vm2, $0x0, v25  }
0x44c: {  	(xrf0) =	vadd.scan.msk.s32 $0xffff, v25;
	_ =	sdelay $0x1  }
0x44d: {  	(xrf0) =	vadd.scan.msk.s32 $0xffff, v24;
	_ =	sdelay $0x3  }
0x44e: {  	v25, _, _ =	vpop (xrf0)  }
0x44f: {  	v60 =	vbroadcast v25, $0xF  }
0x450: {  	v28, _, _ =	vpop (xrf0)  }
0x451: {  	v27 =	vadd.s32 v28, v60  }
0x452: {  	vm2 =	vlt.s32 v27, v26  }
0x453: {  	v26 =	vsel vm2, $0x80000010, v20  }
0x454: {  	(xrf0) =	vmin.scan.msk.u32 $0xffff, v26;
	_ =	sdelay $0x5  }
0x455: {  	(v2sf) =	vpush v25, $0xF;
	v61, _, _ =	vpop (xrf0)  }
0x456: {  	(v2sf) =	vpush v61, $0xF;
	_ =	sdelay $0xd  }
0x457: {  	s18 =	spop (v2sf)  }
0x458: {  	s20 =	spop (v2sf)  }
0x459: {  	s20 =	sxor.u32 $0x80000000, s20  }
0x45a: {  	v62 =	vmov s20  }
0x45b: {  	vm2 =	vgt.s32 v62, v0  }
0x45c: {  	v63 =	vnsel vm2, $0x0, v24  }
0x45d: {  	(xrf0) =	vadd.scan.msk.s32 $0xffff, v63;
	_ =	sdelay $0x5  }
0x45e: {  	v24, _, _ =	vpop (xrf0)  }
0x45f: {  	(v2sf) =	vpush v24, $0xF;
	_ =	sdelay $0xa  }
.Ltmp22:
0x460: {  	_ = 	snop;
	(pc) =	sbr.rel @p1 .LBB3_39-.Ltmp22, $3  }
0x461: {  	_ =	sdelay $0x1  }
0x462: {  	s17 =	sshll.u32 s17, $0x8;
	s19 =	sadd.s32 s19, s20  }
0x463: {  	[tilespmem:s21+$0x10080] =	vst v2;
	s17 =	sor.u32 s17, s19;
	s20 =	spop (v2sf)  }
0x464: {  	p2 =	sne.s32 s15, $0x1  }
.Ltmp23:
0x465: {  	_ = 	snop;
	(pc) =	sbr.rel @!p2 .LBB3_38-.Ltmp23, $3  }
0x466: {  	_ =	sdelay $0x1  }
0x467: {  	s19 =	simm.s32 $0x8000  }
0x468: {  	v24 =	vmov s17;
	s21 =	sadd.s32 $0xFFFFFFFF, s15;
	v25 =	vld [tilespmem:s19+$0x0]  }
.LBB3_37:
0x469: {  	p2 =	sne.s32 s21, $0x1;
	_ =	sdelay $0x3  }
0x46a: {  	v26 =	vmul.f32 $2.560000000e+02, v25;
	_ =	sdelay $0x1  }
0x46b: {  	v26 =	vtrunc.f32 v26  }
0x46c: {  	v26 =	vcvt.f32.s32 v26  }
0x46d: {  	v27 =	vshra.s32 v25, $0x6  }
0x46e: {  	vm3 =	veq.s32 v27, v24;
	vm2 =	veq.s32 v23, v26  }
0x46f: {  	v25 =	vand.u32 $0x3F, v25;
	vm2 =	vmand vm3, vm2  }
0x470: {  	v25 =	vor.u32 v3, v25;
	_ =	sdelay $0x1  }
.Ltmp24:
0x471: {  	(pc) =	sbr.rel @p2 .LBB3_37-.Ltmp24, $3  }
0x472: {  	_ =	sdelay $0x1  }
0x473: {  	s19 =	sadd.s32 $0x10, s19;
	[tilespmem:v25+s13+$0x0] =	vst.idx.add.s32.msk vm2, v4  }
0x474: {  	s21 =	sadd.s32 $0xFFFFFFFF, s21;
	v25 =	vld [tilespmem:s19+$0x0]  }
.LBB3_38:
0x475: {  	_ =	sdelay $0x3  }
0x476: {  	v26 =	vmul.f32 $2.560000000e+02, v25;
	_ =	sdelay $0x1  }
0x477: {  	v26 =	vtrunc.f32 v26  }
0x478: {  	v26 =	vcvt.f32.s32 v26  }
0x479: {  	v27 =	vshra.s32 v25, $0x6  }
0x47a: {  	vm3 =	veq.s32 v27, v24;
	vm2 =	veq.s32 v23, v26  }
0x47b: {  	v23 =	vand.u32 $0x3F, v25;
	vm2 =	vmand vm3, vm2  }
0x47c: {  	v23 =	vor.u32 v3, v23;
	_ =	sdelay $0x4  }
0x47d: {  	[tilespmem:v23+s13+$0x0] =	vst.idx.add.s32.msk vm2, v4  }
.LBB3_39:
0x47e: {  	s19 =	simm.s32 $0x0;
	s21 =	simm.s32 $0x10080  }
0x47f: {  	s19 =	sand.u32 $0xF0, s19;
	v24 =	vld [tilespmem:s21+$0x0]  }
0x480: {  	v23 =	vld [tilespmem:s19+$0x10180]  }
0x481: {  	v25 =	vld [tilespmem:s19+$0x10280]  }
0x482: {  	v26 =	vld [tilespmem:s19+$0x10380]  }
0x483: {  	v27 =	vld [tilespmem:s19+$0x10480]  }
0x484: {  	v28 =	vld [tilespmem:s19+$0x10580]  }
0x485: {  	v54 =	vld [tilespmem:s19+$0x10680];
	v23 =	vadd.s32 v24, v23  }
0x486: {  	v55 =	vld [tilespmem:s19+$0x10780];
	v23 =	vadd.s32 v25, v23  }
0x487: {  	v56 =	vld [tilespmem:s19+$0x10880];
	v23 =	vadd.s32 v26, v23  }
0x488: {  	v57 =	vld [tilespmem:s19+$0x10980];
	v23 =	vadd.s32 v27, v23  }
0x489: {  	v58 =	vld [tilespmem:s19+$0x10A80];
	v23 =	vadd.s32 v28, v23  }
0x48a: {  	v59 =	vld [tilespmem:s19+$0x10B80];
	v23 =	vadd.s32 v54, v23  }
0x48b: {  	v60 =	vld [tilespmem:s19+$0x10C80];
	v23 =	vadd.s32 v55, v23  }
0x48c: {  	v61 =	vld [tilespmem:s19+$0x10D80];
	v23 =	vadd.s32 v56, v23  }
0x48d: {  	v62 =	vld [tilespmem:s19+$0x10E80];
	v23 =	vadd.s32 v57, v23  }
0x48e: {  	v63 =	vld [tilespmem:s19+$0x10F80];
	v23 =	vadd.s32 v58, v23  }
0x48f: {  	v23 =	vadd.s32 v59, v23  }
0x490: {  	v23 =	vadd.s32 v60, v23  }
0x491: {  	v23 =	vadd.s32 v61, v23  }
0x492: {  	v23 =	vadd.s32 v62, v23  }
0x493: {  	s31 =	simm.s32 $0x10;
	s19 =	simm.s32 $0x11080;
	v23 =	vadd.s32 v63, v23  }
0x494: {  	s20 =	sadd.s32 s20, s18;
	s18 =	sand.u32 $0xF0, s31;
	[tilespmem:s19+$0x0] =	vst v23  }
0x495: {  	s16 =	ssub.s32 s16, s20;
	s21 =	simm.s32 $0x20;
	s20 =	simm.s32 $0x10090;
	v23 =	vld [tilespmem:s18+$0x10180]  }
.LBB3_40:
0x496: {  	p2 =	sne.s32 s21, $0xF0;
	v24 =	vld [tilespmem:s20+$0x0]  }
0x497: {  	v25 =	vld [tilespmem:s18+$0x10280]  }
0x498: {  	v26 =	vld [tilespmem:s18+$0x10380]  }
0x499: {  	v27 =	vld [tilespmem:s18+$0x10480]  }
0x49a: {  	v28 =	vld [tilespmem:s18+$0x10580]  }
0x49b: {  	v23 =	vadd.s32 v24, v23;
	v24 =	vld [tilespmem:s18+$0x10680]  }
0x49c: {  	v23 =	vadd.s32 v25, v23;
	v25 =	vld [tilespmem:s18+$0x10780]  }
0x49d: {  	v23 =	vadd.s32 v26, v23;
	v26 =	vld [tilespmem:s18+$0x10880]  }
0x49e: {  	v23 =	vadd.s32 v27, v23;
	v27 =	vld [tilespmem:s18+$0x10980]  }
0x49f: {  	v23 =	vadd.s32 v28, v23;
	v28 =	vld [tilespmem:s18+$0x10A80]  }
0x4a0: {  	v23 =	vadd.s32 v24, v23;
	v24 =	vld [tilespmem:s18+$0x10B80]  }
0x4a1: {  	v23 =	vadd.s32 v25, v23;
	v25 =	vld [tilespmem:s18+$0x10C80]  }
0x4a2: {  	v23 =	vadd.s32 v26, v23;
	v26 =	vld [tilespmem:s18+$0x10D80]  }
0x4a3: {  	v23 =	vadd.s32 v27, v23;
	v27 =	vld [tilespmem:s18+$0x10E80]  }
0x4a4: {  	v23 =	vadd.s32 v28, v23;
	v28 =	vld [tilespmem:s18+$0x10F80]  }
0x4a5: {  	v23 =	vadd.s32 v24, v23  }
0x4a6: {  	v23 =	vadd.s32 v25, v23  }
.Ltmp25:
0x4a7: {  	v23 =	vadd.s32 v26, v23;
	(pc) =	sbr.rel @p2 .LBB3_40-.Ltmp25, $4  }
0x4a8: {  	v23 =	vadd.s32 v27, v23  }
0x4a9: {  	s19 =	sadd.s32 $0x10, s19;
	v23 =	vadd.s32 v28, v23  }
0x4aa: {  	s18 =	sand.u32 $0xF0, s21;
	[tilespmem:s19+$0x0] =	vst v23  }
0x4ab: {  	s20 =	sadd.s32 $0x10, s20;
	s21 =	sadd.s32 $0x10, s21;
	v23 =	vld [tilespmem:s18+$0x10180]  }
0x4ac: {  	v24 =	vld [tilespmem:s20+$0x0]  }
0x4ad: {  	v25 =	vld [tilespmem:s18+$0x10280]  }
0x4ae: {  	v26 =	vld [tilespmem:s18+$0x10380]  }
0x4af: {  	v27 =	vld [tilespmem:s18+$0x10480]  }
0x4b0: {  	v28 =	vld [tilespmem:s18+$0x10580]  }
0x4b1: {  	v43 =	vld [tilespmem:s18+$0x10680];
	v23 =	vadd.s32 v24, v23  }
0x4b2: {  	v44 =	vld [tilespmem:s18+$0x10780];
	v23 =	vadd.s32 v25, v23  }
0x4b3: {  	v45 =	vld [tilespmem:s18+$0x10880];
	v23 =	vadd.s32 v26, v23  }
0x4b4: {  	v46 =	vld [tilespmem:s18+$0x10980];
	v23 =	vadd.s32 v27, v23  }
0x4b5: {  	v47 =	vld [tilespmem:s18+$0x10A80];
	v23 =	vadd.s32 v28, v23  }
0x4b6: {  	v48 =	vld [tilespmem:s18+$0x10B80];
	v23 =	vadd.s32 v43, v23  }
0x4b7: {  	v49 =	vld [tilespmem:s18+$0x10C80];
	v23 =	vadd.s32 v44, v23  }
0x4b8: {  	v50 =	vld [tilespmem:s18+$0x10D80];
	v23 =	vadd.s32 v45, v23  }
0x4b9: {  	v51 =	vld [tilespmem:s18+$0x10E80];
	v23 =	vadd.s32 v46, v23  }
0x4ba: {  	v52 =	vld [tilespmem:s18+$0x10F80];
	v23 =	vadd.s32 v47, v23  }
0x4bb: {  	v23 =	vadd.s32 v48, v23  }
0x4bc: {  	v23 =	vadd.s32 v49, v23  }
0x4bd: {  	v23 =	vadd.s32 v50, v23  }
0x4be: {  	v23 =	vadd.s32 v51, v23  }
0x4bf: {  	s28 =	sadd.s32 $0x10, s19;
	v23 =	vadd.s32 v52, v23  }
0x4c0: {  	[tilespmem:s28+$0x0] =	vst v23  }
0x4c1: {  	[spmem:s3] =	stream.strided.scatter [tilespmem:s11], [sflag:$0x1], $0x100, s10, s9, $0x38;
	[tilespmem:$0x11480] =	vst v63  }
0x4c2: {  	_ =	swait.ge [sflag:s8], $0x100  }
0x4c3: {  	[sflag:s8] =	ssyncset.done $0x0  }
0x4c4: {  	[sflag:s8] =	ssyncadd.s32 $0xFFFFFF00  }
0x4c5: {  	[bflag:$0x0] =	sbarrier.arrive $0xFFFF  }
0x4c6: {  	[tilespmem:s12], [sflag:$0x1] =	stream.strided.gather [spmem:s4], $0x100, s10, s9, $0x38;
	[tilespmem:$0x11480] =	vst v63  }
0x4c7: {  	_ =	swait.ge [sflag:s8], $0x100  }
0x4c8: {  	[sflag:s8] =	ssyncset.done $0x0  }
0x4c9: {  	[sflag:s8] =	ssyncadd.s32 $0xFFFFFF00  }
0x4ca: {  	v23 =	vld [tilespmem:$0x11080]  }
0x4cb: {  	v53 =	vld [tilespmem:$0x11180]  }
0x4cc: {  	v54 =	vld [tilespmem:$0x11090]  }
0x4cd: {  	v55 =	vld [tilespmem:$0x11190]  }
0x4ce: {  	v56 =	vld [tilespmem:$0x110A0]  }
0x4cf: {  	v57 =	vld [tilespmem:$0x111A0]  }
0x4d0: {  	v29 =	vld [tilespmem:$0x110B0]  }
0x4d1: {  	v30 =	vld [tilespmem:$0x111B0]  }
0x4d2: {  	v31 =	vld [tilespmem:$0x110C0]  }
0x4d3: {  	v32 =	vld [tilespmem:$0x111C0]  }
0x4d4: {  	v33 =	vld [tilespmem:$0x110D0]  }
0x4d5: {  	v34 =	vld [tilespmem:$0x111D0]  }
0x4d6: {  	v35 =	vld [tilespmem:$0x110E0]  }
0x4d7: {  	v36 =	vld [tilespmem:$0x111E0]  }
0x4d8: {  	v37 =	vld [tilespmem:$0x110F0]  }
0x4d9: {  	v38 =	vld [tilespmem:$0x111F0]  }
0x4da: {  	v39 =	vld [tilespmem:$0x11100]  }
0x4db: {  	v40 =	vld [tilespmem:$0x11200]  }
0x4dc: {  	v41 =	vld [tilespmem:$0x11110]  }
0x4dd: {  	v42 =	vld [tilespmem:$0x11210]  }
0x4de: {  	v43 =	vld [tilespmem:$0x11120]  }
0x4df: {  	v58 =	vld [tilespmem:$0x11220];
	v23 =	vadd.s32 v23, v53  }
0x4e0: {  	v59 =	vld [tilespmem:$0x11130];
	[tilespmem:$0x11080] =	vst v23;
	v23 =	vadd.s32 v54, v55  }
0x4e1: {  	v60 =	vld [tilespmem:$0x11230];
	[tilespmem:$0x11090] =	vst v23;
	v23 =	vadd.s32 v56, v57  }
0x4e2: {  	v61 =	vld [tilespmem:$0x11140];
	[tilespmem:$0x110A0] =	vst v23;
	v23 =	vadd.s32 v29, v30  }
0x4e3: {  	v62 =	vld [tilespmem:$0x11240];
	[tilespmem:$0x110B0] =	vst v23;
	v23 =	vadd.s32 v31, v32  }
0x4e4: {  	v63 =	vld [tilespmem:$0x11150];
	[tilespmem:$0x110C0] =	vst v23;
	v23 =	vadd.s32 v33, v34  }
0x4e5: {  	[tilespmem:$0x110D0] =	vst v23;
	v23 =	vadd.s32 v35, v36;
	v36 =	vld [tilespmem:$0x11250]  }
0x4e6: {  	[tilespmem:$0x110E0] =	vst v23;
	v23 =	vadd.s32 v37, v38;
	v38 =	vld [tilespmem:$0x11160]  }
0x4e7: {  	[tilespmem:$0x110F0] =	vst v23;
	v23 =	vadd.s32 v39, v40;
	v40 =	vld [tilespmem:$0x11260]  }
0x4e8: {  	[tilespmem:$0x11100] =	vst v23;
	v23 =	vadd.s32 v41, v42;
	v41 =	vld [tilespmem:$0x11170]  }
0x4e9: {  	v42 =	vld [tilespmem:$0x11270];
	[tilespmem:$0x11110] =	vst v23;
	v23 =	vadd.s32 v43, v58  }
0x4ea: {  	[tilespmem:$0x11120] =	vst v23;
	v23 =	vadd.s32 v59, v60  }
0x4eb: {  	[tilespmem:$0x11130] =	vst v23;
	v23 =	vadd.s32 v61, v62  }
0x4ec: {  	[tilespmem:$0x11140] =	vst v23;
	v23 =	vadd.s32 v63, v36  }
0x4ed: {  	[tilespmem:$0x11150] =	vst v23;
	v23 =	vadd.s32 v38, v40  }
0x4ee: {  	[tilespmem:$0x11160] =	vst v23;
	v23 =	vadd.s32 v41, v42  }
0x4ef: {  	[tilespmem:$0x11170] =	vst v23  }
0x4f0: {  	[bflag:$0x0] =	sbarrier.arrive $0xFFFF  }
0x4f1: {  	v23 =	vld.idx.msk [tilespmem:v1+s11+$0x0], $0xffff  }
0x4f2: {  	v43 =	vld.idx.msk [tilespmem:v5+s11+$0x0], $0xffff  }
0x4f3: {  	v44 =	vld.idx.msk [tilespmem:v6+s11+$0x0], $0xffff  }
0x4f4: {  	v45 =	vld.idx.msk [tilespmem:v7+s11+$0x0], $0xffff  }
0x4f5: {  	v46 =	vld.idx.msk [tilespmem:v8+s11+$0x0], $0xffff  }
0x4f6: {  	v47 =	vld.idx.msk [tilespmem:v9+s11+$0x0], $0xffff  }
0x4f7: {  	v48 =	vld.idx.msk [tilespmem:v10+s11+$0x0], $0xffff;
	v23 =	vadd.s32 v23, v43  }
0x4f8: {  	v49 =	vld.idx.msk [tilespmem:v11+s11+$0x0], $0xffff;
	v23 =	vadd.s32 v44, v23  }
0x4f9: {  	v50 =	vld.idx.msk [tilespmem:v12+s11+$0x0], $0xffff;
	v23 =	vadd.s32 v45, v23  }
0x4fa: {  	v51 =	vld.idx.msk [tilespmem:v13+s11+$0x0], $0xffff;
	v23 =	vadd.s32 v46, v23  }
0x4fb: {  	v52 =	vld.idx.msk [tilespmem:v14+s11+$0x0], $0xffff;
	v23 =	vadd.s32 v47, v23  }
0x4fc: {  	v53 =	vld.idx.msk [tilespmem:v15+s11+$0x0], $0xffff;
	v23 =	vadd.s32 v48, v23  }
0x4fd: {  	v54 =	vld.idx.msk [tilespmem:v16+s11+$0x0], $0xffff;
	v23 =	vadd.s32 v49, v23  }
0x4fe: {  	v55 =	vld.idx.msk [tilespmem:v17+s11+$0x0], $0xffff;
	v23 =	vadd.s32 v50, v23  }
0x4ff: {  	v56 =	vld.idx.msk [tilespmem:v18+s11+$0x0], $0xffff;
	v23 =	vadd.s32 v51, v23  }
0x500: {  	v57 =	vld.idx.msk [tilespmem:v19+s11+$0x0], $0xffff;
	v23 =	vadd.s32 v52, v23  }
0x501: {  	v23 =	vadd.s32 v53, v23  }
0x502: {  	v23 =	vadd.s32 v54, v23  }
0x503: {  	v23 =	vadd.s32 v55, v23  }
0x504: {  	v23 =	vadd.s32 v56, v23  }
0x505: {  	v23 =	vadd.s32 v57, v23  }
0x506: {  	(xrf0) =	vadd.scan.msk.s32 $0xffff, v23;
	_ =	sdelay $0x5  }
0x507: {  	v58, _, _ =	vpop (xrf0)  }
0x508: {  	vm2 =	vlt.s32 v58, s16  }
0x509: {  	v24 =	vsel vm2, $0x80000010, v20  }
0x50a: {  	(xrf0) =	vmin.scan.msk.u32 $0xffff, v24;
	_ =	sdelay $0x5  }
0x50b: {  	v24, _, _ =	vpop (xrf0)  }
0x50c: {  	(v2sf) =	vpush v24, $0xF;
	_ =	sdelay $0xe  }
0x50d: {  	s29 =	spop (v2sf)  }
0x50e: {  	s30 =	sshll.u32 s29, $0x4  }
0x50f: {  	v59 =	vor.u32 s30, v0;
	_ =	sdelay $0x3  }
0x510: {  	s18 =	sxor.u32 $0x80000000, s29  }
0x511: {  	v60 =	vmov s18;
	v24 =	vld.idx.msk [tilespmem:v59+s11+$0x0], $0xffff  }
0x512: {  	vm2 =	vgt.s32 v60, v0  }
0x513: {  	v23 =	vnsel vm2, $0x0, v23  }
0x514: {  	(xrf0) =	vadd.scan.msk.s32 $0xffff, v23;
	_ =	sdelay $0x1  }
0x515: {  	(xrf0) =	vadd.scan.msk.s32 $0xffff, v24;
	_ =	sdelay $0x3  }
0x516: {  	v23, _, _ =	vpop (xrf0)  }
0x517: {  	v61 =	vbroadcast v23, $0xF  }
0x518: {  	v62, _, _ =	vpop (xrf0)  }
0x519: {  	v25 =	vadd.s32 v62, v61  }
0x51a: {  	vm2 =	vlt.s32 v25, s16  }
0x51b: {  	v25 =	vsel vm2, $0x80000010, v20  }
0x51c: {  	(xrf0) =	vmin.scan.msk.u32 $0xffff, v25;
	_ =	sdelay $0x5  }
0x51d: {  	(v2sf) =	vpush v23, $0xF;
	v23, _, _ =	vpop (xrf0)  }
0x51e: {  	(v2sf) =	vpush v23, $0xF;
	_ =	sdelay $0xd  }
0x51f: {  	s18 =	spop (v2sf)  }
0x520: {  	s31 =	spop (v2sf)  }
0x521: {  	s20 =	sxor.u32 $0x80000000, s31  }
0x522: {  	v23 =	vmov s20  }
0x523: {  	vm2 =	vgt.s32 v23, v0  }
0x524: {  	v63 =	vnsel vm2, $0x0, v24;
	vm2 =	veq.s32 v23, v0  }
0x525: {  	(xrf0) =	vadd.scan.msk.s32 $0xffff, v63;
	v23 =	vnsel vm2, $0x0, v24  }
0x526: {  	(xrf0) =	vadd.scan.msk.s32 $0xffff, v23;
	_ =	sdelay $0x4  }
0x527: {  	v23, _, _ =	vpop (xrf0)  }
0x528: {  	(v2sf) =	vpush v23, $0xF;
	v23, _, _ =	vpop (xrf0)  }
0x529: {  	(v2sf) =	vpush v23, $0xF;
	_ =	sdelay $0xa  }
.Ltmp26:
0x52a: {  	_ = 	snop;
	(pc) =	sbr.rel @p1 .LBB3_45-.Ltmp26, $4  }
0x52b: {  	_ = 	snop  }
0x52c: {  	s17 =	sshll.u32 s17, $0x6;
	s20 =	sadd.s32 s30, s20  }
0x52d: {  	s17 =	sor.u32 s17, s20;
	s19 =	spop (v2sf)  }
0x52e: {  	[tilespmem:$0x11380] =	vst v22;
	v23 =	vmov s17;
	s20 =	spop (v2sf)  }
0x52f: {  	s21 =	simm.s32 $0x8000;
	p1 =	sne.s32 s15, $0x1  }
.Ltmp27:
0x530: {  	v25 =	vld [tilespmem:s21+$0x0];
	(pc) =	sbr.rel @!p1 .LBB3_44-.Ltmp27, $2  }
0x531: {  	_ =	sdelay $0x2  }
0x532: {  	v24 =	vimm.s32 $0x7FFFFFFF;
	s15 =	sadd.s32 $0xFFFFFFFF, s15  }
.LBB3_43:
0x533: {  	p1 =	sne.s32 s15, $0x1;
	_ =	sdelay $0x3  }
.Ltmp28:
0x534: {  	vm2 =	vgt.s32 v25, v23;
	vm3 =	vlt.s32 v24, v25;
	(pc) =	sbr.rel @p1 .LBB3_43-.Ltmp28, $4  }
0x535: {  	v25 =	vsel vm3, v24, v25  }
0x536: {  	v24 =	vsel vm2, v25, v24  }
0x537: {  	s21 =	sadd.s32 $0x10, s21;
	[tilespmem:$0x11380] =	vst v24  }
0x538: {  	s15 =	sadd.s32 $0xFFFFFFFF, s15;
	v25 =	vld [tilespmem:s21+$0x0]  }
.Ltmp29:
0x539: {  	_ = 	snop;
	(pc) =	sbr.rel .LBB3_44-.Ltmp29, $1  }
0x53a: {  	_ =	sdelay $0x3  }
.LBB3_46:
0x53b: {  	_ =	sfence.sel $0x180000  }
0x53c: {  	[bflag:$0x0] =	sbarrier.arrive $0xFFFF  }
0x53d: {  	p0 =	sne.s32 s0, $0x0;
	_ =	strace $0x90000047  }
0x53e: {  	s0 =	sadd.s32 @!p0 $0x100000, s2;
	[bflag:$0x2] =	sbarrier.arrive $0xFFFF  }
0x53f: {  	[sflag:s0] =	ssyncadd.tile.s32 @!p0 $0x1;
	_ =	shalt  }
.Lfunc_end3:
_tile_overlayer_lowered:
.L_overlay_start_3:
0x540: {  	(tag) =	ssettag $0x3  }
0x541: {  	s0 =	rddreg [dreg:$0x0];
	s2 =	stileid.u32  }
0x542: {  	s1 =	rddreg [dreg:$0x1];
	p0 =	sne.s32 s2, $0x0  }
0x543: {  	s3 =	rddreg [dreg:$0x2];
	[bflag:$0x3] =	sbarrier.arrive $0xFFFF;
	s2 =	simm.s32 @!p0 $0x1C01  }
0x544: {  	[timem:s3], [sflag:s2] =	dma.local @!p0 [hbm:s0], s1  }
0x545: {  	s0 =	simm.s32 @!p0 $0x1  }
0x546: {  	_ =	swait.ge @!p0 [sflag:s0], s1  }
0x547: {  	s1 =	ssub.s32 @!p0 $0x0, s1;
	[sflag:s0] =	ssyncset.done @!p0 $0x0  }
0x548: {  	[sflag:s0] =	ssyncadd.s32 @!p0 s1  }
0x549: {  	[bflag:$0x3] =	sbarrier.arrive $0xFFFF  }
0x54a: {  	_ =	shalt  }

</sc_bundles>
